<compile_context>
chip_gen: v7x
topology: tpu7x:2x2x1
jax: 0.10.2.dev20260603
libtpu: 0.0.44.dev20260713+nightly
codegen_flags: <defaults>
</compile_context>

<pallas_src>
import dataclasses
import functools

import jax
import jax.numpy as jnp
from jax import lax
from jax.experimental import pallas as pl
from jax.experimental.pallas import tpu as pltpu
from jax.experimental.pallas import tpu_sc as plsc

N = 10000
D = 128
E = 320000
L = 320000
R = E // 128
PW = 79
NC = 2
NS = 16
HPAD = 10240
NPAD = 10240


def _sc_mesh():
    return plsc.VectorSubcoreMesh(core_axis_name="c", subcore_axis_name="s")


def _sc_params():
    cp = pltpu.CompilerParams()
    fields = pltpu.CompilerParams.__dataclass_fields__
    if "needs_layout_passes" in fields:
        cp = dataclasses.replace(cp, needs_layout_passes=False)
    if "use_tc_tiling_on_sc" in fields:
        cp = dataclasses.replace(cp, use_tc_tiling_on_sc=False)
    return cp


def _deg_hist(dst3d, zeros_h):
    @functools.partial(
        pl.kernel,
        out_type=jax.ShapeDtypeStruct((NC, 1, HPAD), jnp.float32),
        mesh=_sc_mesh(),
        scratch_types=[
            pltpu.VMEM((PW, 1, 128), jnp.int32),
            pltpu.VMEM((128,), jnp.float32),
            pltpu.VMEM_SHARED((HPAD,), jnp.float32),
        ],
    )
    def k(dst_hbm, z_hbm, out_hbm, idx_v, ones_v, acc):
        c = lax.axis_index("c")
        s = lax.axis_index("s")
        for j in range(8):
            ones_v[pl.ds(16 * j, 16)] = jnp.full((16,), 1.0, jnp.float32)
        seg = HPAD // NS
        pltpu.sync_copy(z_hbm.at[pl.ds(s * seg, seg)], acc.at[pl.ds(s * seg, seg)])
        half = R // NC
        r0 = half * c + (half * s) // NS
        r1 = half * c + (half * (s + 1)) // NS
        n = r1 - r0
        pltpu.sync_copy(dst_hbm.at[pl.ds(r0, PW)], idx_v)
        plsc.subcore_barrier()

        @pl.loop(0, n)
        def _(i):
            pltpu.sync_copy(ones_v, acc.at[idx_v.at[i, 0]], add=True)

        plsc.subcore_barrier()
        pltpu.sync_copy(acc.at[pl.ds(s * seg, seg)],
                        out_hbm.at[c, 0, pl.ds(s * seg, seg)])

    return k(dst3d, zeros_h)


def _aggregate(y, src3d, dst3d, zeros2d):
    @functools.partial(
        pl.kernel,
        out_type=jax.ShapeDtypeStruct((NC, NPAD, D), jnp.float32),
        mesh=_sc_mesh(),
        scratch_types=[
            pltpu.VMEM((PW, 1, 128), jnp.int32),
            pltpu.VMEM((1, 128), jnp.int32),
            pltpu.VMEM((1, 128), jnp.int32),
            pltpu.VMEM((128, D), jnp.float32),
            pltpu.VMEM((128, D), jnp.float32),
            pltpu.VMEM_SHARED((NPAD, D), jnp.float32),
            pltpu.SemaphoreType.DMA,
            pltpu.SemaphoreType.DMA,
        ],
    )
    def k(y_hbm, s_hbm, d_hbm, z_hbm, out_hbm, sv, dv0, dv1, val0, val1, acc,
          sem0, sem1):
        c = lax.axis_index("c")
        s = lax.axis_index("s")
        rows = NPAD // NS
        pltpu.sync_copy(z_hbm.at[pl.ds(s * rows, rows)],
                        acc.at[pl.ds(s * rows, rows)])
        half = R // NC
        r0 = half * c + (half * s) // NS
        r1 = half * c + (half * (s + 1)) // NS
        n = r1 - r0
        pltpu.sync_copy(s_hbm.at[pl.ds(r0, PW)], sv)
        plsc.subcore_barrier()

        def gat(i, val, dv, sem):
            pltpu.async_copy(d_hbm.at[r0 + i], dv, sem)
            pltpu.async_copy(y_hbm.at[sv.at[i, 0]], val, sem)

        def wait_gat(val, dv, sem):
            pltpu.make_async_copy(d_hbm.at[0], dv, sem).wait()
            pltpu.make_async_copy(y_hbm.at[sv.at[0, 0]], val, sem).wait()

        @pl.when(n >= 1)
        def _():
            gat(0, val0, dv0, sem0)

        @pl.when(n >= 2)
        def _():
            gat(1, val1, dv1, sem1)

        @pl.loop(0, n, step=2)
        def _(i):
            wait_gat(val0, dv0, sem0)
            pltpu.sync_copy(val0, acc.at[dv0.at[0]], add=True)

            @pl.when(i + 2 < n)
            def _():
                gat(i + 2, val0, dv0, sem0)

            @pl.when(i + 1 < n)
            def _():
                wait_gat(val1, dv1, sem1)
                pltpu.sync_copy(val1, acc.at[dv1.at[0]], add=True)

                @pl.when(i + 3 < n)
                def _():
                    gat(i + 3, val1, dv1, sem1)

        plsc.subcore_barrier()
        pltpu.sync_copy(acc.at[pl.ds(s * rows, rows)],
                        out_hbm.at[c].at[pl.ds(s * rows, rows)])

    return k(y, src3d, dst3d, zeros2d)


def _pair_decode(g, gB, a3d, b3d):
    @functools.partial(
        pl.kernel,
        out_type=jax.ShapeDtypeStruct((L, D), jnp.float32),
        mesh=_sc_mesh(),
        scratch_types=[
            pltpu.VMEM((PW, 1, 128), jnp.int32),
            pltpu.VMEM((PW, 1, 128), jnp.int32),
            pltpu.VMEM((128, D), jnp.float32),
            pltpu.VMEM((128, D), jnp.float32),
            pltpu.VMEM((128, D), jnp.float32),
            pltpu.VMEM((128, D), jnp.float32),
            pltpu.VMEM((128, D), jnp.float32),
            pltpu.VMEM((128, D), jnp.float32),
            pltpu.SemaphoreType.DMA,
            pltpu.SemaphoreType.DMA,
            pltpu.SemaphoreType.DMA,
            pltpu.SemaphoreType.DMA,
        ],
    )
    def k(g_hbm, gb_hbm, a_hbm, b_hbm, out_hbm, av, bv,
          va0, vb0, ob0, va1, vb1, ob1, semg0, semg1, sems0, sems1):
        c = lax.axis_index("c")
        s = lax.axis_index("s")
        w = s * NC + c
        r0 = (R * w) // (NC * NS)
        r1 = (R * (w + 1)) // (NC * NS)
        n = r1 - r0
        pltpu.sync_copy(a_hbm.at[pl.ds(r0, PW)], av)
        pltpu.sync_copy(b_hbm.at[pl.ds(r0, PW)], bv)

        def gat(i, va, vb, sem):
            pltpu.async_copy(g_hbm.at[av.at[i, 0]], va, sem)
            pltpu.async_copy(gb_hbm.at[bv.at[i, 0]], vb, sem)

        def wait_gat(va, vb, sem):
            pltpu.make_async_copy(g_hbm.at[av.at[0, 0]], va, sem).wait()
            pltpu.make_async_copy(g_hbm.at[av.at[0, 0]], vb, sem).wait()

        def wait_store(ob, sem):
            pltpu.make_async_copy(ob, out_hbm.at[pl.ds(0, 128)], sem).wait()

        def compute(va, vb, ob):
            @pl.loop(0, 128, step=4)
            def _(i):
                for k in range(4):
                    for j in range(8):
                        sl = pl.ds(16 * j, 16)
                        ob[i + k, sl] = jnp.maximum(
                            vb[i + k, sl] - va[i + k, sl], 0.0)

        @pl.when(n >= 1)
        def _():
            gat(0, va0, vb0, semg0)

        @pl.when(n >= 2)
        def _():
            gat(1, va1, vb1, semg1)

        @pl.loop(0, n, step=2)
        def _(i):
            wait_gat(va0, vb0, semg0)

            @pl.when(i >= 2)
            def _():
                wait_store(ob0, sems0)

            compute(va0, vb0, ob0)
            pltpu.async_copy(ob0, out_hbm.at[pl.ds((r0 + i) * 128, 128)], sems0)

            @pl.when(i + 2 < n)
            def _():
                gat(i + 2, va0, vb0, semg0)

            @pl.when(i + 1 < n)
            def _():
                wait_gat(va1, vb1, semg1)

                @pl.when(i >= 2)
                def _():
                    wait_store(ob1, sems1)

                compute(va1, vb1, ob1)
                pltpu.async_copy(
                    ob1, out_hbm.at[pl.ds((r0 + i + 1) * 128, 128)], sems1)

                @pl.when(i + 3 < n)
                def _():
                    gat(i + 3, va1, vb1, semg1)

        @pl.when(n >= 1)
        def _():
            wait_store(ob0, sems0)

        @pl.when(n >= 2)
        def _():
            wait_store(ob1, sems1)

    return k(g, gB, a3d, b3d)


def _tc_prep(x, W_gcn, hist3d):
    def body(x_ref, w_ref, h_ref, y_ref, st_ref, dis_ref):
        xw = jnp.dot(x_ref[...], w_ref[...],
                     preferred_element_type=jnp.float32)
        hv = h_ref[...]
        deg = hv[0] + hv[1] + 1.0
        dis = lax.rsqrt(deg)[:N]
        ideg = (1.0 / deg)[:N]
        y_ref[...] = xw * dis
        st_ref[...] = xw * ideg
        dis_ref[...] = dis

    return pl.pallas_call(
        body,
        out_shape=[
            jax.ShapeDtypeStruct((N, D), jnp.float32),
            jax.ShapeDtypeStruct((N, D), jnp.float32),
            jax.ShapeDtypeStruct((N, 1), jnp.float32),
        ],
    )(x, W_gcn, hist3d)


def _tc_gtable(p, st, dis_col, W1, b_gcn2d, b1_2d):
    def body(p_ref, st_ref, dis_ref, w1_ref, bg_ref, b1_ref, g_ref, gb_ref):
        pv = p_ref[...]
        h = pv[0, :N] + pv[1, :N]
        h = h * dis_ref[...] + st_ref[...] + bg_ref[...]
        g = jnp.dot(h, w1_ref[...], preferred_element_type=jnp.float32)
        g_ref[...] = g
        gb_ref[...] = g + b1_ref[...]

    return pl.pallas_call(
        body,
        out_shape=[
            jax.ShapeDtypeStruct((N, D), jnp.float32),
            jax.ShapeDtypeStruct((N, D), jnp.float32),
        ],
    )(p, st, dis_col, W1, b_gcn2d, b1_2d)


def _tc_mlp(z1, W2, b2_2d, W3, b3_2d):
    blk = 6400
    grid = L // blk

    def body(z_ref, w2_ref, b2_ref, w3_ref, b3_ref, o_ref):
        z = z_ref[...].astype(jnp.bfloat16)
        h1 = jnp.maximum(
            jnp.dot(z, w2_ref[...].astype(jnp.bfloat16),
                    preferred_element_type=jnp.float32)
            + b2_ref[...], 0.0)
        p = (jnp.dot(h1, w3_ref[...], preferred_element_type=jnp.float32)
             + b3_ref[...])
        o_ref[...] = p.reshape(blk // 128, 1, 128)

    return pl.pallas_call(
        body,
        grid=(grid,),
        in_specs=[
            pl.BlockSpec((blk, D), lambda i: (i, 0)),
            pl.BlockSpec((D, 32), lambda i: (0, 0)),
            pl.BlockSpec((1, 32), lambda i: (0, 0)),
            pl.BlockSpec((32, 1), lambda i: (0, 0)),
            pl.BlockSpec((1, 1), lambda i: (0, 0)),
        ],
        out_specs=pl.BlockSpec((blk // 128, 1, 128), lambda i: (i, 0, 0)),
        out_shape=jax.ShapeDtypeStruct((L // 128, 1, 128), jnp.float32),
    )(z1, W2, b2_2d, W3, b3_2d)


def kernel(x, edge_index, edge_label_index, W_gcn, b_gcn, W1, b1, W2, b2, W3, b3):
    ei = edge_index.astype(jnp.int32)
    eli = edge_label_index.astype(jnp.int32)
    src3d = ei[0].reshape(R, 1, 128)
    dst3d = ei[1].reshape(R, 1, 128)
    a3d = eli[0].reshape(R, 1, 128)
    b3d = eli[1].reshape(R, 1, 128)

    zeros_h = jnp.zeros((HPAD,), jnp.float32)
    zeros2d = jnp.zeros((NPAD, D), jnp.float32)

    hist = _deg_hist(dst3d, zeros_h)
    y, st, dis_col = _tc_prep(x, W_gcn, hist.reshape(NC, HPAD, 1))
    p = _aggregate(y, src3d, dst3d, zeros2d)
    g, gB = _tc_gtable(p, st, dis_col, W1,
                       b_gcn.reshape(1, D), b1.reshape(1, D))
    z1 = _pair_decode(g, gB, a3d, b3d)
    prob = _tc_mlp(z1, W2, b2.reshape(1, 32), W3, b3.reshape(1, 1))
    return prob.reshape(-1)

# --- scband reference (transcript-rebuilt; emitter-appended) ---
"""Pipeline reference for scband-cherry-module-8048768712805 (READ-ONLY COPY).

The authoritative reference and input builder live on the scoring server;
editing this copy changes nothing except your own understanding.
"""

import jax, jax.numpy as jnp
import numpy as np

N_NODES = 10000
D_IN = 128
D_OUT = 128
H1 = 128
H2 = 32
N_EDGES = 320000
N_LABEL = 320000


def setup_inputs(seed: int = 0) -> dict:
    key = jax.random.key(seed)
    ks = jax.random.split(key, 12)
    x = jax.random.normal(ks[0], (N_NODES, D_IN), dtype=jnp.float32)
    edge_index = jax.random.randint(ks[1], (2, N_EDGES), 0, N_NODES, dtype=jnp.int64)
    edge_label_index = jax.random.randint(ks[2], (2, N_LABEL), 0, N_NODES, dtype=jnp.int64)
    # GCNConv params (PyG: glorot weight [in, out], zeros bias)
    W_gcn = jax.random.normal(ks[3], (D_IN, D_OUT), dtype=jnp.float32) * (1.0 / np.sqrt(D_IN))
    b_gcn = jnp.zeros((D_OUT,), dtype=jnp.float32)
    # decoder: Linear(D_OUT, H1) -> ReLU -> Linear(H1, H2) -> ReLU -> Linear(H2, 1)
    W1 = jax.random.normal(ks[4], (D_OUT, H1), dtype=jnp.float32) * (1.0 / np.sqrt(D_OUT))
    b1 = jax.random.normal(ks[5], (H1,), dtype=jnp.float32) * 0.01
    W2 = jax.random.normal(ks[6], (H1, H2), dtype=jnp.float32) * (1.0 / np.sqrt(H1))
    b2 = jax.random.normal(ks[7], (H2,), dtype=jnp.float32) * 0.01
    W3 = jax.random.normal(ks[8], (H2, 1), dtype=jnp.float32) * (1.0 / np.sqrt(H2))
    b3 = jax.random.normal(ks[9], (1,), dtype=jnp.float32) * 0.01
    return {"x": x, "edge_index": edge_index, "edge_label_index": edge_label_index,
            "W_gcn": W_gcn, "b_gcn": b_gcn, "W1": W1, "b1": b1,
            "W2": W2, "b2": b2, "W3": W3, "b3": b3}


def _gcn_conv(x, edge_index, W, b):
    # PyG GCNConv with add_self_loops=True, normalize=True
    n = x.shape[0]
    src = edge_index[0]
    dst = edge_index[1]
    loop = jnp.arange(n, dtype=edge_index.dtype)
    src = jnp.concatenate([src, loop])
    dst = jnp.concatenate([dst, loop])
    deg = jnp.zeros((n,), dtype=x.dtype).at[dst].add(1.0)
    deg_inv_sqrt = jnp.where(deg > 0, deg ** -0.5, 0.0)
    norm = deg_inv_sqrt[src] * deg_inv_sqrt[dst]
    xw = x @ W
    msg = jnp.take(xw, src, axis=0) * norm[:, None]
    out = jnp.zeros_like(xw).at[dst].add(msg)
    return out + b


def reference(x, edge_index, edge_label_index, W_gcn, b_gcn, W1, b1, W2, b2, W3, b3):
    h = _gcn_conv(x, edge_index, W_gcn, b_gcn)
    diff = jnp.take(h, edge_label_index[1], axis=0) - jnp.take(h, edge_label_index[0], axis=0)
    z = jnp.maximum(diff @ W1 + b1, 0.0)
    z = jnp.maximum(z @ W2 + b2, 0.0)
    prob = z @ W3 + b3
    return prob.reshape(-1)

if __name__ == "__main__":
    import jax
    _d = setup_inputs()
    print(jax.jit(kernel)(*tuple(_d.values())))

</pallas_src>

<mosaic_0001>
#map = affine_map<(d0, d1) -> (0, 0)>
#map1 = affine_map<(d0, d1) -> (0, 0, 0)>
module attributes {stable_mosaic.version = 14 : i64} {
  func.func @k(%arg0: i32, %arg1: i32, %arg2: memref<10000x128xf32, #tpu.memory_space<hbm>>, %arg3: memref<2500x1x128xi32, #tpu.memory_space<hbm>>, %arg4: memref<2500x1x128xi32, #tpu.memory_space<hbm>>, %arg5: memref<10240x128xf32, #tpu.memory_space<hbm>>, %arg6: memref<2x10240x128xf32, #tpu.memory_space<hbm>>, %arg7: memref<79x1x128xi32, #tpu.memory_space<vmem>>, %arg8: memref<1x128xi32, #tpu.memory_space<vmem>>, %arg9: memref<1x128xi32, #tpu.memory_space<vmem>>, %arg10: memref<128x128xf32, #tpu.memory_space<vmem>>, %arg11: memref<128x128xf32, #tpu.memory_space<vmem>>, %arg12: memref<10240x128xf32, #tpu.memory_space<vmem_shared>>, %arg13: memref<!tpu.dma_semaphore, #tpu.memory_space<semaphore_mem>>, %arg14: memref<!tpu.dma_semaphore, #tpu.memory_space<semaphore_mem>>) attributes {dimension_semantics = [#tpu.dimension_semantics<core_parallel>, #tpu.dimension_semantics<subcore_parallel>], iteration_bounds = array<i64: 2, 16>, scalar_prefetch = 0 : i64, scratch_operands = 8 : i64, tpu.core_type = #tpu.core_type<sc_vector_subcore>, window_params = [{transform_indices = #map}, {transform_indices = #map1}, {transform_indices = #map1}, {transform_indices = #map}, {transform_indices = #map1}]} {
    %mul3A = arith.constant 640 : i32
    %mul3A_0 = arith.muli %arg1, %mul3A : i32
    %mul3A_1 = arith.constant 640 : i32
    %mul3A_2 = arith.muli %arg1, %mul3A_1 : i32
    "tpu.region"() ({
      %run_scoped3A = tpu.sem_alloc : memref<!tpu.dma_semaphore, #tpu.memory_space<semaphore_mem>>
      %dma_start3A = arith.constant 0 : i32
      %dma_start3A_85 = tpu.memref_slice %arg12[%mul3A_2, %dma_start3A] : memref<10240x128xf32, #tpu.memory_space<vmem_shared>> -> memref<640x128xf32, #tpu.memory_space<vmem_shared>>
      %dma_start3A_86 = arith.constant 0 : i32
      %dma_start3A_87 = tpu.memref_slice %arg5[%mul3A_0, %dma_start3A_86] : memref<10240x128xf32, #tpu.memory_space<hbm>> -> memref<640x128xf32, #tpu.memory_space<hbm>>
      tpu.enqueue_dma source(%dma_start3A_87 : memref<640x128xf32, #tpu.memory_space<hbm>>) target(%dma_start3A_85 : memref<640x128xf32, #tpu.memory_space<vmem_shared>>) target_semaphore(%run_scoped3A : memref<!tpu.dma_semaphore, #tpu.memory_space<semaphore_mem>>)
      %dma_wait3A = arith.constant 0 : i32
      %dma_wait3A_88 = tpu.memref_slice %arg12[%mul3A_2, %dma_wait3A] : memref<10240x128xf32, #tpu.memory_space<vmem_shared>> -> memref<640x128xf32, #tpu.memory_space<vmem_shared>>
      %dma_wait3A_89 = arith.constant 0 : i32
      %dma_wait3A_90 = tpu.memref_slice %arg5[%mul3A_0, %dma_wait3A_89] : memref<10240x128xf32, #tpu.memory_space<hbm>> -> memref<640x128xf32, #tpu.memory_space<hbm>>
      tpu.wait_dma2 semaphore(%run_scoped3A : memref<!tpu.dma_semaphore, #tpu.memory_space<semaphore_mem>>) src(%dma_wait3A_90 : memref<640x128xf32, #tpu.memory_space<hbm>>) dst(%dma_wait3A_88 : memref<640x128xf32, #tpu.memory_space<vmem_shared>>)
      tpu.yield
    }) : () -> ()
    %mul3A_3 = arith.constant 1250 : i32
    %mul3A_4 = arith.muli %mul3A_3, %arg0 : i32
    %mul3A_5 = arith.constant 1250 : i32
    %mul3A_6 = arith.muli %mul3A_5, %arg1 : i32
    %jit3A = arith.constant 16 : i32
    %div3A = arith.divsi %mul3A_6, %jit3A : i32
    %sign3A = arith.constant 0 : i32
    %sign3A_7 = arith.cmpi sgt, %mul3A_6, %sign3A : i32
    %sign3A_8 = arith.extui %sign3A_7 : i1 to i32
    %sign3A_9 = arith.constant 0 : i32
    %sign3A_10 = arith.cmpi slt, %mul3A_6, %sign3A_9 : i32
    %sign3A_11 = arith.extui %sign3A_10 : i1 to i32
    %sign3A_12 = arith.subi %sign3A_8, %sign3A_11 : i32
    %sign3A_13 = arith.constant 0 : i32
    %sign3A_14 = arith.cmpi sgt, %jit3A, %sign3A_13 : i32
    %sign3A_15 = arith.extui %sign3A_14 : i1 to i32
    %sign3A_16 = arith.constant 0 : i32
    %sign3A_17 = arith.cmpi slt, %jit3A, %sign3A_16 : i32
    %sign3A_18 = arith.extui %sign3A_17 : i1 to i32
    %sign3A_19 = arith.subi %sign3A_15, %sign3A_18 : i32
    %ne3A = arith.cmpi ne, %sign3A_12, %sign3A_19 : i32
    %rem3A = arith.remsi %mul3A_6, %jit3A : i32
    %ne3A_20 = arith.constant 0 : i32
    %ne3A_21 = arith.cmpi ne, %rem3A, %ne3A_20 : i32
    %and3A = arith.andi %ne3A, %ne3A_21 : i1
    %sub3A = arith.constant 1 : i32
    %sub3A_22 = arith.subi %div3A, %sub3A : i32
    %select_n3A = arith.select %and3A, %sub3A_22, %div3A : i32
    %add3A = arith.addi %mul3A_4, %select_n3A : i32
    %mul3A_23 = arith.constant 1250 : i32
    %mul3A_24 = arith.muli %mul3A_23, %arg0 : i32
    %add3A_25 = arith.constant 1 : i32
    %add3A_26 = arith.addi %arg1, %add3A_25 : i32
    %mul3A_27 = arith.constant 1250 : i32
    %mul3A_28 = arith.muli %mul3A_27, %add3A_26 : i32
    %jit3A_29 = arith.constant 16 : i32
    %div3A_30 = arith.divsi %mul3A_28, %jit3A_29 : i32
    %sign3A_31 = arith.constant 0 : i32
    %sign3A_32 = arith.cmpi sgt, %mul3A_28, %sign3A_31 : i32
    %sign3A_33 = arith.extui %sign3A_32 : i1 to i32
    %sign3A_34 = arith.constant 0 : i32
    %sign3A_35 = arith.cmpi slt, %mul3A_28, %sign3A_34 : i32
    %sign3A_36 = arith.extui %sign3A_35 : i1 to i32
    %sign3A_37 = arith.subi %sign3A_33, %sign3A_36 : i32
    %sign3A_38 = arith.constant 0 : i32
    %sign3A_39 = arith.cmpi sgt, %jit3A_29, %sign3A_38 : i32
    %sign3A_40 = arith.extui %sign3A_39 : i1 to i32
    %sign3A_41 = arith.constant 0 : i32
    %sign3A_42 = arith.cmpi slt, %jit3A_29, %sign3A_41 : i32
    %sign3A_43 = arith.extui %sign3A_42 : i1 to i32
    %sign3A_44 = arith.subi %sign3A_40, %sign3A_43 : i32
    %ne3A_45 = arith.cmpi ne, %sign3A_37, %sign3A_44 : i32
    %rem3A_46 = arith.remsi %mul3A_28, %jit3A_29 : i32
    %ne3A_47 = arith.constant 0 : i32
    %ne3A_48 = arith.cmpi ne, %rem3A_46, %ne3A_47 : i32
    %and3A_49 = arith.andi %ne3A_45, %ne3A_48 : i1
    %sub3A_50 = arith.constant 1 : i32
    %sub3A_51 = arith.subi %div3A_30, %sub3A_50 : i32
    %select_n3A_52 = arith.select %and3A_49, %sub3A_51, %div3A_30 : i32
    %add3A_53 = arith.addi %mul3A_24, %select_n3A_52 : i32
    %sub3A_54 = arith.subi %add3A_53, %add3A : i32
    "tpu.region"() ({
      %run_scoped3A = tpu.sem_alloc : memref<!tpu.dma_semaphore, #tpu.memory_space<semaphore_mem>>
      %dma_start3A = arith.constant 0 : i32
      %dma_start3A_85 = arith.constant 0 : i32
      %dma_start3A_86 = tpu.memref_slice %arg3[%add3A, %dma_start3A, %dma_start3A_85] : memref<2500x1x128xi32, #tpu.memory_space<hbm>> -> memref<79x1x128xi32, #tpu.memory_space<hbm>>
      %dma_start3A_87 = arith.constant 0 : i32
      %dma_start3A_88 = arith.constant 0 : i32
      %dma_start3A_89 = tpu.memref_slice %arg3[%add3A, %dma_start3A_87, %dma_start3A_88] : memref<2500x1x128xi32, #tpu.memory_space<hbm>> -> memref<79x1x128xi32, #tpu.memory_space<hbm>>
      tpu.enqueue_dma source(%dma_start3A_89 : memref<79x1x128xi32, #tpu.memory_space<hbm>>) target(%arg7 : memref<79x1x128xi32, #tpu.memory_space<vmem>>) target_semaphore(%run_scoped3A : memref<!tpu.dma_semaphore, #tpu.memory_space<semaphore_mem>>)
      %dma_wait3A = arith.constant 0 : i32
      %dma_wait3A_90 = arith.constant 0 : i32
      %dma_wait3A_91 = tpu.memref_slice %arg3[%add3A, %dma_wait3A, %dma_wait3A_90] : memref<2500x1x128xi32, #tpu.memory_space<hbm>> -> memref<79x1x128xi32, #tpu.memory_space<hbm>>
      %dma_wait3A_92 = arith.constant 0 : i32
      %dma_wait3A_93 = arith.constant 0 : i32
      %dma_wait3A_94 = tpu.memref_slice %arg3[%add3A, %dma_wait3A_92, %dma_wait3A_93] : memref<2500x1x128xi32, #tpu.memory_space<hbm>> -> memref<79x1x128xi32, #tpu.memory_space<hbm>>
      tpu.wait_dma2 semaphore(%run_scoped3A : memref<!tpu.dma_semaphore, #tpu.memory_space<semaphore_mem>>) src(%dma_wait3A_94 : memref<79x1x128xi32, #tpu.memory_space<hbm>>) dst(%arg7 : memref<79x1x128xi32, #tpu.memory_space<vmem>>)
      tpu.yield
    }) : () -> ()
    %barrier3A = arith.constant 0 : index
    tpu.barrier barrier_id(%barrier3A)
    %ge3A = arith.constant 1 : i32
    %ge3A_55 = arith.cmpi sge, %sub3A_54, %ge3A : i32
    %convert_element_type3A = arith.extui %ge3A_55 : i1 to i32
    %cond3A = arith.constant 0 : i32
    %cond3A_56 = arith.cmpi ne, %convert_element_type3A, %cond3A : i32
    scf.if %cond3A_56 {
      %add3A_85 = arith.constant 0 : i32
      %add3A_86 = arith.addi %add3A, %add3A_85 : i32
      %dma_start3A = arith.constant 0 : i32
      %dma_start3A_87 = arith.constant 0 : i32
      %dma_start3A_88 = tpu.memref_slice %arg4[%add3A_86, %dma_start3A, %dma_start3A_87] : memref<2500x1x128xi32, #tpu.memory_space<hbm>> -> memref<1x1x128xi32, #tpu.memory_space<hbm>>
      %dma_start3A_89 = tpu.memref_squeeze %dma_start3A_88 : memref<1x1x128xi32, #tpu.memory_space<hbm>> -> memref<1x128xi32, #tpu.memory_space<hbm>>
      %dma_start3A_90 = arith.constant 0 : i32
      %dma_start3A_91 = arith.constant 0 : i32
      %dma_start3A_92 = tpu.memref_slice %arg4[%add3A_86, %dma_start3A_90, %dma_start3A_91] : memref<2500x1x128xi32, #tpu.memory_space<hbm>> -> memref<1x1x128xi32, #tpu.memory_space<hbm>>
      %dma_start3A_93 = tpu.memref_squeeze %dma_start3A_92 : memref<1x1x128xi32, #tpu.memory_space<hbm>> -> memref<1x128xi32, #tpu.memory_space<hbm>>
      tpu.enqueue_dma source(%dma_start3A_93 : memref<1x128xi32, #tpu.memory_space<hbm>>) target(%arg8 : memref<1x128xi32, #tpu.memory_space<vmem>>) target_semaphore(%arg13 : memref<!tpu.dma_semaphore, #tpu.memory_space<semaphore_mem>>)
      %dma_start3A_94 = arith.constant 0 : i32
      %dma_start3A_95 = arith.constant 0 : i32
      %dma_start3A_96 = arith.constant 0 : i32
      %dma_start3A_97 = tpu.memref_slice %arg7[%dma_start3A_94, %dma_start3A_95, %dma_start3A_96] : memref<79x1x128xi32, #tpu.memory_space<vmem>> -> memref<1x1x128xi32, #tpu.memory_space<vmem>>
      %dma_start3A_98 = tpu.memref_squeeze %dma_start3A_97 : memref<1x1x128xi32, #tpu.memory_space<vmem>> -> memref<128xi32, #tpu.memory_space<vmem>>
      %dma_start3A_99 = arith.constant 0 : i32
      %dma_start3A_100 = arith.constant 0 : i32
      %dma_start3A_101 = tpu.memref_slice %arg2[%dma_start3A_99, %dma_start3A_100] : memref<10000x128xf32, #tpu.memory_space<hbm>> -> memref<10000x128xf32, #tpu.memory_space<hbm>>
      tpu.enqueue_indirect_dma source(%dma_start3A_101 : memref<10000x128xf32, #tpu.memory_space<hbm>>) target(%arg10 : memref<128x128xf32, #tpu.memory_space<vmem>>) offsets(%dma_start3A_98 : memref<128xi32, #tpu.memory_space<vmem>>) semaphore(%arg13 : memref<!tpu.dma_semaphore, #tpu.memory_space<semaphore_mem>>)
    } else {
    }
    %ge3A_57 = arith.constant 2 : i32
    %ge3A_58 = arith.cmpi sge, %sub3A_54, %ge3A_57 : i32
    %convert_element_type3A_59 = arith.extui %ge3A_58 : i1 to i32
    %cond3A_60 = arith.constant 0 : i32
    %cond3A_61 = arith.cmpi ne, %convert_element_type3A_59, %cond3A_60 : i32
    scf.if %cond3A_61 {
      %add3A_85 = arith.constant 1 : i32
      %add3A_86 = arith.addi %add3A, %add3A_85 : i32
      %dma_start3A = arith.constant 0 : i32
      %dma_start3A_87 = arith.constant 0 : i32
      %dma_start3A_88 = tpu.memref_slice %arg4[%add3A_86, %dma_start3A, %dma_start3A_87] : memref<2500x1x128xi32, #tpu.memory_space<hbm>> -> memref<1x1x128xi32, #tpu.memory_space<hbm>>
      %dma_start3A_89 = tpu.memref_squeeze %dma_start3A_88 : memref<1x1x128xi32, #tpu.memory_space<hbm>> -> memref<1x128xi32, #tpu.memory_space<hbm>>
      %dma_start3A_90 = arith.constant 0 : i32
      %dma_start3A_91 = arith.constant 0 : i32
      %dma_start3A_92 = tpu.memref_slice %arg4[%add3A_86, %dma_start3A_90, %dma_start3A_91] : memref<2500x1x128xi32, #tpu.memory_space<hbm>> -> memref<1x1x128xi32, #tpu.memory_space<hbm>>
      %dma_start3A_93 = tpu.memref_squeeze %dma_start3A_92 : memref<1x1x128xi32, #tpu.memory_space<hbm>> -> memref<1x128xi32, #tpu.memory_space<hbm>>
      tpu.enqueue_dma source(%dma_start3A_93 : memref<1x128xi32, #tpu.memory_space<hbm>>) target(%arg9 : memref<1x128xi32, #tpu.memory_space<vmem>>) target_semaphore(%arg14 : memref<!tpu.dma_semaphore, #tpu.memory_space<semaphore_mem>>)
      %dma_start3A_94 = arith.constant 1 : i32
      %dma_start3A_95 = arith.constant 0 : i32
      %dma_start3A_96 = arith.constant 0 : i32
      %dma_start3A_97 = tpu.memref_slice %arg7[%dma_start3A_94, %dma_start3A_95, %dma_start3A_96] : memref<79x1x128xi32, #tpu.memory_space<vmem>> -> memref<1x1x128xi32, #tpu.memory_space<vmem>>
      %dma_start3A_98 = tpu.memref_squeeze %dma_start3A_97 : memref<1x1x128xi32, #tpu.memory_space<vmem>> -> memref<128xi32, #tpu.memory_space<vmem>>
      %dma_start3A_99 = arith.constant 0 : i32
      %dma_start3A_100 = arith.constant 0 : i32
      %dma_start3A_101 = tpu.memref_slice %arg2[%dma_start3A_99, %dma_start3A_100] : memref<10000x128xf32, #tpu.memory_space<hbm>> -> memref<10000x128xf32, #tpu.memory_space<hbm>>
      tpu.enqueue_indirect_dma source(%dma_start3A_101 : memref<10000x128xf32, #tpu.memory_space<hbm>>) target(%arg11 : memref<128x128xf32, #tpu.memory_space<vmem>>) offsets(%dma_start3A_98 : memref<128xi32, #tpu.memory_space<vmem>>) semaphore(%arg14 : memref<!tpu.dma_semaphore, #tpu.memory_space<semaphore_mem>>)
    } else {
    }
    %sub3A_62 = arith.constant 0 : i32
    %sub3A_63 = arith.subi %sub3A_54, %sub3A_62 : i32
    %sub3A_64 = arith.constant 2 : i32
    %sub3A_65 = arith.constant 1 : i32
    %sub3A_66 = arith.subi %sub3A_64, %sub3A_65 : i32
    %add3A_67 = arith.addi %sub3A_63, %sub3A_66 : i32
    %div3A_68 = arith.constant 2 : i32
    %div3A_69 = arith.divsi %add3A_67, %div3A_68 : i32
    %while3A = arith.constant 2 : i32
    %while3A_70 = arith.constant 0 : i32
    %while3A_71 = arith.constant 0 : i32
    %while3A_72 = arith.subi %div3A_69, %while3A_71 : i32
    %while3A_73 = arith.addi %while3A_71, %while3A_72 : i32
    %while3A_74 = arith.constant 1 : i32
    %while3A_75 = arith.divsi %while3A_72, %while3A_74 : i32
    %while3A_76 = arith.muli %while3A_75, %while3A_74 : i32
    %while3A_77 = arith.addi %while3A_71, %while3A_76 : i32
    %while3A_78 = arith.constant 1 : i32
    scf.for %while3A_85 = %while3A_71 to %while3A_77 step %while3A_78  : i32 {
      %mul3A_86 = arith.muli %while3A_85, %while3A : i32
      %add3A_87 = arith.addi %while3A_70, %mul3A_86 : i32
      %dma_wait3A = arith.constant 0 : i32
      %dma_wait3A_88 = arith.constant 0 : i32
      %dma_wait3A_89 = arith.constant 0 : i32
      %dma_wait3A_90 = tpu.memref_slice %arg4[%dma_wait3A, %dma_wait3A_88, %dma_wait3A_89] : memref<2500x1x128xi32, #tpu.memory_space<hbm>> -> memref<1x1x128xi32, #tpu.memory_space<hbm>>
      %dma_wait3A_91 = tpu.memref_squeeze %dma_wait3A_90 : memref<1x1x128xi32, #tpu.memory_space<hbm>> -> memref<1x128xi32, #tpu.memory_space<hbm>>
      %dma_wait3A_92 = arith.constant 0 : i32
      %dma_wait3A_93 = arith.constant 0 : i32
      %dma_wait3A_94 = tpu.memref_slice %arg4[%dma_wait3A, %dma_wait3A_92, %dma_wait3A_93] : memref<2500x1x128xi32, #tpu.memory_space<hbm>> -> memref<1x1x128xi32, #tpu.memory_space<hbm>>
      %dma_wait3A_95 = tpu.memref_squeeze %dma_wait3A_94 : memref<1x1x128xi32, #tpu.memory_space<hbm>> -> memref<1x128xi32, #tpu.memory_space<hbm>>
      tpu.wait_dma2 semaphore(%arg13 : memref<!tpu.dma_semaphore, #tpu.memory_space<semaphore_mem>>) src(%dma_wait3A_95 : memref<1x128xi32, #tpu.memory_space<hbm>>) dst(%arg8 : memref<1x128xi32, #tpu.memory_space<vmem>>)
      %dma_wait3A_96 = arith.constant 0 : i32
      %dma_wait3A_97 = arith.constant 0 : i32
      %dma_wait3A_98 = arith.constant 0 : i32
      %dma_wait3A_99 = tpu.memref_slice %arg7[%dma_wait3A_96, %dma_wait3A_97, %dma_wait3A_98] : memref<79x1x128xi32, #tpu.memory_space<vmem>> -> memref<1x1x128xi32, #tpu.memory_space<vmem>>
      %dma_wait3A_100 = tpu.memref_squeeze %dma_wait3A_99 : memref<1x1x128xi32, #tpu.memory_space<vmem>> -> memref<128xi32, #tpu.memory_space<vmem>>
      %dma_wait3A_101 = arith.constant 0 : i32
      %dma_wait3A_102 = arith.constant 0 : i32
      %dma_wait3A_103 = tpu.memref_slice %arg2[%dma_wait3A_101, %dma_wait3A_102] : memref<10000x128xf32, #tpu.memory_space<hbm>> -> memref<10000x128xf32, #tpu.memory_space<hbm>>
      tpu.wait_indirect_dma semaphore(%arg13 : memref<!tpu.dma_semaphore, #tpu.memory_space<semaphore_mem>>) src(%dma_wait3A_103 : memref<10000x128xf32, #tpu.memory_space<hbm>>) dst(%arg10 : memref<128x128xf32, #tpu.memory_space<vmem>>)
      %run_scoped3A = arith.constant 0 : i32
      "tpu.region"() ({
        %run_scoped3A_115 = tpu.sem_alloc : memref<!tpu.dma_semaphore, #tpu.memory_space<semaphore_mem>>
        %dma_start3A = arith.constant 0 : i32
        %dma_start3A_116 = tpu.memref_slice %arg8[%run_scoped3A, %dma_start3A] : memref<1x128xi32, #tpu.memory_space<vmem>> -> memref<1x128xi32, #tpu.memory_space<vmem>>
        %dma_start3A_117 = tpu.memref_squeeze %dma_start3A_116 : memref<1x128xi32, #tpu.memory_space<vmem>> -> memref<128xi32, #tpu.memory_space<vmem>>
        %dma_start3A_118 = arith.constant 0 : i32
        %dma_start3A_119 = arith.constant 0 : i32
        %dma_start3A_120 = tpu.memref_slice %arg12[%dma_start3A_118, %dma_start3A_119] : memref<10240x128xf32, #tpu.memory_space<vmem_shared>> -> memref<10240x128xf32, #tpu.memory_space<vmem_shared>>
        tpu.enqueue_indirect_dma source(%arg10 : memref<128x128xf32, #tpu.memory_space<vmem>>) target(%dma_start3A_120 : memref<10240x128xf32, #tpu.memory_space<vmem_shared>>) offsets(%dma_start3A_117 : memref<128xi32, #tpu.memory_space<vmem>>) semaphore(%run_scoped3A_115 : memref<!tpu.dma_semaphore, #tpu.memory_space<semaphore_mem>>) {add = true}
        %dma_wait3A_121 = arith.constant 0 : i32
        %dma_wait3A_122 = tpu.memref_slice %arg8[%run_scoped3A, %dma_wait3A_121] : memref<1x128xi32, #tpu.memory_space<vmem>> -> memref<1x128xi32, #tpu.memory_space<vmem>>
        %dma_wait3A_123 = tpu.memref_squeeze %dma_wait3A_122 : memref<1x128xi32, #tpu.memory_space<vmem>> -> memref<128xi32, #tpu.memory_space<vmem>>
        %dma_wait3A_124 = arith.constant 0 : i32
        %dma_wait3A_125 = arith.constant 0 : i32
        %dma_wait3A_126 = tpu.memref_slice %arg12[%dma_wait3A_124, %dma_wait3A_125] : memref<10240x128xf32, #tpu.memory_space<vmem_shared>> -> memref<10240x128xf32, #tpu.memory_space<vmem_shared>>
        tpu.wait_indirect_dma semaphore(%run_scoped3A_115 : memref<!tpu.dma_semaphore, #tpu.memory_space<semaphore_mem>>) src(%arg10 : memref<128x128xf32, #tpu.memory_space<vmem>>) dst(%dma_wait3A_126 : memref<10240x128xf32, #tpu.memory_space<vmem_shared>>)
        tpu.yield
      }) : () -> ()
      %add3A_104 = arith.constant 2 : i32
      %add3A_105 = arith.addi %add3A_87, %add3A_104 : i32
      %lt3A = arith.cmpi slt, %add3A_105, %sub3A_54 : i32
      %convert_element_type3A_106 = arith.extui %lt3A : i1 to i32
      %cond3A_107 = arith.constant 0 : i32
      %cond3A_108 = arith.cmpi ne, %convert_element_type3A_106, %cond3A_107 : i32
      scf.if %cond3A_108 {
        %add3A_115 = arith.constant 2 : i32
        %add3A_116 = arith.addi %add3A_87, %add3A_115 : i32
        %add3A_117 = arith.addi %add3A, %add3A_116 : i32
        %dma_start3A = arith.constant 0 : i32
        %dma_start3A_118 = arith.constant 0 : i32
        %dma_start3A_119 = tpu.memref_slice %arg4[%add3A_117, %dma_start3A, %dma_start3A_118] : memref<2500x1x128xi32, #tpu.memory_space<hbm>> -> memref<1x1x128xi32, #tpu.memory_space<hbm>>
        %dma_start3A_120 = tpu.memref_squeeze %dma_start3A_119 : memref<1x1x128xi32, #tpu.memory_space<hbm>> -> memref<1x128xi32, #tpu.memory_space<hbm>>
        %dma_start3A_121 = arith.constant 0 : i32
        %dma_start3A_122 = arith.constant 0 : i32
        %dma_start3A_123 = tpu.memref_slice %arg4[%add3A_117, %dma_start3A_121, %dma_start3A_122] : memref<2500x1x128xi32, #tpu.memory_space<hbm>> -> memref<1x1x128xi32, #tpu.memory_space<hbm>>
        %dma_start3A_124 = tpu.memref_squeeze %dma_start3A_123 : memref<1x1x128xi32, #tpu.memory_space<hbm>> -> memref<1x128xi32, #tpu.memory_space<hbm>>
        tpu.enqueue_dma source(%dma_start3A_124 : memref<1x128xi32, #tpu.memory_space<hbm>>) target(%arg8 : memref<1x128xi32, #tpu.memory_space<vmem>>) target_semaphore(%arg13 : memref<!tpu.dma_semaphore, #tpu.memory_space<semaphore_mem>>)
        %dma_start3A_125 = arith.constant 0 : i32
        %dma_start3A_126 = arith.constant 0 : i32
        %dma_start3A_127 = tpu.memref_slice %arg7[%add3A_116, %dma_start3A_125, %dma_start3A_126] : memref<79x1x128xi32, #tpu.memory_space<vmem>> -> memref<1x1x128xi32, #tpu.memory_space<vmem>>
        %dma_start3A_128 = tpu.memref_squeeze %dma_start3A_127 : memref<1x1x128xi32, #tpu.memory_space<vmem>> -> memref<128xi32, #tpu.memory_space<vmem>>
        %dma_start3A_129 = arith.constant 0 : i32
        %dma_start3A_130 = arith.constant 0 : i32
        %dma_start3A_131 = tpu.memref_slice %arg2[%dma_start3A_129, %dma_start3A_130] : memref<10000x128xf32, #tpu.memory_space<hbm>> -> memref<10000x128xf32, #tpu.memory_space<hbm>>
        tpu.enqueue_indirect_dma source(%dma_start3A_131 : memref<10000x128xf32, #tpu.memory_space<hbm>>) target(%arg10 : memref<128x128xf32, #tpu.memory_space<vmem>>) offsets(%dma_start3A_128 : memref<128xi32, #tpu.memory_space<vmem>>) semaphore(%arg13 : memref<!tpu.dma_semaphore, #tpu.memory_space<semaphore_mem>>)
      } else {
      }
      %add3A_109 = arith.constant 1 : i32
      %add3A_110 = arith.addi %add3A_87, %add3A_109 : i32
      %lt3A_111 = arith.cmpi slt, %add3A_110, %sub3A_54 : i32
      %convert_element_type3A_112 = arith.extui %lt3A_111 : i1 to i32
      %cond3A_113 = arith.constant 0 : i32
      %cond3A_114 = arith.cmpi ne, %convert_element_type3A_112, %cond3A_113 : i32
      scf.if %cond3A_114 {
        %dma_wait3A_115 = arith.constant 0 : i32
        %dma_wait3A_116 = arith.constant 0 : i32
        %dma_wait3A_117 = arith.constant 0 : i32
        %dma_wait3A_118 = tpu.memref_slice %arg4[%dma_wait3A_115, %dma_wait3A_116, %dma_wait3A_117] : memref<2500x1x128xi32, #tpu.memory_space<hbm>> -> memref<1x1x128xi32, #tpu.memory_space<hbm>>
        %dma_wait3A_119 = tpu.memref_squeeze %dma_wait3A_118 : memref<1x1x128xi32, #tpu.memory_space<hbm>> -> memref<1x128xi32, #tpu.memory_space<hbm>>
        %dma_wait3A_120 = arith.constant 0 : i32
        %dma_wait3A_121 = arith.constant 0 : i32
        %dma_wait3A_122 = tpu.memref_slice %arg4[%dma_wait3A_115, %dma_wait3A_120, %dma_wait3A_121] : memref<2500x1x128xi32, #tpu.memory_space<hbm>> -> memref<1x1x128xi32, #tpu.memory_space<hbm>>
        %dma_wait3A_123 = tpu.memref_squeeze %dma_wait3A_122 : memref<1x1x128xi32, #tpu.memory_space<hbm>> -> memref<1x128xi32, #tpu.memory_space<hbm>>
        tpu.wait_dma2 semaphore(%arg14 : memref<!tpu.dma_semaphore, #tpu.memory_space<semaphore_mem>>) src(%dma_wait3A_123 : memref<1x128xi32, #tpu.memory_space<hbm>>) dst(%arg9 : memref<1x128xi32, #tpu.memory_space<vmem>>)
        %dma_wait3A_124 = arith.constant 0 : i32
        %dma_wait3A_125 = arith.constant 0 : i32
        %dma_wait3A_126 = arith.constant 0 : i32
        %dma_wait3A_127 = tpu.memref_slice %arg7[%dma_wait3A_124, %dma_wait3A_125, %dma_wait3A_126] : memref<79x1x128xi32, #tpu.memory_space<vmem>> -> memref<1x1x128xi32, #tpu.memory_space<vmem>>
        %dma_wait3A_128 = tpu.memref_squeeze %dma_wait3A_127 : memref<1x1x128xi32, #tpu.memory_space<vmem>> -> memref<128xi32, #tpu.memory_space<vmem>>
        %dma_wait3A_129 = arith.constant 0 : i32
        %dma_wait3A_130 = arith.constant 0 : i32
        %dma_wait3A_131 = tpu.memref_slice %arg2[%dma_wait3A_129, %dma_wait3A_130] : memref<10000x128xf32, #tpu.memory_space<hbm>> -> memref<10000x128xf32, #tpu.memory_space<hbm>>
        tpu.wait_indirect_dma semaphore(%arg14 : memref<!tpu.dma_semaphore, #tpu.memory_space<semaphore_mem>>) src(%dma_wait3A_131 : memref<10000x128xf32, #tpu.memory_space<hbm>>) dst(%arg11 : memref<128x128xf32, #tpu.memory_space<vmem>>)
        %run_scoped3A_132 = arith.constant 0 : i32
        "tpu.region"() ({
          %run_scoped3A_139 = tpu.sem_alloc : memref<!tpu.dma_semaphore, #tpu.memory_space<semaphore_mem>>
          %dma_start3A = arith.constant 0 : i32
          %dma_start3A_140 = tpu.memref_slice %arg9[%run_scoped3A_132, %dma_start3A] : memref<1x128xi32, #tpu.memory_space<vmem>> -> memref<1x128xi32, #tpu.memory_space<vmem>>
          %dma_start3A_141 = tpu.memref_squeeze %dma_start3A_140 : memref<1x128xi32, #tpu.memory_space<vmem>> -> memref<128xi32, #tpu.memory_space<vmem>>
          %dma_start3A_142 = arith.constant 0 : i32
          %dma_start3A_143 = arith.constant 0 : i32
          %dma_start3A_144 = tpu.memref_slice %arg12[%dma_start3A_142, %dma_start3A_143] : memref<10240x128xf32, #tpu.memory_space<vmem_shared>> -> memref<10240x128xf32, #tpu.memory_space<vmem_shared>>
          tpu.enqueue_indirect_dma source(%arg11 : memref<128x128xf32, #tpu.memory_space<vmem>>) target(%dma_start3A_144 : memref<10240x128xf32, #tpu.memory_space<vmem_shared>>) offsets(%dma_start3A_141 : memref<128xi32, #tpu.memory_space<vmem>>) semaphore(%run_scoped3A_139 : memref<!tpu.dma_semaphore, #tpu.memory_space<semaphore_mem>>) {add = true}
          %dma_wait3A_145 = arith.constant 0 : i32
          %dma_wait3A_146 = tpu.memref_slice %arg9[%run_scoped3A_132, %dma_wait3A_145] : memref<1x128xi32, #tpu.memory_space<vmem>> -> memref<1x128xi32, #tpu.memory_space<vmem>>
          %dma_wait3A_147 = tpu.memref_squeeze %dma_wait3A_146 : memref<1x128xi32, #tpu.memory_space<vmem>> -> memref<128xi32, #tpu.memory_space<vmem>>
          %dma_wait3A_148 = arith.constant 0 : i32
          %dma_wait3A_149 = arith.constant 0 : i32
          %dma_wait3A_150 = tpu.memref_slice %arg12[%dma_wait3A_148, %dma_wait3A_149] : memref<10240x128xf32, #tpu.memory_space<vmem_shared>> -> memref<10240x128xf32, #tpu.memory_space<vmem_shared>>
          tpu.wait_indirect_dma semaphore(%run_scoped3A_139 : memref<!tpu.dma_semaphore, #tpu.memory_space<semaphore_mem>>) src(%arg11 : memref<128x128xf32, #tpu.memory_space<vmem>>) dst(%dma_wait3A_150 : memref<10240x128xf32, #tpu.memory_space<vmem_shared>>)
          tpu.yield
        }) : () -> ()
        %add3A_133 = arith.constant 3 : i32
        %add3A_134 = arith.addi %add3A_87, %add3A_133 : i32
        %lt3A_135 = arith.cmpi slt, %add3A_134, %sub3A_54 : i32
        %convert_element_type3A_136 = arith.extui %lt3A_135 : i1 to i32
        %cond3A_137 = arith.constant 0 : i32
        %cond3A_138 = arith.cmpi ne, %convert_element_type3A_136, %cond3A_137 : i32
        scf.if %cond3A_138 {
          %add3A_139 = arith.constant 3 : i32
          %add3A_140 = arith.addi %add3A_87, %add3A_139 : i32
          %add3A_141 = arith.addi %add3A, %add3A_140 : i32
          %dma_start3A = arith.constant 0 : i32
          %dma_start3A_142 = arith.constant 0 : i32
          %dma_start3A_143 = tpu.memref_slice %arg4[%add3A_141, %dma_start3A, %dma_start3A_142] : memref<2500x1x128xi32, #tpu.memory_space<hbm>> -> memref<1x1x128xi32, #tpu.memory_space<hbm>>
          %dma_start3A_144 = tpu.memref_squeeze %dma_start3A_143 : memref<1x1x128xi32, #tpu.memory_space<hbm>> -> memref<1x128xi32, #tpu.memory_space<hbm>>
          %dma_start3A_145 = arith.constant 0 : i32
          %dma_start3A_146 = arith.constant 0 : i32
          %dma_start3A_147 = tpu.memref_slice %arg4[%add3A_141, %dma_start3A_145, %dma_start3A_146] : memref<2500x1x128xi32, #tpu.memory_space<hbm>> -> memref<1x1x128xi32, #tpu.memory_space<hbm>>
          %dma_start3A_148 = tpu.memref_squeeze %dma_start3A_147 : memref<1x1x128xi32, #tpu.memory_space<hbm>> -> memref<1x128xi32, #tpu.memory_space<hbm>>
          tpu.enqueue_dma source(%dma_start3A_148 : memref<1x128xi32, #tpu.memory_space<hbm>>) target(%arg9 : memref<1x128xi32, #tpu.memory_space<vmem>>) target_semaphore(%arg14 : memref<!tpu.dma_semaphore, #tpu.memory_space<semaphore_mem>>)
          %dma_start3A_149 = arith.constant 0 : i32
          %dma_start3A_150 = arith.constant 0 : i32
          %dma_start3A_151 = tpu.memref_slice %arg7[%add3A_140, %dma_start3A_149, %dma_start3A_150] : memref<79x1x128xi32, #tpu.memory_space<vmem>> -> memref<1x1x128xi32, #tpu.memory_space<vmem>>
          %dma_start3A_152 = tpu.memref_squeeze %dma_start3A_151 : memref<1x1x128xi32, #tpu.memory_space<vmem>> -> memref<128xi32, #tpu.memory_space<vmem>>
          %dma_start3A_153 = arith.constant 0 : i32
          %dma_start3A_154 = arith.constant 0 : i32
          %dma_start3A_155 = tpu.memref_slice %arg2[%dma_start3A_153, %dma_start3A_154] : memref<10000x128xf32, #tpu.memory_space<hbm>> -> memref<10000x128xf32, #tpu.memory_space<hbm>>
          tpu.enqueue_indirect_dma source(%dma_start3A_155 : memref<10000x128xf32, #tpu.memory_space<hbm>>) target(%arg11 : memref<128x128xf32, #tpu.memory_space<vmem>>) offsets(%dma_start3A_152 : memref<128xi32, #tpu.memory_space<vmem>>) semaphore(%arg14 : memref<!tpu.dma_semaphore, #tpu.memory_space<semaphore_mem>>)
        } else {
        }
      } else {
      }
    }
    %while3A_79 = arith.constant 1 : i32
    scf.for %while3A_85 = %while3A_77 to %while3A_73 step %while3A_79  : i32 {
      %mul3A_86 = arith.muli %while3A_85, %while3A : i32
      %add3A_87 = arith.addi %while3A_70, %mul3A_86 : i32
      %dma_wait3A = arith.constant 0 : i32
      %dma_wait3A_88 = arith.constant 0 : i32
      %dma_wait3A_89 = arith.constant 0 : i32
      %dma_wait3A_90 = tpu.memref_slice %arg4[%dma_wait3A, %dma_wait3A_88, %dma_wait3A_89] : memref<2500x1x128xi32, #tpu.memory_space<hbm>> -> memref<1x1x128xi32, #tpu.memory_space<hbm>>
      %dma_wait3A_91 = tpu.memref_squeeze %dma_wait3A_90 : memref<1x1x128xi32, #tpu.memory_space<hbm>> -> memref<1x128xi32, #tpu.memory_space<hbm>>
      %dma_wait3A_92 = arith.constant 0 : i32
      %dma_wait3A_93 = arith.constant 0 : i32
      %dma_wait3A_94 = tpu.memref_slice %arg4[%dma_wait3A, %dma_wait3A_92, %dma_wait3A_93] : memref<2500x1x128xi32, #tpu.memory_space<hbm>> -> memref<1x1x128xi32, #tpu.memory_space<hbm>>
      %dma_wait3A_95 = tpu.memref_squeeze %dma_wait3A_94 : memref<1x1x128xi32, #tpu.memory_space<hbm>> -> memref<1x128xi32, #tpu.memory_space<hbm>>
      tpu.wait_dma2 semaphore(%arg13 : memref<!tpu.dma_semaphore, #tpu.memory_space<semaphore_mem>>) src(%dma_wait3A_95 : memref<1x128xi32, #tpu.memory_space<hbm>>) dst(%arg8 : memref<1x128xi32, #tpu.memory_space<vmem>>)
      %dma_wait3A_96 = arith.constant 0 : i32
      %dma_wait3A_97 = arith.constant 0 : i32
      %dma_wait3A_98 = arith.constant 0 : i32
      %dma_wait3A_99 = tpu.memref_slice %arg7[%dma_wait3A_96, %dma_wait3A_97, %dma_wait3A_98] : memref<79x1x128xi32, #tpu.memory_space<vmem>> -> memref<1x1x128xi32, #tpu.memory_space<vmem>>
      %dma_wait3A_100 = tpu.memref_squeeze %dma_wait3A_99 : memref<1x1x128xi32, #tpu.memory_space<vmem>> -> memref<128xi32, #tpu.memory_space<vmem>>
      %dma_wait3A_101 = arith.constant 0 : i32
      %dma_wait3A_102 = arith.constant 0 : i32
      %dma_wait3A_103 = tpu.memref_slice %arg2[%dma_wait3A_101, %dma_wait3A_102] : memref<10000x128xf32, #tpu.memory_space<hbm>> -> memref<10000x128xf32, #tpu.memory_space<hbm>>
      tpu.wait_indirect_dma semaphore(%arg13 : memref<!tpu.dma_semaphore, #tpu.memory_space<semaphore_mem>>) src(%dma_wait3A_103 : memref<10000x128xf32, #tpu.memory_space<hbm>>) dst(%arg10 : memref<128x128xf32, #tpu.memory_space<vmem>>)
      %run_scoped3A = arith.constant 0 : i32
      "tpu.region"() ({
        %run_scoped3A_115 = tpu.sem_alloc : memref<!tpu.dma_semaphore, #tpu.memory_space<semaphore_mem>>
        %dma_start3A = arith.constant 0 : i32
        %dma_start3A_116 = tpu.memref_slice %arg8[%run_scoped3A, %dma_start3A] : memref<1x128xi32, #tpu.memory_space<vmem>> -> memref<1x128xi32, #tpu.memory_space<vmem>>
        %dma_start3A_117 = tpu.memref_squeeze %dma_start3A_116 : memref<1x128xi32, #tpu.memory_space<vmem>> -> memref<128xi32, #tpu.memory_space<vmem>>
        %dma_start3A_118 = arith.constant 0 : i32
        %dma_start3A_119 = arith.constant 0 : i32
        %dma_start3A_120 = tpu.memref_slice %arg12[%dma_start3A_118, %dma_start3A_119] : memref<10240x128xf32, #tpu.memory_space<vmem_shared>> -> memref<10240x128xf32, #tpu.memory_space<vmem_shared>>
        tpu.enqueue_indirect_dma source(%arg10 : memref<128x128xf32, #tpu.memory_space<vmem>>) target(%dma_start3A_120 : memref<10240x128xf32, #tpu.memory_space<vmem_shared>>) offsets(%dma_start3A_117 : memref<128xi32, #tpu.memory_space<vmem>>) semaphore(%run_scoped3A_115 : memref<!tpu.dma_semaphore, #tpu.memory_space<semaphore_mem>>) {add = true}
        %dma_wait3A_121 = arith.constant 0 : i32
        %dma_wait3A_122 = tpu.memref_slice %arg8[%run_scoped3A, %dma_wait3A_121] : memref<1x128xi32, #tpu.memory_space<vmem>> -> memref<1x128xi32, #tpu.memory_space<vmem>>
        %dma_wait3A_123 = tpu.memref_squeeze %dma_wait3A_122 : memref<1x128xi32, #tpu.memory_space<vmem>> -> memref<128xi32, #tpu.memory_space<vmem>>
        %dma_wait3A_124 = arith.constant 0 : i32
        %dma_wait3A_125 = arith.constant 0 : i32
        %dma_wait3A_126 = tpu.memref_slice %arg12[%dma_wait3A_124, %dma_wait3A_125] : memref<10240x128xf32, #tpu.memory_space<vmem_shared>> -> memref<10240x128xf32, #tpu.memory_space<vmem_shared>>
        tpu.wait_indirect_dma semaphore(%run_scoped3A_115 : memref<!tpu.dma_semaphore, #tpu.memory_space<semaphore_mem>>) src(%arg10 : memref<128x128xf32, #tpu.memory_space<vmem>>) dst(%dma_wait3A_126 : memref<10240x128xf32, #tpu.memory_space<vmem_shared>>)
        tpu.yield
      }) : () -> ()
      %add3A_104 = arith.constant 2 : i32
      %add3A_105 = arith.addi %add3A_87, %add3A_104 : i32
      %lt3A = arith.cmpi slt, %add3A_105, %sub3A_54 : i32
      %convert_element_type3A_106 = arith.extui %lt3A : i1 to i32
      %cond3A_107 = arith.constant 0 : i32
      %cond3A_108 = arith.cmpi ne, %convert_element_type3A_106, %cond3A_107 : i32
      scf.if %cond3A_108 {
        %add3A_115 = arith.constant 2 : i32
        %add3A_116 = arith.addi %add3A_87, %add3A_115 : i32
        %add3A_117 = arith.addi %add3A, %add3A_116 : i32
        %dma_start3A = arith.constant 0 : i32
        %dma_start3A_118 = arith.constant 0 : i32
        %dma_start3A_119 = tpu.memref_slice %arg4[%add3A_117, %dma_start3A, %dma_start3A_118] : memref<2500x1x128xi32, #tpu.memory_space<hbm>> -> memref<1x1x128xi32, #tpu.memory_space<hbm>>
        %dma_start3A_120 = tpu.memref_squeeze %dma_start3A_119 : memref<1x1x128xi32, #tpu.memory_space<hbm>> -> memref<1x128xi32, #tpu.memory_space<hbm>>
        %dma_start3A_121 = arith.constant 0 : i32
        %dma_start3A_122 = arith.constant 0 : i32
        %dma_start3A_123 = tpu.memref_slice %arg4[%add3A_117, %dma_start3A_121, %dma_start3A_122] : memref<2500x1x128xi32, #tpu.memory_space<hbm>> -> memref<1x1x128xi32, #tpu.memory_space<hbm>>
        %dma_start3A_124 = tpu.memref_squeeze %dma_start3A_123 : memref<1x1x128xi32, #tpu.memory_space<hbm>> -> memref<1x128xi32, #tpu.memory_space<hbm>>
        tpu.enqueue_dma source(%dma_start3A_124 : memref<1x128xi32, #tpu.memory_space<hbm>>) target(%arg8 : memref<1x128xi32, #tpu.memory_space<vmem>>) target_semaphore(%arg13 : memref<!tpu.dma_semaphore, #tpu.memory_space<semaphore_mem>>)
        %dma_start3A_125 = arith.constant 0 : i32
        %dma_start3A_126 = arith.constant 0 : i32
        %dma_start3A_127 = tpu.memref_slice %arg7[%add3A_116, %dma_start3A_125, %dma_start3A_126] : memref<79x1x128xi32, #tpu.memory_space<vmem>> -> memref<1x1x128xi32, #tpu.memory_space<vmem>>
        %dma_start3A_128 = tpu.memref_squeeze %dma_start3A_127 : memref<1x1x128xi32, #tpu.memory_space<vmem>> -> memref<128xi32, #tpu.memory_space<vmem>>
        %dma_start3A_129 = arith.constant 0 : i32
        %dma_start3A_130 = arith.constant 0 : i32
        %dma_start3A_131 = tpu.memref_slice %arg2[%dma_start3A_129, %dma_start3A_130] : memref<10000x128xf32, #tpu.memory_space<hbm>> -> memref<10000x128xf32, #tpu.memory_space<hbm>>
        tpu.enqueue_indirect_dma source(%dma_start3A_131 : memref<10000x128xf32, #tpu.memory_space<hbm>>) target(%arg10 : memref<128x128xf32, #tpu.memory_space<vmem>>) offsets(%dma_start3A_128 : memref<128xi32, #tpu.memory_space<vmem>>) semaphore(%arg13 : memref<!tpu.dma_semaphore, #tpu.memory_space<semaphore_mem>>)
      } else {
      }
      %add3A_109 = arith.constant 1 : i32
      %add3A_110 = arith.addi %add3A_87, %add3A_109 : i32
      %lt3A_111 = arith.cmpi slt, %add3A_110, %sub3A_54 : i32
      %convert_element_type3A_112 = arith.extui %lt3A_111 : i1 to i32
      %cond3A_113 = arith.constant 0 : i32
      %cond3A_114 = arith.cmpi ne, %convert_element_type3A_112, %cond3A_113 : i32
      scf.if %cond3A_114 {
        %dma_wait3A_115 = arith.constant 0 : i32
        %dma_wait3A_116 = arith.constant 0 : i32
        %dma_wait3A_117 = arith.constant 0 : i32
        %dma_wait3A_118 = tpu.memref_slice %arg4[%dma_wait3A_115, %dma_wait3A_116, %dma_wait3A_117] : memref<2500x1x128xi32, #tpu.memory_space<hbm>> -> memref<1x1x128xi32, #tpu.memory_space<hbm>>
        %dma_wait3A_119 = tpu.memref_squeeze %dma_wait3A_118 : memref<1x1x128xi32, #tpu.memory_space<hbm>> -> memref<1x128xi32, #tpu.memory_space<hbm>>
        %dma_wait3A_120 = arith.constant 0 : i32
        %dma_wait3A_121 = arith.constant 0 : i32
        %dma_wait3A_122 = tpu.memref_slice %arg4[%dma_wait3A_115, %dma_wait3A_120, %dma_wait3A_121] : memref<2500x1x128xi32, #tpu.memory_space<hbm>> -> memref<1x1x128xi32, #tpu.memory_space<hbm>>
        %dma_wait3A_123 = tpu.memref_squeeze %dma_wait3A_122 : memref<1x1x128xi32, #tpu.memory_space<hbm>> -> memref<1x128xi32, #tpu.memory_space<hbm>>
        tpu.wait_dma2 semaphore(%arg14 : memref<!tpu.dma_semaphore, #tpu.memory_space<semaphore_mem>>) src(%dma_wait3A_123 : memref<1x128xi32, #tpu.memory_space<hbm>>) dst(%arg9 : memref<1x128xi32, #tpu.memory_space<vmem>>)
        %dma_wait3A_124 = arith.constant 0 : i32
        %dma_wait3A_125 = arith.constant 0 : i32
        %dma_wait3A_126 = arith.constant 0 : i32
        %dma_wait3A_127 = tpu.memref_slice %arg7[%dma_wait3A_124, %dma_wait3A_125, %dma_wait3A_126] : memref<79x1x128xi32, #tpu.memory_space<vmem>> -> memref<1x1x128xi32, #tpu.memory_space<vmem>>
        %dma_wait3A_128 = tpu.memref_squeeze %dma_wait3A_127 : memref<1x1x128xi32, #tpu.memory_space<vmem>> -> memref<128xi32, #tpu.memory_space<vmem>>
        %dma_wait3A_129 = arith.constant 0 : i32
        %dma_wait3A_130 = arith.constant 0 : i32
        %dma_wait3A_131 = tpu.memref_slice %arg2[%dma_wait3A_129, %dma_wait3A_130] : memref<10000x128xf32, #tpu.memory_space<hbm>> -> memref<10000x128xf32, #tpu.memory_space<hbm>>
        tpu.wait_indirect_dma semaphore(%arg14 : memref<!tpu.dma_semaphore, #tpu.memory_space<semaphore_mem>>) src(%dma_wait3A_131 : memref<10000x128xf32, #tpu.memory_space<hbm>>) dst(%arg11 : memref<128x128xf32, #tpu.memory_space<vmem>>)
        %run_scoped3A_132 = arith.constant 0 : i32
        "tpu.region"() ({
          %run_scoped3A_139 = tpu.sem_alloc : memref<!tpu.dma_semaphore, #tpu.memory_space<semaphore_mem>>
          %dma_start3A = arith.constant 0 : i32
          %dma_start3A_140 = tpu.memref_slice %arg9[%run_scoped3A_132, %dma_start3A] : memref<1x128xi32, #tpu.memory_space<vmem>> -> memref<1x128xi32, #tpu.memory_space<vmem>>
          %dma_start3A_141 = tpu.memref_squeeze %dma_start3A_140 : memref<1x128xi32, #tpu.memory_space<vmem>> -> memref<128xi32, #tpu.memory_space<vmem>>
          %dma_start3A_142 = arith.constant 0 : i32
          %dma_start3A_143 = arith.constant 0 : i32
          %dma_start3A_144 = tpu.memref_slice %arg12[%dma_start3A_142, %dma_start3A_143] : memref<10240x128xf32, #tpu.memory_space<vmem_shared>> -> memref<10240x128xf32, #tpu.memory_space<vmem_shared>>
          tpu.enqueue_indirect_dma source(%arg11 : memref<128x128xf32, #tpu.memory_space<vmem>>) target(%dma_start3A_144 : memref<10240x128xf32, #tpu.memory_space<vmem_shared>>) offsets(%dma_start3A_141 : memref<128xi32, #tpu.memory_space<vmem>>) semaphore(%run_scoped3A_139 : memref<!tpu.dma_semaphore, #tpu.memory_space<semaphore_mem>>) {add = true}
          %dma_wait3A_145 = arith.constant 0 : i32
          %dma_wait3A_146 = tpu.memref_slice %arg9[%run_scoped3A_132, %dma_wait3A_145] : memref<1x128xi32, #tpu.memory_space<vmem>> -> memref<1x128xi32, #tpu.memory_space<vmem>>
          %dma_wait3A_147 = tpu.memref_squeeze %dma_wait3A_146 : memref<1x128xi32, #tpu.memory_space<vmem>> -> memref<128xi32, #tpu.memory_space<vmem>>
          %dma_wait3A_148 = arith.constant 0 : i32
          %dma_wait3A_149 = arith.constant 0 : i32
          %dma_wait3A_150 = tpu.memref_slice %arg12[%dma_wait3A_148, %dma_wait3A_149] : memref<10240x128xf32, #tpu.memory_space<vmem_shared>> -> memref<10240x128xf32, #tpu.memory_space<vmem_shared>>
          tpu.wait_indirect_dma semaphore(%run_scoped3A_139 : memref<!tpu.dma_semaphore, #tpu.memory_space<semaphore_mem>>) src(%arg11 : memref<128x128xf32, #tpu.memory_space<vmem>>) dst(%dma_wait3A_150 : memref<10240x128xf32, #tpu.memory_space<vmem_shared>>)
          tpu.yield
        }) : () -> ()
        %add3A_133 = arith.constant 3 : i32
        %add3A_134 = arith.addi %add3A_87, %add3A_133 : i32
        %lt3A_135 = arith.cmpi slt, %add3A_134, %sub3A_54 : i32
        %convert_element_type3A_136 = arith.extui %lt3A_135 : i1 to i32
        %cond3A_137 = arith.constant 0 : i32
        %cond3A_138 = arith.cmpi ne, %convert_element_type3A_136, %cond3A_137 : i32
        scf.if %cond3A_138 {
          %add3A_139 = arith.constant 3 : i32
          %add3A_140 = arith.addi %add3A_87, %add3A_139 : i32
          %add3A_141 = arith.addi %add3A, %add3A_140 : i32
          %dma_start3A = arith.constant 0 : i32
          %dma_start3A_142 = arith.constant 0 : i32
          %dma_start3A_143 = tpu.memref_slice %arg4[%add3A_141, %dma_start3A, %dma_start3A_142] : memref<2500x1x128xi32, #tpu.memory_space<hbm>> -> memref<1x1x128xi32, #tpu.memory_space<hbm>>
          %dma_start3A_144 = tpu.memref_squeeze %dma_start3A_143 : memref<1x1x128xi32, #tpu.memory_space<hbm>> -> memref<1x128xi32, #tpu.memory_space<hbm>>
          %dma_start3A_145 = arith.constant 0 : i32
          %dma_start3A_146 = arith.constant 0 : i32
          %dma_start3A_147 = tpu.memref_slice %arg4[%add3A_141, %dma_start3A_145, %dma_start3A_146] : memref<2500x1x128xi32, #tpu.memory_space<hbm>> -> memref<1x1x128xi32, #tpu.memory_space<hbm>>
          %dma_start3A_148 = tpu.memref_squeeze %dma_start3A_147 : memref<1x1x128xi32, #tpu.memory_space<hbm>> -> memref<1x128xi32, #tpu.memory_space<hbm>>
          tpu.enqueue_dma source(%dma_start3A_148 : memref<1x128xi32, #tpu.memory_space<hbm>>) target(%arg9 : memref<1x128xi32, #tpu.memory_space<vmem>>) target_semaphore(%arg14 : memref<!tpu.dma_semaphore, #tpu.memory_space<semaphore_mem>>)
          %dma_start3A_149 = arith.constant 0 : i32
          %dma_start3A_150 = arith.constant 0 : i32
          %dma_start3A_151 = tpu.memref_slice %arg7[%add3A_140, %dma_start3A_149, %dma_start3A_150] : memref<79x1x128xi32, #tpu.memory_space<vmem>> -> memref<1x1x128xi32, #tpu.memory_space<vmem>>
          %dma_start3A_152 = tpu.memref_squeeze %dma_start3A_151 : memref<1x1x128xi32, #tpu.memory_space<vmem>> -> memref<128xi32, #tpu.memory_space<vmem>>
          %dma_start3A_153 = arith.constant 0 : i32
          %dma_start3A_154 = arith.constant 0 : i32
          %dma_start3A_155 = tpu.memref_slice %arg2[%dma_start3A_153, %dma_start3A_154] : memref<10000x128xf32, #tpu.memory_space<hbm>> -> memref<10000x128xf32, #tpu.memory_space<hbm>>
          tpu.enqueue_indirect_dma source(%dma_start3A_155 : memref<10000x128xf32, #tpu.memory_space<hbm>>) target(%arg11 : memref<128x128xf32, #tpu.memory_space<vmem>>) offsets(%dma_start3A_152 : memref<128xi32, #tpu.memory_space<vmem>>) semaphore(%arg14 : memref<!tpu.dma_semaphore, #tpu.memory_space<semaphore_mem>>)
        } else {
        }
      } else {
      }
    }
    %barrier3A_80 = arith.constant 0 : index
    tpu.barrier barrier_id(%barrier3A_80)
    %mul3A_81 = arith.constant 640 : i32
    %mul3A_82 = arith.muli %arg1, %mul3A_81 : i32
    %mul3A_83 = arith.constant 640 : i32
    %mul3A_84 = arith.muli %arg1, %mul3A_83 : i32
    "tpu.region"() ({
      %run_scoped3A = tpu.sem_alloc : memref<!tpu.dma_semaphore, #tpu.memory_space<semaphore_mem>>
      %dma_start3A = arith.constant 0 : i32
      %dma_start3A_85 = arith.constant 0 : i32
      %dma_start3A_86 = tpu.memref_slice %arg6[%arg0, %dma_start3A, %dma_start3A_85] : memref<2x10240x128xf32, #tpu.memory_space<hbm>> -> memref<1x10240x128xf32, #tpu.memory_space<hbm>>
      %dma_start3A_87 = tpu.memref_squeeze %dma_start3A_86 : memref<1x10240x128xf32, #tpu.memory_space<hbm>> -> memref<10240x128xf32, #tpu.memory_space<hbm>>
      %dma_start3A_88 = arith.constant 0 : i32
      %dma_start3A_89 = tpu.memref_slice %dma_start3A_87[%mul3A_84, %dma_start3A_88] : memref<10240x128xf32, #tpu.memory_space<hbm>> -> memref<640x128xf32, #tpu.memory_space<hbm>>
      %dma_start3A_90 = arith.constant 0 : i32
      %dma_start3A_91 = tpu.memref_slice %arg12[%mul3A_82, %dma_start3A_90] : memref<10240x128xf32, #tpu.memory_space<vmem_shared>> -> memref<640x128xf32, #tpu.memory_space<vmem_shared>>
      tpu.enqueue_dma source(%dma_start3A_91 : memref<640x128xf32, #tpu.memory_space<vmem_shared>>) target(%dma_start3A_89 : memref<640x128xf32, #tpu.memory_space<hbm>>) target_semaphore(%run_scoped3A : memref<!tpu.dma_semaphore, #tpu.memory_space<semaphore_mem>>)
      %dma_wait3A = arith.constant 0 : i32
      %dma_wait3A_92 = arith.constant 0 : i32
      %dma_wait3A_93 = tpu.memref_slice %arg6[%arg0, %dma_wait3A, %dma_wait3A_92] : memref<2x10240x128xf32, #tpu.memory_space<hbm>> -> memref<1x10240x128xf32, #tpu.memory_space<hbm>>
      %dma_wait3A_94 = tpu.memref_squeeze %dma_wait3A_93 : memref<1x10240x128xf32, #tpu.memory_space<hbm>> -> memref<10240x128xf32, #tpu.memory_space<hbm>>
      %dma_wait3A_95 = arith.constant 0 : i32
      %dma_wait3A_96 = tpu.memref_slice %dma_wait3A_94[%mul3A_84, %dma_wait3A_95] : memref<10240x128xf32, #tpu.memory_space<hbm>> -> memref<640x128xf32, #tpu.memory_space<hbm>>
      %dma_wait3A_97 = arith.constant 0 : i32
      %dma_wait3A_98 = tpu.memref_slice %arg12[%mul3A_82, %dma_wait3A_97] : memref<10240x128xf32, #tpu.memory_space<vmem_shared>> -> memref<640x128xf32, #tpu.memory_space<vmem_shared>>
      tpu.wait_dma2 semaphore(%run_scoped3A : memref<!tpu.dma_semaphore, #tpu.memory_space<semaphore_mem>>) src(%dma_wait3A_98 : memref<640x128xf32, #tpu.memory_space<vmem_shared>>) dst(%dma_wait3A_96 : memref<640x128xf32, #tpu.memory_space<hbm>>)
      tpu.yield
    }) : () -> ()
    return
  }
}

#map = affine_map<(d0, d1) -> (0, 0)>
#map1 = affine_map<(d0, d1) -> (0, 0, 0)>
module attributes {stable_mosaic.version = 14 : i64} {
  func.func @k(%arg0: i32, %arg1: i32, %arg2: memref<10000x128xf32, #tpu.memory_space<hbm>>, %arg3: memref<10000x128xf32, #tpu.memory_space<hbm>>, %arg4: memref<2500x1x128xi32, #tpu.memory_space<hbm>>, %arg5: memref<2500x1x128xi32, #tpu.memory_space<hbm>>, %arg6: memref<320000x128xf32, #tpu.memory_space<hbm>>, %arg7: memref<79x1x128xi32, #tpu.memory_space<vmem>>, %arg8: memref<79x1x128xi32, #tpu.memory_space<vmem>>, %arg9: memref<128x128xf32, #tpu.memory_space<vmem>>, %arg10: memref<128x128xf32, #tpu.memory_space<vmem>>, %arg11: memref<128x128xf32, #tpu.memory_space<vmem>>, %arg12: memref<128x128xf32, #tpu.memory_space<vmem>>, %arg13: memref<128x128xf32, #tpu.memory_space<vmem>>, %arg14: memref<128x128xf32, #tpu.memory_space<vmem>>, %arg15: memref<!tpu.dma_semaphore, #tpu.memory_space<semaphore_mem>>, %arg16: memref<!tpu.dma_semaphore, #tpu.memory_space<semaphore_mem>>, %arg17: memref<!tpu.dma_semaphore, #tpu.memory_space<semaphore_mem>>, %arg18: memref<!tpu.dma_semaphore, #tpu.memory_space<semaphore_mem>>) attributes {dimension_semantics = [#tpu.dimension_semantics<core_parallel>, #tpu.dimension_semantics<subcore_parallel>], iteration_bounds = array<i64: 2, 16>, scalar_prefetch = 0 : i64, scratch_operands = 12 : i64, tpu.core_type = #tpu.core_type<sc_vector_subcore>, window_params = [{transform_indices = #map}, {transform_indices = #map}, {transform_indices = #map1}, {transform_indices = #map1}, {transform_indices = #map}]} {
    %mul3A = arith.constant 2 : i32
    %mul3A_0 = arith.muli %arg1, %mul3A : i32
    %add3A = arith.addi %mul3A_0, %arg0 : i32
    %mul3A_1 = arith.constant 2500 : i32
    %mul3A_2 = arith.muli %mul3A_1, %add3A : i32
    %jit3A = arith.constant 32 : i32
    %div3A = arith.divsi %mul3A_2, %jit3A : i32
    %sign3A = arith.constant 0 : i32
    %sign3A_3 = arith.cmpi sgt, %mul3A_2, %sign3A : i32
    %sign3A_4 = arith.extui %sign3A_3 : i1 to i32
    %sign3A_5 = arith.constant 0 : i32
    %sign3A_6 = arith.cmpi slt, %mul3A_2, %sign3A_5 : i32
    %sign3A_7 = arith.extui %sign3A_6 : i1 to i32
    %sign3A_8 = arith.subi %sign3A_4, %sign3A_7 : i32
    %sign3A_9 = arith.constant 0 : i32
    %sign3A_10 = arith.cmpi sgt, %jit3A, %sign3A_9 : i32
    %sign3A_11 = arith.extui %sign3A_10 : i1 to i32
    %sign3A_12 = arith.constant 0 : i32
    %sign3A_13 = arith.cmpi slt, %jit3A, %sign3A_12 : i32
    %sign3A_14 = arith.extui %sign3A_13 : i1 to i32
    %sign3A_15 = arith.subi %sign3A_11, %sign3A_14 : i32
    %ne3A = arith.cmpi ne, %sign3A_8, %sign3A_15 : i32
    %rem3A = arith.remsi %mul3A_2, %jit3A : i32
    %ne3A_16 = arith.constant 0 : i32
    %ne3A_17 = arith.cmpi ne, %rem3A, %ne3A_16 : i32
    %and3A = arith.andi %ne3A, %ne3A_17 : i1
    %sub3A = arith.constant 1 : i32
    %sub3A_18 = arith.subi %div3A, %sub3A : i32
    %select_n3A = arith.select %and3A, %sub3A_18, %div3A : i32
    %add3A_19 = arith.constant 1 : i32
    %add3A_20 = arith.addi %add3A, %add3A_19 : i32
    %mul3A_21 = arith.constant 2500 : i32
    %mul3A_22 = arith.muli %mul3A_21, %add3A_20 : i32
    %jit3A_23 = arith.constant 32 : i32
    %div3A_24 = arith.divsi %mul3A_22, %jit3A_23 : i32
    %sign3A_25 = arith.constant 0 : i32
    %sign3A_26 = arith.cmpi sgt, %mul3A_22, %sign3A_25 : i32
    %sign3A_27 = arith.extui %sign3A_26 : i1 to i32
    %sign3A_28 = arith.constant 0 : i32
    %sign3A_29 = arith.cmpi slt, %mul3A_22, %sign3A_28 : i32
    %sign3A_30 = arith.extui %sign3A_29 : i1 to i32
    %sign3A_31 = arith.subi %sign3A_27, %sign3A_30 : i32
    %sign3A_32 = arith.constant 0 : i32
    %sign3A_33 = arith.cmpi sgt, %jit3A_23, %sign3A_32 : i32
    %sign3A_34 = arith.extui %sign3A_33 : i1 to i32
    %sign3A_35 = arith.constant 0 : i32
    %sign3A_36 = arith.cmpi slt, %jit3A_23, %sign3A_35 : i32
    %sign3A_37 = arith.extui %sign3A_36 : i1 to i32
    %sign3A_38 = arith.subi %sign3A_34, %sign3A_37 : i32
    %ne3A_39 = arith.cmpi ne, %sign3A_31, %sign3A_38 : i32
    %rem3A_40 = arith.remsi %mul3A_22, %jit3A_23 : i32
    %ne3A_41 = arith.constant 0 : i32
    %ne3A_42 = arith.cmpi ne, %rem3A_40, %ne3A_41 : i32
    %and3A_43 = arith.andi %ne3A_39, %ne3A_42 : i1
    %sub3A_44 = arith.constant 1 : i32
    %sub3A_45 = arith.subi %div3A_24, %sub3A_44 : i32
    %select_n3A_46 = arith.select %and3A_43, %sub3A_45, %div3A_24 : i32
    %sub3A_47 = arith.subi %select_n3A_46, %select_n3A : i32
    "tpu.region"() ({
      %run_scoped3A = tpu.sem_alloc : memref<!tpu.dma_semaphore, #tpu.memory_space<semaphore_mem>>
      %dma_start3A = arith.constant 0 : i32
      %dma_start3A_83 = arith.constant 0 : i32
      %dma_start3A_84 = tpu.memref_slice %arg4[%select_n3A, %dma_start3A, %dma_start3A_83] : memref<2500x1x128xi32, #tpu.memory_space<hbm>> -> memref<79x1x128xi32, #tpu.memory_space<hbm>>
      %dma_start3A_85 = arith.constant 0 : i32
      %dma_start3A_86 = arith.constant 0 : i32
      %dma_start3A_87 = tpu.memref_slice %arg4[%select_n3A, %dma_start3A_85, %dma_start3A_86] : memref<2500x1x128xi32, #tpu.memory_space<hbm>> -> memref<79x1x128xi32, #tpu.memory_space<hbm>>
      tpu.enqueue_dma source(%dma_start3A_87 : memref<79x1x128xi32, #tpu.memory_space<hbm>>) target(%arg7 : memref<79x1x128xi32, #tpu.memory_space<vmem>>) target_semaphore(%run_scoped3A : memref<!tpu.dma_semaphore, #tpu.memory_space<semaphore_mem>>)
      %dma_wait3A = arith.constant 0 : i32
      %dma_wait3A_88 = arith.constant 0 : i32
      %dma_wait3A_89 = tpu.memref_slice %arg4[%select_n3A, %dma_wait3A, %dma_wait3A_88] : memref<2500x1x128xi32, #tpu.memory_space<hbm>> -> memref<79x1x128xi32, #tpu.memory_space<hbm>>
      %dma_wait3A_90 = arith.constant 0 : i32
      %dma_wait3A_91 = arith.constant 0 : i32
      %dma_wait3A_92 = tpu.memref_slice %arg4[%select_n3A, %dma_wait3A_90, %dma_wait3A_91] : memref<2500x1x128xi32, #tpu.memory_space<hbm>> -> memref<79x1x128xi32, #tpu.memory_space<hbm>>
      tpu.wait_dma2 semaphore(%run_scoped3A : memref<!tpu.dma_semaphore, #tpu.memory_space<semaphore_mem>>) src(%dma_wait3A_92 : memref<79x1x128xi32, #tpu.memory_space<hbm>>) dst(%arg7 : memref<79x1x128xi32, #tpu.memory_space<vmem>>)
      tpu.yield
    }) : () -> ()
    "tpu.region"() ({
      %run_scoped3A = tpu.sem_alloc : memref<!tpu.dma_semaphore, #tpu.memory_space<semaphore_mem>>
      %dma_start3A = arith.constant 0 : i32
      %dma_start3A_83 = arith.constant 0 : i32
      %dma_start3A_84 = tpu.memref_slice %arg5[%select_n3A, %dma_start3A, %dma_start3A_83] : memref<2500x1x128xi32, #tpu.memory_space<hbm>> -> memref<79x1x128xi32, #tpu.memory_space<hbm>>
      %dma_start3A_85 = arith.constant 0 : i32
      %dma_start3A_86 = arith.constant 0 : i32
      %dma_start3A_87 = tpu.memref_slice %arg5[%select_n3A, %dma_start3A_85, %dma_start3A_86] : memref<2500x1x128xi32, #tpu.memory_space<hbm>> -> memref<79x1x128xi32, #tpu.memory_space<hbm>>
      tpu.enqueue_dma source(%dma_start3A_87 : memref<79x1x128xi32, #tpu.memory_space<hbm>>) target(%arg8 : memref<79x1x128xi32, #tpu.memory_space<vmem>>) target_semaphore(%run_scoped3A : memref<!tpu.dma_semaphore, #tpu.memory_space<semaphore_mem>>)
      %dma_wait3A = arith.constant 0 : i32
      %dma_wait3A_88 = arith.constant 0 : i32
      %dma_wait3A_89 = tpu.memref_slice %arg5[%select_n3A, %dma_wait3A, %dma_wait3A_88] : memref<2500x1x128xi32, #tpu.memory_space<hbm>> -> memref<79x1x128xi32, #tpu.memory_space<hbm>>
      %dma_wait3A_90 = arith.constant 0 : i32
      %dma_wait3A_91 = arith.constant 0 : i32
      %dma_wait3A_92 = tpu.memref_slice %arg5[%select_n3A, %dma_wait3A_90, %dma_wait3A_91] : memref<2500x1x128xi32, #tpu.memory_space<hbm>> -> memref<79x1x128xi32, #tpu.memory_space<hbm>>
      tpu.wait_dma2 semaphore(%run_scoped3A : memref<!tpu.dma_semaphore, #tpu.memory_space<semaphore_mem>>) src(%dma_wait3A_92 : memref<79x1x128xi32, #tpu.memory_space<hbm>>) dst(%arg8 : memref<79x1x128xi32, #tpu.memory_space<vmem>>)
      tpu.yield
    }) : () -> ()
    %ge3A = arith.constant 1 : i32
    %ge3A_48 = arith.cmpi sge, %sub3A_47, %ge3A : i32
    %convert_element_type3A = arith.extui %ge3A_48 : i1 to i32
    %cond3A = arith.constant 0 : i32
    %cond3A_49 = arith.cmpi ne, %convert_element_type3A, %cond3A : i32
    scf.if %cond3A_49 {
      %dma_start3A = arith.constant 0 : i32
      %dma_start3A_83 = arith.constant 0 : i32
      %dma_start3A_84 = arith.constant 0 : i32
      %dma_start3A_85 = tpu.memref_slice %arg7[%dma_start3A, %dma_start3A_83, %dma_start3A_84] : memref<79x1x128xi32, #tpu.memory_space<vmem>> -> memref<1x1x128xi32, #tpu.memory_space<vmem>>
      %dma_start3A_86 = tpu.memref_squeeze %dma_start3A_85 : memref<1x1x128xi32, #tpu.memory_space<vmem>> -> memref<128xi32, #tpu.memory_space<vmem>>
      %dma_start3A_87 = arith.constant 0 : i32
      %dma_start3A_88 = arith.constant 0 : i32
      %dma_start3A_89 = tpu.memref_slice %arg2[%dma_start3A_87, %dma_start3A_88] : memref<10000x128xf32, #tpu.memory_space<hbm>> -> memref<10000x128xf32, #tpu.memory_space<hbm>>
      tpu.enqueue_indirect_dma source(%dma_start3A_89 : memref<10000x128xf32, #tpu.memory_space<hbm>>) target(%arg9 : memref<128x128xf32, #tpu.memory_space<vmem>>) offsets(%dma_start3A_86 : memref<128xi32, #tpu.memory_space<vmem>>) semaphore(%arg15 : memref<!tpu.dma_semaphore, #tpu.memory_space<semaphore_mem>>)
      %dma_start3A_90 = arith.constant 0 : i32
      %dma_start3A_91 = arith.constant 0 : i32
      %dma_start3A_92 = arith.constant 0 : i32
      %dma_start3A_93 = tpu.memref_slice %arg8[%dma_start3A_90, %dma_start3A_91, %dma_start3A_92] : memref<79x1x128xi32, #tpu.memory_space<vmem>> -> memref<1x1x128xi32, #tpu.memory_space<vmem>>
      %dma_start3A_94 = tpu.memref_squeeze %dma_start3A_93 : memref<1x1x128xi32, #tpu.memory_space<vmem>> -> memref<128xi32, #tpu.memory_space<vmem>>
      %dma_start3A_95 = arith.constant 0 : i32
      %dma_start3A_96 = arith.constant 0 : i32
      %dma_start3A_97 = tpu.memref_slice %arg3[%dma_start3A_95, %dma_start3A_96] : memref<10000x128xf32, #tpu.memory_space<hbm>> -> memref<10000x128xf32, #tpu.memory_space<hbm>>
      tpu.enqueue_indirect_dma source(%dma_start3A_97 : memref<10000x128xf32, #tpu.memory_space<hbm>>) target(%arg10 : memref<128x128xf32, #tpu.memory_space<vmem>>) offsets(%dma_start3A_94 : memref<128xi32, #tpu.memory_space<vmem>>) semaphore(%arg15 : memref<!tpu.dma_semaphore, #tpu.memory_space<semaphore_mem>>)
    } else {
    }
    %ge3A_50 = arith.constant 2 : i32
    %ge3A_51 = arith.cmpi sge, %sub3A_47, %ge3A_50 : i32
    %convert_element_type3A_52 = arith.extui %ge3A_51 : i1 to i32
    %cond3A_53 = arith.constant 0 : i32
    %cond3A_54 = arith.cmpi ne, %convert_element_type3A_52, %cond3A_53 : i32
    scf.if %cond3A_54 {
      %dma_start3A = arith.constant 1 : i32
      %dma_start3A_83 = arith.constant 0 : i32
      %dma_start3A_84 = arith.constant 0 : i32
      %dma_start3A_85 = tpu.memref_slice %arg7[%dma_start3A, %dma_start3A_83, %dma_start3A_84] : memref<79x1x128xi32, #tpu.memory_space<vmem>> -> memref<1x1x128xi32, #tpu.memory_space<vmem>>
      %dma_start3A_86 = tpu.memref_squeeze %dma_start3A_85 : memref<1x1x128xi32, #tpu.memory_space<vmem>> -> memref<128xi32, #tpu.memory_space<vmem>>
      %dma_start3A_87 = arith.constant 0 : i32
      %dma_start3A_88 = arith.constant 0 : i32
      %dma_start3A_89 = tpu.memref_slice %arg2[%dma_start3A_87, %dma_start3A_88] : memref<10000x128xf32, #tpu.memory_space<hbm>> -> memref<10000x128xf32, #tpu.memory_space<hbm>>
      tpu.enqueue_indirect_dma source(%dma_start3A_89 : memref<10000x128xf32, #tpu.memory_space<hbm>>) target(%arg12 : memref<128x128xf32, #tpu.memory_space<vmem>>) offsets(%dma_start3A_86 : memref<128xi32, #tpu.memory_space<vmem>>) semaphore(%arg16 : memref<!tpu.dma_semaphore, #tpu.memory_space<semaphore_mem>>)
      %dma_start3A_90 = arith.constant 1 : i32
      %dma_start3A_91 = arith.constant 0 : i32
      %dma_start3A_92 = arith.constant 0 : i32
      %dma_start3A_93 = tpu.memref_slice %arg8[%dma_start3A_90, %dma_start3A_91, %dma_start3A_92] : memref<79x1x128xi32, #tpu.memory_space<vmem>> -> memref<1x1x128xi32, #tpu.memory_space<vmem>>
      %dma_start3A_94 = tpu.memref_squeeze %dma_start3A_93 : memref<1x1x128xi32, #tpu.memory_space<vmem>> -> memref<128xi32, #tpu.memory_space<vmem>>
      %dma_start3A_95 = arith.constant 0 : i32
      %dma_start3A_96 = arith.constant 0 : i32
      %dma_start3A_97 = tpu.memref_slice %arg3[%dma_start3A_95, %dma_start3A_96] : memref<10000x128xf32, #tpu.memory_space<hbm>> -> memref<10000x128xf32, #tpu.memory_space<hbm>>
      tpu.enqueue_indirect_dma source(%dma_start3A_97 : memref<10000x128xf32, #tpu.memory_space<hbm>>) target(%arg13 : memref<128x128xf32, #tpu.memory_space<vmem>>) offsets(%dma_start3A_94 : memref<128xi32, #tpu.memory_space<vmem>>) semaphore(%arg16 : memref<!tpu.dma_semaphore, #tpu.memory_space<semaphore_mem>>)
    } else {
    }
    %sub3A_55 = arith.constant 0 : i32
    %sub3A_56 = arith.subi %sub3A_47, %sub3A_55 : i32
    %sub3A_57 = arith.constant 2 : i32
    %sub3A_58 = arith.constant 1 : i32
    %sub3A_59 = arith.subi %sub3A_57, %sub3A_58 : i32
    %add3A_60 = arith.addi %sub3A_56, %sub3A_59 : i32
    %div3A_61 = arith.constant 2 : i32
    %div3A_62 = arith.divsi %add3A_60, %div3A_61 : i32
    %while3A = arith.constant 2 : i32
    %while3A_63 = arith.constant 0 : i32
    %while3A_64 = arith.constant 0 : i32
    %while3A_65 = arith.subi %div3A_62, %while3A_64 : i32
    %while3A_66 = arith.addi %while3A_64, %while3A_65 : i32
    %while3A_67 = arith.constant 1 : i32
    %while3A_68 = arith.divsi %while3A_65, %while3A_67 : i32
    %while3A_69 = arith.muli %while3A_68, %while3A_67 : i32
    %while3A_70 = arith.addi %while3A_64, %while3A_69 : i32
    %while3A_71 = arith.constant 1 : i32
    scf.for %while3A_83 = %while3A_64 to %while3A_70 step %while3A_71  : i32 {
      %mul3A_84 = arith.muli %while3A_83, %while3A : i32
      %add3A_85 = arith.addi %while3A_63, %mul3A_84 : i32
      %dma_wait3A = arith.constant 0 : i32
      %dma_wait3A_86 = arith.constant 0 : i32
      %dma_wait3A_87 = arith.constant 0 : i32
      %dma_wait3A_88 = tpu.memref_slice %arg7[%dma_wait3A, %dma_wait3A_86, %dma_wait3A_87] : memref<79x1x128xi32, #tpu.memory_space<vmem>> -> memref<1x1x128xi32, #tpu.memory_space<vmem>>
      %dma_wait3A_89 = tpu.memref_squeeze %dma_wait3A_88 : memref<1x1x128xi32, #tpu.memory_space<vmem>> -> memref<128xi32, #tpu.memory_space<vmem>>
      %dma_wait3A_90 = arith.constant 0 : i32
      %dma_wait3A_91 = arith.constant 0 : i32
      %dma_wait3A_92 = tpu.memref_slice %arg2[%dma_wait3A_90, %dma_wait3A_91] : memref<10000x128xf32, #tpu.memory_space<hbm>> -> memref<10000x128xf32, #tpu.memory_space<hbm>>
      tpu.wait_indirect_dma semaphore(%arg15 : memref<!tpu.dma_semaphore, #tpu.memory_space<semaphore_mem>>) src(%dma_wait3A_92 : memref<10000x128xf32, #tpu.memory_space<hbm>>) dst(%arg9 : memref<128x128xf32, #tpu.memory_space<vmem>>)
      %dma_wait3A_93 = arith.constant 0 : i32
      %dma_wait3A_94 = arith.constant 0 : i32
      %dma_wait3A_95 = arith.constant 0 : i32
      %dma_wait3A_96 = tpu.memref_slice %arg7[%dma_wait3A_93, %dma_wait3A_94, %dma_wait3A_95] : memref<79x1x128xi32, #tpu.memory_space<vmem>> -> memref<1x1x128xi32, #tpu.memory_space<vmem>>
      %dma_wait3A_97 = tpu.memref_squeeze %dma_wait3A_96 : memref<1x1x128xi32, #tpu.memory_space<vmem>> -> memref<128xi32, #tpu.memory_space<vmem>>
      %dma_wait3A_98 = arith.constant 0 : i32
      %dma_wait3A_99 = arith.constant 0 : i32
      %dma_wait3A_100 = tpu.memref_slice %arg2[%dma_wait3A_98, %dma_wait3A_99] : memref<10000x128xf32, #tpu.memory_space<hbm>> -> memref<10000x128xf32, #tpu.memory_space<hbm>>
      tpu.wait_indirect_dma semaphore(%arg15 : memref<!tpu.dma_semaphore, #tpu.memory_space<semaphore_mem>>) src(%dma_wait3A_100 : memref<10000x128xf32, #tpu.memory_space<hbm>>) dst(%arg10 : memref<128x128xf32, #tpu.memory_space<vmem>>)
      %ge3A_101 = arith.constant 2 : i32
      %ge3A_102 = arith.cmpi sge, %add3A_85, %ge3A_101 : i32
      %convert_element_type3A_103 = arith.extui %ge3A_102 : i1 to i32
      %cond3A_104 = arith.constant 0 : i32
      %cond3A_105 = arith.cmpi ne, %convert_element_type3A_103, %cond3A_104 : i32
      scf.if %cond3A_105 {
        %dma_wait3A_127 = arith.constant 0 : i32
        %dma_wait3A_128 = arith.constant 0 : i32
        %dma_wait3A_129 = tpu.memref_slice %arg6[%dma_wait3A_127, %dma_wait3A_128] : memref<320000x128xf32, #tpu.memory_space<hbm>> -> memref<128x128xf32, #tpu.memory_space<hbm>>
        %dma_wait3A_130 = arith.constant 0 : i32
        %dma_wait3A_131 = arith.constant 0 : i32
        %dma_wait3A_132 = tpu.memref_slice %arg6[%dma_wait3A_130, %dma_wait3A_131] : memref<320000x128xf32, #tpu.memory_space<hbm>> -> memref<128x128xf32, #tpu.memory_space<hbm>>
        tpu.wait_dma2 semaphore(%arg17 : memref<!tpu.dma_semaphore, #tpu.memory_space<semaphore_mem>>) src(%arg11 : memref<128x128xf32, #tpu.memory_space<vmem>>) dst(%dma_wait3A_132 : memref<128x128xf32, #tpu.memory_space<hbm>>)
      } else {
      }
      %scan3A = arith.constant 0 : i32
      %scan3A_106 = arith.constant 32 : i32
      %scan3A_107 = arith.addi %scan3A, %scan3A_106 : i32
      %scan3A_108 = arith.constant 1 : i32
      scf.for %scan3A_127 = %scan3A to %scan3A_107 step %scan3A_108  : i32 {
        %mul3A_128 = arith.constant 4 : i32
        %mul3A_129 = arith.muli %scan3A_127, %mul3A_128 : i32
        %add3A_130 = arith.constant 0 : i32
        %add3A_131 = arith.addi %add3A_130, %mul3A_129 : i32
        %add3A_132 = arith.constant 0 : i32
        %add3A_133 = arith.addi %add3A_131, %add3A_132 : i32
        %get3A = arith.index_cast %add3A_133 : i32 to index
        %get3A_134 = arith.constant 0 : index
        %get3A_135 = tpu.vector_load %arg10[%get3A, %get3A_134] {strides = array<i32>} : memref<128x128xf32, #tpu.memory_space<vmem>>, vector<1x16xf32>,
        %get3A_136 = vector.shape_cast %get3A_135 : vector<1x16xf32> to vector<16xf32>
        %add3A_137 = arith.constant 0 : i32
        %add3A_138 = arith.addi %add3A_131, %add3A_137 : i32
        %get3A_139 = arith.index_cast %add3A_138 : i32 to index
        %get3A_140 = arith.constant 0 : index
        %get3A_141 = tpu.vector_load %arg9[%get3A_139, %get3A_140] {strides = array<i32>} : memref<128x128xf32, #tpu.memory_space<vmem>>, vector<1x16xf32>,
        %get3A_142 = vector.shape_cast %get3A_141 : vector<1x16xf32> to vector<16xf32>
        %sub3A_143 = arith.subf %get3A_136, %get3A_142 : vector<16xf32>
        %max3A = arith.constant 0.000000e+00 : f32
        %max3A_144 = vector.broadcast %max3A : f32 to vector<16xf32>
        %max3A_145 = arith.maximumf %sub3A_143, %max3A_144 : vector<16xf32>
        %add3A_146 = arith.constant 0 : i32
        %add3A_147 = arith.addi %add3A_131, %add3A_146 : i32
        %swap3A = arith.index_cast %add3A_147 : i32 to index
        %swap3A_148 = arith.constant 0 : index
        %swap3A_149 = tpu.vector_load %arg11[%swap3A, %swap3A_148] {strides = array<i32>} : memref<128x128xf32, #tpu.memory_space<vmem>>, vector<1x16xf32>,
        %swap3A_150 = vector.shape_cast %swap3A_149 : vector<1x16xf32> to vector<16xf32>
        %swap3A_151 = vector.shape_cast %max3A_145 : vector<16xf32> to vector<1x16xf32>
        tpu.vector_store %arg11[%swap3A, %swap3A_148], %swap3A_151 {strides = array<i32>} : memref<128x128xf32, #tpu.memory_space<vmem>>, vector<1x16xf32>,
        %add3A_152 = arith.constant 0 : i32
        %add3A_153 = arith.addi %add3A_131, %add3A_152 : i32
        %get3A_154 = arith.index_cast %add3A_153 : i32 to index
        %get3A_155 = arith.constant 16 : index
        %get3A_156 = tpu.vector_load %arg10[%get3A_154, %get3A_155] {strides = array<i32>} : memref<128x128xf32, #tpu.memory_space<vmem>>, vector<1x16xf32>,
        %get3A_157 = vector.shape_cast %get3A_156 : vector<1x16xf32> to vector<16xf32>
        %add3A_158 = arith.constant 0 : i32
        %add3A_159 = arith.addi %add3A_131, %add3A_158 : i32
        %get3A_160 = arith.index_cast %add3A_159 : i32 to index
        %get3A_161 = arith.constant 16 : index
        %get3A_162 = tpu.vector_load %arg9[%get3A_160, %get3A_161] {strides = array<i32>} : memref<128x128xf32, #tpu.memory_space<vmem>>, vector<1x16xf32>,
        %get3A_163 = vector.shape_cast %get3A_162 : vector<1x16xf32> to vector<16xf32>
        %sub3A_164 = arith.subf %get3A_157, %get3A_163 : vector<16xf32>
        %max3A_165 = arith.constant 0.000000e+00 : f32
        %max3A_166 = vector.broadcast %max3A_165 : f32 to vector<16xf32>
        %max3A_167 = arith.maximumf %sub3A_164, %max3A_166 : vector<16xf32>
        %add3A_168 = arith.constant 0 : i32
        %add3A_169 = arith.addi %add3A_131, %add3A_168 : i32
        %swap3A_170 = arith.index_cast %add3A_169 : i32 to index
        %swap3A_171 = arith.constant 16 : index
        %swap3A_172 = tpu.vector_load %arg11[%swap3A_170, %swap3A_171] {strides = array<i32>} : memref<128x128xf32, #tpu.memory_space<vmem>>, vector<1x16xf32>,
        %swap3A_173 = vector.shape_cast %swap3A_172 : vector<1x16xf32> to vector<16xf32>
        %swap3A_174 = vector.shape_cast %max3A_167 : vector<16xf32> to vector<1x16xf32>
        tpu.vector_store %arg11[%swap3A_170, %swap3A_171], %swap3A_174 {strides = array<i32>} : memref<128x128xf32, #tpu.memory_space<vmem>>, vector<1x16xf32>,
        %add3A_175 = arith.constant 0 : i32
        %add3A_176 = arith.addi %add3A_131, %add3A_175 : i32
        %get3A_177 = arith.index_cast %add3A_176 : i32 to index
        %get3A_178 = arith.constant 32 : index
        %get3A_179 = tpu.vector_load %arg10[%get3A_177, %get3A_178] {strides = array<i32>} : memref<128x128xf32, #tpu.memory_space<vmem>>, vector<1x16xf32>,
        %get3A_180 = vector.shape_cast %get3A_179 : vector<1x16xf32> to vector<16xf32>
        %add3A_181 = arith.constant 0 : i32
        %add3A_182 = arith.addi %add3A_131, %add3A_181 : i32
        %get3A_183 = arith.index_cast %add3A_182 : i32 to index
        %get3A_184 = arith.constant 32 : index
        %get3A_185 = tpu.vector_load %arg9[%get3A_183, %get3A_184] {strides = array<i32>} : memref<128x128xf32, #tpu.memory_space<vmem>>, vector<1x16xf32>,
        %get3A_186 = vector.shape_cast %get3A_185 : vector<1x16xf32> to vector<16xf32>
        %sub3A_187 = arith.subf %get3A_180, %get3A_186 : vector<16xf32>
        %max3A_188 = arith.constant 0.000000e+00 : f32
        %max3A_189 = vector.broadcast %max3A_188 : f32 to vector<16xf32>
        %max3A_190 = arith.maximumf %sub3A_187, %max3A_189 : vector<16xf32>
        %add3A_191 = arith.constant 0 : i32
        %add3A_192 = arith.addi %add3A_131, %add3A_191 : i32
        %swap3A_193 = arith.index_cast %add3A_192 : i32 to index
        %swap3A_194 = arith.constant 32 : index
        %swap3A_195 = tpu.vector_load %arg11[%swap3A_193, %swap3A_194] {strides = array<i32>} : memref<128x128xf32, #tpu.memory_space<vmem>>, vector<1x16xf32>,
        %swap3A_196 = vector.shape_cast %swap3A_195 : vector<1x16xf32> to vector<16xf32>
        %swap3A_197 = vector.shape_cast %max3A_190 : vector<16xf32> to vector<1x16xf32>
        tpu.vector_store %arg11[%swap3A_193, %swap3A_194], %swap3A_197 {strides = array<i32>} : memref<128x128xf32, #tpu.memory_space<vmem>>, vector<1x16xf32>,
        %add3A_198 = arith.constant 0 : i32
        %add3A_199 = arith.addi %add3A_131, %add3A_198 : i32
        %get3A_200 = arith.index_cast %add3A_199 : i32 to index
        %get3A_201 = arith.constant 48 : index
        %get3A_202 = tpu.vector_load %arg10[%get3A_200, %get3A_201] {strides = array<i32>} : memref<128x128xf32, #tpu.memory_space<vmem>>, vector<1x16xf32>,
        %get3A_203 = vector.shape_cast %get3A_202 : vector<1x16xf32> to vector<16xf32>
        %add3A_204 = arith.constant 0 : i32
        %add3A_205 = arith.addi %add3A_131, %add3A_204 : i32
        %get3A_206 = arith.index_cast %add3A_205 : i32 to index
        %get3A_207 = arith.constant 48 : index
        %get3A_208 = tpu.vector_load %arg9[%get3A_206, %get3A_207] {strides = array<i32>} : memref<128x128xf32, #tpu.memory_space<vmem>>, vector<1x16xf32>,
        %get3A_209 = vector.shape_cast %get3A_208 : vector<1x16xf32> to vector<16xf32>
        %sub3A_210 = arith.subf %get3A_203, %get3A_209 : vector<16xf32>
        %max3A_211 = arith.constant 0.000000e+00 : f32
        %max3A_212 = vector.broadcast %max3A_211 : f32 to vector<16xf32>
        %max3A_213 = arith.maximumf %sub3A_210, %max3A_212 : vector<16xf32>
        %add3A_214 = arith.constant 0 : i32
        %add3A_215 = arith.addi %add3A_131, %add3A_214 : i32
        %swap3A_216 = arith.index_cast %add3A_215 : i32 to index
        %swap3A_217 = arith.constant 48 : index
        %swap3A_218 = tpu.vector_load %arg11[%swap3A_216, %swap3A_217] {strides = array<i32>} : memref<128x128xf32, #tpu.memory_space<vmem>>, vector<1x16xf32>,
        %swap3A_219 = vector.shape_cast %swap3A_218 : vector<1x16xf32> to vector<16xf32>
        %swap3A_220 = vector.shape_cast %max3A_213 : vector<16xf32> to vector<1x16xf32>
        tpu.vector_store %arg11[%swap3A_216, %swap3A_217], %swap3A_220 {strides = array<i32>} : memref<128x128xf32, #tpu.memory_space<vmem>>, vector<1x16xf32>,
        %add3A_221 = arith.constant 0 : i32
        %add3A_222 = arith.addi %add3A_131, %add3A_221 : i32
        %get3A_223 = arith.index_cast %add3A_222 : i32 to index
        %get3A_224 = arith.constant 64 : index
        %get3A_225 = tpu.vector_load %arg10[%get3A_223, %get3A_224] {strides = array<i32>} : memref<128x128xf32, #tpu.memory_space<vmem>>, vector<1x16xf32>,
        %get3A_226 = vector.shape_cast %get3A_225 : vector<1x16xf32> to vector<16xf32>
        %add3A_227 = arith.constant 0 : i32
        %add3A_228 = arith.addi %add3A_131, %add3A_227 : i32
        %get3A_229 = arith.index_cast %add3A_228 : i32 to index
        %get3A_230 = arith.constant 64 : index
        %get3A_231 = tpu.vector_load %arg9[%get3A_229, %get3A_230] {strides = array<i32>} : memref<128x128xf32, #tpu.memory_space<vmem>>, vector<1x16xf32>,
        %get3A_232 = vector.shape_cast %get3A_231 : vector<1x16xf32> to vector<16xf32>
        %sub3A_233 = arith.subf %get3A_226, %get3A_232 : vector<16xf32>
        %max3A_234 = arith.constant 0.000000e+00 : f32
        %max3A_235 = vector.broadcast %max3A_234 : f32 to vector<16xf32>
        %max3A_236 = arith.maximumf %sub3A_233, %max3A_235 : vector<16xf32>
        %add3A_237 = arith.constant 0 : i32
        %add3A_238 = arith.addi %add3A_131, %add3A_237 : i32
        %swap3A_239 = arith.index_cast %add3A_238 : i32 to index
        %swap3A_240 = arith.constant 64 : index
        %swap3A_241 = tpu.vector_load %arg11[%swap3A_239, %swap3A_240] {strides = array<i32>} : memref<128x128xf32, #tpu.memory_space<vmem>>, vector<1x16xf32>,
        %swap3A_242 = vector.shape_cast %swap3A_241 : vector<1x16xf32> to vector<16xf32>
        %swap3A_243 = vector.shape_cast %max3A_236 : vector<16xf32> to vector<1x16xf32>
        tpu.vector_store %arg11[%swap3A_239, %swap3A_240], %swap3A_243 {strides = array<i32>} : memref<128x128xf32, #tpu.memory_space<vmem>>, vector<1x16xf32>,
        %add3A_244 = arith.constant 0 : i32
        %add3A_245 = arith.addi %add3A_131, %add3A_244 : i32
        %get3A_246 = arith.index_cast %add3A_245 : i32 to index
        %get3A_247 = arith.constant 80 : index
        %get3A_248 = tpu.vector_load %arg10[%get3A_246, %get3A_247] {strides = array<i32>} : memref<128x128xf32, #tpu.memory_space<vmem>>, vector<1x16xf32>,
        %get3A_249 = vector.shape_cast %get3A_248 : vector<1x16xf32> to vector<16xf32>
        %add3A_250 = arith.constant 0 : i32
        %add3A_251 = arith.addi %add3A_131, %add3A_250 : i32
        %get3A_252 = arith.index_cast %add3A_251 : i32 to index
        %get3A_253 = arith.constant 80 : index
        %get3A_254 = tpu.vector_load %arg9[%get3A_252, %get3A_253] {strides = array<i32>} : memref<128x128xf32, #tpu.memory_space<vmem>>, vector<1x16xf32>,
        %get3A_255 = vector.shape_cast %get3A_254 : vector<1x16xf32> to vector<16xf32>
        %sub3A_256 = arith.subf %get3A_249, %get3A_255 : vector<16xf32>
        %max3A_257 = arith.constant 0.000000e+00 : f32
        %max3A_258 = vector.broadcast %max3A_257 : f32 to vector<16xf32>
        %max3A_259 = arith.maximumf %sub3A_256, %max3A_258 : vector<16xf32>
        %add3A_260 = arith.constant 0 : i32
        %add3A_261 = arith.addi %add3A_131, %add3A_260 : i32
        %swap3A_262 = arith.index_cast %add3A_261 : i32 to index
        %swap3A_263 = arith.constant 80 : index
        %swap3A_264 = tpu.vector_load %arg11[%swap3A_262, %swap3A_263] {strides = array<i32>} : memref<128x128xf32, #tpu.memory_space<vmem>>, vector<1x16xf32>,
        %swap3A_265 = vector.shape_cast %swap3A_264 : vector<1x16xf32> to vector<16xf32>
        %swap3A_266 = vector.shape_cast %max3A_259 : vector<16xf32> to vector<1x16xf32>
        tpu.vector_store %arg11[%swap3A_262, %swap3A_263], %swap3A_266 {strides = array<i32>} : memref<128x128xf32, #tpu.memory_space<vmem>>, vector<1x16xf32>,
        %add3A_267 = arith.constant 0 : i32
        %add3A_268 = arith.addi %add3A_131, %add3A_267 : i32
        %get3A_269 = arith.index_cast %add3A_268 : i32 to index
        %get3A_270 = arith.constant 96 : index
        %get3A_271 = tpu.vector_load %arg10[%get3A_269, %get3A_270] {strides = array<i32>} : memref<128x128xf32, #tpu.memory_space<vmem>>, vector<1x16xf32>,
        %get3A_272 = vector.shape_cast %get3A_271 : vector<1x16xf32> to vector<16xf32>
        %add3A_273 = arith.constant 0 : i32
        %add3A_274 = arith.addi %add3A_131, %add3A_273 : i32
        %get3A_275 = arith.index_cast %add3A_274 : i32 to index
        %get3A_276 = arith.constant 96 : index
        %get3A_277 = tpu.vector_load %arg9[%get3A_275, %get3A_276] {strides = array<i32>} : memref<128x128xf32, #tpu.memory_space<vmem>>, vector<1x16xf32>,
        %get3A_278 = vector.shape_cast %get3A_277 : vector<1x16xf32> to vector<16xf32>
        %sub3A_279 = arith.subf %get3A_272, %get3A_278 : vector<16xf32>
        %max3A_280 = arith.constant 0.000000e+00 : f32
        %max3A_281 = vector.broadcast %max3A_280 : f32 to vector<16xf32>
        %max3A_282 = arith.maximumf %sub3A_279, %max3A_281 : vector<16xf32>
        %add3A_283 = arith.constant 0 : i32
        %add3A_284 = arith.addi %add3A_131, %add3A_283 : i32
        %swap3A_285 = arith.index_cast %add3A_284 : i32 to index
        %swap3A_286 = arith.constant 96 : index
        %swap3A_287 = tpu.vector_load %arg11[%swap3A_285, %swap3A_286] {strides = array<i32>} : memref<128x128xf32, #tpu.memory_space<vmem>>, vector<1x16xf32>,
        %swap3A_288 = vector.shape_cast %swap3A_287 : vector<1x16xf32> to vector<16xf32>
        %swap3A_289 = vector.shape_cast %max3A_282 : vector<16xf32> to vector<1x16xf32>
        tpu.vector_store %arg11[%swap3A_285, %swap3A_286], %swap3A_289 {strides = array<i32>} : memref<128x128xf32, #tpu.memory_space<vmem>>, vector<1x16xf32>,
        %add3A_290 = arith.constant 0 : i32
        %add3A_291 = arith.addi %add3A_131, %add3A_290 : i32
        %get3A_292 = arith.index_cast %add3A_291 : i32 to index
        %get3A_293 = arith.constant 112 : index
        %get3A_294 = tpu.vector_load %arg10[%get3A_292, %get3A_293] {strides = array<i32>} : memref<128x128xf32, #tpu.memory_space<vmem>>, vector<1x16xf32>,
        %get3A_295 = vector.shape_cast %get3A_294 : vector<1x16xf32> to vector<16xf32>
        %add3A_296 = arith.constant 0 : i32
        %add3A_297 = arith.addi %add3A_131, %add3A_296 : i32
        %get3A_298 = arith.index_cast %add3A_297 : i32 to index
        %get3A_299 = arith.constant 112 : index
        %get3A_300 = tpu.vector_load %arg9[%get3A_298, %get3A_299] {strides = array<i32>} : memref<128x128xf32, #tpu.memory_space<vmem>>, vector<1x16xf32>,
        %get3A_301 = vector.shape_cast %get3A_300 : vector<1x16xf32> to vector<16xf32>
        %sub3A_302 = arith.subf %get3A_295, %get3A_301 : vector<16xf32>
        %max3A_303 = arith.constant 0.000000e+00 : f32
        %max3A_304 = vector.broadcast %max3A_303 : f32 to vector<16xf32>
        %max3A_305 = arith.maximumf %sub3A_302, %max3A_304 : vector<16xf32>
        %add3A_306 = arith.constant 0 : i32
        %add3A_307 = arith.addi %add3A_131, %add3A_306 : i32
        %swap3A_308 = arith.index_cast %add3A_307 : i32 to index
        %swap3A_309 = arith.constant 112 : index
        %swap3A_310 = tpu.vector_load %arg11[%swap3A_308, %swap3A_309] {strides = array<i32>} : memref<128x128xf32, #tpu.memory_space<vmem>>, vector<1x16xf32>,
        %swap3A_311 = vector.shape_cast %swap3A_310 : vector<1x16xf32> to vector<16xf32>
        %swap3A_312 = vector.shape_cast %max3A_305 : vector<16xf32> to vector<1x16xf32>
        tpu.vector_store %arg11[%swap3A_308, %swap3A_309], %swap3A_312 {strides = array<i32>} : memref<128x128xf32, #tpu.memory_space<vmem>>, vector<1x16xf32>,
        %add3A_313 = arith.constant 1 : i32
        %add3A_314 = arith.addi %add3A_131, %add3A_313 : i32
        %get3A_315 = arith.index_cast %add3A_314 : i32 to index
        %get3A_316 = arith.constant 0 : index
        %get3A_317 = tpu.vector_load %arg10[%get3A_315, %get3A_316] {strides = array<i32>} : memref<128x128xf32, #tpu.memory_space<vmem>>, vector<1x16xf32>,
        %get3A_318 = vector.shape_cast %get3A_317 : vector<1x16xf32> to vector<16xf32>
        %add3A_319 = arith.constant 1 : i32
        %add3A_320 = arith.addi %add3A_131, %add3A_319 : i32
        %get3A_321 = arith.index_cast %add3A_320 : i32 to index
        %get3A_322 = arith.constant 0 : index
        %get3A_323 = tpu.vector_load %arg9[%get3A_321, %get3A_322] {strides = array<i32>} : memref<128x128xf32, #tpu.memory_space<vmem>>, vector<1x16xf32>,
        %get3A_324 = vector.shape_cast %get3A_323 : vector<1x16xf32> to vector<16xf32>
        %sub3A_325 = arith.subf %get3A_318, %get3A_324 : vector<16xf32>
        %max3A_326 = arith.constant 0.000000e+00 : f32
        %max3A_327 = vector.broadcast %max3A_326 : f32 to vector<16xf32>
        %max3A_328 = arith.maximumf %sub3A_325, %max3A_327 : vector<16xf32>
        %add3A_329 = arith.constant 1 : i32
        %add3A_330 = arith.addi %add3A_131, %add3A_329 : i32
        %swap3A_331 = arith.index_cast %add3A_330 : i32 to index
        %swap3A_332 = arith.constant 0 : index
        %swap3A_333 = tpu.vector_load %arg11[%swap3A_331, %swap3A_332] {strides = array<i32>} : memref<128x128xf32, #tpu.memory_space<vmem>>, vector<1x16xf32>,
        %swap3A_334 = vector.shape_cast %swap3A_333 : vector<1x16xf32> to vector<16xf32>
        %swap3A_335 = vector.shape_cast %max3A_328 : vector<16xf32> to vector<1x16xf32>
        tpu.vector_store %arg11[%swap3A_331, %swap3A_332], %swap3A_335 {strides = array<i32>} : memref<128x128xf32, #tpu.memory_space<vmem>>, vector<1x16xf32>,
        %add3A_336 = arith.constant 1 : i32
        %add3A_337 = arith.addi %add3A_131, %add3A_336 : i32
        %get3A_338 = arith.index_cast %add3A_337 : i32 to index
        %get3A_339 = arith.constant 16 : index
        %get3A_340 = tpu.vector_load %arg10[%get3A_338, %get3A_339] {strides = array<i32>} : memref<128x128xf32, #tpu.memory_space<vmem>>, vector<1x16xf32>,
        %get3A_341 = vector.shape_cast %get3A_340 : vector<1x16xf32> to vector<16xf32>
        %add3A_342 = arith.constant 1 : i32
        %add3A_343 = arith.addi %add3A_131, %add3A_342 : i32
        %get3A_344 = arith.index_cast %add3A_343 : i32 to index
        %get3A_345 = arith.constant 16 : index
        %get3A_346 = tpu.vector_load %arg9[%get3A_344, %get3A_345] {strides = array<i32>} : memref<128x128xf32, #tpu.memory_space<vmem>>, vector<1x16xf32>,
        %get3A_347 = vector.shape_cast %get3A_346 : vector<1x16xf32> to vector<16xf32>
        %sub3A_348 = arith.subf %get3A_341, %get3A_347 : vector<16xf32>
        %max3A_349 = arith.constant 0.000000e+00 : f32
        %max3A_350 = vector.broadcast %max3A_349 : f32 to vector<16xf32>
        %max3A_351 = arith.maximumf %sub3A_348, %max3A_350 : vector<16xf32>
        %add3A_352 = arith.constant 1 : i32
        %add3A_353 = arith.addi %add3A_131, %add3A_352 : i32
        %swap3A_354 = arith.index_cast %add3A_353 : i32 to index
        %swap3A_355 = arith.constant 16 : index
        %swap3A_356 = tpu.vector_load %arg11[%swap3A_354, %swap3A_355] {strides = array<i32>} : memref<128x128xf32, #tpu.memory_space<vmem>>, vector<1x16xf32>,
        %swap3A_357 = vector.shape_cast %swap3A_356 : vector<1x16xf32> to vector<16xf32>
        %swap3A_358 = vector.shape_cast %max3A_351 : vector<16xf32> to vector<1x16xf32>
        tpu.vector_store %arg11[%swap3A_354, %swap3A_355], %swap3A_358 {strides = array<i32>} : memref<128x128xf32, #tpu.memory_space<vmem>>, vector<1x16xf32>,
        %add3A_359 = arith.constant 1 : i32
        %add3A_360 = arith.addi %add3A_131, %add3A_359 : i32
        %get3A_361 = arith.index_cast %add3A_360 : i32 to index
        %get3A_362 = arith.constant 32 : index
        %get3A_363 = tpu.vector_load %arg10[%get3A_361, %get3A_362] {strides = array<i32>} : memref<128x128xf32, #tpu.memory_space<vmem>>, vector<1x16xf32>,
        %get3A_364 = vector.shape_cast %get3A_363 : vector<1x16xf32> to vector<16xf32>
        %add3A_365 = arith.constant 1 : i32
        %add3A_366 = arith.addi %add3A_131, %add3A_365 : i32
        %get3A_367 = arith.index_cast %add3A_366 : i32 to index
        %get3A_368 = arith.constant 32 : index
        %get3A_369 = tpu.vector_load %arg9[%get3A_367, %get3A_368] {strides = array<i32>} : memref<128x128xf32, #tpu.memory_space<vmem>>, vector<1x16xf32>,
        %get3A_370 = vector.shape_cast %get3A_369 : vector<1x16xf32> to vector<16xf32>
        %sub3A_371 = arith.subf %get3A_364, %get3A_370 : vector<16xf32>
        %max3A_372 = arith.constant 0.000000e+00 : f32
        %max3A_373 = vector.broadcast %max3A_372 : f32 to vector<16xf32>
        %max3A_374 = arith.maximumf %sub3A_371, %max3A_373 : vector<16xf32>
        %add3A_375 = arith.constant 1 : i32
        %add3A_376 = arith.addi %add3A_131, %add3A_375 : i32
        %swap3A_377 = arith.index_cast %add3A_376 : i32 to index
        %swap3A_378 = arith.constant 32 : index
        %swap3A_379 = tpu.vector_load %arg11[%swap3A_377, %swap3A_378] {strides = array<i32>} : memref<128x128xf32, #tpu.memory_space<vmem>>, vector<1x16xf32>,
        %swap3A_380 = vector.shape_cast %swap3A_379 : vector<1x16xf32> to vector<16xf32>
        %swap3A_381 = vector.shape_cast %max3A_374 : vector<16xf32> to vector<1x16xf32>
        tpu.vector_store %arg11[%swap3A_377, %swap3A_378], %swap3A_381 {strides = array<i32>} : memref<128x128xf32, #tpu.memory_space<vmem>>, vector<1x16xf32>,
        %add3A_382 = arith.constant 1 : i32
        %add3A_383 = arith.addi %add3A_131, %add3A_382 : i32
        %get3A_384 = arith.index_cast %add3A_383 : i32 to index
        %get3A_385 = arith.constant 48 : index
        %get3A_386 = tpu.vector_load %arg10[%get3A_384, %get3A_385] {strides = array<i32>} : memref<128x128xf32, #tpu.memory_space<vmem>>, vector<1x16xf32>,
        %get3A_387 = vector.shape_cast %get3A_386 : vector<1x16xf32> to vector<16xf32>
        %add3A_388 = arith.constant 1 : i32
        %add3A_389 = arith.addi %add3A_131, %add3A_388 : i32
        %get3A_390 = arith.index_cast %add3A_389 : i32 to index
        %get3A_391 = arith.constant 48 : index
        %get3A_392 = tpu.vector_load %arg9[%get3A_390, %get3A_391] {strides = array<i32>} : memref<128x128xf32, #tpu.memory_space<vmem>>, vector<1x16xf32>,
        %get3A_393 = vector.shape_cast %get3A_392 : vector<1x16xf32> to vector<16xf32>
        %sub3A_394 = arith.subf %get3A_387, %get3A_393 : vector<16xf32>
        %max3A_395 = arith.constant 0.000000e+00 : f32
        %max3A_396 = vector.broadcast %max3A_395 : f32 to vector<16xf32>
        %max3A_397 = arith.maximumf %sub3A_394, %max3A_396 : vector<16xf32>
        %add3A_398 = arith.constant 1 : i32
        %add3A_399 = arith.addi %add3A_131, %add3A_398 : i32
        %swap3A_400 = arith.index_cast %add3A_399 : i32 to index
        %swap3A_401 = arith.constant 48 : index
        %swap3A_402 = tpu.vector_load %arg11[%swap3A_400, %swap3A_401] {strides = array<i32>} : memref<128x128xf32, #tpu.memory_space<vmem>>, vector<1x16xf32>,
        %swap3A_403 = vector.shape_cast %swap3A_402 : vector<1x16xf32> to vector<16xf32>
        %swap3A_404 = vector.shape_cast %max3A_397 : vector<16xf32> to vector<1x16xf32>
        tpu.vector_store %arg11[%swap3A_400, %swap3A_401], %swap3A_404 {strides = array<i32>} : memref<128x128xf32, #tpu.memory_space<vmem>>, vector<1x16xf32>,
        %add3A_405 = arith.constant 1 : i32
        %add3A_406 = arith.addi %add3A_131, %add3A_405 : i32
        %get3A_407 = arith.index_cast %add3A_406 : i32 to index
        %get3A_408 = arith.constant 64 : index
        %get3A_409 = tpu.vector_load %arg10[%get3A_407, %get3A_408] {strides = array<i32>} : memref<128x128xf32, #tpu.memory_space<vmem>>, vector<1x16xf32>,
        %get3A_410 = vector.shape_cast %get3A_409 : vector<1x16xf32> to vector<16xf32>
        %add3A_411 = arith.constant 1 : i32
        %add3A_412 = arith.addi %add3A_131, %add3A_411 : i32
        %get3A_413 = arith.index_cast %add3A_412 : i32 to index
        %get3A_414 = arith.constant 64 : index
        %get3A_415 = tpu.vector_load %arg9[%get3A_413, %get3A_414] {strides = array<i32>} : memref<128x128xf32, #tpu.memory_space<vmem>>, vector<1x16xf32>,
        %get3A_416 = vector.shape_cast %get3A_415 : vector<1x16xf32> to vector<16xf32>
        %sub3A_417 = arith.subf %get3A_410, %get3A_416 : vector<16xf32>
        %max3A_418 = arith.constant 0.000000e+00 : f32
        %max3A_419 = vector.broadcast %max3A_418 : f32 to vector<16xf32>
        %max3A_420 = arith.maximumf %sub3A_417, %max3A_419 : vector<16xf32>
        %add3A_421 = arith.constant 1 : i32
        %add3A_422 = arith.addi %add3A_131, %add3A_421 : i32
        %swap3A_423 = arith.index_cast %add3A_422 : i32 to index
        %swap3A_424 = arith.constant 64 : index
        %swap3A_425 = tpu.vector_load %arg11[%swap3A_423, %swap3A_424] {strides = array<i32>} : memref<128x128xf32, #tpu.memory_space<vmem>>, vector<1x16xf32>,
        %swap3A_426 = vector.shape_cast %swap3A_425 : vector<1x16xf32> to vector<16xf32>
        %swap3A_427 = vector.shape_cast %max3A_420 : vector<16xf32> to vector<1x16xf32>
        tpu.vector_store %arg11[%swap3A_423, %swap3A_424], %swap3A_427 {strides = array<i32>} : memref<128x128xf32, #tpu.memory_space<vmem>>, vector<1x16xf32>,
        %add3A_428 = arith.constant 1 : i32
        %add3A_429 = arith.addi %add3A_131, %add3A_428 : i32
        %get3A_430 = arith.index_cast %add3A_429 : i32 to index
        %get3A_431 = arith.constant 80 : index
        %get3A_432 = tpu.vector_load %arg10[%get3A_430, %get3A_431] {strides = array<i32>} : memref<128x128xf32, #tpu.memory_space<vmem>>, vector<1x16xf32>,
        %get3A_433 = vector.shape_cast %get3A_432 : vector<1x16xf32> to vector<16xf32>
        %add3A_434 = arith.constant 1 : i32
        %add3A_435 = arith.addi %add3A_131, %add3A_434 : i32
        %get3A_436 = arith.index_cast %add3A_435 : i32 to index
        %get3A_437 = arith.constant 80 : index
        %get3A_438 = tpu.vector_load %arg9[%get3A_436, %get3A_437] {strides = array<i32>} : memref<128x128xf32, #tpu.memory_space<vmem>>, vector<1x16xf32>,
        %get3A_439 = vector.shape_cast %get3A_438 : vector<1x16xf32> to vector<16xf32>
        %sub3A_440 = arith.subf %get3A_433, %get3A_439 : vector<16xf32>
        %max3A_441 = arith.constant 0.000000e+00 : f32
        %max3A_442 = vector.broadcast %max3A_441 : f32 to vector<16xf32>
        %max3A_443 = arith.maximumf %sub3A_440, %max3A_442 : vector<16xf32>
        %add3A_444 = arith.constant 1 : i32
        %add3A_445 = arith.addi %add3A_131, %add3A_444 : i32
        %swap3A_446 = arith.index_cast %add3A_445 : i32 to index
        %swap3A_447 = arith.constant 80 : index
        %swap3A_448 = tpu.vector_load %arg11[%swap3A_446, %swap3A_447] {strides = array<i32>} : memref<128x128xf32, #tpu.memory_space<vmem>>, vector<1x16xf32>,
        %swap3A_449 = vector.shape_cast %swap3A_448 : vector<1x16xf32> to vector<16xf32>
        %swap3A_450 = vector.shape_cast %max3A_443 : vector<16xf32> to vector<1x16xf32>
        tpu.vector_store %arg11[%swap3A_446, %swap3A_447], %swap3A_450 {strides = array<i32>} : memref<128x128xf32, #tpu.memory_space<vmem>>, vector<1x16xf32>,
        %add3A_451 = arith.constant 1 : i32
        %add3A_452 = arith.addi %add3A_131, %add3A_451 : i32
        %get3A_453 = arith.index_cast %add3A_452 : i32 to index
        %get3A_454 = arith.constant 96 : index
        %get3A_455 = tpu.vector_load %arg10[%get3A_453, %get3A_454] {strides = array<i32>} : memref<128x128xf32, #tpu.memory_space<vmem>>, vector<1x16xf32>,
        %get3A_456 = vector.shape_cast %get3A_455 : vector<1x16xf32> to vector<16xf32>
        %add3A_457 = arith.constant 1 : i32
        %add3A_458 = arith.addi %add3A_131, %add3A_457 : i32
        %get3A_459 = arith.index_cast %add3A_458 : i32 to index
        %get3A_460 = arith.constant 96 : index
        %get3A_461 = tpu.vector_load %arg9[%get3A_459, %get3A_460] {strides = array<i32>} : memref<128x128xf32, #tpu.memory_space<vmem>>, vector<1x16xf32>,
        %get3A_462 = vector.shape_cast %get3A_461 : vector<1x16xf32> to vector<16xf32>
        %sub3A_463 = arith.subf %get3A_456, %get3A_462 : vector<16xf32>
        %max3A_464 = arith.constant 0.000000e+00 : f32
        %max3A_465 = vector.broadcast %max3A_464 : f32 to vector<16xf32>
        %max3A_466 = arith.maximumf %sub3A_463, %max3A_465 : vector<16xf32>
        %add3A_467 = arith.constant 1 : i32
        %add3A_468 = arith.addi %add3A_131, %add3A_467 : i32
        %swap3A_469 = arith.index_cast %add3A_468 : i32 to index
        %swap3A_470 = arith.constant 96 : index
        %swap3A_471 = tpu.vector_load %arg11[%swap3A_469, %swap3A_470] {strides = array<i32>} : memref<128x128xf32, #tpu.memory_space<vmem>>, vector<1x16xf32>,
        %swap3A_472 = vector.shape_cast %swap3A_471 : vector<1x16xf32> to vector<16xf32>
        %swap3A_473 = vector.shape_cast %max3A_466 : vector<16xf32> to vector<1x16xf32>
        tpu.vector_store %arg11[%swap3A_469, %swap3A_470], %swap3A_473 {strides = array<i32>} : memref<128x128xf32, #tpu.memory_space<vmem>>, vector<1x16xf32>,
        %add3A_474 = arith.constant 1 : i32
        %add3A_475 = arith.addi %add3A_131, %add3A_474 : i32
        %get3A_476 = arith.index_cast %add3A_475 : i32 to index
        %get3A_477 = arith.constant 112 : index
        %get3A_478 = tpu.vector_load %arg10[%get3A_476, %get3A_477] {strides = array<i32>} : memref<128x128xf32, #tpu.memory_space<vmem>>, vector<1x16xf32>,
        %get3A_479 = vector.shape_cast %get3A_478 : vector<1x16xf32> to vector<16xf32>
        %add3A_480 = arith.constant 1 : i32
        %add3A_481 = arith.addi %add3A_131, %add3A_480 : i32
        %get3A_482 = arith.index_cast %add3A_481 : i32 to index
        %get3A_483 = arith.constant 112 : index
        %get3A_484 = tpu.vector_load %arg9[%get3A_482, %get3A_483] {strides = array<i32>} : memref<128x128xf32, #tpu.memory_space<vmem>>, vector<1x16xf32>,
        %get3A_485 = vector.shape_cast %get3A_484 : vector<1x16xf32> to vector<16xf32>
        %sub3A_486 = arith.subf %get3A_479, %get3A_485 : vector<16xf32>
        %max3A_487 = arith.constant 0.000000e+00 : f32
        %max3A_488 = vector.broadcast %max3A_487 : f32 to vector<16xf32>
        %max3A_489 = arith.maximumf %sub3A_486, %max3A_488 : vector<16xf32>
        %add3A_490 = arith.constant 1 : i32
        %add3A_491 = arith.addi %add3A_131, %add3A_490 : i32
        %swap3A_492 = arith.index_cast %add3A_491 : i32 to index
        %swap3A_493 = arith.constant 112 : index
        %swap3A_494 = tpu.vector_load %arg11[%swap3A_492, %swap3A_493] {strides = array<i32>} : memref<128x128xf32, #tpu.memory_space<vmem>>, vector<1x16xf32>,
        %swap3A_495 = vector.shape_cast %swap3A_494 : vector<1x16xf32> to vector<16xf32>
        %swap3A_496 = vector.shape_cast %max3A_489 : vector<16xf32> to vector<1x16xf32>
        tpu.vector_store %arg11[%swap3A_492, %swap3A_493], %swap3A_496 {strides = array<i32>} : memref<128x128xf32, #tpu.memory_space<vmem>>, vector<1x16xf32>,
        %add3A_497 = arith.constant 2 : i32
        %add3A_498 = arith.addi %add3A_131, %add3A_497 : i32
        %get3A_499 = arith.index_cast %add3A_498 : i32 to index
        %get3A_500 = arith.constant 0 : index
        %get3A_501 = tpu.vector_load %arg10[%get3A_499, %get3A_500] {strides = array<i32>} : memref<128x128xf32, #tpu.memory_space<vmem>>, vector<1x16xf32>,
        %get3A_502 = vector.shape_cast %get3A_501 : vector<1x16xf32> to vector<16xf32>
        %add3A_503 = arith.constant 2 : i32
        %add3A_504 = arith.addi %add3A_131, %add3A_503 : i32
        %get3A_505 = arith.index_cast %add3A_504 : i32 to index
        %get3A_506 = arith.constant 0 : index
        %get3A_507 = tpu.vector_load %arg9[%get3A_505, %get3A_506] {strides = array<i32>} : memref<128x128xf32, #tpu.memory_space<vmem>>, vector<1x16xf32>,
        %get3A_508 = vector.shape_cast %get3A_507 : vector<1x16xf32> to vector<16xf32>
        %sub3A_509 = arith.subf %get3A_502, %get3A_508 : vector<16xf32>
        %max3A_510 = arith.constant 0.000000e+00 : f32
        %max3A_511 = vector.broadcast %max3A_510 : f32 to vector<16xf32>
        %max3A_512 = arith.maximumf %sub3A_509, %max3A_511 : vector<16xf32>
        %add3A_513 = arith.constant 2 : i32
        %add3A_514 = arith.addi %add3A_131, %add3A_513 : i32
        %swap3A_515 = arith.index_cast %add3A_514 : i32 to index
        %swap3A_516 = arith.constant 0 : index
        %swap3A_517 = tpu.vector_load %arg11[%swap3A_515, %swap3A_516] {strides = array<i32>} : memref<128x128xf32, #tpu.memory_space<vmem>>, vector<1x16xf32>,
        %swap3A_518 = vector.shape_cast %swap3A_517 : vector<1x16xf32> to vector<16xf32>
        %swap3A_519 = vector.shape_cast %max3A_512 : vector<16xf32> to vector<1x16xf32>
        tpu.vector_store %arg11[%swap3A_515, %swap3A_516], %swap3A_519 {strides = array<i32>} : memref<128x128xf32, #tpu.memory_space<vmem>>, vector<1x16xf32>,
        %add3A_520 = arith.constant 2 : i32
        %add3A_521 = arith.addi %add3A_131, %add3A_520 : i32
        %get3A_522 = arith.index_cast %add3A_521 : i32 to index
        %get3A_523 = arith.constant 16 : index
        %get3A_524 = tpu.vector_load %arg10[%get3A_522, %get3A_523] {strides = array<i32>} : memref<128x128xf32, #tpu.memory_space<vmem>>, vector<1x16xf32>,
        %get3A_525 = vector.shape_cast %get3A_524 : vector<1x16xf32> to vector<16xf32>
        %add3A_526 = arith.constant 2 : i32
        %add3A_527 = arith.addi %add3A_131, %add3A_526 : i32
        %get3A_528 = arith.index_cast %add3A_527 : i32 to index
        %get3A_529 = arith.constant 16 : index
        %get3A_530 = tpu.vector_load %arg9[%get3A_528, %get3A_529] {strides = array<i32>} : memref<128x128xf32, #tpu.memory_space<vmem>>, vector<1x16xf32>,
        %get3A_531 = vector.shape_cast %get3A_530 : vector<1x16xf32> to vector<16xf32>
        %sub3A_532 = arith.subf %get3A_525, %get3A_531 : vector<16xf32>
        %max3A_533 = arith.constant 0.000000e+00 : f32
        %max3A_534 = vector.broadcast %max3A_533 : f32 to vector<16xf32>
        %max3A_535 = arith.maximumf %sub3A_532, %max3A_534 : vector<16xf32>
        %add3A_536 = arith.constant 2 : i32
        %add3A_537 = arith.addi %add3A_131, %add3A_536 : i32
        %swap3A_538 = arith.index_cast %add3A_537 : i32 to index
        %swap3A_539 = arith.constant 16 : index
        %swap3A_540 = tpu.vector_load %arg11[%swap3A_538, %swap3A_539] {strides = array<i32>} : memref<128x128xf32, #tpu.memory_space<vmem>>, vector<1x16xf32>,
        %swap3A_541 = vector.shape_cast %swap3A_540 : vector<1x16xf32> to vector<16xf32>
        %swap3A_542 = vector.shape_cast %max3A_535 : vector<16xf32> to vector<1x16xf32>
        tpu.vector_store %arg11[%swap3A_538, %swap3A_539], %swap3A_542 {strides = array<i32>} : memref<128x128xf32, #tpu.memory_space<vmem>>, vector<1x16xf32>,
        %add3A_543 = arith.constant 2 : i32
        %add3A_544 = arith.addi %add3A_131, %add3A_543 : i32
        %get3A_545 = arith.index_cast %add3A_544 : i32 to index
        %get3A_546 = arith.constant 32 : index
        %get3A_547 = tpu.vector_load %arg10[%get3A_545, %get3A_546] {strides = array<i32>} : memref<128x128xf32, #tpu.memory_space<vmem>>, vector<1x16xf32>,
        %get3A_548 = vector.shape_cast %get3A_547 : vector<1x16xf32> to vector<16xf32>
        %add3A_549 = arith.constant 2 : i32
        %add3A_550 = arith.addi %add3A_131, %add3A_549 : i32
        %get3A_551 = arith.index_cast %add3A_550 : i32 to index
        %get3A_552 = arith.constant 32 : index
        %get3A_553 = tpu.vector_load %arg9[%get3A_551, %get3A_552] {strides = array<i32>} : memref<128x128xf32, #tpu.memory_space<vmem>>, vector<1x16xf32>,
        %get3A_554 = vector.shape_cast %get3A_553 : vector<1x16xf32> to vector<16xf32>
        %sub3A_555 = arith.subf %get3A_548, %get3A_554 : vector<16xf32>
        %max3A_556 = arith.constant 0.000000e+00 : f32
        %max3A_557 = vector.broadcast %max3A_556 : f32 to vector<16xf32>
        %max3A_558 = arith.maximumf %sub3A_555, %max3A_557 : vector<16xf32>
        %add3A_559 = arith.constant 2 : i32
        %add3A_560 = arith.addi %add3A_131, %add3A_559 : i32
        %swap3A_561 = arith.index_cast %add3A_560 : i32 to index
        %swap3A_562 = arith.constant 32 : index
        %swap3A_563 = tpu.vector_load %arg11[%swap3A_561, %swap3A_562] {strides = array<i32>} : memref<128x128xf32, #tpu.memory_space<vmem>>, vector<1x16xf32>,
        %swap3A_564 = vector.shape_cast %swap3A_563 : vector<1x16xf32> to vector<16xf32>
        %swap3A_565 = vector.shape_cast %max3A_558 : vector<16xf32> to vector<1x16xf32>
        tpu.vector_store %arg11[%swap3A_561, %swap3A_562], %swap3A_565 {strides = array<i32>} : memref<128x128xf32, #tpu.memory_space<vmem>>, vector<1x16xf32>,
        %add3A_566 = arith.constant 2 : i32
        %add3A_567 = arith.addi %add3A_131, %add3A_566 : i32
        %get3A_568 = arith.index_cast %add3A_567 : i32 to index
        %get3A_569 = arith.constant 48 : index
        %get3A_570 = tpu.vector_load %arg10[%get3A_568, %get3A_569] {strides = array<i32>} : memref<128x128xf32, #tpu.memory_space<vmem>>, vector<1x16xf32>,
        %get3A_571 = vector.shape_cast %get3A_570 : vector<1x16xf32> to vector<16xf32>
        %add3A_572 = arith.constant 2 : i32
        %add3A_573 = arith.addi %add3A_131, %add3A_572 : i32
        %get3A_574 = arith.index_cast %add3A_573 : i32 to index
        %get3A_575 = arith.constant 48 : index
        %get3A_576 = tpu.vector_load %arg9[%get3A_574, %get3A_575] {strides = array<i32>} : memref<128x128xf32, #tpu.memory_space<vmem>>, vector<1x16xf32>,
        %get3A_577 = vector.shape_cast %get3A_576 : vector<1x16xf32> to vector<16xf32>
        %sub3A_578 = arith.subf %get3A_571, %get3A_577 : vector<16xf32>
        %max3A_579 = arith.constant 0.000000e+00 : f32
        %max3A_580 = vector.broadcast %max3A_579 : f32 to vector<16xf32>
        %max3A_581 = arith.maximumf %sub3A_578, %max3A_580 : vector<16xf32>
        %add3A_582 = arith.constant 2 : i32
        %add3A_583 = arith.addi %add3A_131, %add3A_582 : i32
        %swap3A_584 = arith.index_cast %add3A_583 : i32 to index
        %swap3A_585 = arith.constant 48 : index
        %swap3A_586 = tpu.vector_load %arg11[%swap3A_584, %swap3A_585] {strides = array<i32>} : memref<128x128xf32, #tpu.memory_space<vmem>>, vector<1x16xf32>,
        %swap3A_587 = vector.shape_cast %swap3A_586 : vector<1x16xf32> to vector<16xf32>
        %swap3A_588 = vector.shape_cast %max3A_581 : vector<16xf32> to vector<1x16xf32>
        tpu.vector_store %arg11[%swap3A_584, %swap3A_585], %swap3A_588 {strides = array<i32>} : memref<128x128xf32, #tpu.memory_space<vmem>>, vector<1x16xf32>,
        %add3A_589 = arith.constant 2 : i32
        %add3A_590 = arith.addi %add3A_131, %add3A_589 : i32
        %get3A_591 = arith.index_cast %add3A_590 : i32 to index
        %get3A_592 = arith.constant 64 : index
        %get3A_593 = tpu.vector_load %arg10[%get3A_591, %get3A_592] {strides = array<i32>} : memref<128x128xf32, #tpu.memory_space<vmem>>, vector<1x16xf32>,
        %get3A_594 = vector.shape_cast %get3A_593 : vector<1x16xf32> to vector<16xf32>
        %add3A_595 = arith.constant 2 : i32
        %add3A_596 = arith.addi %add3A_131, %add3A_595 : i32
        %get3A_597 = arith.index_cast %add3A_596 : i32 to index
        %get3A_598 = arith.constant 64 : index
        %get3A_599 = tpu.vector_load %arg9[%get3A_597, %get3A_598] {strides = array<i32>} : memref<128x128xf32, #tpu.memory_space<vmem>>, vector<1x16xf32>,
        %get3A_600 = vector.shape_cast %get3A_599 : vector<1x16xf32> to vector<16xf32>
        %sub3A_601 = arith.subf %get3A_594, %get3A_600 : vector<16xf32>
        %max3A_602 = arith.constant 0.000000e+00 : f32
        %max3A_603 = vector.broadcast %max3A_602 : f32 to vector<16xf32>
        %max3A_604 = arith.maximumf %sub3A_601, %max3A_603 : vector<16xf32>
        %add3A_605 = arith.constant 2 : i32
        %add3A_606 = arith.addi %add3A_131, %add3A_605 : i32
        %swap3A_607 = arith.index_cast %add3A_606 : i32 to index
        %swap3A_608 = arith.constant 64 : index
        %swap3A_609 = tpu.vector_load %arg11[%swap3A_607, %swap3A_608] {strides = array<i32>} : memref<128x128xf32, #tpu.memory_space<vmem>>, vector<1x16xf32>,
        %swap3A_610 = vector.shape_cast %swap3A_609 : vector<1x16xf32> to vector<16xf32>
        %swap3A_611 = vector.shape_cast %max3A_604 : vector<16xf32> to vector<1x16xf32>
        tpu.vector_store %arg11[%swap3A_607, %swap3A_608], %swap3A_611 {strides = array<i32>} : memref<128x128xf32, #tpu.memory_space<vmem>>, vector<1x16xf32>,
        %add3A_612 = arith.constant 2 : i32
        %add3A_613 = arith.addi %add3A_131, %add3A_612 : i32
        %get3A_614 = arith.index_cast %add3A_613 : i32 to index
        %get3A_615 = arith.constant 80 : index
        %get3A_616 = tpu.vector_load %arg10[%get3A_614, %get3A_615] {strides = array<i32>} : memref<128x128xf32, #tpu.memory_space<vmem>>, vector<1x16xf32>,
        %get3A_617 = vector.shape_cast %get3A_616 : vector<1x16xf32> to vector<16xf32>
        %add3A_618 = arith.constant 2 : i32
        %add3A_619 = arith.addi %add3A_131, %add3A_618 : i32
        %get3A_620 = arith.index_cast %add3A_619 : i32 to index
        %get3A_621 = arith.constant 80 : index
        %get3A_622 = tpu.vector_load %arg9[%get3A_620, %get3A_621] {strides = array<i32>} : memref<128x128xf32, #tpu.memory_space<vmem>>, vector<1x16xf32>,
        %get3A_623 = vector.shape_cast %get3A_622 : vector<1x16xf32> to vector<16xf32>
        %sub3A_624 = arith.subf %get3A_617, %get3A_623 : vector<16xf32>
        %max3A_625 = arith.constant 0.000000e+00 : f32
        %max3A_626 = vector.broadcast %max3A_625 : f32 to vector<16xf32>
        %max3A_627 = arith.maximumf %sub3A_624, %max3A_626 : vector<16xf32>
        %add3A_628 = arith.constant 2 : i32
        %add3A_629 = arith.addi %add3A_131, %add3A_628 : i32
        %swap3A_630 = arith.index_cast %add3A_629 : i32 to index
        %swap3A_631 = arith.constant 80 : index
        %swap3A_632 = tpu.vector_load %arg11[%swap3A_630, %swap3A_631] {strides = array<i32>} : memref<128x128xf32, #tpu.memory_space<vmem>>, vector<1x16xf32>,
        %swap3A_633 = vector.shape_cast %swap3A_632 : vector<1x16xf32> to vector<16xf32>
        %swap3A_634 = vector.shape_cast %max3A_627 : vector<16xf32> to vector<1x16xf32>
        tpu.vector_store %arg11[%swap3A_630, %swap3A_631], %swap3A_634 {strides = array<i32>} : memref<128x128xf32, #tpu.memory_space<vmem>>, vector<1x16xf32>,
        %add3A_635 = arith.constant 2 : i32
        %add3A_636 = arith.addi %add3A_131, %add3A_635 : i32
        %get3A_637 = arith.index_cast %add3A_636 : i32 to index
        %get3A_638 = arith.constant 96 : index
        %get3A_639 = tpu.vector_load %arg10[%get3A_637, %get3A_638] {strides = array<i32>} : memref<128x128xf32, #tpu.memory_space<vmem>>, vector<1x16xf32>,
        %get3A_640 = vector.shape_cast %get3A_639 : vector<1x16xf32> to vector<16xf32>
        %add3A_641 = arith.constant 2 : i32
        %add3A_642 = arith.addi %add3A_131, %add3A_641 : i32
        %get3A_643 = arith.index_cast %add3A_642 : i32 to index
        %get3A_644 = arith.constant 96 : index
        %get3A_645 = tpu.vector_load %arg9[%get3A_643, %get3A_644] {strides = array<i32>} : memref<128x128xf32, #tpu.memory_space<vmem>>, vector<1x16xf32>,
        %get3A_646 = vector.shape_cast %get3A_645 : vector<1x16xf32> to vector<16xf32>
        %sub3A_647 = arith.subf %get3A_640, %get3A_646 : vector<16xf32>
        %max3A_648 = arith.constant 0.000000e+00 : f32
        %max3A_649 = vector.broadcast %max3A_648 : f32 to vector<16xf32>
        %max3A_650 = arith.maximumf %sub3A_647, %max3A_649 : vector<16xf32>
        %add3A_651 = arith.constant 2 : i32
        %add3A_652 = arith.addi %add3A_131, %add3A_651 : i32
        %swap3A_653 = arith.index_cast %add3A_652 : i32 to index
        %swap3A_654 = arith.constant 96 : index
        %swap3A_655 = tpu.vector_load %arg11[%swap3A_653, %swap3A_654] {strides = array<i32>} : memref<128x128xf32, #tpu.memory_space<vmem>>, vector<1x16xf32>,
        %swap3A_656 = vector.shape_cast %swap3A_655 : vector<1x16xf32> to vector<16xf32>
        %swap3A_657 = vector.shape_cast %max3A_650 : vector<16xf32> to vector<1x16xf32>
        tpu.vector_store %arg11[%swap3A_653, %swap3A_654], %swap3A_657 {strides = array<i32>} : memref<128x128xf32, #tpu.memory_space<vmem>>, vector<1x16xf32>,
        %add3A_658 = arith.constant 2 : i32
        %add3A_659 = arith.addi %add3A_131, %add3A_658 : i32
        %get3A_660 = arith.index_cast %add3A_659 : i32 to index
        %get3A_661 = arith.constant 112 : index
        %get3A_662 = tpu.vector_load %arg10[%get3A_660, %get3A_661] {strides = array<i32>} : memref<128x128xf32, #tpu.memory_space<vmem>>, vector<1x16xf32>,
        %get3A_663 = vector.shape_cast %get3A_662 : vector<1x16xf32> to vector<16xf32>
        %add3A_664 = arith.constant 2 : i32
        %add3A_665 = arith.addi %add3A_131, %add3A_664 : i32
        %get3A_666 = arith.index_cast %add3A_665 : i32 to index
        %get3A_667 = arith.constant 112 : index
        %get3A_668 = tpu.vector_load %arg9[%get3A_666, %get3A_667] {strides = array<i32>} : memref<128x128xf32, #tpu.memory_space<vmem>>, vector<1x16xf32>,
        %get3A_669 = vector.shape_cast %get3A_668 : vector<1x16xf32> to vector<16xf32>
        %sub3A_670 = arith.subf %get3A_663, %get3A_669 : vector<16xf32>
        %max3A_671 = arith.constant 0.000000e+00 : f32
        %max3A_672 = vector.broadcast %max3A_671 : f32 to vector<16xf32>
        %max3A_673 = arith.maximumf %sub3A_670, %max3A_672 : vector<16xf32>
        %add3A_674 = arith.constant 2 : i32
        %add3A_675 = arith.addi %add3A_131, %add3A_674 : i32
        %swap3A_676 = arith.index_cast %add3A_675 : i32 to index
        %swap3A_677 = arith.constant 112 : index
        %swap3A_678 = tpu.vector_load %arg11[%swap3A_676, %swap3A_677] {strides = array<i32>} : memref<128x128xf32, #tpu.memory_space<vmem>>, vector<1x16xf32>,
        %swap3A_679 = vector.shape_cast %swap3A_678 : vector<1x16xf32> to vector<16xf32>
        %swap3A_680 = vector.shape_cast %max3A_673 : vector<16xf32> to vector<1x16xf32>
        tpu.vector_store %arg11[%swap3A_676, %swap3A_677], %swap3A_680 {strides = array<i32>} : memref<128x128xf32, #tpu.memory_space<vmem>>, vector<1x16xf32>,
        %add3A_681 = arith.constant 3 : i32
        %add3A_682 = arith.addi %add3A_131, %add3A_681 : i32
        %get3A_683 = arith.index_cast %add3A_682 : i32 to index
        %get3A_684 = arith.constant 0 : index
        %get3A_685 = tpu.vector_load %arg10[%get3A_683, %get3A_684] {strides = array<i32>} : memref<128x128xf32, #tpu.memory_space<vmem>>, vector<1x16xf32>,
        %get3A_686 = vector.shape_cast %get3A_685 : vector<1x16xf32> to vector<16xf32>
        %add3A_687 = arith.constant 3 : i32
        %add3A_688 = arith.addi %add3A_131, %add3A_687 : i32
        %get3A_689 = arith.index_cast %add3A_688 : i32 to index
        %get3A_690 = arith.constant 0 : index
        %get3A_691 = tpu.vector_load %arg9[%get3A_689, %get3A_690] {strides = array<i32>} : memref<128x128xf32, #tpu.memory_space<vmem>>, vector<1x16xf32>,
        %get3A_692 = vector.shape_cast %get3A_691 : vector<1x16xf32> to vector<16xf32>
        %sub3A_693 = arith.subf %get3A_686, %get3A_692 : vector<16xf32>
        %max3A_694 = arith.constant 0.000000e+00 : f32
        %max3A_695 = vector.broadcast %max3A_694 : f32 to vector<16xf32>
        %max3A_696 = arith.maximumf %sub3A_693, %max3A_695 : vector<16xf32>
        %add3A_697 = arith.constant 3 : i32
        %add3A_698 = arith.addi %add3A_131, %add3A_697 : i32
        %swap3A_699 = arith.index_cast %add3A_698 : i32 to index
        %swap3A_700 = arith.constant 0 : index
        %swap3A_701 = tpu.vector_load %arg11[%swap3A_699, %swap3A_700] {strides = array<i32>} : memref<128x128xf32, #tpu.memory_space<vmem>>, vector<1x16xf32>,
        %swap3A_702 = vector.shape_cast %swap3A_701 : vector<1x16xf32> to vector<16xf32>
        %swap3A_703 = vector.shape_cast %max3A_696 : vector<16xf32> to vector<1x16xf32>
        tpu.vector_store %arg11[%swap3A_699, %swap3A_700], %swap3A_703 {strides = array<i32>} : memref<128x128xf32, #tpu.memory_space<vmem>>, vector<1x16xf32>,
        %add3A_704 = arith.constant 3 : i32
        %add3A_705 = arith.addi %add3A_131, %add3A_704 : i32
        %get3A_706 = arith.index_cast %add3A_705 : i32 to index
        %get3A_707 = arith.constant 16 : index
        %get3A_708 = tpu.vector_load %arg10[%get3A_706, %get3A_707] {strides = array<i32>} : memref<128x128xf32, #tpu.memory_space<vmem>>, vector<1x16xf32>,
        %get3A_709 = vector.shape_cast %get3A_708 : vector<1x16xf32> to vector<16xf32>
        %add3A_710 = arith.constant 3 : i32
        %add3A_711 = arith.addi %add3A_131, %add3A_710 : i32
        %get3A_712 = arith.index_cast %add3A_711 : i32 to index
        %get3A_713 = arith.constant 16 : index
        %get3A_714 = tpu.vector_load %arg9[%get3A_712, %get3A_713] {strides = array<i32>} : memref<128x128xf32, #tpu.memory_space<vmem>>, vector<1x16xf32>,
        %get3A_715 = vector.shape_cast %get3A_714 : vector<1x16xf32> to vector<16xf32>
        %sub3A_716 = arith.subf %get3A_709, %get3A_715 : vector<16xf32>
        %max3A_717 = arith.constant 0.000000e+00 : f32
        %max3A_718 = vector.broadcast %max3A_717 : f32 to vector<16xf32>
        %max3A_719 = arith.maximumf %sub3A_716, %max3A_718 : vector<16xf32>
        %add3A_720 = arith.constant 3 : i32
        %add3A_721 = arith.addi %add3A_131, %add3A_720 : i32
        %swap3A_722 = arith.index_cast %add3A_721 : i32 to index
        %swap3A_723 = arith.constant 16 : index
        %swap3A_724 = tpu.vector_load %arg11[%swap3A_722, %swap3A_723] {strides = array<i32>} : memref<128x128xf32, #tpu.memory_space<vmem>>, vector<1x16xf32>,
        %swap3A_725 = vector.shape_cast %swap3A_724 : vector<1x16xf32> to vector<16xf32>
        %swap3A_726 = vector.shape_cast %max3A_719 : vector<16xf32> to vector<1x16xf32>
        tpu.vector_store %arg11[%swap3A_722, %swap3A_723], %swap3A_726 {strides = array<i32>} : memref<128x128xf32, #tpu.memory_space<vmem>>, vector<1x16xf32>,
        %add3A_727 = arith.constant 3 : i32
        %add3A_728 = arith.addi %add3A_131, %add3A_727 : i32
        %get3A_729 = arith.index_cast %add3A_728 : i32 to index
        %get3A_730 = arith.constant 32 : index
        %get3A_731 = tpu.vector_load %arg10[%get3A_729, %get3A_730] {strides = array<i32>} : memref<128x128xf32, #tpu.memory_space<vmem>>, vector<1x16xf32>,
        %get3A_732 = vector.shape_cast %get3A_731 : vector<1x16xf32> to vector<16xf32>
        %add3A_733 = arith.constant 3 : i32
        %add3A_734 = arith.addi %add3A_131, %add3A_733 : i32
        %get3A_735 = arith.index_cast %add3A_734 : i32 to index
        %get3A_736 = arith.constant 32 : index
        %get3A_737 = tpu.vector_load %arg9[%get3A_735, %get3A_736] {strides = array<i32>} : memref<128x128xf32, #tpu.memory_space<vmem>>, vector<1x16xf32>,
        %get3A_738 = vector.shape_cast %get3A_737 : vector<1x16xf32> to vector<16xf32>
        %sub3A_739 = arith.subf %get3A_732, %get3A_738 : vector<16xf32>
        %max3A_740 = arith.constant 0.000000e+00 : f32
        %max3A_741 = vector.broadcast %max3A_740 : f32 to vector<16xf32>
        %max3A_742 = arith.maximumf %sub3A_739, %max3A_741 : vector<16xf32>
        %add3A_743 = arith.constant 3 : i32
        %add3A_744 = arith.addi %add3A_131, %add3A_743 : i32
        %swap3A_745 = arith.index_cast %add3A_744 : i32 to index
        %swap3A_746 = arith.constant 32 : index
        %swap3A_747 = tpu.vector_load %arg11[%swap3A_745, %swap3A_746] {strides = array<i32>} : memref<128x128xf32, #tpu.memory_space<vmem>>, vector<1x16xf32>,
        %swap3A_748 = vector.shape_cast %swap3A_747 : vector<1x16xf32> to vector<16xf32>
        %swap3A_749 = vector.shape_cast %max3A_742 : vector<16xf32> to vector<1x16xf32>
        tpu.vector_store %arg11[%swap3A_745, %swap3A_746], %swap3A_749 {strides = array<i32>} : memref<128x128xf32, #tpu.memory_space<vmem>>, vector<1x16xf32>,
        %add3A_750 = arith.constant 3 : i32
        %add3A_751 = arith.addi %add3A_131, %add3A_750 : i32
        %get3A_752 = arith.index_cast %add3A_751 : i32 to index
        %get3A_753 = arith.constant 48 : index
        %get3A_754 = tpu.vector_load %arg10[%get3A_752, %get3A_753] {strides = array<i32>} : memref<128x128xf32, #tpu.memory_space<vmem>>, vector<1x16xf32>,
        %get3A_755 = vector.shape_cast %get3A_754 : vector<1x16xf32> to vector<16xf32>
        %add3A_756 = arith.constant 3 : i32
        %add3A_757 = arith.addi %add3A_131, %add3A_756 : i32
        %get3A_758 = arith.index_cast %add3A_757 : i32 to index
        %get3A_759 = arith.constant 48 : index
        %get3A_760 = tpu.vector_load %arg9[%get3A_758, %get3A_759] {strides = array<i32>} : memref<128x128xf32, #tpu.memory_space<vmem>>, vector<1x16xf32>,
        %get3A_761 = vector.shape_cast %get3A_760 : vector<1x16xf32> to vector<16xf32>
        %sub3A_762 = arith.subf %get3A_755, %get3A_761 : vector<16xf32>
        %max3A_763 = arith.constant 0.000000e+00 : f32
        %max3A_764 = vector.broadcast %max3A_763 : f32 to vector<16xf32>
        %max3A_765 = arith.maximumf %sub3A_762, %max3A_764 : vector<16xf32>
        %add3A_766 = arith.constant 3 : i32
        %add3A_767 = arith.addi %add3A_131, %add3A_766 : i32
        %swap3A_768 = arith.index_cast %add3A_767 : i32 to index
        %swap3A_769 = arith.constant 48 : index
        %swap3A_770 = tpu.vector_load %arg11[%swap3A_768, %swap3A_769] {strides = array<i32>} : memref<128x128xf32, #tpu.memory_space<vmem>>, vector<1x16xf32>,
        %swap3A_771 = vector.shape_cast %swap3A_770 : vector<1x16xf32> to vector<16xf32>
        %swap3A_772 = vector.shape_cast %max3A_765 : vector<16xf32> to vector<1x16xf32>
        tpu.vector_store %arg11[%swap3A_768, %swap3A_769], %swap3A_772 {strides = array<i32>} : memref<128x128xf32, #tpu.memory_space<vmem>>, vector<1x16xf32>,
        %add3A_773 = arith.constant 3 : i32
        %add3A_774 = arith.addi %add3A_131, %add3A_773 : i32
        %get3A_775 = arith.index_cast %add3A_774 : i32 to index
        %get3A_776 = arith.constant 64 : index
        %get3A_777 = tpu.vector_load %arg10[%get3A_775, %get3A_776] {strides = array<i32>} : memref<128x128xf32, #tpu.memory_space<vmem>>, vector<1x16xf32>,
        %get3A_778 = vector.shape_cast %get3A_777 : vector<1x16xf32> to vector<16xf32>
        %add3A_779 = arith.constant 3 : i32
        %add3A_780 = arith.addi %add3A_131, %add3A_779 : i32
        %get3A_781 = arith.index_cast %add3A_780 : i32 to index
        %get3A_782 = arith.constant 64 : index
        %get3A_783 = tpu.vector_load %arg9[%get3A_781, %get3A_782] {strides = array<i32>} : memref<128x128xf32, #tpu.memory_space<vmem>>, vector<1x16xf32>,
        %get3A_784 = vector.shape_cast %get3A_783 : vector<1x16xf32> to vector<16xf32>
        %sub3A_785 = arith.subf %get3A_778, %get3A_784 : vector<16xf32>
        %max3A_786 = arith.constant 0.000000e+00 : f32
        %max3A_787 = vector.broadcast %max3A_786 : f32 to vector<16xf32>
        %max3A_788 = arith.maximumf %sub3A_785, %max3A_787 : vector<16xf32>
        %add3A_789 = arith.constant 3 : i32
        %add3A_790 = arith.addi %add3A_131, %add3A_789 : i32
        %swap3A_791 = arith.index_cast %add3A_790 : i32 to index
        %swap3A_792 = arith.constant 64 : index
        %swap3A_793 = tpu.vector_load %arg11[%swap3A_791, %swap3A_792] {strides = array<i32>} : memref<128x128xf32, #tpu.memory_space<vmem>>, vector<1x16xf32>,
        %swap3A_794 = vector.shape_cast %swap3A_793 : vector<1x16xf32> to vector<16xf32>
        %swap3A_795 = vector.shape_cast %max3A_788 : vector<16xf32> to vector<1x16xf32>
        tpu.vector_store %arg11[%swap3A_791, %swap3A_792], %swap3A_795 {strides = array<i32>} : memref<128x128xf32, #tpu.memory_space<vmem>>, vector<1x16xf32>,
        %add3A_796 = arith.constant 3 : i32
        %add3A_797 = arith.addi %add3A_131, %add3A_796 : i32
        %get3A_798 = arith.index_cast %add3A_797 : i32 to index
        %get3A_799 = arith.constant 80 : index
        %get3A_800 = tpu.vector_load %arg10[%get3A_798, %get3A_799] {strides = array<i32>} : memref<128x128xf32, #tpu.memory_space<vmem>>, vector<1x16xf32>,
        %get3A_801 = vector.shape_cast %get3A_800 : vector<1x16xf32> to vector<16xf32>
        %add3A_802 = arith.constant 3 : i32
        %add3A_803 = arith.addi %add3A_131, %add3A_802 : i32
        %get3A_804 = arith.index_cast %add3A_803 : i32 to index
        %get3A_805 = arith.constant 80 : index
        %get3A_806 = tpu.vector_load %arg9[%get3A_804, %get3A_805] {strides = array<i32>} : memref<128x128xf32, #tpu.memory_space<vmem>>, vector<1x16xf32>,
        %get3A_807 = vector.shape_cast %get3A_806 : vector<1x16xf32> to vector<16xf32>
        %sub3A_808 = arith.subf %get3A_801, %get3A_807 : vector<16xf32>
        %max3A_809 = arith.constant 0.000000e+00 : f32
        %max3A_810 = vector.broadcast %max3A_809 : f32 to vector<16xf32>
        %max3A_811 = arith.maximumf %sub3A_808, %max3A_810 : vector<16xf32>
        %add3A_812 = arith.constant 3 : i32
        %add3A_813 = arith.addi %add3A_131, %add3A_812 : i32
        %swap3A_814 = arith.index_cast %add3A_813 : i32 to index
        %swap3A_815 = arith.constant 80 : index
        %swap3A_816 = tpu.vector_load %arg11[%swap3A_814, %swap3A_815] {strides = array<i32>} : memref<128x128xf32, #tpu.memory_space<vmem>>, vector<1x16xf32>,
        %swap3A_817 = vector.shape_cast %swap3A_816 : vector<1x16xf32> to vector<16xf32>
        %swap3A_818 = vector.shape_cast %max3A_811 : vector<16xf32> to vector<1x16xf32>
        tpu.vector_store %arg11[%swap3A_814, %swap3A_815], %swap3A_818 {strides = array<i32>} : memref<128x128xf32, #tpu.memory_space<vmem>>, vector<1x16xf32>,
        %add3A_819 = arith.constant 3 : i32
        %add3A_820 = arith.addi %add3A_131, %add3A_819 : i32
        %get3A_821 = arith.index_cast %add3A_820 : i32 to index
        %get3A_822 = arith.constant 96 : index
        %get3A_823 = tpu.vector_load %arg10[%get3A_821, %get3A_822] {strides = array<i32>} : memref<128x128xf32, #tpu.memory_space<vmem>>, vector<1x16xf32>,
        %get3A_824 = vector.shape_cast %get3A_823 : vector<1x16xf32> to vector<16xf32>
        %add3A_825 = arith.constant 3 : i32
        %add3A_826 = arith.addi %add3A_131, %add3A_825 : i32
        %get3A_827 = arith.index_cast %add3A_826 : i32 to index
        %get3A_828 = arith.constant 96 : index
        %get3A_829 = tpu.vector_load %arg9[%get3A_827, %get3A_828] {strides = array<i32>} : memref<128x128xf32, #tpu.memory_space<vmem>>, vector<1x16xf32>,
        %get3A_830 = vector.shape_cast %get3A_829 : vector<1x16xf32> to vector<16xf32>
        %sub3A_831 = arith.subf %get3A_824, %get3A_830 : vector<16xf32>
        %max3A_832 = arith.constant 0.000000e+00 : f32
        %max3A_833 = vector.broadcast %max3A_832 : f32 to vector<16xf32>
        %max3A_834 = arith.maximumf %sub3A_831, %max3A_833 : vector<16xf32>
        %add3A_835 = arith.constant 3 : i32
        %add3A_836 = arith.addi %add3A_131, %add3A_835 : i32
        %swap3A_837 = arith.index_cast %add3A_836 : i32 to index
        %swap3A_838 = arith.constant 96 : index
        %swap3A_839 = tpu.vector_load %arg11[%swap3A_837, %swap3A_838] {strides = array<i32>} : memref<128x128xf32, #tpu.memory_space<vmem>>, vector<1x16xf32>,
        %swap3A_840 = vector.shape_cast %swap3A_839 : vector<1x16xf32> to vector<16xf32>
        %swap3A_841 = vector.shape_cast %max3A_834 : vector<16xf32> to vector<1x16xf32>
        tpu.vector_store %arg11[%swap3A_837, %swap3A_838], %swap3A_841 {strides = array<i32>} : memref<128x128xf32, #tpu.memory_space<vmem>>, vector<1x16xf32>,
        %add3A_842 = arith.constant 3 : i32
        %add3A_843 = arith.addi %add3A_131, %add3A_842 : i32
        %get3A_844 = arith.index_cast %add3A_843 : i32 to index
        %get3A_845 = arith.constant 112 : index
        %get3A_846 = tpu.vector_load %arg10[%get3A_844, %get3A_845] {strides = array<i32>} : memref<128x128xf32, #tpu.memory_space<vmem>>, vector<1x16xf32>,
        %get3A_847 = vector.shape_cast %get3A_846 : vector<1x16xf32> to vector<16xf32>
        %add3A_848 = arith.constant 3 : i32
        %add3A_849 = arith.addi %add3A_131, %add3A_848 : i32
        %get3A_850 = arith.index_cast %add3A_849 : i32 to index
        %get3A_851 = arith.constant 112 : index
        %get3A_852 = tpu.vector_load %arg9[%get3A_850, %get3A_851] {strides = array<i32>} : memref<128x128xf32, #tpu.memory_space<vmem>>, vector<1x16xf32>,
        %get3A_853 = vector.shape_cast %get3A_852 : vector<1x16xf32> to vector<16xf32>
        %sub3A_854 = arith.subf %get3A_847, %get3A_853 : vector<16xf32>
        %max3A_855 = arith.constant 0.000000e+00 : f32
        %max3A_856 = vector.broadcast %max3A_855 : f32 to vector<16xf32>
        %max3A_857 = arith.maximumf %sub3A_854, %max3A_856 : vector<16xf32>
        %add3A_858 = arith.constant 3 : i32
        %add3A_859 = arith.addi %add3A_131, %add3A_858 : i32
        %swap3A_860 = arith.index_cast %add3A_859 : i32 to index
        %swap3A_861 = arith.constant 112 : index
        %swap3A_862 = tpu.vector_load %arg11[%swap3A_860, %swap3A_861] {strides = array<i32>} : memref<128x128xf32, #tpu.memory_space<vmem>>, vector<1x16xf32>,
        %swap3A_863 = vector.shape_cast %swap3A_862 : vector<1x16xf32> to vector<16xf32>
        %swap3A_864 = vector.shape_cast %max3A_857 : vector<16xf32> to vector<1x16xf32>
        tpu.vector_store %arg11[%swap3A_860, %swap3A_861], %swap3A_864 {strides = array<i32>} : memref<128x128xf32, #tpu.memory_space<vmem>>, vector<1x16xf32>,
      }
      %scan3A_109 = arith.constant 32 : i32
      %add3A_110 = arith.addi %select_n3A, %add3A_85 : i32
      %mul3A_111 = arith.constant 128 : i32
      %mul3A_112 = arith.muli %add3A_110, %mul3A_111 : i32
      %dma_start3A = arith.constant 0 : i32
      %dma_start3A_113 = tpu.memref_slice %arg6[%mul3A_112, %dma_start3A] : memref<320000x128xf32, #tpu.memory_space<hbm>> -> memref<128x128xf32, #tpu.memory_space<hbm>>
      %dma_start3A_114 = arith.constant 0 : i32
      %dma_start3A_115 = tpu.memref_slice %arg6[%mul3A_112, %dma_start3A_114] : memref<320000x128xf32, #tpu.memory_space<hbm>> -> memref<128x128xf32, #tpu.memory_space<hbm>>
      tpu.enqueue_dma source(%arg11 : memref<128x128xf32, #tpu.memory_space<vmem>>) target(%dma_start3A_115 : memref<128x128xf32, #tpu.memory_space<hbm>>) target_semaphore(%arg17 : memref<!tpu.dma_semaphore, #tpu.memory_space<semaphore_mem>>)
      %add3A_116 = arith.constant 2 : i32
      %add3A_117 = arith.addi %add3A_85, %add3A_116 : i32
      %lt3A = arith.cmpi slt, %add3A_117, %sub3A_47 : i32
      %convert_element_type3A_118 = arith.extui %lt3A : i1 to i32
      %cond3A_119 = arith.constant 0 : i32
      %cond3A_120 = arith.cmpi ne, %convert_element_type3A_118, %cond3A_119 : i32
      scf.if %cond3A_120 {
        %add3A_127 = arith.constant 2 : i32
        %add3A_128 = arith.addi %add3A_85, %add3A_127 : i32
        %dma_start3A_129 = arith.constant 0 : i32
        %dma_start3A_130 = arith.constant 0 : i32
        %dma_start3A_131 = tpu.memref_slice %arg7[%add3A_128, %dma_start3A_129, %dma_start3A_130] : memref<79x1x128xi32, #tpu.memory_space<vmem>> -> memref<1x1x128xi32, #tpu.memory_space<vmem>>
        %dma_start3A_132 = tpu.memref_squeeze %dma_start3A_131 : memref<1x1x128xi32, #tpu.memory_space<vmem>> -> memref<128xi32, #tpu.memory_space<vmem>>
        %dma_start3A_133 = arith.constant 0 : i32
        %dma_start3A_134 = arith.constant 0 : i32
        %dma_start3A_135 = tpu.memref_slice %arg2[%dma_start3A_133, %dma_start3A_134] : memref<10000x128xf32, #tpu.memory_space<hbm>> -> memref<10000x128xf32, #tpu.memory_space<hbm>>
        tpu.enqueue_indirect_dma source(%dma_start3A_135 : memref<10000x128xf32, #tpu.memory_space<hbm>>) target(%arg9 : memref<128x128xf32, #tpu.memory_space<vmem>>) offsets(%dma_start3A_132 : memref<128xi32, #tpu.memory_space<vmem>>) semaphore(%arg15 : memref<!tpu.dma_semaphore, #tpu.memory_space<semaphore_mem>>)
        %dma_start3A_136 = arith.constant 0 : i32
        %dma_start3A_137 = arith.constant 0 : i32
        %dma_start3A_138 = tpu.memref_slice %arg8[%add3A_128, %dma_start3A_136, %dma_start3A_137] : memref<79x1x128xi32, #tpu.memory_space<vmem>> -> memref<1x1x128xi32, #tpu.memory_space<vmem>>
        %dma_start3A_139 = tpu.memref_squeeze %dma_start3A_138 : memref<1x1x128xi32, #tpu.memory_space<vmem>> -> memref<128xi32, #tpu.memory_space<vmem>>
        %dma_start3A_140 = arith.constant 0 : i32
        %dma_start3A_141 = arith.constant 0 : i32
        %dma_start3A_142 = tpu.memref_slice %arg3[%dma_start3A_140, %dma_start3A_141] : memref<10000x128xf32, #tpu.memory_space<hbm>> -> memref<10000x128xf32, #tpu.memory_space<hbm>>
        tpu.enqueue_indirect_dma source(%dma_start3A_142 : memref<10000x128xf32, #tpu.memory_space<hbm>>) target(%arg10 : memref<128x128xf32, #tpu.memory_space<vmem>>) offsets(%dma_start3A_139 : memref<128xi32, #tpu.memory_space<vmem>>) semaphore(%arg15 : memref<!tpu.dma_semaphore, #tpu.memory_space<semaphore_mem>>)
      } else {
      }
      %add3A_121 = arith.constant 1 : i32
      %add3A_122 = arith.addi %add3A_85, %add3A_121 : i32
      %lt3A_123 = arith.cmpi slt, %add3A_122, %sub3A_47 : i32
      %convert_element_type3A_124 = arith.extui %lt3A_123 : i1 to i32
      %cond3A_125 = arith.constant 0 : i32
      %cond3A_126 = arith.cmpi ne, %convert_element_type3A_124, %cond3A_125 : i32
      scf.if %cond3A_126 {
        %dma_wait3A_127 = arith.constant 0 : i32
        %dma_wait3A_128 = arith.constant 0 : i32
        %dma_wait3A_129 = arith.constant 0 : i32
        %dma_wait3A_130 = tpu.memref_slice %arg7[%dma_wait3A_127, %dma_wait3A_128, %dma_wait3A_129] : memref<79x1x128xi32, #tpu.memory_space<vmem>> -> memref<1x1x128xi32, #tpu.memory_space<vmem>>
        %dma_wait3A_131 = tpu.memref_squeeze %dma_wait3A_130 : memref<1x1x128xi32, #tpu.memory_space<vmem>> -> memref<128xi32, #tpu.memory_space<vmem>>
        %dma_wait3A_132 = arith.constant 0 : i32
        %dma_wait3A_133 = arith.constant 0 : i32
        %dma_wait3A_134 = tpu.memref_slice %arg2[%dma_wait3A_132, %dma_wait3A_133] : memref<10000x128xf32, #tpu.memory_space<hbm>> -> memref<10000x128xf32, #tpu.memory_space<hbm>>
        tpu.wait_indirect_dma semaphore(%arg16 : memref<!tpu.dma_semaphore, #tpu.memory_space<semaphore_mem>>) src(%dma_wait3A_134 : memref<10000x128xf32, #tpu.memory_space<hbm>>) dst(%arg12 : memref<128x128xf32, #tpu.memory_space<vmem>>)
        %dma_wait3A_135 = arith.constant 0 : i32
        %dma_wait3A_136 = arith.constant 0 : i32
        %dma_wait3A_137 = arith.constant 0 : i32
        %dma_wait3A_138 = tpu.memref_slice %arg7[%dma_wait3A_135, %dma_wait3A_136, %dma_wait3A_137] : memref<79x1x128xi32, #tpu.memory_space<vmem>> -> memref<1x1x128xi32, #tpu.memory_space<vmem>>
        %dma_wait3A_139 = tpu.memref_squeeze %dma_wait3A_138 : memref<1x1x128xi32, #tpu.memory_space<vmem>> -> memref<128xi32, #tpu.memory_space<vmem>>
        %dma_wait3A_140 = arith.constant 0 : i32
        %dma_wait3A_141 = arith.constant 0 : i32
        %dma_wait3A_142 = tpu.memref_slice %arg2[%dma_wait3A_140, %dma_wait3A_141] : memref<10000x128xf32, #tpu.memory_space<hbm>> -> memref<10000x128xf32, #tpu.memory_space<hbm>>
        tpu.wait_indirect_dma semaphore(%arg16 : memref<!tpu.dma_semaphore, #tpu.memory_space<semaphore_mem>>) src(%dma_wait3A_142 : memref<10000x128xf32, #tpu.memory_space<hbm>>) dst(%arg13 : memref<128x128xf32, #tpu.memory_space<vmem>>)
        %ge3A_143 = arith.constant 2 : i32
        %ge3A_144 = arith.cmpi sge, %add3A_85, %ge3A_143 : i32
        %convert_element_type3A_145 = arith.extui %ge3A_144 : i1 to i32
        %cond3A_146 = arith.constant 0 : i32
        %cond3A_147 = arith.cmpi ne, %convert_element_type3A_145, %cond3A_146 : i32
        scf.if %cond3A_147 {
          %dma_wait3A_168 = arith.constant 0 : i32
          %dma_wait3A_169 = arith.constant 0 : i32
          %dma_wait3A_170 = tpu.memref_slice %arg6[%dma_wait3A_168, %dma_wait3A_169] : memref<320000x128xf32, #tpu.memory_space<hbm>> -> memref<128x128xf32, #tpu.memory_space<hbm>>
          %dma_wait3A_171 = arith.constant 0 : i32
          %dma_wait3A_172 = arith.constant 0 : i32
          %dma_wait3A_173 = tpu.memref_slice %arg6[%dma_wait3A_171, %dma_wait3A_172] : memref<320000x128xf32, #tpu.memory_space<hbm>> -> memref<128x128xf32, #tpu.memory_space<hbm>>
          tpu.wait_dma2 semaphore(%arg18 : memref<!tpu.dma_semaphore, #tpu.memory_space<semaphore_mem>>) src(%arg14 : memref<128x128xf32, #tpu.memory_space<vmem>>) dst(%dma_wait3A_173 : memref<128x128xf32, #tpu.memory_space<hbm>>)
        } else {
        }
        %scan3A_148 = arith.constant 0 : i32
        %scan3A_149 = arith.constant 32 : i32
        %scan3A_150 = arith.addi %scan3A_148, %scan3A_149 : i32
        %scan3A_151 = arith.constant 1 : i32
        scf.for %scan3A_168 = %scan3A_148 to %scan3A_150 step %scan3A_151  : i32 {
          %mul3A_169 = arith.constant 4 : i32
          %mul3A_170 = arith.muli %scan3A_168, %mul3A_169 : i32
          %add3A_171 = arith.constant 0 : i32
          %add3A_172 = arith.addi %add3A_171, %mul3A_170 : i32
          %add3A_173 = arith.constant 0 : i32
          %add3A_174 = arith.addi %add3A_172, %add3A_173 : i32
          %get3A = arith.index_cast %add3A_174 : i32 to index
          %get3A_175 = arith.constant 0 : index
          %get3A_176 = tpu.vector_load %arg13[%get3A, %get3A_175] {strides = array<i32>} : memref<128x128xf32, #tpu.memory_space<vmem>>, vector<1x16xf32>,
          %get3A_177 = vector.shape_cast %get3A_176 : vector<1x16xf32> to vector<16xf32>
          %add3A_178 = arith.constant 0 : i32
          %add3A_179 = arith.addi %add3A_172, %add3A_178 : i32
          %get3A_180 = arith.index_cast %add3A_179 : i32 to index
          %get3A_181 = arith.constant 0 : index
          %get3A_182 = tpu.vector_load %arg12[%get3A_180, %get3A_181] {strides = array<i32>} : memref<128x128xf32, #tpu.memory_space<vmem>>, vector<1x16xf32>,
          %get3A_183 = vector.shape_cast %get3A_182 : vector<1x16xf32> to vector<16xf32>
          %sub3A_184 = arith.subf %get3A_177, %get3A_183 : vector<16xf32>
          %max3A = arith.constant 0.000000e+00 : f32
          %max3A_185 = vector.broadcast %max3A : f32 to vector<16xf32>
          %max3A_186 = arith.maximumf %sub3A_184, %max3A_185 : vector<16xf32>
          %add3A_187 = arith.constant 0 : i32
          %add3A_188 = arith.addi %add3A_172, %add3A_187 : i32
          %swap3A = arith.index_cast %add3A_188 : i32 to index
          %swap3A_189 = arith.constant 0 : index
          %swap3A_190 = tpu.vector_load %arg14[%swap3A, %swap3A_189] {strides = array<i32>} : memref<128x128xf32, #tpu.memory_space<vmem>>, vector<1x16xf32>,
          %swap3A_191 = vector.shape_cast %swap3A_190 : vector<1x16xf32> to vector<16xf32>
          %swap3A_192 = vector.shape_cast %max3A_186 : vector<16xf32> to vector<1x16xf32>
          tpu.vector_store %arg14[%swap3A, %swap3A_189], %swap3A_192 {strides = array<i32>} : memref<128x128xf32, #tpu.memory_space<vmem>>, vector<1x16xf32>,
          %add3A_193 = arith.constant 0 : i32
          %add3A_194 = arith.addi %add3A_172, %add3A_193 : i32
          %get3A_195 = arith.index_cast %add3A_194 : i32 to index
          %get3A_196 = arith.constant 16 : index
          %get3A_197 = tpu.vector_load %arg13[%get3A_195, %get3A_196] {strides = array<i32>} : memref<128x128xf32, #tpu.memory_space<vmem>>, vector<1x16xf32>,
          %get3A_198 = vector.shape_cast %get3A_197 : vector<1x16xf32> to vector<16xf32>
          %add3A_199 = arith.constant 0 : i32
          %add3A_200 = arith.addi %add3A_172, %add3A_199 : i32
          %get3A_201 = arith.index_cast %add3A_200 : i32 to index
          %get3A_202 = arith.constant 16 : index
          %get3A_203 = tpu.vector_load %arg12[%get3A_201, %get3A_202] {strides = array<i32>} : memref<128x128xf32, #tpu.memory_space<vmem>>, vector<1x16xf32>,
          %get3A_204 = vector.shape_cast %get3A_203 : vector<1x16xf32> to vector<16xf32>
          %sub3A_205 = arith.subf %get3A_198, %get3A_204 : vector<16xf32>
          %max3A_206 = arith.constant 0.000000e+00 : f32
          %max3A_207 = vector.broadcast %max3A_206 : f32 to vector<16xf32>
          %max3A_208 = arith.maximumf %sub3A_205, %max3A_207 : vector<16xf32>
          %add3A_209 = arith.constant 0 : i32
          %add3A_210 = arith.addi %add3A_172, %add3A_209 : i32
          %swap3A_211 = arith.index_cast %add3A_210 : i32 to index
          %swap3A_212 = arith.constant 16 : index
          %swap3A_213 = tpu.vector_load %arg14[%swap3A_211, %swap3A_212] {strides = array<i32>} : memref<128x128xf32, #tpu.memory_space<vmem>>, vector<1x16xf32>,
          %swap3A_214 = vector.shape_cast %swap3A_213 : vector<1x16xf32> to vector<16xf32>
          %swap3A_215 = vector.shape_cast %max3A_208 : vector<16xf32> to vector<1x16xf32>
          tpu.vector_store %arg14[%swap3A_211, %swap3A_212], %swap3A_215 {strides = array<i32>} : memref<128x128xf32, #tpu.memory_space<vmem>>, vector<1x16xf32>,
          %add3A_216 = arith.constant 0 : i32
          %add3A_217 = arith.addi %add3A_172, %add3A_216 : i32
          %get3A_218 = arith.index_cast %add3A_217 : i32 to index
          %get3A_219 = arith.constant 32 : index
          %get3A_220 = tpu.vector_load %arg13[%get3A_218, %get3A_219] {strides = array<i32>} : memref<128x128xf32, #tpu.memory_space<vmem>>, vector<1x16xf32>,
          %get3A_221 = vector.shape_cast %get3A_220 : vector<1x16xf32> to vector<16xf32>
          %add3A_222 = arith.constant 0 : i32
          %add3A_223 = arith.addi %add3A_172, %add3A_222 : i32
          %get3A_224 = arith.index_cast %add3A_223 : i32 to index
          %get3A_225 = arith.constant 32 : index
          %get3A_226 = tpu.vector_load %arg12[%get3A_224, %get3A_225] {strides = array<i32>} : memref<128x128xf32, #tpu.memory_space<vmem>>, vector<1x16xf32>,
          %get3A_227 = vector.shape_cast %get3A_226 : vector<1x16xf32> to vector<16xf32>
          %sub3A_228 = arith.subf %get3A_221, %get3A_227 : vector<16xf32>
          %max3A_229 = arith.constant 0.000000e+00 : f32
          %max3A_230 = vector.broadcast %max3A_229 : f32 to vector<16xf32>
          %max3A_231 = arith.maximumf %sub3A_228, %max3A_230 : vector<16xf32>
          %add3A_232 = arith.constant 0 : i32
          %add3A_233 = arith.addi %add3A_172, %add3A_232 : i32
          %swap3A_234 = arith.index_cast %add3A_233 : i32 to index
          %swap3A_235 = arith.constant 32 : index
          %swap3A_236 = tpu.vector_load %arg14[%swap3A_234, %swap3A_235] {strides = array<i32>} : memref<128x128xf32, #tpu.memory_space<vmem>>, vector<1x16xf32>,
          %swap3A_237 = vector.shape_cast %swap3A_236 : vector<1x16xf32> to vector<16xf32>
          %swap3A_238 = vector.shape_cast %max3A_231 : vector<16xf32> to vector<1x16xf32>
          tpu.vector_store %arg14[%swap3A_234, %swap3A_235], %swap3A_238 {strides = array<i32>} : memref<128x128xf32, #tpu.memory_space<vmem>>, vector<1x16xf32>,
          %add3A_239 = arith.constant 0 : i32
          %add3A_240 = arith.addi %add3A_172, %add3A_239 : i32
          %get3A_241 = arith.index_cast %add3A_240 : i32 to index
          %get3A_242 = arith.constant 48 : index
          %get3A_243 = tpu.vector_load %arg13[%get3A_241, %get3A_242] {strides = array<i32>} : memref<128x128xf32, #tpu.memory_space<vmem>>, vector<1x16xf32>,
          %get3A_244 = vector.shape_cast %get3A_243 : vector<1x16xf32> to vector<16xf32>
          %add3A_245 = arith.constant 0 : i32
          %add3A_246 = arith.addi %add3A_172, %add3A_245 : i32
          %get3A_247 = arith.index_cast %add3A_246 : i32 to index
          %get3A_248 = arith.constant 48 : index
          %get3A_249 = tpu.vector_load %arg12[%get3A_247, %get3A_248] {strides = array<i32>} : memref<128x128xf32, #tpu.memory_space<vmem>>, vector<1x16xf32>,
          %get3A_250 = vector.shape_cast %get3A_249 : vector<1x16xf32> to vector<16xf32>
          %sub3A_251 = arith.subf %get3A_244, %get3A_250 : vector<16xf32>
          %max3A_252 = arith.constant 0.000000e+00 : f32
          %max3A_253 = vector.broadcast %max3A_252 : f32 to vector<16xf32>
          %max3A_254 = arith.maximumf %sub3A_251, %max3A_253 : vector<16xf32>
          %add3A_255 = arith.constant 0 : i32
          %add3A_256 = arith.addi %add3A_172, %add3A_255 : i32
          %swap3A_257 = arith.index_cast %add3A_256 : i32 to index
          %swap3A_258 = arith.constant 48 : index
          %swap3A_259 = tpu.vector_load %arg14[%swap3A_257, %swap3A_258] {strides = array<i32>} : memref<128x128xf32, #tpu.memory_space<vmem>>, vector<1x16xf32>,
          %swap3A_260 = vector.shape_cast %swap3A_259 : vector<1x16xf32> to vector<16xf32>
          %swap3A_261 = vector.shape_cast %max3A_254 : vector<16xf32> to vector<1x16xf32>
          tpu.vector_store %arg14[%swap3A_257, %swap3A_258], %swap3A_261 {strides = array<i32>} : memref<128x128xf32, #tpu.memory_space<vmem>>, vector<1x16xf32>,
          %add3A_262 = arith.constant 0 : i32
          %add3A_263 = arith.addi %add3A_172, %add3A_262 : i32
          %get3A_264 = arith.index_cast %add3A_263 : i32 to index
          %get3A_265 = arith.constant 64 : index
          %get3A_266 = tpu.vector_load %arg13[%get3A_264, %get3A_265] {strides = array<i32>} : memref<128x128xf32, #tpu.memory_space<vmem>>, vector<1x16xf32>,
          %get3A_267 = vector.shape_cast %get3A_266 : vector<1x16xf32> to vector<16xf32>
          %add3A_268 = arith.constant 0 : i32
          %add3A_269 = arith.addi %add3A_172, %add3A_268 : i32
          %get3A_270 = arith.index_cast %add3A_269 : i32 to index
          %get3A_271 = arith.constant 64 : index
          %get3A_272 = tpu.vector_load %arg12[%get3A_270, %get3A_271] {strides = array<i32>} : memref<128x128xf32, #tpu.memory_space<vmem>>, vector<1x16xf32>,
          %get3A_273 = vector.shape_cast %get3A_272 : vector<1x16xf32> to vector<16xf32>
          %sub3A_274 = arith.subf %get3A_267, %get3A_273 : vector<16xf32>
          %max3A_275 = arith.constant 0.000000e+00 : f32
          %max3A_276 = vector.broadcast %max3A_275 : f32 to vector<16xf32>
          %max3A_277 = arith.maximumf %sub3A_274, %max3A_276 : vector<16xf32>
          %add3A_278 = arith.constant 0 : i32
          %add3A_279 = arith.addi %add3A_172, %add3A_278 : i32
          %swap3A_280 = arith.index_cast %add3A_279 : i32 to index
          %swap3A_281 = arith.constant 64 : index
          %swap3A_282 = tpu.vector_load %arg14[%swap3A_280, %swap3A_281] {strides = array<i32>} : memref<128x128xf32, #tpu.memory_space<vmem>>, vector<1x16xf32>,
          %swap3A_283 = vector.shape_cast %swap3A_282 : vector<1x16xf32> to vector<16xf32>
          %swap3A_284 = vector.shape_cast %max3A_277 : vector<16xf32> to vector<1x16xf32>
          tpu.vector_store %arg14[%swap3A_280, %swap3A_281], %swap3A_284 {strides = array<i32>} : memref<128x128xf32, #tpu.memory_space<vmem>>, vector<1x16xf32>,
          %add3A_285 = arith.constant 0 : i32
          %add3A_286 = arith.addi %add3A_172, %add3A_285 : i32
          %get3A_287 = arith.index_cast %add3A_286 : i32 to index
          %get3A_288 = arith.constant 80 : index
          %get3A_289 = tpu.vector_load %arg13[%get3A_287, %get3A_288] {strides = array<i32>} : memref<128x128xf32, #tpu.memory_space<vmem>>, vector<1x16xf32>,
          %get3A_290 = vector.shape_cast %get3A_289 : vector<1x16xf32> to vector<16xf32>
          %add3A_291 = arith.constant 0 : i32
          %add3A_292 = arith.addi %add3A_172, %add3A_291 : i32
          %get3A_293 = arith.index_cast %add3A_292 : i32 to index
          %get3A_294 = arith.constant 80 : index
          %get3A_295 = tpu.vector_load %arg12[%get3A_293, %get3A_294] {strides = array<i32>} : memref<128x128xf32, #tpu.memory_space<vmem>>, vector<1x16xf32>,
          %get3A_296 = vector.shape_cast %get3A_295 : vector<1x16xf32> to vector<16xf32>
          %sub3A_297 = arith.subf %get3A_290, %get3A_296 : vector<16xf32>
          %max3A_298 = arith.constant 0.000000e+00 : f32
          %max3A_299 = vector.broadcast %max3A_298 : f32 to vector<16xf32>
          %max3A_300 = arith.maximumf %sub3A_297, %max3A_299 : vector<16xf32>
          %add3A_301 = arith.constant 0 : i32
          %add3A_302 = arith.addi %add3A_172, %add3A_301 : i32
          %swap3A_303 = arith.index_cast %add3A_302 : i32 to index
          %swap3A_304 = arith.constant 80 : index
          %swap3A_305 = tpu.vector_load %arg14[%swap3A_303, %swap3A_304] {strides = array<i32>} : memref<128x128xf32, #tpu.memory_space<vmem>>, vector<1x16xf32>,
          %swap3A_306 = vector.shape_cast %swap3A_305 : vector<1x16xf32> to vector<16xf32>
          %swap3A_307 = vector.shape_cast %max3A_300 : vector<16xf32> to vector<1x16xf32>
          tpu.vector_store %arg14[%swap3A_303, %swap3A_304], %swap3A_307 {strides = array<i32>} : memref<128x128xf32, #tpu.memory_space<vmem>>, vector<1x16xf32>,
          %add3A_308 = arith.constant 0 : i32
          %add3A_309 = arith.addi %add3A_172, %add3A_308 : i32
          %get3A_310 = arith.index_cast %add3A_309 : i32 to index
          %get3A_311 = arith.constant 96 : index
          %get3A_312 = tpu.vector_load %arg13[%get3A_310, %get3A_311] {strides = array<i32>} : memref<128x128xf32, #tpu.memory_space<vmem>>, vector<1x16xf32>,
          %get3A_313 = vector.shape_cast %get3A_312 : vector<1x16xf32> to vector<16xf32>
          %add3A_314 = arith.constant 0 : i32
          %add3A_315 = arith.addi %add3A_172, %add3A_314 : i32
          %get3A_316 = arith.index_cast %add3A_315 : i32 to index
          %get3A_317 = arith.constant 96 : index
          %get3A_318 = tpu.vector_load %arg12[%get3A_316, %get3A_317] {strides = array<i32>} : memref<128x128xf32, #tpu.memory_space<vmem>>, vector<1x16xf32>,
          %get3A_319 = vector.shape_cast %get3A_318 : vector<1x16xf32> to vector<16xf32>
          %sub3A_320 = arith.subf %get3A_313, %get3A_319 : vector<16xf32>
          %max3A_321 = arith.constant 0.000000e+00 : f32
          %max3A_322 = vector.broadcast %max3A_321 : f32 to vector<16xf32>
          %max3A_323 = arith.maximumf %sub3A_320, %max3A_322 : vector<16xf32>
          %add3A_324 = arith.constant 0 : i32
          %add3A_325 = arith.addi %add3A_172, %add3A_324 : i32
          %swap3A_326 = arith.index_cast %add3A_325 : i32 to index
          %swap3A_327 = arith.constant 96 : index
          %swap3A_328 = tpu.vector_load %arg14[%swap3A_326, %swap3A_327] {strides = array<i32>} : memref<128x128xf32, #tpu.memory_space<vmem>>, vector<1x16xf32>,
          %swap3A_329 = vector.shape_cast %swap3A_328 : vector<1x16xf32> to vector<16xf32>
          %swap3A_330 = vector.shape_cast %max3A_323 : vector<16xf32> to vector<1x16xf32>
          tpu.vector_store %arg14[%swap3A_326, %swap3A_327], %swap3A_330 {strides = array<i32>} : memref<128x128xf32, #tpu.memory_space<vmem>>, vector<1x16xf32>,
          %add3A_331 = arith.constant 0 : i32
          %add3A_332 = arith.addi %add3A_172, %add3A_331 : i32
          %get3A_333 = arith.index_cast %add3A_332 : i32 to index
          %get3A_334 = arith.constant 112 : index
          %get3A_335 = tpu.vector_load %arg13[%get3A_333, %get3A_334] {strides = array<i32>} : memref<128x128xf32, #tpu.memory_space<vmem>>, vector<1x16xf32>,
          %get3A_336 = vector.shape_cast %get3A_335 : vector<1x16xf32> to vector<16xf32>
          %add3A_337 = arith.constant 0 : i32
          %add3A_338 = arith.addi %add3A_172, %add3A_337 : i32
          %get3A_339 = arith.index_cast %add3A_338 : i32 to index
          %get3A_340 = arith.constant 112 : index
          %get3A_341 = tpu.vector_load %arg12[%get3A_339, %get3A_340] {strides = array<i32>} : memref<128x128xf32, #tpu.memory_space<vmem>>, vector<1x16xf32>,
          %get3A_342 = vector.shape_cast %get3A_341 : vector<1x16xf32> to vector<16xf32>
          %sub3A_343 = arith.subf %get3A_336, %get3A_342 : vector<16xf32>
          %max3A_344 = arith.constant 0.000000e+00 : f32
          %max3A_345 = vector.broadcast %max3A_344 : f32 to vector<16xf32>
          %max3A_346 = arith.maximumf %sub3A_343, %max3A_345 : vector<16xf32>
          %add3A_347 = arith.constant 0 : i32
          %add3A_348 = arith.addi %add3A_172, %add3A_347 : i32
          %swap3A_349 = arith.index_cast %add3A_348 : i32 to index
          %swap3A_350 = arith.constant 112 : index
          %swap3A_351 = tpu.vector_load %arg14[%swap3A_349, %swap3A_350] {strides = array<i32>} : memref<128x128xf32, #tpu.memory_space<vmem>>, vector<1x16xf32>,
          %swap3A_352 = vector.shape_cast %swap3A_351 : vector<1x16xf32> to vector<16xf32>
          %swap3A_353 = vector.shape_cast %max3A_346 : vector<16xf32> to vector<1x16xf32>
          tpu.vector_store %arg14[%swap3A_349, %swap3A_350], %swap3A_353 {strides = array<i32>} : memref<128x128xf32, #tpu.memory_space<vmem>>, vector<1x16xf32>,
          %add3A_354 = arith.constant 1 : i32
          %add3A_355 = arith.addi %add3A_172, %add3A_354 : i32
          %get3A_356 = arith.index_cast %add3A_355 : i32 to index
          %get3A_357 = arith.constant 0 : index
          %get3A_358 = tpu.vector_load %arg13[%get3A_356, %get3A_357] {strides = array<i32>} : memref<128x128xf32, #tpu.memory_space<vmem>>, vector<1x16xf32>,
          %get3A_359 = vector.shape_cast %get3A_358 : vector<1x16xf32> to vector<16xf32>
          %add3A_360 = arith.constant 1 : i32
          %add3A_361 = arith.addi %add3A_172, %add3A_360 : i32
          %get3A_362 = arith.index_cast %add3A_361 : i32 to index
          %get3A_363 = arith.constant 0 : index
          %get3A_364 = tpu.vector_load %arg12[%get3A_362, %get3A_363] {strides = array<i32>} : memref<128x128xf32, #tpu.memory_space<vmem>>, vector<1x16xf32>,
          %get3A_365 = vector.shape_cast %get3A_364 : vector<1x16xf32> to vector<16xf32>
          %sub3A_366 = arith.subf %get3A_359, %get3A_365 : vector<16xf32>
          %max3A_367 = arith.constant 0.000000e+00 : f32
          %max3A_368 = vector.broadcast %max3A_367 : f32 to vector<16xf32>
          %max3A_369 = arith.maximumf %sub3A_366, %max3A_368 : vector<16xf32>
          %add3A_370 = arith.constant 1 : i32
          %add3A_371 = arith.addi %add3A_172, %add3A_370 : i32
          %swap3A_372 = arith.index_cast %add3A_371 : i32 to index
          %swap3A_373 = arith.constant 0 : index
          %swap3A_374 = tpu.vector_load %arg14[%swap3A_372, %swap3A_373] {strides = array<i32>} : memref<128x128xf32, #tpu.memory_space<vmem>>, vector<1x16xf32>,
          %swap3A_375 = vector.shape_cast %swap3A_374 : vector<1x16xf32> to vector<16xf32>
          %swap3A_376 = vector.shape_cast %max3A_369 : vector<16xf32> to vector<1x16xf32>
          tpu.vector_store %arg14[%swap3A_372, %swap3A_373], %swap3A_376 {strides = array<i32>} : memref<128x128xf32, #tpu.memory_space<vmem>>, vector<1x16xf32>,
          %add3A_377 = arith.constant 1 : i32
          %add3A_378 = arith.addi %add3A_172, %add3A_377 : i32
          %get3A_379 = arith.index_cast %add3A_378 : i32 to index
          %get3A_380 = arith.constant 16 : index
          %get3A_381 = tpu.vector_load %arg13[%get3A_379, %get3A_380] {strides = array<i32>} : memref<128x128xf32, #tpu.memory_space<vmem>>, vector<1x16xf32>,
          %get3A_382 = vector.shape_cast %get3A_381 : vector<1x16xf32> to vector<16xf32>
          %add3A_383 = arith.constant 1 : i32
          %add3A_384 = arith.addi %add3A_172, %add3A_383 : i32
          %get3A_385 = arith.index_cast %add3A_384 : i32 to index
          %get3A_386 = arith.constant 16 : index
          %get3A_387 = tpu.vector_load %arg12[%get3A_385, %get3A_386] {strides = array<i32>} : memref<128x128xf32, #tpu.memory_space<vmem>>, vector<1x16xf32>,
          %get3A_388 = vector.shape_cast %get3A_387 : vector<1x16xf32> to vector<16xf32>
          %sub3A_389 = arith.subf %get3A_382, %get3A_388 : vector<16xf32>
          %max3A_390 = arith.constant 0.000000e+00 : f32
          %max3A_391 = vector.broadcast %max3A_390 : f32 to vector<16xf32>
          %max3A_392 = arith.maximumf %sub3A_389, %max3A_391 : vector<16xf32>
          %add3A_393 = arith.constant 1 : i32
          %add3A_394 = arith.addi %add3A_172, %add3A_393 : i32
          %swap3A_395 = arith.index_cast %add3A_394 : i32 to index
          %swap3A_396 = arith.constant 16 : index
          %swap3A_397 = tpu.vector_load %arg14[%swap3A_395, %swap3A_396] {strides = array<i32>} : memref<128x128xf32, #tpu.memory_space<vmem>>, vector<1x16xf32>,
          %swap3A_398 = vector.shape_cast %swap3A_397 : vector<1x16xf32> to vector<16xf32>
          %swap3A_399 = vector.shape_cast %max3A_392 : vector<16xf32> to vector<1x16xf32>
          tpu.vector_store %arg14[%swap3A_395, %swap3A_396], %swap3A_399 {strides = array<i32>} : memref<128x128xf32, #tpu.memory_space<vmem>>, vector<1x16xf32>,
          %add3A_400 = arith.constant 1 : i32
          %add3A_401 = arith.addi %add3A_172, %add3A_400 : i32
          %get3A_402 = arith.index_cast %add3A_401 : i32 to index
          %get3A_403 = arith.constant 32 : index
          %get3A_404 = tpu.vector_load %arg13[%get3A_402, %get3A_403] {strides = array<i32>} : memref<128x128xf32, #tpu.memory_space<vmem>>, vector<1x16xf32>,
          %get3A_405 = vector.shape_cast %get3A_404 : vector<1x16xf32> to vector<16xf32>
          %add3A_406 = arith.constant 1 : i32
          %add3A_407 = arith.addi %add3A_172, %add3A_406 : i32
          %get3A_408 = arith.index_cast %add3A_407 : i32 to index
          %get3A_409 = arith.constant 32 : index
          %get3A_410 = tpu.vector_load %arg12[%get3A_408, %get3A_409] {strides = array<i32>} : memref<128x128xf32, #tpu.memory_space<vmem>>, vector<1x16xf32>,
          %get3A_411 = vector.shape_cast %get3A_410 : vector<1x16xf32> to vector<16xf32>
          %sub3A_412 = arith.subf %get3A_405, %get3A_411 : vector<16xf32>
          %max3A_413 = arith.constant 0.000000e+00 : f32
          %max3A_414 = vector.broadcast %max3A_413 : f32 to vector<16xf32>
          %max3A_415 = arith.maximumf %sub3A_412, %max3A_414 : vector<16xf32>
          %add3A_416 = arith.constant 1 : i32
          %add3A_417 = arith.addi %add3A_172, %add3A_416 : i32
          %swap3A_418 = arith.index_cast %add3A_417 : i32 to index
          %swap3A_419 = arith.constant 32 : index
          %swap3A_420 = tpu.vector_load %arg14[%swap3A_418, %swap3A_419] {strides = array<i32>} : memref<128x128xf32, #tpu.memory_space<vmem>>, vector<1x16xf32>,
          %swap3A_421 = vector.shape_cast %swap3A_420 : vector<1x16xf32> to vector<16xf32>
          %swap3A_422 = vector.shape_cast %max3A_415 : vector<16xf32> to vector<1x16xf32>
          tpu.vector_store %arg14[%swap3A_418, %swap3A_419], %swap3A_422 {strides = array<i32>} : memref<128x128xf32, #tpu.memory_space<vmem>>, vector<1x16xf32>,
          %add3A_423 = arith.constant 1 : i32
          %add3A_424 = arith.addi %add3A_172, %add3A_423 : i32
          %get3A_425 = arith.index_cast %add3A_424 : i32 to index
          %get3A_426 = arith.constant 48 : index
          %get3A_427 = tpu.vector_load %arg13[%get3A_425, %get3A_426] {strides = array<i32>} : memref<128x128xf32, #tpu.memory_space<vmem>>, vector<1x16xf32>,
          %get3A_428 = vector.shape_cast %get3A_427 : vector<1x16xf32> to vector<16xf32>
          %add3A_429 = arith.constant 1 : i32
          %add3A_430 = arith.addi %add3A_172, %add3A_429 : i32
          %get3A_431 = arith.index_cast %add3A_430 : i32 to index
          %get3A_432 = arith.constant 48 : index
          %get3A_433 = tpu.vector_load %arg12[%get3A_431, %get3A_432] {strides = array<i32>} : memref<128x128xf32, #tpu.memory_space<vmem>>, vector<1x16xf32>,
          %get3A_434 = vector.shape_cast %get3A_433 : vector<1x16xf32> to vector<16xf32>
          %sub3A_435 = arith.subf %get3A_428, %get3A_434 : vector<16xf32>
          %max3A_436 = arith.constant 0.000000e+00 : f32
          %max3A_437 = vector.broadcast %max3A_436 : f32 to vector<16xf32>
          %max3A_438 = arith.maximumf %sub3A_435, %max3A_437 : vector<16xf32>
          %add3A_439 = arith.constant 1 : i32
          %add3A_440 = arith.addi %add3A_172, %add3A_439 : i32
          %swap3A_441 = arith.index_cast %add3A_440 : i32 to index
          %swap3A_442 = arith.constant 48 : index
          %swap3A_443 = tpu.vector_load %arg14[%swap3A_441, %swap3A_442] {strides = array<i32>} : memref<128x128xf32, #tpu.memory_space<vmem>>, vector<1x16xf32>,
          %swap3A_444 = vector.shape_cast %swap3A_443 : vector<1x16xf32> to vector<16xf32>
          %swap3A_445 = vector.shape_cast %max3A_438 : vector<16xf32> to vector<1x16xf32>
          tpu.vector_store %arg14[%swap3A_441, %swap3A_442], %swap3A_445 {strides = array<i32>} : memref<128x128xf32, #tpu.memory_space<vmem>>, vector<1x16xf32>,
          %add3A_446 = arith.constant 1 : i32
          %add3A_447 = arith.addi %add3A_172, %add3A_446 : i32
          %get3A_448 = arith.index_cast %add3A_447 : i32 to index
          %get3A_449 = arith.constant 64 : index
          %get3A_450 = tpu.vector_load %arg13[%get3A_448, %get3A_449] {strides = array<i32>} : memref<128x128xf32, #tpu.memory_space<vmem>>, vector<1x16xf32>,
          %get3A_451 = vector.shape_cast %get3A_450 : vector<1x16xf32> to vector<16xf32>
          %add3A_452 = arith.constant 1 : i32
          %add3A_453 = arith.addi %add3A_172, %add3A_452 : i32
          %get3A_454 = arith.index_cast %add3A_453 : i32 to index
          %get3A_455 = arith.constant 64 : index
          %get3A_456 = tpu.vector_load %arg12[%get3A_454, %get3A_455] {strides = array<i32>} : memref<128x128xf32, #tpu.memory_space<vmem>>, vector<1x16xf32>,
          %get3A_457 = vector.shape_cast %get3A_456 : vector<1x16xf32> to vector<16xf32>
          %sub3A_458 = arith.subf %get3A_451, %get3A_457 : vector<16xf32>
          %max3A_459 = arith.constant 0.000000e+00 : f32
          %max3A_460 = vector.broadcast %max3A_459 : f32 to vector<16xf32>
          %max3A_461 = arith.maximumf %sub3A_458, %max3A_460 : vector<16xf32>
          %add3A_462 = arith.constant 1 : i32
          %add3A_463 = arith.addi %add3A_172, %add3A_462 : i32
          %swap3A_464 = arith.index_cast %add3A_463 : i32 to index
          %swap3A_465 = arith.constant 64 : index
          %swap3A_466 = tpu.vector_load %arg14[%swap3A_464, %swap3A_465] {strides = array<i32>} : memref<128x128xf32, #tpu.memory_space<vmem>>, vector<1x16xf32>,
          %swap3A_467 = vector.shape_cast %swap3A_466 : vector<1x16xf32> to vector<16xf32>
          %swap3A_468 = vector.shape_cast %max3A_461 : vector<16xf32> to vector<1x16xf32>
          tpu.vector_store %arg14[%swap3A_464, %swap3A_465], %swap3A_468 {strides = array<i32>} : memref<128x128xf32, #tpu.memory_space<vmem>>, vector<1x16xf32>,
          %add3A_469 = arith.constant 1 : i32
          %add3A_470 = arith.addi %add3A_172, %add3A_469 : i32
          %get3A_471 = arith.index_cast %add3A_470 : i32 to index
          %get3A_472 = arith.constant 80 : index
          %get3A_473 = tpu.vector_load %arg13[%get3A_471, %get3A_472] {strides = array<i32>} : memref<128x128xf32, #tpu.memory_space<vmem>>, vector<1x16xf32>,
          %get3A_474 = vector.shape_cast %get3A_473 : vector<1x16xf32> to vector<16xf32>
          %add3A_475 = arith.constant 1 : i32
          %add3A_476 = arith.addi %add3A_172, %add3A_475 : i32
          %get3A_477 = arith.index_cast %add3A_476 : i32 to index
          %get3A_478 = arith.constant 80 : index
          %get3A_479 = tpu.vector_load %arg12[%get3A_477, %get3A_478] {strides = array<i32>} : memref<128x128xf32, #tpu.memory_space<vmem>>, vector<1x16xf32>,
          %get3A_480 = vector.shape_cast %get3A_479 : vector<1x16xf32> to vector<16xf32>
          %sub3A_481 = arith.subf %get3A_474, %get3A_480 : vector<16xf32>
          %max3A_482 = arith.constant 0.000000e+00 : f32
          %max3A_483 = vector.broadcast %max3A_482 : f32 to vector<16xf32>
          %max3A_484 = arith.maximumf %sub3A_481, %max3A_483 : vector<16xf32>
          %add3A_485 = arith.constant 1 : i32
          %add3A_486 = arith.addi %add3A_172, %add3A_485 : i32
          %swap3A_487 = arith.index_cast %add3A_486 : i32 to index
          %swap3A_488 = arith.constant 80 : index
          %swap3A_489 = tpu.vector_load %arg14[%swap3A_487, %swap3A_488] {strides = array<i32>} : memref<128x128xf32, #tpu.memory_space<vmem>>, vector<1x16xf32>,
          %swap3A_490 = vector.shape_cast %swap3A_489 : vector<1x16xf32> to vector<16xf32>
          %swap3A_491 = vector.shape_cast %max3A_484 : vector<16xf32> to vector<1x16xf32>
          tpu.vector_store %arg14[%swap3A_487, %swap3A_488], %swap3A_491 {strides = array<i32>} : memref<128x128xf32, #tpu.memory_space<vmem>>, vector<1x16xf32>,
          %add3A_492 = arith.constant 1 : i32
          %add3A_493 = arith.addi %add3A_172, %add3A_492 : i32
          %get3A_494 = arith.index_cast %add3A_493 : i32 to index
          %get3A_495 = arith.constant 96 : index
          %get3A_496 = tpu.vector_load %arg13[%get3A_494, %get3A_495] {strides = array<i32>} : memref<128x128xf32, #tpu.memory_space<vmem>>, vector<1x16xf32>,
          %get3A_497 = vector.shape_cast %get3A_496 : vector<1x16xf32> to vector<16xf32>
          %add3A_498 = arith.constant 1 : i32
          %add3A_499 = arith.addi %add3A_172, %add3A_498 : i32
          %get3A_500 = arith.index_cast %add3A_499 : i32 to index
          %get3A_501 = arith.constant 96 : index
          %get3A_502 = tpu.vector_load %arg12[%get3A_500, %get3A_501] {strides = array<i32>} : memref<128x128xf32, #tpu.memory_space<vmem>>, vector<1x16xf32>,
          %get3A_503 = vector.shape_cast %get3A_502 : vector<1x16xf32> to vector<16xf32>
          %sub3A_504 = arith.subf %get3A_497, %get3A_503 : vector<16xf32>
          %max3A_505 = arith.constant 0.000000e+00 : f32
          %max3A_506 = vector.broadcast %max3A_505 : f32 to vector<16xf32>
          %max3A_507 = arith.maximumf %sub3A_504, %max3A_506 : vector<16xf32>
          %add3A_508 = arith.constant 1 : i32
          %add3A_509 = arith.addi %add3A_172, %add3A_508 : i32
          %swap3A_510 = arith.index_cast %add3A_509 : i32 to index
          %swap3A_511 = arith.constant 96 : index
          %swap3A_512 = tpu.vector_load %arg14[%swap3A_510, %swap3A_511] {strides = array<i32>} : memref<128x128xf32, #tpu.memory_space<vmem>>, vector<1x16xf32>,
          %swap3A_513 = vector.shape_cast %swap3A_512 : vector<1x16xf32> to vector<16xf32>
          %swap3A_514 = vector.shape_cast %max3A_507 : vector<16xf32> to vector<1x16xf32>
          tpu.vector_store %arg14[%swap3A_510, %swap3A_511], %swap3A_514 {strides = array<i32>} : memref<128x128xf32, #tpu.memory_space<vmem>>, vector<1x16xf32>,
          %add3A_515 = arith.constant 1 : i32
          %add3A_516 = arith.addi %add3A_172, %add3A_515 : i32
          %get3A_517 = arith.index_cast %add3A_516 : i32 to index
          %get3A_518 = arith.constant 112 : index
          %get3A_519 = tpu.vector_load %arg13[%get3A_517, %get3A_518] {strides = array<i32>} : memref<128x128xf32, #tpu.memory_space<vmem>>, vector<1x16xf32>,
          %get3A_520 = vector.shape_cast %get3A_519 : vector<1x16xf32> to vector<16xf32>
          %add3A_521 = arith.constant 1 : i32
          %add3A_522 = arith.addi %add3A_172, %add3A_521 : i32
          %get3A_523 = arith.index_cast %add3A_522 : i32 to index
          %get3A_524 = arith.constant 112 : index
          %get3A_525 = tpu.vector_load %arg12[%get3A_523, %get3A_524] {strides = array<i32>} : memref<128x128xf32, #tpu.memory_space<vmem>>, vector<1x16xf32>,
          %get3A_526 = vector.shape_cast %get3A_525 : vector<1x16xf32> to vector<16xf32>
          %sub3A_527 = arith.subf %get3A_520, %get3A_526 : vector<16xf32>
          %max3A_528 = arith.constant 0.000000e+00 : f32
          %max3A_529 = vector.broadcast %max3A_528 : f32 to vector<16xf32>
          %max3A_530 = arith.maximumf %sub3A_527, %max3A_529 : vector<16xf32>
          %add3A_531 = arith.constant 1 : i32
          %add3A_532 = arith.addi %add3A_172, %add3A_531 : i32
          %swap3A_533 = arith.index_cast %add3A_532 : i32 to index
          %swap3A_534 = arith.constant 112 : index
          %swap3A_535 = tpu.vector_load %arg14[%swap3A_533, %swap3A_534] {strides = array<i32>} : memref<128x128xf32, #tpu.memory_space<vmem>>, vector<1x16xf32>,
          %swap3A_536 = vector.shape_cast %swap3A_535 : vector<1x16xf32> to vector<16xf32>
          %swap3A_537 = vector.shape_cast %max3A_530 : vector<16xf32> to vector<1x16xf32>
          tpu.vector_store %arg14[%swap3A_533, %swap3A_534], %swap3A_537 {strides = array<i32>} : memref<128x128xf32, #tpu.memory_space<vmem>>, vector<1x16xf32>,
          %add3A_538 = arith.constant 2 : i32
          %add3A_539 = arith.addi %add3A_172, %add3A_538 : i32
          %get3A_540 = arith.index_cast %add3A_539 : i32 to index
          %get3A_541 = arith.constant 0 : index
          %get3A_542 = tpu.vector_load %arg13[%get3A_540, %get3A_541] {strides = array<i32>} : memref<128x128xf32, #tpu.memory_space<vmem>>, vector<1x16xf32>,
          %get3A_543 = vector.shape_cast %get3A_542 : vector<1x16xf32> to vector<16xf32>
          %add3A_544 = arith.constant 2 : i32
          %add3A_545 = arith.addi %add3A_172, %add3A_544 : i32
          %get3A_546 = arith.index_cast %add3A_545 : i32 to index
          %get3A_547 = arith.constant 0 : index
          %get3A_548 = tpu.vector_load %arg12[%get3A_546, %get3A_547] {strides = array<i32>} : memref<128x128xf32, #tpu.memory_space<vmem>>, vector<1x16xf32>,
          %get3A_549 = vector.shape_cast %get3A_548 : vector<1x16xf32> to vector<16xf32>
          %sub3A_550 = arith.subf %get3A_543, %get3A_549 : vector<16xf32>
          %max3A_551 = arith.constant 0.000000e+00 : f32
          %max3A_552 = vector.broadcast %max3A_551 : f32 to vector<16xf32>
          %max3A_553 = arith.maximumf %sub3A_550, %max3A_552 : vector<16xf32>
          %add3A_554 = arith.constant 2 : i32
          %add3A_555 = arith.addi %add3A_172, %add3A_554 : i32
          %swap3A_556 = arith.index_cast %add3A_555 : i32 to index
          %swap3A_557 = arith.constant 0 : index
          %swap3A_558 = tpu.vector_load %arg14[%swap3A_556, %swap3A_557] {strides = array<i32>} : memref<128x128xf32, #tpu.memory_space<vmem>>, vector<1x16xf32>,
          %swap3A_559 = vector.shape_cast %swap3A_558 : vector<1x16xf32> to vector<16xf32>
          %swap3A_560 = vector.shape_cast %max3A_553 : vector<16xf32> to vector<1x16xf32>
          tpu.vector_store %arg14[%swap3A_556, %swap3A_557], %swap3A_560 {strides = array<i32>} : memref<128x128xf32, #tpu.memory_space<vmem>>, vector<1x16xf32>,
          %add3A_561 = arith.constant 2 : i32
          %add3A_562 = arith.addi %add3A_172, %add3A_561 : i32
          %get3A_563 = arith.index_cast %add3A_562 : i32 to index
          %get3A_564 = arith.constant 16 : index
          %get3A_565 = tpu.vector_load %arg13[%get3A_563, %get3A_564] {strides = array<i32>} : memref<128x128xf32, #tpu.memory_space<vmem>>, vector<1x16xf32>,
          %get3A_566 = vector.shape_cast %get3A_565 : vector<1x16xf32> to vector<16xf32>
          %add3A_567 = arith.constant 2 : i32
          %add3A_568 = arith.addi %add3A_172, %add3A_567 : i32
          %get3A_569 = arith.index_cast %add3A_568 : i32 to index
          %get3A_570 = arith.constant 16 : index
          %get3A_571 = tpu.vector_load %arg12[%get3A_569, %get3A_570] {strides = array<i32>} : memref<128x128xf32, #tpu.memory_space<vmem>>, vector<1x16xf32>,
          %get3A_572 = vector.shape_cast %get3A_571 : vector<1x16xf32> to vector<16xf32>
          %sub3A_573 = arith.subf %get3A_566, %get3A_572 : vector<16xf32>
          %max3A_574 = arith.constant 0.000000e+00 : f32
          %max3A_575 = vector.broadcast %max3A_574 : f32 to vector<16xf32>
          %max3A_576 = arith.maximumf %sub3A_573, %max3A_575 : vector<16xf32>
          %add3A_577 = arith.constant 2 : i32
          %add3A_578 = arith.addi %add3A_172, %add3A_577 : i32
          %swap3A_579 = arith.index_cast %add3A_578 : i32 to index
          %swap3A_580 = arith.constant 16 : index
          %swap3A_581 = tpu.vector_load %arg14[%swap3A_579, %swap3A_580] {strides = array<i32>} : memref<128x128xf32, #tpu.memory_space<vmem>>, vector<1x16xf32>,
          %swap3A_582 = vector.shape_cast %swap3A_581 : vector<1x16xf32> to vector<16xf32>
          %swap3A_583 = vector.shape_cast %max3A_576 : vector<16xf32> to vector<1x16xf32>
          tpu.vector_store %arg14[%swap3A_579, %swap3A_580], %swap3A_583 {strides = array<i32>} : memref<128x128xf32, #tpu.memory_space<vmem>>, vector<1x16xf32>,
          %add3A_584 = arith.constant 2 : i32
          %add3A_585 = arith.addi %add3A_172, %add3A_584 : i32
          %get3A_586 = arith.index_cast %add3A_585 : i32 to index
          %get3A_587 = arith.constant 32 : index
          %get3A_588 = tpu.vector_load %arg13[%get3A_586, %get3A_587] {strides = array<i32>} : memref<128x128xf32, #tpu.memory_space<vmem>>, vector<1x16xf32>,
          %get3A_589 = vector.shape_cast %get3A_588 : vector<1x16xf32> to vector<16xf32>
          %add3A_590 = arith.constant 2 : i32
          %add3A_591 = arith.addi %add3A_172, %add3A_590 : i32
          %get3A_592 = arith.index_cast %add3A_591 : i32 to index
          %get3A_593 = arith.constant 32 : index
          %get3A_594 = tpu.vector_load %arg12[%get3A_592, %get3A_593] {strides = array<i32>} : memref<128x128xf32, #tpu.memory_space<vmem>>, vector<1x16xf32>,
          %get3A_595 = vector.shape_cast %get3A_594 : vector<1x16xf32> to vector<16xf32>
          %sub3A_596 = arith.subf %get3A_589, %get3A_595 : vector<16xf32>
          %max3A_597 = arith.constant 0.000000e+00 : f32
          %max3A_598 = vector.broadcast %max3A_597 : f32 to vector<16xf32>
          %max3A_599 = arith.maximumf %sub3A_596, %max3A_598 : vector<16xf32>
          %add3A_600 = arith.constant 2 : i32
          %add3A_601 = arith.addi %add3A_172, %add3A_600 : i32
          %swap3A_602 = arith.index_cast %add3A_601 : i32 to index
          %swap3A_603 = arith.constant 32 : index
          %swap3A_604 = tpu.vector_load %arg14[%swap3A_602, %swap3A_603] {strides = array<i32>} : memref<128x128xf32, #tpu.memory_space<vmem>>, vector<1x16xf32>,
          %swap3A_605 = vector.shape_cast %swap3A_604 : vector<1x16xf32> to vector<16xf32>
          %swap3A_606 = vector.shape_cast %max3A_599 : vector<16xf32> to vector<1x16xf32>
          tpu.vector_store %arg14[%swap3A_602, %swap3A_603], %swap3A_606 {strides = array<i32>} : memref<128x128xf32, #tpu.memory_space<vmem>>, vector<1x16xf32>,
          %add3A_607 = arith.constant 2 : i32
          %add3A_608 = arith.addi %add3A_172, %add3A_607 : i32
          %get3A_609 = arith.index_cast %add3A_608 : i32 to index
          %get3A_610 = arith.constant 48 : index
          %get3A_611 = tpu.vector_load %arg13[%get3A_609, %get3A_610] {strides = array<i32>} : memref<128x128xf32, #tpu.memory_space<vmem>>, vector<1x16xf32>,
          %get3A_612 = vector.shape_cast %get3A_611 : vector<1x16xf32> to vector<16xf32>
          %add3A_613 = arith.constant 2 : i32
          %add3A_614 = arith.addi %add3A_172, %add3A_613 : i32
          %get3A_615 = arith.index_cast %add3A_614 : i32 to index
          %get3A_616 = arith.constant 48 : index
          %get3A_617 = tpu.vector_load %arg12[%get3A_615, %get3A_616] {strides = array<i32>} : memref<128x128xf32, #tpu.memory_space<vmem>>, vector<1x16xf32>,
          %get3A_618 = vector.shape_cast %get3A_617 : vector<1x16xf32> to vector<16xf32>
          %sub3A_619 = arith.subf %get3A_612, %get3A_618 : vector<16xf32>
          %max3A_620 = arith.constant 0.000000e+00 : f32
          %max3A_621 = vector.broadcast %max3A_620 : f32 to vector<16xf32>
          %max3A_622 = arith.maximumf %sub3A_619, %max3A_621 : vector<16xf32>
          %add3A_623 = arith.constant 2 : i32
          %add3A_624 = arith.addi %add3A_172, %add3A_623 : i32
          %swap3A_625 = arith.index_cast %add3A_624 : i32 to index
          %swap3A_626 = arith.constant 48 : index
          %swap3A_627 = tpu.vector_load %arg14[%swap3A_625, %swap3A_626] {strides = array<i32>} : memref<128x128xf32, #tpu.memory_space<vmem>>, vector<1x16xf32>,
          %swap3A_628 = vector.shape_cast %swap3A_627 : vector<1x16xf32> to vector<16xf32>
          %swap3A_629 = vector.shape_cast %max3A_622 : vector<16xf32> to vector<1x16xf32>
          tpu.vector_store %arg14[%swap3A_625, %swap3A_626], %swap3A_629 {strides = array<i32>} : memref<128x128xf32, #tpu.memory_space<vmem>>, vector<1x16xf32>,
          %add3A_630 = arith.constant 2 : i32
          %add3A_631 = arith.addi %add3A_172, %add3A_630 : i32
          %get3A_632 = arith.index_cast %add3A_631 : i32 to index
          %get3A_633 = arith.constant 64 : index
          %get3A_634 = tpu.vector_load %arg13[%get3A_632, %get3A_633] {strides = array<i32>} : memref<128x128xf32, #tpu.memory_space<vmem>>, vector<1x16xf32>,
          %get3A_635 = vector.shape_cast %get3A_634 : vector<1x16xf32> to vector<16xf32>
          %add3A_636 = arith.constant 2 : i32
          %add3A_637 = arith.addi %add3A_172, %add3A_636 : i32
          %get3A_638 = arith.index_cast %add3A_637 : i32 to index
          %get3A_639 = arith.constant 64 : index
          %get3A_640 = tpu.vector_load %arg12[%get3A_638, %get3A_639] {strides = array<i32>} : memref<128x128xf32, #tpu.memory_space<vmem>>, vector<1x16xf32>,
          %get3A_641 = vector.shape_cast %get3A_640 : vector<1x16xf32> to vector<16xf32>
          %sub3A_642 = arith.subf %get3A_635, %get3A_641 : vector<16xf32>
          %max3A_643 = arith.constant 0.000000e+00 : f32
          %max3A_644 = vector.broadcast %max3A_643 : f32 to vector<16xf32>
          %max3A_645 = arith.maximumf %sub3A_642, %max3A_644 : vector<16xf32>
          %add3A_646 = arith.constant 2 : i32
          %add3A_647 = arith.addi %add3A_172, %add3A_646 : i32
          %swap3A_648 = arith.index_cast %add3A_647 : i32 to index
          %swap3A_649 = arith.constant 64 : index
          %swap3A_650 = tpu.vector_load %arg14[%swap3A_648, %swap3A_649] {strides = array<i32>} : memref<128x128xf32, #tpu.memory_space<vmem>>, vector<1x16xf32>,
          %swap3A_651 = vector.shape_cast %swap3A_650 : vector<1x16xf32> to vector<16xf32>
          %swap3A_652 = vector.shape_cast %max3A_645 : vector<16xf32> to vector<1x16xf32>
          tpu.vector_store %arg14[%swap3A_648, %swap3A_649], %swap3A_652 {strides = array<i32>} : memref<128x128xf32, #tpu.memory_space<vmem>>, vector<1x16xf32>,
          %add3A_653 = arith.constant 2 : i32
          %add3A_654 = arith.addi %add3A_172, %add3A_653 : i32
          %get3A_655 = arith.index_cast %add3A_654 : i32 to index
          %get3A_656 = arith.constant 80 : index
          %get3A_657 = tpu.vector_load %arg13[%get3A_655, %get3A_656] {strides = array<i32>} : memref<128x128xf32, #tpu.memory_space<vmem>>, vector<1x16xf32>,
          %get3A_658 = vector.shape_cast %get3A_657 : vector<1x16xf32> to vector<16xf32>
          %add3A_659 = arith.constant 2 : i32
          %add3A_660 = arith.addi %add3A_172, %add3A_659 : i32
          %get3A_661 = arith.index_cast %add3A_660 : i32 to index
          %get3A_662 = arith.constant 80 : index
          %get3A_663 = tpu.vector_load %arg12[%get3A_661, %get3A_662] {strides = array<i32>} : memref<128x128xf32, #tpu.memory_space<vmem>>, vector<1x16xf32>,
          %get3A_664 = vector.shape_cast %get3A_663 : vector<1x16xf32> to vector<16xf32>
          %sub3A_665 = arith.subf %get3A_658, %get3A_664 : vector<16xf32>
          %max3A_666 = arith.constant 0.000000e+00 : f32
          %max3A_667 = vector.broadcast %max3A_666 : f32 to vector<16xf32>
          %max3A_668 = arith.maximumf %sub3A_665, %max3A_667 : vector<16xf32>
          %add3A_669 = arith.constant 2 : i32
          %add3A_670 = arith.addi %add3A_172, %add3A_669 : i32
          %swap3A_671 = arith.index_cast %add3A_670 : i32 to index
          %swap3A_672 = arith.constant 80 : index
          %swap3A_673 = tpu.vector_load %arg14[%swap3A_671, %swap3A_672] {strides = array<i32>} : memref<128x128xf32, #tpu.memory_space<vmem>>, vector<1x16xf32>,
          %swap3A_674 = vector.shape_cast %swap3A_673 : vector<1x16xf32> to vector<16xf32>
          %swap3A_675 = vector.shape_cast %max3A_668 : vector<16xf32> to vector<1x16xf32>
          tpu.vector_store %arg14[%swap3A_671, %swap3A_672], %swap3A_675 {strides = array<i32>} : memref<128x128xf32, #tpu.memory_space<vmem>>, vector<1x16xf32>,
          %add3A_676 = arith.constant 2 : i32
          %add3A_677 = arith.addi %add3A_172, %add3A_676 : i32
          %get3A_678 = arith.index_cast %add3A_677 : i32 to index
          %get3A_679 = arith.constant 96 : index
          %get3A_680 = tpu.vector_load %arg13[%get3A_678, %get3A_679] {strides = array<i32>} : memref<128x128xf32, #tpu.memory_space<vmem>>, vector<1x16xf32>,
          %get3A_681 = vector.shape_cast %get3A_680 : vector<1x16xf32> to vector<16xf32>
          %add3A_682 = arith.constant 2 : i32
          %add3A_683 = arith.addi %add3A_172, %add3A_682 : i32
          %get3A_684 = arith.index_cast %add3A_683 : i32 to index
          %get3A_685 = arith.constant 96 : index
          %get3A_686 = tpu.vector_load %arg12[%get3A_684, %get3A_685] {strides = array<i32>} : memref<128x128xf32, #tpu.memory_space<vmem>>, vector<1x16xf32>,
          %get3A_687 = vector.shape_cast %get3A_686 : vector<1x16xf32> to vector<16xf32>
          %sub3A_688 = arith.subf %get3A_681, %get3A_687 : vector<16xf32>
          %max3A_689 = arith.constant 0.000000e+00 : f32
          %max3A_690 = vector.broadcast %max3A_689 : f32 to vector<16xf32>
          %max3A_691 = arith.maximumf %sub3A_688, %max3A_690 : vector<16xf32>
          %add3A_692 = arith.constant 2 : i32
          %add3A_693 = arith.addi %add3A_172, %add3A_692 : i32
          %swap3A_694 = arith.index_cast %add3A_693 : i32 to index
          %swap3A_695 = arith.constant 96 : index
          %swap3A_696 = tpu.vector_load %arg14[%swap3A_694, %swap3A_695] {strides = array<i32>} : memref<128x128xf32, #tpu.memory_space<vmem>>, vector<1x16xf32>,
          %swap3A_697 = vector.shape_cast %swap3A_696 : vector<1x16xf32> to vector<16xf32>
          %swap3A_698 = vector.shape_cast %max3A_691 : vector<16xf32> to vector<1x16xf32>
          tpu.vector_store %arg14[%swap3A_694, %swap3A_695], %swap3A_698 {strides = array<i32>} : memref<128x128xf32, #tpu.memory_space<vmem>>, vector<1x16xf32>,
          %add3A_699 = arith.constant 2 : i32
          %add3A_700 = arith.addi %add3A_172, %add3A_699 : i32
          %get3A_701 = arith.index_cast %add3A_700 : i32 to index
          %get3A_702 = arith.constant 112 : index
          %get3A_703 = tpu.vector_load %arg13[%get3A_701, %get3A_702] {strides = array<i32>} : memref<128x128xf32, #tpu.memory_space<vmem>>, vector<1x16xf32>,
          %get3A_704 = vector.shape_cast %get3A_703 : vector<1x16xf32> to vector<16xf32>
          %add3A_705 = arith.constant 2 : i32
          %add3A_706 = arith.addi %add3A_172, %add3A_705 : i32
          %get3A_707 = arith.index_cast %add3A_706 : i32 to index
          %get3A_708 = arith.constant 112 : index
          %get3A_709 = tpu.vector_load %arg12[%get3A_707, %get3A_708] {strides = array<i32>} : memref<128x128xf32, #tpu.memory_space<vmem>>, vector<1x16xf32>,
          %get3A_710 = vector.shape_cast %get3A_709 : vector<1x16xf32> to vector<16xf32>
          %sub3A_711 = arith.subf %get3A_704, %get3A_710 : vector<16xf32>
          %max3A_712 = arith.constant 0.000000e+00 : f32
          %max3A_713 = vector.broadcast %max3A_712 : f32 to vector<16xf32>
          %max3A_714 = arith.maximumf %sub3A_711, %max3A_713 : vector<16xf32>
          %add3A_715 = arith.constant 2 : i32
          %add3A_716 = arith.addi %add3A_172, %add3A_715 : i32
          %swap3A_717 = arith.index_cast %add3A_716 : i32 to index
          %swap3A_718 = arith.constant 112 : index
          %swap3A_719 = tpu.vector_load %arg14[%swap3A_717, %swap3A_718] {strides = array<i32>} : memref<128x128xf32, #tpu.memory_space<vmem>>, vector<1x16xf32>,
          %swap3A_720 = vector.shape_cast %swap3A_719 : vector<1x16xf32> to vector<16xf32>
          %swap3A_721 = vector.shape_cast %max3A_714 : vector<16xf32> to vector<1x16xf32>
          tpu.vector_store %arg14[%swap3A_717, %swap3A_718], %swap3A_721 {strides = array<i32>} : memref<128x128xf32, #tpu.memory_space<vmem>>, vector<1x16xf32>,
          %add3A_722 = arith.constant 3 : i32
          %add3A_723 = arith.addi %add3A_172, %add3A_722 : i32
          %get3A_724 = arith.index_cast %add3A_723 : i32 to index
          %get3A_725 = arith.constant 0 : index
          %get3A_726 = tpu.vector_load %arg13[%get3A_724, %get3A_725] {strides = array<i32>} : memref<128x128xf32, #tpu.memory_space<vmem>>, vector<1x16xf32>,
          %get3A_727 = vector.shape_cast %get3A_726 : vector<1x16xf32> to vector<16xf32>
          %add3A_728 = arith.constant 3 : i32
          %add3A_729 = arith.addi %add3A_172, %add3A_728 : i32
          %get3A_730 = arith.index_cast %add3A_729 : i32 to index
          %get3A_731 = arith.constant 0 : index
          %get3A_732 = tpu.vector_load %arg12[%get3A_730, %get3A_731] {strides = array<i32>} : memref<128x128xf32, #tpu.memory_space<vmem>>, vector<1x16xf32>,
          %get3A_733 = vector.shape_cast %get3A_732 : vector<1x16xf32> to vector<16xf32>
          %sub3A_734 = arith.subf %get3A_727, %get3A_733 : vector<16xf32>
          %max3A_735 = arith.constant 0.000000e+00 : f32
          %max3A_736 = vector.broadcast %max3A_735 : f32 to vector<16xf32>
          %max3A_737 = arith.maximumf %sub3A_734, %max3A_736 : vector<16xf32>
          %add3A_738 = arith.constant 3 : i32
          %add3A_739 = arith.addi %add3A_172, %add3A_738 : i32
          %swap3A_740 = arith.index_cast %add3A_739 : i32 to index
          %swap3A_741 = arith.constant 0 : index
          %swap3A_742 = tpu.vector_load %arg14[%swap3A_740, %swap3A_741] {strides = array<i32>} : memref<128x128xf32, #tpu.memory_space<vmem>>, vector<1x16xf32>,
          %swap3A_743 = vector.shape_cast %swap3A_742 : vector<1x16xf32> to vector<16xf32>
          %swap3A_744 = vector.shape_cast %max3A_737 : vector<16xf32> to vector<1x16xf32>
          tpu.vector_store %arg14[%swap3A_740, %swap3A_741], %swap3A_744 {strides = array<i32>} : memref<128x128xf32, #tpu.memory_space<vmem>>, vector<1x16xf32>,
          %add3A_745 = arith.constant 3 : i32
          %add3A_746 = arith.addi %add3A_172, %add3A_745 : i32
          %get3A_747 = arith.index_cast %add3A_746 : i32 to index
          %get3A_748 = arith.constant 16 : index
          %get3A_749 = tpu.vector_load %arg13[%get3A_747, %get3A_748] {strides = array<i32>} : memref<128x128xf32, #tpu.memory_space<vmem>>, vector<1x16xf32>,
          %get3A_750 = vector.shape_cast %get3A_749 : vector<1x16xf32> to vector<16xf32>
          %add3A_751 = arith.constant 3 : i32
          %add3A_752 = arith.addi %add3A_172, %add3A_751 : i32
          %get3A_753 = arith.index_cast %add3A_752 : i32 to index
          %get3A_754 = arith.constant 16 : index
          %get3A_755 = tpu.vector_load %arg12[%get3A_753, %get3A_754] {strides = array<i32>} : memref<128x128xf32, #tpu.memory_space<vmem>>, vector<1x16xf32>,
          %get3A_756 = vector.shape_cast %get3A_755 : vector<1x16xf32> to vector<16xf32>
          %sub3A_757 = arith.subf %get3A_750, %get3A_756 : vector<16xf32>
          %max3A_758 = arith.constant 0.000000e+00 : f32
          %max3A_759 = vector.broadcast %max3A_758 : f32 to vector<16xf32>
          %max3A_760 = arith.maximumf %sub3A_757, %max3A_759 : vector<16xf32>
          %add3A_761 = arith.constant 3 : i32
          %add3A_762 = arith.addi %add3A_172, %add3A_761 : i32
          %swap3A_763 = arith.index_cast %add3A_762 : i32 to index
          %swap3A_764 = arith.constant 16 : index
          %swap3A_765 = tpu.vector_load %arg14[%swap3A_763, %swap3A_764] {strides = array<i32>} : memref<128x128xf32, #tpu.memory_space<vmem>>, vector<1x16xf32>,
          %swap3A_766 = vector.shape_cast %swap3A_765 : vector<1x16xf32> to vector<16xf32>
          %swap3A_767 = vector.shape_cast %max3A_760 : vector<16xf32> to vector<1x16xf32>
          tpu.vector_store %arg14[%swap3A_763, %swap3A_764], %swap3A_767 {strides = array<i32>} : memref<128x128xf32, #tpu.memory_space<vmem>>, vector<1x16xf32>,
          %add3A_768 = arith.constant 3 : i32
          %add3A_769 = arith.addi %add3A_172, %add3A_768 : i32
          %get3A_770 = arith.index_cast %add3A_769 : i32 to index
          %get3A_771 = arith.constant 32 : index
          %get3A_772 = tpu.vector_load %arg13[%get3A_770, %get3A_771] {strides = array<i32>} : memref<128x128xf32, #tpu.memory_space<vmem>>, vector<1x16xf32>,
          %get3A_773 = vector.shape_cast %get3A_772 : vector<1x16xf32> to vector<16xf32>
          %add3A_774 = arith.constant 3 : i32
          %add3A_775 = arith.addi %add3A_172, %add3A_774 : i32
          %get3A_776 = arith.index_cast %add3A_775 : i32 to index
          %get3A_777 = arith.constant 32 : index
          %get3A_778 = tpu.vector_load %arg12[%get3A_776, %get3A_777] {strides = array<i32>} : memref<128x128xf32, #tpu.memory_space<vmem>>, vector<1x16xf32>,
          %get3A_779 = vector.shape_cast %get3A_778 : vector<1x16xf32> to vector<16xf32>
          %sub3A_780 = arith.subf %get3A_773, %get3A_779 : vector<16xf32>
          %max3A_781 = arith.constant 0.000000e+00 : f32
          %max3A_782 = vector.broadcast %max3A_781 : f32 to vector<16xf32>
          %max3A_783 = arith.maximumf %sub3A_780, %max3A_782 : vector<16xf32>
          %add3A_784 = arith.constant 3 : i32
          %add3A_785 = arith.addi %add3A_172, %add3A_784 : i32
          %swap3A_786 = arith.index_cast %add3A_785 : i32 to index
          %swap3A_787 = arith.constant 32 : index
          %swap3A_788 = tpu.vector_load %arg14[%swap3A_786, %swap3A_787] {strides = array<i32>} : memref<128x128xf32, #tpu.memory_space<vmem>>, vector<1x16xf32>,
          %swap3A_789 = vector.shape_cast %swap3A_788 : vector<1x16xf32> to vector<16xf32>
          %swap3A_790 = vector.shape_cast %max3A_783 : vector<16xf32> to vector<1x16xf32>
          tpu.vector_store %arg14[%swap3A_786, %swap3A_787], %swap3A_790 {strides = array<i32>} : memref<128x128xf32, #tpu.memory_space<vmem>>, vector<1x16xf32>,
          %add3A_791 = arith.constant 3 : i32
          %add3A_792 = arith.addi %add3A_172, %add3A_791 : i32
          %get3A_793 = arith.index_cast %add3A_792 : i32 to index
          %get3A_794 = arith.constant 48 : index
          %get3A_795 = tpu.vector_load %arg13[%get3A_793, %get3A_794] {strides = array<i32>} : memref<128x128xf32, #tpu.memory_space<vmem>>, vector<1x16xf32>,
          %get3A_796 = vector.shape_cast %get3A_795 : vector<1x16xf32> to vector<16xf32>
          %add3A_797 = arith.constant 3 : i32
          %add3A_798 = arith.addi %add3A_172, %add3A_797 : i32
          %get3A_799 = arith.index_cast %add3A_798 : i32 to index
          %get3A_800 = arith.constant 48 : index
          %get3A_801 = tpu.vector_load %arg12[%get3A_799, %get3A_800] {strides = array<i32>} : memref<128x128xf32, #tpu.memory_space<vmem>>, vector<1x16xf32>,
          %get3A_802 = vector.shape_cast %get3A_801 : vector<1x16xf32> to vector<16xf32>
          %sub3A_803 = arith.subf %get3A_796, %get3A_802 : vector<16xf32>
          %max3A_804 = arith.constant 0.000000e+00 : f32
          %max3A_805 = vector.broadcast %max3A_804 : f32 to vector<16xf32>
          %max3A_806 = arith.maximumf %sub3A_803, %max3A_805 : vector<16xf32>
          %add3A_807 = arith.constant 3 : i32
          %add3A_808 = arith.addi %add3A_172, %add3A_807 : i32
          %swap3A_809 = arith.index_cast %add3A_808 : i32 to index
          %swap3A_810 = arith.constant 48 : index
          %swap3A_811 = tpu.vector_load %arg14[%swap3A_809, %swap3A_810] {strides = array<i32>} : memref<128x128xf32, #tpu.memory_space<vmem>>, vector<1x16xf32>,
          %swap3A_812 = vector.shape_cast %swap3A_811 : vector<1x16xf32> to vector<16xf32>
          %swap3A_813 = vector.shape_cast %max3A_806 : vector<16xf32> to vector<1x16xf32>
          tpu.vector_store %arg14[%swap3A_809, %swap3A_810], %swap3A_813 {strides = array<i32>} : memref<128x128xf32, #tpu.memory_space<vmem>>, vector<1x16xf32>,
          %add3A_814 = arith.constant 3 : i32
          %add3A_815 = arith.addi %add3A_172, %add3A_814 : i32
          %get3A_816 = arith.index_cast %add3A_815 : i32 to index
          %get3A_817 = arith.constant 64 : index
          %get3A_818 = tpu.vector_load %arg13[%get3A_816, %get3A_817] {strides = array<i32>} : memref<128x128xf32, #tpu.memory_space<vmem>>, vector<1x16xf32>,
          %get3A_819 = vector.shape_cast %get3A_818 : vector<1x16xf32> to vector<16xf32>
          %add3A_820 = arith.constant 3 : i32
          %add3A_821 = arith.addi %add3A_172, %add3A_820 : i32
          %get3A_822 = arith.index_cast %add3A_821 : i32 to index
          %get3A_823 = arith.constant 64 : index
          %get3A_824 = tpu.vector_load %arg12[%get3A_822, %get3A_823] {strides = array<i32>} : memref<128x128xf32, #tpu.memory_space<vmem>>, vector<1x16xf32>,
          %get3A_825 = vector.shape_cast %get3A_824 : vector<1x16xf32> to vector<16xf32>
          %sub3A_826 = arith.subf %get3A_819, %get3A_825 : vector<16xf32>
          %max3A_827 = arith.constant 0.000000e+00 : f32
          %max3A_828 = vector.broadcast %max3A_827 : f32 to vector<16xf32>
          %max3A_829 = arith.maximumf %sub3A_826, %max3A_828 : vector<16xf32>
          %add3A_830 = arith.constant 3 : i32
          %add3A_831 = arith.addi %add3A_172, %add3A_830 : i32
          %swap3A_832 = arith.index_cast %add3A_831 : i32 to index
          %swap3A_833 = arith.constant 64 : index
          %swap3A_834 = tpu.vector_load %arg14[%swap3A_832, %swap3A_833] {strides = array<i32>} : memref<128x128xf32, #tpu.memory_space<vmem>>, vector<1x16xf32>,
          %swap3A_835 = vector.shape_cast %swap3A_834 : vector<1x16xf32> to vector<16xf32>
          %swap3A_836 = vector.shape_cast %max3A_829 : vector<16xf32> to vector<1x16xf32>
          tpu.vector_store %arg14[%swap3A_832, %swap3A_833], %swap3A_836 {strides = array<i32>} : memref<128x128xf32, #tpu.memory_space<vmem>>, vector<1x16xf32>,
          %add3A_837 = arith.constant 3 : i32
          %add3A_838 = arith.addi %add3A_172, %add3A_837 : i32
          %get3A_839 = arith.index_cast %add3A_838 : i32 to index
          %get3A_840 = arith.constant 80 : index
          %get3A_841 = tpu.vector_load %arg13[%get3A_839, %get3A_840] {strides = array<i32>} : memref<128x128xf32, #tpu.memory_space<vmem>>, vector<1x16xf32>,
          %get3A_842 = vector.shape_cast %get3A_841 : vector<1x16xf32> to vector<16xf32>
          %add3A_843 = arith.constant 3 : i32
          %add3A_844 = arith.addi %add3A_172, %add3A_843 : i32
          %get3A_845 = arith.index_cast %add3A_844 : i32 to index
          %get3A_846 = arith.constant 80 : index
          %get3A_847 = tpu.vector_load %arg12[%get3A_845, %get3A_846] {strides = array<i32>} : memref<128x128xf32, #tpu.memory_space<vmem>>, vector<1x16xf32>,
          %get3A_848 = vector.shape_cast %get3A_847 : vector<1x16xf32> to vector<16xf32>
          %sub3A_849 = arith.subf %get3A_842, %get3A_848 : vector<16xf32>
          %max3A_850 = arith.constant 0.000000e+00 : f32
          %max3A_851 = vector.broadcast %max3A_850 : f32 to vector<16xf32>
          %max3A_852 = arith.maximumf %sub3A_849, %max3A_851 : vector<16xf32>
          %add3A_853 = arith.constant 3 : i32
          %add3A_854 = arith.addi %add3A_172, %add3A_853 : i32
          %swap3A_855 = arith.index_cast %add3A_854 : i32 to index
          %swap3A_856 = arith.constant 80 : index
          %swap3A_857 = tpu.vector_load %arg14[%swap3A_855, %swap3A_856] {strides = array<i32>} : memref<128x128xf32, #tpu.memory_space<vmem>>, vector<1x16xf32>,
          %swap3A_858 = vector.shape_cast %swap3A_857 : vector<1x16xf32> to vector<16xf32>
          %swap3A_859 = vector.shape_cast %max3A_852 : vector<16xf32> to vector<1x16xf32>
          tpu.vector_store %arg14[%swap3A_855, %swap3A_856], %swap3A_859 {strides = array<i32>} : memref<128x128xf32, #tpu.memory_space<vmem>>, vector<1x16xf32>,
          %add3A_860 = arith.constant 3 : i32
          %add3A_861 = arith.addi %add3A_172, %add3A_860 : i32
          %get3A_862 = arith.index_cast %add3A_861 : i32 to index
          %get3A_863 = arith.constant 96 : index
          %get3A_864 = tpu.vector_load %arg13[%get3A_862, %get3A_863] {strides = array<i32>} : memref<128x128xf32, #tpu.memory_space<vmem>>, vector<1x16xf32>,
          %get3A_865 = vector.shape_cast %get3A_864 : vector<1x16xf32> to vector<16xf32>
          %add3A_866 = arith.constant 3 : i32
          %add3A_867 = arith.addi %add3A_172, %add3A_866 : i32
          %get3A_868 = arith.index_cast %add3A_867 : i32 to index
          %get3A_869 = arith.constant 96 : index
          %get3A_870 = tpu.vector_load %arg12[%get3A_868, %get3A_869] {strides = array<i32>} : memref<128x128xf32, #tpu.memory_space<vmem>>, vector<1x16xf32>,
          %get3A_871 = vector.shape_cast %get3A_870 : vector<1x16xf32> to vector<16xf32>
          %sub3A_872 = arith.subf %get3A_865, %get3A_871 : vector<16xf32>
          %max3A_873 = arith.constant 0.000000e+00 : f32
          %max3A_874 = vector.broadcast %max3A_873 : f32 to vector<16xf32>
          %max3A_875 = arith.maximumf %sub3A_872, %max3A_874 : vector<16xf32>
          %add3A_876 = arith.constant 3 : i32
          %add3A_877 = arith.addi %add3A_172, %add3A_876 : i32
          %swap3A_878 = arith.index_cast %add3A_877 : i32 to index
          %swap3A_879 = arith.constant 96 : index
          %swap3A_880 = tpu.vector_load %arg14[%swap3A_878, %swap3A_879] {strides = array<i32>} : memref<128x128xf32, #tpu.memory_space<vmem>>, vector<1x16xf32>,
          %swap3A_881 = vector.shape_cast %swap3A_880 : vector<1x16xf32> to vector<16xf32>
          %swap3A_882 = vector.shape_cast %max3A_875 : vector<16xf32> to vector<1x16xf32>
          tpu.vector_store %arg14[%swap3A_878, %swap3A_879], %swap3A_882 {strides = array<i32>} : memref<128x128xf32, #tpu.memory_space<vmem>>, vector<1x16xf32>,
          %add3A_883 = arith.constant 3 : i32
          %add3A_884 = arith.addi %add3A_172, %add3A_883 : i32
          %get3A_885 = arith.index_cast %add3A_884 : i32 to index
          %get3A_886 = arith.constant 112 : index
          %get3A_887 = tpu.vector_load %arg13[%get3A_885, %get3A_886] {strides = array<i32>} : memref<128x128xf32, #tpu.memory_space<vmem>>, vector<1x16xf32>,
          %get3A_888 = vector.shape_cast %get3A_887 : vector<1x16xf32> to vector<16xf32>
          %add3A_889 = arith.constant 3 : i32
          %add3A_890 = arith.addi %add3A_172, %add3A_889 : i32
          %get3A_891 = arith.index_cast %add3A_890 : i32 to index
          %get3A_892 = arith.constant 112 : index
          %get3A_893 = tpu.vector_load %arg12[%get3A_891, %get3A_892] {strides = array<i32>} : memref<128x128xf32, #tpu.memory_space<vmem>>, vector<1x16xf32>,
          %get3A_894 = vector.shape_cast %get3A_893 : vector<1x16xf32> to vector<16xf32>
          %sub3A_895 = arith.subf %get3A_888, %get3A_894 : vector<16xf32>
          %max3A_896 = arith.constant 0.000000e+00 : f32
          %max3A_897 = vector.broadcast %max3A_896 : f32 to vector<16xf32>
          %max3A_898 = arith.maximumf %sub3A_895, %max3A_897 : vector<16xf32>
          %add3A_899 = arith.constant 3 : i32
          %add3A_900 = arith.addi %add3A_172, %add3A_899 : i32
          %swap3A_901 = arith.index_cast %add3A_900 : i32 to index
          %swap3A_902 = arith.constant 112 : index
          %swap3A_903 = tpu.vector_load %arg14[%swap3A_901, %swap3A_902] {strides = array<i32>} : memref<128x128xf32, #tpu.memory_space<vmem>>, vector<1x16xf32>,
          %swap3A_904 = vector.shape_cast %swap3A_903 : vector<1x16xf32> to vector<16xf32>
          %swap3A_905 = vector.shape_cast %max3A_898 : vector<16xf32> to vector<1x16xf32>
          tpu.vector_store %arg14[%swap3A_901, %swap3A_902], %swap3A_905 {strides = array<i32>} : memref<128x128xf32, #tpu.memory_space<vmem>>, vector<1x16xf32>,
        }
        %scan3A_152 = arith.constant 32 : i32
        %add3A_153 = arith.addi %select_n3A, %add3A_85 : i32
        %add3A_154 = arith.constant 1 : i32
        %add3A_155 = arith.addi %add3A_153, %add3A_154 : i32
        %mul3A_156 = arith.constant 128 : i32
        %mul3A_157 = arith.muli %add3A_155, %mul3A_156 : i32
        %dma_start3A_158 = arith.constant 0 : i32
        %dma_start3A_159 = tpu.memref_slice %arg6[%mul3A_157, %dma_start3A_158] : memref<320000x128xf32, #tpu.memory_space<hbm>> -> memref<128x128xf32, #tpu.memory_space<hbm>>
        %dma_start3A_160 = arith.constant 0 : i32
        %dma_start3A_161 = tpu.memref_slice %arg6[%mul3A_157, %dma_start3A_160] : memref<320000x128xf32, #tpu.memory_space<hbm>> -> memref<128x128xf32, #tpu.memory_space<hbm>>
        tpu.enqueue_dma source(%arg14 : memref<128x128xf32, #tpu.memory_space<vmem>>) target(%dma_start3A_161 : memref<128x128xf32, #tpu.memory_space<hbm>>) target_semaphore(%arg18 : memref<!tpu.dma_semaphore, #tpu.memory_space<semaphore_mem>>)
        %add3A_162 = arith.constant 3 : i32
        %add3A_163 = arith.addi %add3A_85, %add3A_162 : i32
        %lt3A_164 = arith.cmpi slt, %add3A_163, %sub3A_47 : i32
        %convert_element_type3A_165 = arith.extui %lt3A_164 : i1 to i32
        %cond3A_166 = arith.constant 0 : i32
        %cond3A_167 = arith.cmpi ne, %convert_element_type3A_165, %cond3A_166 : i32
        scf.if %cond3A_167 {
          %add3A_168 = arith.constant 3 : i32
          %add3A_169 = arith.addi %add3A_85, %add3A_168 : i32
          %dma_start3A_170 = arith.constant 0 : i32
          %dma_start3A_171 = arith.constant 0 : i32
          %dma_start3A_172 = tpu.memref_slice %arg7[%add3A_169, %dma_start3A_170, %dma_start3A_171] : memref<79x1x128xi32, #tpu.memory_space<vmem>> -> memref<1x1x128xi32, #tpu.memory_space<vmem>>
          %dma_start3A_173 = tpu.memref_squeeze %dma_start3A_172 : memref<1x1x128xi32, #tpu.memory_space<vmem>> -> memref<128xi32, #tpu.memory_space<vmem>>
          %dma_start3A_174 = arith.constant 0 : i32
          %dma_start3A_175 = arith.constant 0 : i32
          %dma_start3A_176 = tpu.memref_slice %arg2[%dma_start3A_174, %dma_start3A_175] : memref<10000x128xf32, #tpu.memory_space<hbm>> -> memref<10000x128xf32, #tpu.memory_space<hbm>>
          tpu.enqueue_indirect_dma source(%dma_start3A_176 : memref<10000x128xf32, #tpu.memory_space<hbm>>) target(%arg12 : memref<128x128xf32, #tpu.memory_space<vmem>>) offsets(%dma_start3A_173 : memref<128xi32, #tpu.memory_space<vmem>>) semaphore(%arg16 : memref<!tpu.dma_semaphore, #tpu.memory_space<semaphore_mem>>)
          %dma_start3A_177 = arith.constant 0 : i32
          %dma_start3A_178 = arith.constant 0 : i32
          %dma_start3A_179 = tpu.memref_slice %arg8[%add3A_169, %dma_start3A_177, %dma_start3A_178] : memref<79x1x128xi32, #tpu.memory_space<vmem>> -> memref<1x1x128xi32, #tpu.memory_space<vmem>>
          %dma_start3A_180 = tpu.memref_squeeze %dma_start3A_179 : memref<1x1x128xi32, #tpu.memory_space<vmem>> -> memref<128xi32, #tpu.memory_space<vmem>>
          %dma_start3A_181 = arith.constant 0 : i32
          %dma_start3A_182 = arith.constant 0 : i32
          %dma_start3A_183 = tpu.memref_slice %arg3[%dma_start3A_181, %dma_start3A_182] : memref<10000x128xf32, #tpu.memory_space<hbm>> -> memref<10000x128xf32, #tpu.memory_space<hbm>>
          tpu.enqueue_indirect_dma source(%dma_start3A_183 : memref<10000x128xf32, #tpu.memory_space<hbm>>) target(%arg13 : memref<128x128xf32, #tpu.memory_space<vmem>>) offsets(%dma_start3A_180 : memref<128xi32, #tpu.memory_space<vmem>>) semaphore(%arg16 : memref<!tpu.dma_semaphore, #tpu.memory_space<semaphore_mem>>)
        } else {
        }
      } else {
      }
    }
    %while3A_72 = arith.constant 1 : i32
    scf.for %while3A_83 = %while3A_70 to %while3A_66 step %while3A_72  : i32 {
      %mul3A_84 = arith.muli %while3A_83, %while3A : i32
      %add3A_85 = arith.addi %while3A_63, %mul3A_84 : i32
      %dma_wait3A = arith.constant 0 : i32
      %dma_wait3A_86 = arith.constant 0 : i32
      %dma_wait3A_87 = arith.constant 0 : i32
      %dma_wait3A_88 = tpu.memref_slice %arg7[%dma_wait3A, %dma_wait3A_86, %dma_wait3A_87] : memref<79x1x128xi32, #tpu.memory_space<vmem>> -> memref<1x1x128xi32, #tpu.memory_space<vmem>>
      %dma_wait3A_89 = tpu.memref_squeeze %dma_wait3A_88 : memref<1x1x128xi32, #tpu.memory_space<vmem>> -> memref<128xi32, #tpu.memory_space<vmem>>
      %dma_wait3A_90 = arith.constant 0 : i32
      %dma_wait3A_91 = arith.constant 0 : i32
      %dma_wait3A_92 = tpu.memref_slice %arg2[%dma_wait3A_90, %dma_wait3A_91] : memref<10000x128xf32, #tpu.memory_space<hbm>> -> memref<10000x128xf32, #tpu.memory_space<hbm>>
      tpu.wait_indirect_dma semaphore(%arg15 : memref<!tpu.dma_semaphore, #tpu.memory_space<semaphore_mem>>) src(%dma_wait3A_92 : memref<10000x128xf32, #tpu.memory_space<hbm>>) dst(%arg9 : memref<128x128xf32, #tpu.memory_space<vmem>>)
      %dma_wait3A_93 = arith.constant 0 : i32
      %dma_wait3A_94 = arith.constant 0 : i32
      %dma_wait3A_95 = arith.constant 0 : i32
      %dma_wait3A_96 = tpu.memref_slice %arg7[%dma_wait3A_93, %dma_wait3A_94, %dma_wait3A_95] : memref<79x1x128xi32, #tpu.memory_space<vmem>> -> memref<1x1x128xi32, #tpu.memory_space<vmem>>
      %dma_wait3A_97 = tpu.memref_squeeze %dma_wait3A_96 : memref<1x1x128xi32, #tpu.memory_space<vmem>> -> memref<128xi32, #tpu.memory_space<vmem>>
      %dma_wait3A_98 = arith.constant 0 : i32
      %dma_wait3A_99 = arith.constant 0 : i32
      %dma_wait3A_100 = tpu.memref_slice %arg2[%dma_wait3A_98, %dma_wait3A_99] : memref<10000x128xf32, #tpu.memory_space<hbm>> -> memref<10000x128xf32, #tpu.memory_space<hbm>>
      tpu.wait_indirect_dma semaphore(%arg15 : memref<!tpu.dma_semaphore, #tpu.memory_space<semaphore_mem>>) src(%dma_wait3A_100 : memref<10000x128xf32, #tpu.memory_space<hbm>>) dst(%arg10 : memref<128x128xf32, #tpu.memory_space<vmem>>)
      %ge3A_101 = arith.constant 2 : i32
      %ge3A_102 = arith.cmpi sge, %add3A_85, %ge3A_101 : i32
      %convert_element_type3A_103 = arith.extui %ge3A_102 : i1 to i32
      %cond3A_104 = arith.constant 0 : i32
      %cond3A_105 = arith.cmpi ne, %convert_element_type3A_103, %cond3A_104 : i32
      scf.if %cond3A_105 {
        %dma_wait3A_127 = arith.constant 0 : i32
        %dma_wait3A_128 = arith.constant 0 : i32
        %dma_wait3A_129 = tpu.memref_slice %arg6[%dma_wait3A_127, %dma_wait3A_128] : memref<320000x128xf32, #tpu.memory_space<hbm>> -> memref<128x128xf32, #tpu.memory_space<hbm>>
        %dma_wait3A_130 = arith.constant 0 : i32
        %dma_wait3A_131 = arith.constant 0 : i32
        %dma_wait3A_132 = tpu.memref_slice %arg6[%dma_wait3A_130, %dma_wait3A_131] : memref<320000x128xf32, #tpu.memory_space<hbm>> -> memref<128x128xf32, #tpu.memory_space<hbm>>
        tpu.wait_dma2 semaphore(%arg17 : memref<!tpu.dma_semaphore, #tpu.memory_space<semaphore_mem>>) src(%arg11 : memref<128x128xf32, #tpu.memory_space<vmem>>) dst(%dma_wait3A_132 : memref<128x128xf32, #tpu.memory_space<hbm>>)
      } else {
      }
      %scan3A = arith.constant 0 : i32
      %scan3A_106 = arith.constant 32 : i32
      %scan3A_107 = arith.addi %scan3A, %scan3A_106 : i32
      %scan3A_108 = arith.constant 1 : i32
      scf.for %scan3A_127 = %scan3A to %scan3A_107 step %scan3A_108  : i32 {
        %mul3A_128 = arith.constant 4 : i32
        %mul3A_129 = arith.muli %scan3A_127, %mul3A_128 : i32
        %add3A_130 = arith.constant 0 : i32
        %add3A_131 = arith.addi %add3A_130, %mul3A_129 : i32
        %add3A_132 = arith.constant 0 : i32
        %add3A_133 = arith.addi %add3A_131, %add3A_132 : i32
        %get3A = arith.index_cast %add3A_133 : i32 to index
        %get3A_134 = arith.constant 0 : index
        %get3A_135 = tpu.vector_load %arg10[%get3A, %get3A_134] {strides = array<i32>} : memref<128x128xf32, #tpu.memory_space<vmem>>, vector<1x16xf32>,
        %get3A_136 = vector.shape_cast %get3A_135 : vector<1x16xf32> to vector<16xf32>
        %add3A_137 = arith.constant 0 : i32
        %add3A_138 = arith.addi %add3A_131, %add3A_137 : i32
        %get3A_139 = arith.index_cast %add3A_138 : i32 to index
        %get3A_140 = arith.constant 0 : index
        %get3A_141 = tpu.vector_load %arg9[%get3A_139, %get3A_140] {strides = array<i32>} : memref<128x128xf32, #tpu.memory_space<vmem>>, vector<1x16xf32>,
        %get3A_142 = vector.shape_cast %get3A_141 : vector<1x16xf32> to vector<16xf32>
        %sub3A_143 = arith.subf %get3A_136, %get3A_142 : vector<16xf32>
        %max3A = arith.constant 0.000000e+00 : f32
        %max3A_144 = vector.broadcast %max3A : f32 to vector<16xf32>
        %max3A_145 = arith.maximumf %sub3A_143, %max3A_144 : vector<16xf32>
        %add3A_146 = arith.constant 0 : i32
        %add3A_147 = arith.addi %add3A_131, %add3A_146 : i32
        %swap3A = arith.index_cast %add3A_147 : i32 to index
        %swap3A_148 = arith.constant 0 : index
        %swap3A_149 = tpu.vector_load %arg11[%swap3A, %swap3A_148] {strides = array<i32>} : memref<128x128xf32, #tpu.memory_space<vmem>>, vector<1x16xf32>,
        %swap3A_150 = vector.shape_cast %swap3A_149 : vector<1x16xf32> to vector<16xf32>
        %swap3A_151 = vector.shape_cast %max3A_145 : vector<16xf32> to vector<1x16xf32>
        tpu.vector_store %arg11[%swap3A, %swap3A_148], %swap3A_151 {strides = array<i32>} : memref<128x128xf32, #tpu.memory_space<vmem>>, vector<1x16xf32>,
        %add3A_152 = arith.constant 0 : i32
        %add3A_153 = arith.addi %add3A_131, %add3A_152 : i32
        %get3A_154 = arith.index_cast %add3A_153 : i32 to index
        %get3A_155 = arith.constant 16 : index
        %get3A_156 = tpu.vector_load %arg10[%get3A_154, %get3A_155] {strides = array<i32>} : memref<128x128xf32, #tpu.memory_space<vmem>>, vector<1x16xf32>,
        %get3A_157 = vector.shape_cast %get3A_156 : vector<1x16xf32> to vector<16xf32>
        %add3A_158 = arith.constant 0 : i32
        %add3A_159 = arith.addi %add3A_131, %add3A_158 : i32
        %get3A_160 = arith.index_cast %add3A_159 : i32 to index
        %get3A_161 = arith.constant 16 : index
        %get3A_162 = tpu.vector_load %arg9[%get3A_160, %get3A_161] {strides = array<i32>} : memref<128x128xf32, #tpu.memory_space<vmem>>, vector<1x16xf32>,
        %get3A_163 = vector.shape_cast %get3A_162 : vector<1x16xf32> to vector<16xf32>
        %sub3A_164 = arith.subf %get3A_157, %get3A_163 : vector<16xf32>
        %max3A_165 = arith.constant 0.000000e+00 : f32
        %max3A_166 = vector.broadcast %max3A_165 : f32 to vector<16xf32>
        %max3A_167 = arith.maximumf %sub3A_164, %max3A_166 : vector<16xf32>
        %add3A_168 = arith.constant 0 : i32
        %add3A_169 = arith.addi %add3A_131, %add3A_168 : i32
        %swap3A_170 = arith.index_cast %add3A_169 : i32 to index
        %swap3A_171 = arith.constant 16 : index
        %swap3A_172 = tpu.vector_load %arg11[%swap3A_170, %swap3A_171] {strides = array<i32>} : memref<128x128xf32, #tpu.memory_space<vmem>>, vector<1x16xf32>,
        %swap3A_173 = vector.shape_cast %swap3A_172 : vector<1x16xf32> to vector<16xf32>
        %swap3A_174 = vector.shape_cast %max3A_167 : vector<16xf32> to vector<1x16xf32>
        tpu.vector_store %arg11[%swap3A_170, %swap3A_171], %swap3A_174 {strides = array<i32>} : memref<128x128xf32, #tpu.memory_space<vmem>>, vector<1x16xf32>,
        %add3A_175 = arith.constant 0 : i32
        %add3A_176 = arith.addi %add3A_131, %add3A_175 : i32
        %get3A_177 = arith.index_cast %add3A_176 : i32 to index
        %get3A_178 = arith.constant 32 : index
        %get3A_179 = tpu.vector_load %arg10[%get3A_177, %get3A_178] {strides = array<i32>} : memref<128x128xf32, #tpu.memory_space<vmem>>, vector<1x16xf32>,
        %get3A_180 = vector.shape_cast %get3A_179 : vector<1x16xf32> to vector<16xf32>
        %add3A_181 = arith.constant 0 : i32
        %add3A_182 = arith.addi %add3A_131, %add3A_181 : i32
        %get3A_183 = arith.index_cast %add3A_182 : i32 to index
        %get3A_184 = arith.constant 32 : index
        %get3A_185 = tpu.vector_load %arg9[%get3A_183, %get3A_184] {strides = array<i32>} : memref<128x128xf32, #tpu.memory_space<vmem>>, vector<1x16xf32>,
        %get3A_186 = vector.shape_cast %get3A_185 : vector<1x16xf32> to vector<16xf32>
        %sub3A_187 = arith.subf %get3A_180, %get3A_186 : vector<16xf32>
        %max3A_188 = arith.constant 0.000000e+00 : f32
        %max3A_189 = vector.broadcast %max3A_188 : f32 to vector<16xf32>
        %max3A_190 = arith.maximumf %sub3A_187, %max3A_189 : vector<16xf32>
        %add3A_191 = arith.constant 0 : i32
        %add3A_192 = arith.addi %add3A_131, %add3A_191 : i32
        %swap3A_193 = arith.index_cast %add3A_192 : i32 to index
        %swap3A_194 = arith.constant 32 : index
        %swap3A_195 = tpu.vector_load %arg11[%swap3A_193, %swap3A_194] {strides = array<i32>} : memref<128x128xf32, #tpu.memory_space<vmem>>, vector<1x16xf32>,
        %swap3A_196 = vector.shape_cast %swap3A_195 : vector<1x16xf32> to vector<16xf32>
        %swap3A_197 = vector.shape_cast %max3A_190 : vector<16xf32> to vector<1x16xf32>
        tpu.vector_store %arg11[%swap3A_193, %swap3A_194], %swap3A_197 {strides = array<i32>} : memref<128x128xf32, #tpu.memory_space<vmem>>, vector<1x16xf32>,
        %add3A_198 = arith.constant 0 : i32
        %add3A_199 = arith.addi %add3A_131, %add3A_198 : i32
        %get3A_200 = arith.index_cast %add3A_199 : i32 to index
        %get3A_201 = arith.constant 48 : index
        %get3A_202 = tpu.vector_load %arg10[%get3A_200, %get3A_201] {strides = array<i32>} : memref<128x128xf32, #tpu.memory_space<vmem>>, vector<1x16xf32>,
        %get3A_203 = vector.shape_cast %get3A_202 : vector<1x16xf32> to vector<16xf32>
        %add3A_204 = arith.constant 0 : i32
        %add3A_205 = arith.addi %add3A_131, %add3A_204 : i32
        %get3A_206 = arith.index_cast %add3A_205 : i32 to index
        %get3A_207 = arith.constant 48 : index
        %get3A_208 = tpu.vector_load %arg9[%get3A_206, %get3A_207] {strides = array<i32>} : memref<128x128xf32, #tpu.memory_space<vmem>>, vector<1x16xf32>,
        %get3A_209 = vector.shape_cast %get3A_208 : vector<1x16xf32> to vector<16xf32>
        %sub3A_210 = arith.subf %get3A_203, %get3A_209 : vector<16xf32>
        %max3A_211 = arith.constant 0.000000e+00 : f32
        %max3A_212 = vector.broadcast %max3A_211 : f32 to vector<16xf32>
        %max3A_213 = arith.maximumf %sub3A_210, %max3A_212 : vector<16xf32>
        %add3A_214 = arith.constant 0 : i32
        %add3A_215 = arith.addi %add3A_131, %add3A_214 : i32
        %swap3A_216 = arith.index_cast %add3A_215 : i32 to index
        %swap3A_217 = arith.constant 48 : index
        %swap3A_218 = tpu.vector_load %arg11[%swap3A_216, %swap3A_217] {strides = array<i32>} : memref<128x128xf32, #tpu.memory_space<vmem>>, vector<1x16xf32>,
        %swap3A_219 = vector.shape_cast %swap3A_218 : vector<1x16xf32> to vector<16xf32>
        %swap3A_220 = vector.shape_cast %max3A_213 : vector<16xf32> to vector<1x16xf32>
        tpu.vector_store %arg11[%swap3A_216, %swap3A_217], %swap3A_220 {strides = array<i32>} : memref<128x128xf32, #tpu.memory_space<vmem>>, vector<1x16xf32>,
        %add3A_221 = arith.constant 0 : i32
        %add3A_222 = arith.addi %add3A_131, %add3A_221 : i32
        %get3A_223 = arith.index_cast %add3A_222 : i32 to index
        %get3A_224 = arith.constant 64 : index
        %get3A_225 = tpu.vector_load %arg10[%get3A_223, %get3A_224] {strides = array<i32>} : memref<128x128xf32, #tpu.memory_space<vmem>>, vector<1x16xf32>,
        %get3A_226 = vector.shape_cast %get3A_225 : vector<1x16xf32> to vector<16xf32>
        %add3A_227 = arith.constant 0 : i32
        %add3A_228 = arith.addi %add3A_131, %add3A_227 : i32
        %get3A_229 = arith.index_cast %add3A_228 : i32 to index
        %get3A_230 = arith.constant 64 : index
        %get3A_231 = tpu.vector_load %arg9[%get3A_229, %get3A_230] {strides = array<i32>} : memref<128x128xf32, #tpu.memory_space<vmem>>, vector<1x16xf32>,
        %get3A_232 = vector.shape_cast %get3A_231 : vector<1x16xf32> to vector<16xf32>
        %sub3A_233 = arith.subf %get3A_226, %get3A_232 : vector<16xf32>
        %max3A_234 = arith.constant 0.000000e+00 : f32
        %max3A_235 = vector.broadcast %max3A_234 : f32 to vector<16xf32>
        %max3A_236 = arith.maximumf %sub3A_233, %max3A_235 : vector<16xf32>
        %add3A_237 = arith.constant 0 : i32
        %add3A_238 = arith.addi %add3A_131, %add3A_237 : i32
        %swap3A_239 = arith.index_cast %add3A_238 : i32 to index
        %swap3A_240 = arith.constant 64 : index
        %swap3A_241 = tpu.vector_load %arg11[%swap3A_239, %swap3A_240] {strides = array<i32>} : memref<128x128xf32, #tpu.memory_space<vmem>>, vector<1x16xf32>,
        %swap3A_242 = vector.shape_cast %swap3A_241 : vector<1x16xf32> to vector<16xf32>
        %swap3A_243 = vector.shape_cast %max3A_236 : vector<16xf32> to vector<1x16xf32>
        tpu.vector_store %arg11[%swap3A_239, %swap3A_240], %swap3A_243 {strides = array<i32>} : memref<128x128xf32, #tpu.memory_space<vmem>>, vector<1x16xf32>,
        %add3A_244 = arith.constant 0 : i32
        %add3A_245 = arith.addi %add3A_131, %add3A_244 : i32
        %get3A_246 = arith.index_cast %add3A_245 : i32 to index
        %get3A_247 = arith.constant 80 : index
        %get3A_248 = tpu.vector_load %arg10[%get3A_246, %get3A_247] {strides = array<i32>} : memref<128x128xf32, #tpu.memory_space<vmem>>, vector<1x16xf32>,
        %get3A_249 = vector.shape_cast %get3A_248 : vector<1x16xf32> to vector<16xf32>
        %add3A_250 = arith.constant 0 : i32
        %add3A_251 = arith.addi %add3A_131, %add3A_250 : i32
        %get3A_252 = arith.index_cast %add3A_251 : i32 to index
        %get3A_253 = arith.constant 80 : index
        %get3A_254 = tpu.vector_load %arg9[%get3A_252, %get3A_253] {strides = array<i32>} : memref<128x128xf32, #tpu.memory_space<vmem>>, vector<1x16xf32>,
        %get3A_255 = vector.shape_cast %get3A_254 : vector<1x16xf32> to vector<16xf32>
        %sub3A_256 = arith.subf %get3A_249, %get3A_255 : vector<16xf32>
        %max3A_257 = arith.constant 0.000000e+00 : f32
        %max3A_258 = vector.broadcast %max3A_257 : f32 to vector<16xf32>
        %max3A_259 = arith.maximumf %sub3A_256, %max3A_258 : vector<16xf32>
        %add3A_260 = arith.constant 0 : i32
        %add3A_261 = arith.addi %add3A_131, %add3A_260 : i32
        %swap3A_262 = arith.index_cast %add3A_261 : i32 to index
        %swap3A_263 = arith.constant 80 : index
        %swap3A_264 = tpu.vector_load %arg11[%swap3A_262, %swap3A_263] {strides = array<i32>} : memref<128x128xf32, #tpu.memory_space<vmem>>, vector<1x16xf32>,
        %swap3A_265 = vector.shape_cast %swap3A_264 : vector<1x16xf32> to vector<16xf32>
        %swap3A_266 = vector.shape_cast %max3A_259 : vector<16xf32> to vector<1x16xf32>
        tpu.vector_store %arg11[%swap3A_262, %swap3A_263], %swap3A_266 {strides = array<i32>} : memref<128x128xf32, #tpu.memory_space<vmem>>, vector<1x16xf32>,
        %add3A_267 = arith.constant 0 : i32
        %add3A_268 = arith.addi %add3A_131, %add3A_267 : i32
        %get3A_269 = arith.index_cast %add3A_268 : i32 to index
        %get3A_270 = arith.constant 96 : index
        %get3A_271 = tpu.vector_load %arg10[%get3A_269, %get3A_270] {strides = array<i32>} : memref<128x128xf32, #tpu.memory_space<vmem>>, vector<1x16xf32>,
        %get3A_272 = vector.shape_cast %get3A_271 : vector<1x16xf32> to vector<16xf32>
        %add3A_273 = arith.constant 0 : i32
        %add3A_274 = arith.addi %add3A_131, %add3A_273 : i32
        %get3A_275 = arith.index_cast %add3A_274 : i32 to index
        %get3A_276 = arith.constant 96 : index
        %get3A_277 = tpu.vector_load %arg9[%get3A_275, %get3A_276] {strides = array<i32>} : memref<128x128xf32, #tpu.memory_space<vmem>>, vector<1x16xf32>,
        %get3A_278 = vector.shape_cast %get3A_277 : vector<1x16xf32> to vector<16xf32>
        %sub3A_279 = arith.subf %get3A_272, %get3A_278 : vector<16xf32>
        %max3A_280 = arith.constant 0.000000e+00 : f32
        %max3A_281 = vector.broadcast %max3A_280 : f32 to vector<16xf32>
        %max3A_282 = arith.maximumf %sub3A_279, %max3A_281 : vector<16xf32>
        %add3A_283 = arith.constant 0 : i32
        %add3A_284 = arith.addi %add3A_131, %add3A_283 : i32
        %swap3A_285 = arith.index_cast %add3A_284 : i32 to index
        %swap3A_286 = arith.constant 96 : index
        %swap3A_287 = tpu.vector_load %arg11[%swap3A_285, %swap3A_286] {strides = array<i32>} : memref<128x128xf32, #tpu.memory_space<vmem>>, vector<1x16xf32>,
        %swap3A_288 = vector.shape_cast %swap3A_287 : vector<1x16xf32> to vector<16xf32>
        %swap3A_289 = vector.shape_cast %max3A_282 : vector<16xf32> to vector<1x16xf32>
        tpu.vector_store %arg11[%swap3A_285, %swap3A_286], %swap3A_289 {strides = array<i32>} : memref<128x128xf32, #tpu.memory_space<vmem>>, vector<1x16xf32>,
        %add3A_290 = arith.constant 0 : i32
        %add3A_291 = arith.addi %add3A_131, %add3A_290 : i32
        %get3A_292 = arith.index_cast %add3A_291 : i32 to index
        %get3A_293 = arith.constant 112 : index
        %get3A_294 = tpu.vector_load %arg10[%get3A_292, %get3A_293] {strides = array<i32>} : memref<128x128xf32, #tpu.memory_space<vmem>>, vector<1x16xf32>,
        %get3A_295 = vector.shape_cast %get3A_294 : vector<1x16xf32> to vector<16xf32>
        %add3A_296 = arith.constant 0 : i32
        %add3A_297 = arith.addi %add3A_131, %add3A_296 : i32
        %get3A_298 = arith.index_cast %add3A_297 : i32 to index
        %get3A_299 = arith.constant 112 : index
        %get3A_300 = tpu.vector_load %arg9[%get3A_298, %get3A_299] {strides = array<i32>} : memref<128x128xf32, #tpu.memory_space<vmem>>, vector<1x16xf32>,
        %get3A_301 = vector.shape_cast %get3A_300 : vector<1x16xf32> to vector<16xf32>
        %sub3A_302 = arith.subf %get3A_295, %get3A_301 : vector<16xf32>
        %max3A_303 = arith.constant 0.000000e+00 : f32
        %max3A_304 = vector.broadcast %max3A_303 : f32 to vector<16xf32>
        %max3A_305 = arith.maximumf %sub3A_302, %max3A_304 : vector<16xf32>
        %add3A_306 = arith.constant 0 : i32
        %add3A_307 = arith.addi %add3A_131, %add3A_306 : i32
        %swap3A_308 = arith.index_cast %add3A_307 : i32 to index
        %swap3A_309 = arith.constant 112 : index
        %swap3A_310 = tpu.vector_load %arg11[%swap3A_308, %swap3A_309] {strides = array<i32>} : memref<128x128xf32, #tpu.memory_space<vmem>>, vector<1x16xf32>,
        %swap3A_311 = vector.shape_cast %swap3A_310 : vector<1x16xf32> to vector<16xf32>
        %swap3A_312 = vector.shape_cast %max3A_305 : vector<16xf32> to vector<1x16xf32>
        tpu.vector_store %arg11[%swap3A_308, %swap3A_309], %swap3A_312 {strides = array<i32>} : memref<128x128xf32, #tpu.memory_space<vmem>>, vector<1x16xf32>,
        %add3A_313 = arith.constant 1 : i32
        %add3A_314 = arith.addi %add3A_131, %add3A_313 : i32
        %get3A_315 = arith.index_cast %add3A_314 : i32 to index
        %get3A_316 = arith.constant 0 : index
        %get3A_317 = tpu.vector_load %arg10[%get3A_315, %get3A_316] {strides = array<i32>} : memref<128x128xf32, #tpu.memory_space<vmem>>, vector<1x16xf32>,
        %get3A_318 = vector.shape_cast %get3A_317 : vector<1x16xf32> to vector<16xf32>
        %add3A_319 = arith.constant 1 : i32
        %add3A_320 = arith.addi %add3A_131, %add3A_319 : i32
        %get3A_321 = arith.index_cast %add3A_320 : i32 to index
        %get3A_322 = arith.constant 0 : index
        %get3A_323 = tpu.vector_load %arg9[%get3A_321, %get3A_322] {strides = array<i32>} : memref<128x128xf32, #tpu.memory_space<vmem>>, vector<1x16xf32>,
        %get3A_324 = vector.shape_cast %get3A_323 : vector<1x16xf32> to vector<16xf32>
        %sub3A_325 = arith.subf %get3A_318, %get3A_324 : vector<16xf32>
        %max3A_326 = arith.constant 0.000000e+00 : f32
        %max3A_327 = vector.broadcast %max3A_326 : f32 to vector<16xf32>
        %max3A_328 = arith.maximumf %sub3A_325, %max3A_327 : vector<16xf32>
        %add3A_329 = arith.constant 1 : i32
        %add3A_330 = arith.addi %add3A_131, %add3A_329 : i32
        %swap3A_331 = arith.index_cast %add3A_330 : i32 to index
        %swap3A_332 = arith.constant 0 : index
        %swap3A_333 = tpu.vector_load %arg11[%swap3A_331, %swap3A_332] {strides = array<i32>} : memref<128x128xf32, #tpu.memory_space<vmem>>, vector<1x16xf32>,
        %swap3A_334 = vector.shape_cast %swap3A_333 : vector<1x16xf32> to vector<16xf32>
        %swap3A_335 = vector.shape_cast %max3A_328 : vector<16xf32> to vector<1x16xf32>
        tpu.vector_store %arg11[%swap3A_331, %swap3A_332], %swap3A_335 {strides = array<i32>} : memref<128x128xf32, #tpu.memory_space<vmem>>, vector<1x16xf32>,
        %add3A_336 = arith.constant 1 : i32
        %add3A_337 = arith.addi %add3A_131, %add3A_336 : i32
        %get3A_338 = arith.index_cast %add3A_337 : i32 to index
        %get3A_339 = arith.constant 16 : index
        %get3A_340 = tpu.vector_load %arg10[%get3A_338, %get3A_339] {strides = array<i32>} : memref<128x128xf32, #tpu.memory_space<vmem>>, vector<1x16xf32>,
        %get3A_341 = vector.shape_cast %get3A_340 : vector<1x16xf32> to vector<16xf32>
        %add3A_342 = arith.constant 1 : i32
        %add3A_343 = arith.addi %add3A_131, %add3A_342 : i32
        %get3A_344 = arith.index_cast %add3A_343 : i32 to index
        %get3A_345 = arith.constant 16 : index
        %get3A_346 = tpu.vector_load %arg9[%get3A_344, %get3A_345] {strides = array<i32>} : memref<128x128xf32, #tpu.memory_space<vmem>>, vector<1x16xf32>,
        %get3A_347 = vector.shape_cast %get3A_346 : vector<1x16xf32> to vector<16xf32>
        %sub3A_348 = arith.subf %get3A_341, %get3A_347 : vector<16xf32>
        %max3A_349 = arith.constant 0.000000e+00 : f32
        %max3A_350 = vector.broadcast %max3A_349 : f32 to vector<16xf32>
        %max3A_351 = arith.maximumf %sub3A_348, %max3A_350 : vector<16xf32>
        %add3A_352 = arith.constant 1 : i32
        %add3A_353 = arith.addi %add3A_131, %add3A_352 : i32
        %swap3A_354 = arith.index_cast %add3A_353 : i32 to index
        %swap3A_355 = arith.constant 16 : index
        %swap3A_356 = tpu.vector_load %arg11[%swap3A_354, %swap3A_355] {strides = array<i32>} : memref<128x128xf32, #tpu.memory_space<vmem>>, vector<1x16xf32>,
        %swap3A_357 = vector.shape_cast %swap3A_356 : vector<1x16xf32> to vector<16xf32>
        %swap3A_358 = vector.shape_cast %max3A_351 : vector<16xf32> to vector<1x16xf32>
        tpu.vector_store %arg11[%swap3A_354, %swap3A_355], %swap3A_358 {strides = array<i32>} : memref<128x128xf32, #tpu.memory_space<vmem>>, vector<1x16xf32>,
        %add3A_359 = arith.constant 1 : i32
        %add3A_360 = arith.addi %add3A_131, %add3A_359 : i32
        %get3A_361 = arith.index_cast %add3A_360 : i32 to index
        %get3A_362 = arith.constant 32 : index
        %get3A_363 = tpu.vector_load %arg10[%get3A_361, %get3A_362] {strides = array<i32>} : memref<128x128xf32, #tpu.memory_space<vmem>>, vector<1x16xf32>,
        %get3A_364 = vector.shape_cast %get3A_363 : vector<1x16xf32> to vector<16xf32>
        %add3A_365 = arith.constant 1 : i32
        %add3A_366 = arith.addi %add3A_131, %add3A_365 : i32
        %get3A_367 = arith.index_cast %add3A_366 : i32 to index
        %get3A_368 = arith.constant 32 : index
        %get3A_369 = tpu.vector_load %arg9[%get3A_367, %get3A_368] {strides = array<i32>} : memref<128x128xf32, #tpu.memory_space<vmem>>, vector<1x16xf32>,
        %get3A_370 = vector.shape_cast %get3A_369 : vector<1x16xf32> to vector<16xf32>
        %sub3A_371 = arith.subf %get3A_364, %get3A_370 : vector<16xf32>
        %max3A_372 = arith.constant 0.000000e+00 : f32
        %max3A_373 = vector.broadcast %max3A_372 : f32 to vector<16xf32>
        %max3A_374 = arith.maximumf %sub3A_371, %max3A_373 : vector<16xf32>
        %add3A_375 = arith.constant 1 : i32
        %add3A_376 = arith.addi %add3A_131, %add3A_375 : i32
        %swap3A_377 = arith.index_cast %add3A_376 : i32 to index
        %swap3A_378 = arith.constant 32 : index
        %swap3A_379 = tpu.vector_load %arg11[%swap3A_377, %swap3A_378] {strides = array<i32>} : memref<128x128xf32, #tpu.memory_space<vmem>>, vector<1x16xf32>,
        %swap3A_380 = vector.shape_cast %swap3A_379 : vector<1x16xf32> to vector<16xf32>
        %swap3A_381 = vector.shape_cast %max3A_374 : vector<16xf32> to vector<1x16xf32>
        tpu.vector_store %arg11[%swap3A_377, %swap3A_378], %swap3A_381 {strides = array<i32>} : memref<128x128xf32, #tpu.memory_space<vmem>>, vector<1x16xf32>,
        %add3A_382 = arith.constant 1 : i32
        %add3A_383 = arith.addi %add3A_131, %add3A_382 : i32
        %get3A_384 = arith.index_cast %add3A_383 : i32 to index
        %get3A_385 = arith.constant 48 : index
        %get3A_386 = tpu.vector_load %arg10[%get3A_384, %get3A_385] {strides = array<i32>} : memref<128x128xf32, #tpu.memory_space<vmem>>, vector<1x16xf32>,
        %get3A_387 = vector.shape_cast %get3A_386 : vector<1x16xf32> to vector<16xf32>
        %add3A_388 = arith.constant 1 : i32
        %add3A_389 = arith.addi %add3A_131, %add3A_388 : i32
        %get3A_390 = arith.index_cast %add3A_389 : i32 to index
        %get3A_391 = arith.constant 48 : index
        %get3A_392 = tpu.vector_load %arg9[%get3A_390, %get3A_391] {strides = array<i32>} : memref<128x128xf32, #tpu.memory_space<vmem>>, vector<1x16xf32>,
        %get3A_393 = vector.shape_cast %get3A_392 : vector<1x16xf32> to vector<16xf32>
        %sub3A_394 = arith.subf %get3A_387, %get3A_393 : vector<16xf32>
        %max3A_395 = arith.constant 0.000000e+00 : f32
        %max3A_396 = vector.broadcast %max3A_395 : f32 to vector<16xf32>
        %max3A_397 = arith.maximumf %sub3A_394, %max3A_396 : vector<16xf32>
        %add3A_398 = arith.constant 1 : i32
        %add3A_399 = arith.addi %add3A_131, %add3A_398 : i32
        %swap3A_400 = arith.index_cast %add3A_399 : i32 to index
        %swap3A_401 = arith.constant 48 : index
        %swap3A_402 = tpu.vector_load %arg11[%swap3A_400, %swap3A_401] {strides = array<i32>} : memref<128x128xf32, #tpu.memory_space<vmem>>, vector<1x16xf32>,
        %swap3A_403 = vector.shape_cast %swap3A_402 : vector<1x16xf32> to vector<16xf32>
        %swap3A_404 = vector.shape_cast %max3A_397 : vector<16xf32> to vector<1x16xf32>
        tpu.vector_store %arg11[%swap3A_400, %swap3A_401], %swap3A_404 {strides = array<i32>} : memref<128x128xf32, #tpu.memory_space<vmem>>, vector<1x16xf32>,
        %add3A_405 = arith.constant 1 : i32
        %add3A_406 = arith.addi %add3A_131, %add3A_405 : i32
        %get3A_407 = arith.index_cast %add3A_406 : i32 to index
        %get3A_408 = arith.constant 64 : index
        %get3A_409 = tpu.vector_load %arg10[%get3A_407, %get3A_408] {strides = array<i32>} : memref<128x128xf32, #tpu.memory_space<vmem>>, vector<1x16xf32>,
        %get3A_410 = vector.shape_cast %get3A_409 : vector<1x16xf32> to vector<16xf32>
        %add3A_411 = arith.constant 1 : i32
        %add3A_412 = arith.addi %add3A_131, %add3A_411 : i32
        %get3A_413 = arith.index_cast %add3A_412 : i32 to index
        %get3A_414 = arith.constant 64 : index
        %get3A_415 = tpu.vector_load %arg9[%get3A_413, %get3A_414] {strides = array<i32>} : memref<128x128xf32, #tpu.memory_space<vmem>>, vector<1x16xf32>,
        %get3A_416 = vector.shape_cast %get3A_415 : vector<1x16xf32> to vector<16xf32>
        %sub3A_417 = arith.subf %get3A_410, %get3A_416 : vector<16xf32>
        %max3A_418 = arith.constant 0.000000e+00 : f32
        %max3A_419 = vector.broadcast %max3A_418 : f32 to vector<16xf32>
        %max3A_420 = arith.maximumf %sub3A_417, %max3A_419 : vector<16xf32>
        %add3A_421 = arith.constant 1 : i32
        %add3A_422 = arith.addi %add3A_131, %add3A_421 : i32
        %swap3A_423 = arith.index_cast %add3A_422 : i32 to index
        %swap3A_424 = arith.constant 64 : index
        %swap3A_425 = tpu.vector_load %arg11[%swap3A_423, %swap3A_424] {strides = array<i32>} : memref<128x128xf32, #tpu.memory_space<vmem>>, vector<1x16xf32>,
        %swap3A_426 = vector.shape_cast %swap3A_425 : vector<1x16xf32> to vector<16xf32>
        %swap3A_427 = vector.shape_cast %max3A_420 : vector<16xf32> to vector<1x16xf32>
        tpu.vector_store %arg11[%swap3A_423, %swap3A_424], %swap3A_427 {strides = array<i32>} : memref<128x128xf32, #tpu.memory_space<vmem>>, vector<1x16xf32>,
        %add3A_428 = arith.constant 1 : i32
        %add3A_429 = arith.addi %add3A_131, %add3A_428 : i32
        %get3A_430 = arith.index_cast %add3A_429 : i32 to index
        %get3A_431 = arith.constant 80 : index
        %get3A_432 = tpu.vector_load %arg10[%get3A_430, %get3A_431] {strides = array<i32>} : memref<128x128xf32, #tpu.memory_space<vmem>>, vector<1x16xf32>,
        %get3A_433 = vector.shape_cast %get3A_432 : vector<1x16xf32> to vector<16xf32>
        %add3A_434 = arith.constant 1 : i32
        %add3A_435 = arith.addi %add3A_131, %add3A_434 : i32
        %get3A_436 = arith.index_cast %add3A_435 : i32 to index
        %get3A_437 = arith.constant 80 : index
        %get3A_438 = tpu.vector_load %arg9[%get3A_436, %get3A_437] {strides = array<i32>} : memref<128x128xf32, #tpu.memory_space<vmem>>, vector<1x16xf32>,
        %get3A_439 = vector.shape_cast %get3A_438 : vector<1x16xf32> to vector<16xf32>
        %sub3A_440 = arith.subf %get3A_433, %get3A_439 : vector<16xf32>
        %max3A_441 = arith.constant 0.000000e+00 : f32
        %max3A_442 = vector.broadcast %max3A_441 : f32 to vector<16xf32>
        %max3A_443 = arith.maximumf %sub3A_440, %max3A_442 : vector<16xf32>
        %add3A_444 = arith.constant 1 : i32
        %add3A_445 = arith.addi %add3A_131, %add3A_444 : i32
        %swap3A_446 = arith.index_cast %add3A_445 : i32 to index
        %swap3A_447 = arith.constant 80 : index
        %swap3A_448 = tpu.vector_load %arg11[%swap3A_446, %swap3A_447] {strides = array<i32>} : memref<128x128xf32, #tpu.memory_space<vmem>>, vector<1x16xf32>,
        %swap3A_449 = vector.shape_cast %swap3A_448 : vector<1x16xf32> to vector<16xf32>
        %swap3A_450 = vector.shape_cast %max3A_443 : vector<16xf32> to vector<1x16xf32>
        tpu.vector_store %arg11[%swap3A_446, %swap3A_447], %swap3A_450 {strides = array<i32>} : memref<128x128xf32, #tpu.memory_space<vmem>>, vector<1x16xf32>,
        %add3A_451 = arith.constant 1 : i32
        %add3A_452 = arith.addi %add3A_131, %add3A_451 : i32
        %get3A_453 = arith.index_cast %add3A_452 : i32 to index
        %get3A_454 = arith.constant 96 : index
        %get3A_455 = tpu.vector_load %arg10[%get3A_453, %get3A_454] {strides = array<i32>} : memref<128x128xf32, #tpu.memory_space<vmem>>, vector<1x16xf32>,
        %get3A_456 = vector.shape_cast %get3A_455 : vector<1x16xf32> to vector<16xf32>
        %add3A_457 = arith.constant 1 : i32
        %add3A_458 = arith.addi %add3A_131, %add3A_457 : i32
        %get3A_459 = arith.index_cast %add3A_458 : i32 to index
        %get3A_460 = arith.constant 96 : index
        %get3A_461 = tpu.vector_load %arg9[%get3A_459, %get3A_460] {strides = array<i32>} : memref<128x128xf32, #tpu.memory_space<vmem>>, vector<1x16xf32>,
        %get3A_462 = vector.shape_cast %get3A_461 : vector<1x16xf32> to vector<16xf32>
        %sub3A_463 = arith.subf %get3A_456, %get3A_462 : vector<16xf32>
        %max3A_464 = arith.constant 0.000000e+00 : f32
        %max3A_465 = vector.broadcast %max3A_464 : f32 to vector<16xf32>
        %max3A_466 = arith.maximumf %sub3A_463, %max3A_465 : vector<16xf32>
        %add3A_467 = arith.constant 1 : i32
        %add3A_468 = arith.addi %add3A_131, %add3A_467 : i32
        %swap3A_469 = arith.index_cast %add3A_468 : i32 to index
        %swap3A_470 = arith.constant 96 : index
        %swap3A_471 = tpu.vector_load %arg11[%swap3A_469, %swap3A_470] {strides = array<i32>} : memref<128x128xf32, #tpu.memory_space<vmem>>, vector<1x16xf32>,
        %swap3A_472 = vector.shape_cast %swap3A_471 : vector<1x16xf32> to vector<16xf32>
        %swap3A_473 = vector.shape_cast %max3A_466 : vector<16xf32> to vector<1x16xf32>
        tpu.vector_store %arg11[%swap3A_469, %swap3A_470], %swap3A_473 {strides = array<i32>} : memref<128x128xf32, #tpu.memory_space<vmem>>, vector<1x16xf32>,
        %add3A_474 = arith.constant 1 : i32
        %add3A_475 = arith.addi %add3A_131, %add3A_474 : i32
        %get3A_476 = arith.index_cast %add3A_475 : i32 to index
        %get3A_477 = arith.constant 112 : index
        %get3A_478 = tpu.vector_load %arg10[%get3A_476, %get3A_477] {strides = array<i32>} : memref<128x128xf32, #tpu.memory_space<vmem>>, vector<1x16xf32>,
        %get3A_479 = vector.shape_cast %get3A_478 : vector<1x16xf32> to vector<16xf32>
        %add3A_480 = arith.constant 1 : i32
        %add3A_481 = arith.addi %add3A_131, %add3A_480 : i32
        %get3A_482 = arith.index_cast %add3A_481 : i32 to index
        %get3A_483 = arith.constant 112 : index
        %get3A_484 = tpu.vector_load %arg9[%get3A_482, %get3A_483] {strides = array<i32>} : memref<128x128xf32, #tpu.memory_space<vmem>>, vector<1x16xf32>,
        %get3A_485 = vector.shape_cast %get3A_484 : vector<1x16xf32> to vector<16xf32>
        %sub3A_486 = arith.subf %get3A_479, %get3A_485 : vector<16xf32>
        %max3A_487 = arith.constant 0.000000e+00 : f32
        %max3A_488 = vector.broadcast %max3A_487 : f32 to vector<16xf32>
        %max3A_489 = arith.maximumf %sub3A_486, %max3A_488 : vector<16xf32>
        %add3A_490 = arith.constant 1 : i32
        %add3A_491 = arith.addi %add3A_131, %add3A_490 : i32
        %swap3A_492 = arith.index_cast %add3A_491 : i32 to index
        %swap3A_493 = arith.constant 112 : index
        %swap3A_494 = tpu.vector_load %arg11[%swap3A_492, %swap3A_493] {strides = array<i32>} : memref<128x128xf32, #tpu.memory_space<vmem>>, vector<1x16xf32>,
        %swap3A_495 = vector.shape_cast %swap3A_494 : vector<1x16xf32> to vector<16xf32>
        %swap3A_496 = vector.shape_cast %max3A_489 : vector<16xf32> to vector<1x16xf32>
        tpu.vector_store %arg11[%swap3A_492, %swap3A_493], %swap3A_496 {strides = array<i32>} : memref<128x128xf32, #tpu.memory_space<vmem>>, vector<1x16xf32>,
        %add3A_497 = arith.constant 2 : i32
        %add3A_498 = arith.addi %add3A_131, %add3A_497 : i32
        %get3A_499 = arith.index_cast %add3A_498 : i32 to index
        %get3A_500 = arith.constant 0 : index
        %get3A_501 = tpu.vector_load %arg10[%get3A_499, %get3A_500] {strides = array<i32>} : memref<128x128xf32, #tpu.memory_space<vmem>>, vector<1x16xf32>,
        %get3A_502 = vector.shape_cast %get3A_501 : vector<1x16xf32> to vector<16xf32>
        %add3A_503 = arith.constant 2 : i32
        %add3A_504 = arith.addi %add3A_131, %add3A_503 : i32
        %get3A_505 = arith.index_cast %add3A_504 : i32 to index
        %get3A_506 = arith.constant 0 : index
        %get3A_507 = tpu.vector_load %arg9[%get3A_505, %get3A_506] {strides = array<i32>} : memref<128x128xf32, #tpu.memory_space<vmem>>, vector<1x16xf32>,
        %get3A_508 = vector.shape_cast %get3A_507 : vector<1x16xf32> to vector<16xf32>
        %sub3A_509 = arith.subf %get3A_502, %get3A_508 : vector<16xf32>
        %max3A_510 = arith.constant 0.000000e+00 : f32
        %max3A_511 = vector.broadcast %max3A_510 : f32 to vector<16xf32>
        %max3A_512 = arith.maximumf %sub3A_509, %max3A_511 : vector<16xf32>
        %add3A_513 = arith.constant 2 : i32
        %add3A_514 = arith.addi %add3A_131, %add3A_513 : i32
        %swap3A_515 = arith.index_cast %add3A_514 : i32 to index
        %swap3A_516 = arith.constant 0 : index
        %swap3A_517 = tpu.vector_load %arg11[%swap3A_515, %swap3A_516] {strides = array<i32>} : memref<128x128xf32, #tpu.memory_space<vmem>>, vector<1x16xf32>,
        %swap3A_518 = vector.shape_cast %swap3A_517 : vector<1x16xf32> to vector<16xf32>
        %swap3A_519 = vector.shape_cast %max3A_512 : vector<16xf32> to vector<1x16xf32>
        tpu.vector_store %arg11[%swap3A_515, %swap3A_516], %swap3A_519 {strides = array<i32>} : memref<128x128xf32, #tpu.memory_space<vmem>>, vector<1x16xf32>,
        %add3A_520 = arith.constant 2 : i32
        %add3A_521 = arith.addi %add3A_131, %add3A_520 : i32
        %get3A_522 = arith.index_cast %add3A_521 : i32 to index
        %get3A_523 = arith.constant 16 : index
        %get3A_524 = tpu.vector_load %arg10[%get3A_522, %get3A_523] {strides = array<i32>} : memref<128x128xf32, #tpu.memory_space<vmem>>, vector<1x16xf32>,
        %get3A_525 = vector.shape_cast %get3A_524 : vector<1x16xf32> to vector<16xf32>
        %add3A_526 = arith.constant 2 : i32
        %add3A_527 = arith.addi %add3A_131, %add3A_526 : i32
        %get3A_528 = arith.index_cast %add3A_527 : i32 to index
        %get3A_529 = arith.constant 16 : index
        %get3A_530 = tpu.vector_load %arg9[%get3A_528, %get3A_529] {strides = array<i32>} : memref<128x128xf32, #tpu.memory_space<vmem>>, vector<1x16xf32>,
        %get3A_531 = vector.shape_cast %get3A_530 : vector<1x16xf32> to vector<16xf32>
        %sub3A_532 = arith.subf %get3A_525, %get3A_531 : vector<16xf32>
        %max3A_533 = arith.constant 0.000000e+00 : f32
        %max3A_534 = vector.broadcast %max3A_533 : f32 to vector<16xf32>
        %max3A_535 = arith.maximumf %sub3A_532, %max3A_534 : vector<16xf32>
        %add3A_536 = arith.constant 2 : i32
        %add3A_537 = arith.addi %add3A_131, %add3A_536 : i32
        %swap3A_538 = arith.index_cast %add3A_537 : i32 to index
        %swap3A_539 = arith.constant 16 : index
        %swap3A_540 = tpu.vector_load %arg11[%swap3A_538, %swap3A_539] {strides = array<i32>} : memref<128x128xf32, #tpu.memory_space<vmem>>, vector<1x16xf32>,
        %swap3A_541 = vector.shape_cast %swap3A_540 : vector<1x16xf32> to vector<16xf32>
        %swap3A_542 = vector.shape_cast %max3A_535 : vector<16xf32> to vector<1x16xf32>
        tpu.vector_store %arg11[%swap3A_538, %swap3A_539], %swap3A_542 {strides = array<i32>} : memref<128x128xf32, #tpu.memory_space<vmem>>, vector<1x16xf32>,
        %add3A_543 = arith.constant 2 : i32
        %add3A_544 = arith.addi %add3A_131, %add3A_543 : i32
        %get3A_545 = arith.index_cast %add3A_544 : i32 to index
        %get3A_546 = arith.constant 32 : index
        %get3A_547 = tpu.vector_load %arg10[%get3A_545, %get3A_546] {strides = array<i32>} : memref<128x128xf32, #tpu.memory_space<vmem>>, vector<1x16xf32>,
        %get3A_548 = vector.shape_cast %get3A_547 : vector<1x16xf32> to vector<16xf32>
        %add3A_549 = arith.constant 2 : i32
        %add3A_550 = arith.addi %add3A_131, %add3A_549 : i32
        %get3A_551 = arith.index_cast %add3A_550 : i32 to index
        %get3A_552 = arith.constant 32 : index
        %get3A_553 = tpu.vector_load %arg9[%get3A_551, %get3A_552] {strides = array<i32>} : memref<128x128xf32, #tpu.memory_space<vmem>>, vector<1x16xf32>,
        %get3A_554 = vector.shape_cast %get3A_553 : vector<1x16xf32> to vector<16xf32>
        %sub3A_555 = arith.subf %get3A_548, %get3A_554 : vector<16xf32>
        %max3A_556 = arith.constant 0.000000e+00 : f32
        %max3A_557 = vector.broadcast %max3A_556 : f32 to vector<16xf32>
        %max3A_558 = arith.maximumf %sub3A_555, %max3A_557 : vector<16xf32>
        %add3A_559 = arith.constant 2 : i32
        %add3A_560 = arith.addi %add3A_131, %add3A_559 : i32
        %swap3A_561 = arith.index_cast %add3A_560 : i32 to index
        %swap3A_562 = arith.constant 32 : index
        %swap3A_563 = tpu.vector_load %arg11[%swap3A_561, %swap3A_562] {strides = array<i32>} : memref<128x128xf32, #tpu.memory_space<vmem>>, vector<1x16xf32>,
        %swap3A_564 = vector.shape_cast %swap3A_563 : vector<1x16xf32> to vector<16xf32>
        %swap3A_565 = vector.shape_cast %max3A_558 : vector<16xf32> to vector<1x16xf32>
        tpu.vector_store %arg11[%swap3A_561, %swap3A_562], %swap3A_565 {strides = array<i32>} : memref<128x128xf32, #tpu.memory_space<vmem>>, vector<1x16xf32>,
        %add3A_566 = arith.constant 2 : i32
        %add3A_567 = arith.addi %add3A_131, %add3A_566 : i32
        %get3A_568 = arith.index_cast %add3A_567 : i32 to index
        %get3A_569 = arith.constant 48 : index
        %get3A_570 = tpu.vector_load %arg10[%get3A_568, %get3A_569] {strides = array<i32>} : memref<128x128xf32, #tpu.memory_space<vmem>>, vector<1x16xf32>,
        %get3A_571 = vector.shape_cast %get3A_570 : vector<1x16xf32> to vector<16xf32>
        %add3A_572 = arith.constant 2 : i32
        %add3A_573 = arith.addi %add3A_131, %add3A_572 : i32
        %get3A_574 = arith.index_cast %add3A_573 : i32 to index
        %get3A_575 = arith.constant 48 : index
        %get3A_576 = tpu.vector_load %arg9[%get3A_574, %get3A_575] {strides = array<i32>} : memref<128x128xf32, #tpu.memory_space<vmem>>, vector<1x16xf32>,
        %get3A_577 = vector.shape_cast %get3A_576 : vector<1x16xf32> to vector<16xf32>
        %sub3A_578 = arith.subf %get3A_571, %get3A_577 : vector<16xf32>
        %max3A_579 = arith.constant 0.000000e+00 : f32
        %max3A_580 = vector.broadcast %max3A_579 : f32 to vector<16xf32>
        %max3A_581 = arith.maximumf %sub3A_578, %max3A_580 : vector<16xf32>
        %add3A_582 = arith.constant 2 : i32
        %add3A_583 = arith.addi %add3A_131, %add3A_582 : i32
        %swap3A_584 = arith.index_cast %add3A_583 : i32 to index
        %swap3A_585 = arith.constant 48 : index
        %swap3A_586 = tpu.vector_load %arg11[%swap3A_584, %swap3A_585] {strides = array<i32>} : memref<128x128xf32, #tpu.memory_space<vmem>>, vector<1x16xf32>,
        %swap3A_587 = vector.shape_cast %swap3A_586 : vector<1x16xf32> to vector<16xf32>
        %swap3A_588 = vector.shape_cast %max3A_581 : vector<16xf32> to vector<1x16xf32>
        tpu.vector_store %arg11[%swap3A_584, %swap3A_585], %swap3A_588 {strides = array<i32>} : memref<128x128xf32, #tpu.memory_space<vmem>>, vector<1x16xf32>,
        %add3A_589 = arith.constant 2 : i32
        %add3A_590 = arith.addi %add3A_131, %add3A_589 : i32
        %get3A_591 = arith.index_cast %add3A_590 : i32 to index
        %get3A_592 = arith.constant 64 : index
        %get3A_593 = tpu.vector_load %arg10[%get3A_591, %get3A_592] {strides = array<i32>} : memref<128x128xf32, #tpu.memory_space<vmem>>, vector<1x16xf32>,
        %get3A_594 = vector.shape_cast %get3A_593 : vector<1x16xf32> to vector<16xf32>
        %add3A_595 = arith.constant 2 : i32
        %add3A_596 = arith.addi %add3A_131, %add3A_595 : i32
        %get3A_597 = arith.index_cast %add3A_596 : i32 to index
        %get3A_598 = arith.constant 64 : index
        %get3A_599 = tpu.vector_load %arg9[%get3A_597, %get3A_598] {strides = array<i32>} : memref<128x128xf32, #tpu.memory_space<vmem>>, vector<1x16xf32>,
        %get3A_600 = vector.shape_cast %get3A_599 : vector<1x16xf32> to vector<16xf32>
        %sub3A_601 = arith.subf %get3A_594, %get3A_600 : vector<16xf32>
        %max3A_602 = arith.constant 0.000000e+00 : f32
        %max3A_603 = vector.broadcast %max3A_602 : f32 to vector<16xf32>
        %max3A_604 = arith.maximumf %sub3A_601, %max3A_603 : vector<16xf32>
        %add3A_605 = arith.constant 2 : i32
        %add3A_606 = arith.addi %add3A_131, %add3A_605 : i32
        %swap3A_607 = arith.index_cast %add3A_606 : i32 to index
        %swap3A_608 = arith.constant 64 : index
        %swap3A_609 = tpu.vector_load %arg11[%swap3A_607, %swap3A_608] {strides = array<i32>} : memref<128x128xf32, #tpu.memory_space<vmem>>, vector<1x16xf32>,
        %swap3A_610 = vector.shape_cast %swap3A_609 : vector<1x16xf32> to vector<16xf32>
        %swap3A_611 = vector.shape_cast %max3A_604 : vector<16xf32> to vector<1x16xf32>
        tpu.vector_store %arg11[%swap3A_607, %swap3A_608], %swap3A_611 {strides = array<i32>} : memref<128x128xf32, #tpu.memory_space<vmem>>, vector<1x16xf32>,
        %add3A_612 = arith.constant 2 : i32
        %add3A_613 = arith.addi %add3A_131, %add3A_612 : i32
        %get3A_614 = arith.index_cast %add3A_613 : i32 to index
        %get3A_615 = arith.constant 80 : index
        %get3A_616 = tpu.vector_load %arg10[%get3A_614, %get3A_615] {strides = array<i32>} : memref<128x128xf32, #tpu.memory_space<vmem>>, vector<1x16xf32>,
        %get3A_617 = vector.shape_cast %get3A_616 : vector<1x16xf32> to vector<16xf32>
        %add3A_618 = arith.constant 2 : i32
        %add3A_619 = arith.addi %add3A_131, %add3A_618 : i32
        %get3A_620 = arith.index_cast %add3A_619 : i32 to index
        %get3A_621 = arith.constant 80 : index
        %get3A_622 = tpu.vector_load %arg9[%get3A_620, %get3A_621] {strides = array<i32>} : memref<128x128xf32, #tpu.memory_space<vmem>>, vector<1x16xf32>,
        %get3A_623 = vector.shape_cast %get3A_622 : vector<1x16xf32> to vector<16xf32>
        %sub3A_624 = arith.subf %get3A_617, %get3A_623 : vector<16xf32>
        %max3A_625 = arith.constant 0.000000e+00 : f32
        %max3A_626 = vector.broadcast %max3A_625 : f32 to vector<16xf32>
        %max3A_627 = arith.maximumf %sub3A_624, %max3A_626 : vector<16xf32>
        %add3A_628 = arith.constant 2 : i32
        %add3A_629 = arith.addi %add3A_131, %add3A_628 : i32
        %swap3A_630 = arith.index_cast %add3A_629 : i32 to index
        %swap3A_631 = arith.constant 80 : index
        %swap3A_632 = tpu.vector_load %arg11[%swap3A_630, %swap3A_631] {strides = array<i32>} : memref<128x128xf32, #tpu.memory_space<vmem>>, vector<1x16xf32>,
        %swap3A_633 = vector.shape_cast %swap3A_632 : vector<1x16xf32> to vector<16xf32>
        %swap3A_634 = vector.shape_cast %max3A_627 : vector<16xf32> to vector<1x16xf32>
        tpu.vector_store %arg11[%swap3A_630, %swap3A_631], %swap3A_634 {strides = array<i32>} : memref<128x128xf32, #tpu.memory_space<vmem>>, vector<1x16xf32>,
        %add3A_635 = arith.constant 2 : i32
        %add3A_636 = arith.addi %add3A_131, %add3A_635 : i32
        %get3A_637 = arith.index_cast %add3A_636 : i32 to index
        %get3A_638 = arith.constant 96 : index
        %get3A_639 = tpu.vector_load %arg10[%get3A_637, %get3A_638] {strides = array<i32>} : memref<128x128xf32, #tpu.memory_space<vmem>>, vector<1x16xf32>,
        %get3A_640 = vector.shape_cast %get3A_639 : vector<1x16xf32> to vector<16xf32>
        %add3A_641 = arith.constant 2 : i32
        %add3A_642 = arith.addi %add3A_131, %add3A_641 : i32
        %get3A_643 = arith.index_cast %add3A_642 : i32 to index
        %get3A_644 = arith.constant 96 : index
        %get3A_645 = tpu.vector_load %arg9[%get3A_643, %get3A_644] {strides = array<i32>} : memref<128x128xf32, #tpu.memory_space<vmem>>, vector<1x16xf32>,
        %get3A_646 = vector.shape_cast %get3A_645 : vector<1x16xf32> to vector<16xf32>
        %sub3A_647 = arith.subf %get3A_640, %get3A_646 : vector<16xf32>
        %max3A_648 = arith.constant 0.000000e+00 : f32
        %max3A_649 = vector.broadcast %max3A_648 : f32 to vector<16xf32>
        %max3A_650 = arith.maximumf %sub3A_647, %max3A_649 : vector<16xf32>
        %add3A_651 = arith.constant 2 : i32
        %add3A_652 = arith.addi %add3A_131, %add3A_651 : i32
        %swap3A_653 = arith.index_cast %add3A_652 : i32 to index
        %swap3A_654 = arith.constant 96 : index
        %swap3A_655 = tpu.vector_load %arg11[%swap3A_653, %swap3A_654] {strides = array<i32>} : memref<128x128xf32, #tpu.memory_space<vmem>>, vector<1x16xf32>,
        %swap3A_656 = vector.shape_cast %swap3A_655 : vector<1x16xf32> to vector<16xf32>
        %swap3A_657 = vector.shape_cast %max3A_650 : vector<16xf32> to vector<1x16xf32>
        tpu.vector_store %arg11[%swap3A_653, %swap3A_654], %swap3A_657 {strides = array<i32>} : memref<128x128xf32, #tpu.memory_space<vmem>>, vector<1x16xf32>,
        %add3A_658 = arith.constant 2 : i32
        %add3A_659 = arith.addi %add3A_131, %add3A_658 : i32
        %get3A_660 = arith.index_cast %add3A_659 : i32 to index
        %get3A_661 = arith.constant 112 : index
        %get3A_662 = tpu.vector_load %arg10[%get3A_660, %get3A_661] {strides = array<i32>} : memref<128x128xf32, #tpu.memory_space<vmem>>, vector<1x16xf32>,
        %get3A_663 = vector.shape_cast %get3A_662 : vector<1x16xf32> to vector<16xf32>
        %add3A_664 = arith.constant 2 : i32
        %add3A_665 = arith.addi %add3A_131, %add3A_664 : i32
        %get3A_666 = arith.index_cast %add3A_665 : i32 to index
        %get3A_667 = arith.constant 112 : index
        %get3A_668 = tpu.vector_load %arg9[%get3A_666, %get3A_667] {strides = array<i32>} : memref<128x128xf32, #tpu.memory_space<vmem>>, vector<1x16xf32>,
        %get3A_669 = vector.shape_cast %get3A_668 : vector<1x16xf32> to vector<16xf32>
        %sub3A_670 = arith.subf %get3A_663, %get3A_669 : vector<16xf32>
        %max3A_671 = arith.constant 0.000000e+00 : f32
        %max3A_672 = vector.broadcast %max3A_671 : f32 to vector<16xf32>
        %max3A_673 = arith.maximumf %sub3A_670, %max3A_672 : vector<16xf32>
        %add3A_674 = arith.constant 2 : i32
        %add3A_675 = arith.addi %add3A_131, %add3A_674 : i32
        %swap3A_676 = arith.index_cast %add3A_675 : i32 to index
        %swap3A_677 = arith.constant 112 : index
        %swap3A_678 = tpu.vector_load %arg11[%swap3A_676, %swap3A_677] {strides = array<i32>} : memref<128x128xf32, #tpu.memory_space<vmem>>, vector<1x16xf32>,
        %swap3A_679 = vector.shape_cast %swap3A_678 : vector<1x16xf32> to vector<16xf32>
        %swap3A_680 = vector.shape_cast %max3A_673 : vector<16xf32> to vector<1x16xf32>
        tpu.vector_store %arg11[%swap3A_676, %swap3A_677], %swap3A_680 {strides = array<i32>} : memref<128x128xf32, #tpu.memory_space<vmem>>, vector<1x16xf32>,
        %add3A_681 = arith.constant 3 : i32
        %add3A_682 = arith.addi %add3A_131, %add3A_681 : i32
        %get3A_683 = arith.index_cast %add3A_682 : i32 to index
        %get3A_684 = arith.constant 0 : index
        %get3A_685 = tpu.vector_load %arg10[%get3A_683, %get3A_684] {strides = array<i32>} : memref<128x128xf32, #tpu.memory_space<vmem>>, vector<1x16xf32>,
        %get3A_686 = vector.shape_cast %get3A_685 : vector<1x16xf32> to vector<16xf32>
        %add3A_687 = arith.constant 3 : i32
        %add3A_688 = arith.addi %add3A_131, %add3A_687 : i32
        %get3A_689 = arith.index_cast %add3A_688 : i32 to index
        %get3A_690 = arith.constant 0 : index
        %get3A_691 = tpu.vector_load %arg9[%get3A_689, %get3A_690] {strides = array<i32>} : memref<128x128xf32, #tpu.memory_space<vmem>>, vector<1x16xf32>,
        %get3A_692 = vector.shape_cast %get3A_691 : vector<1x16xf32> to vector<16xf32>
        %sub3A_693 = arith.subf %get3A_686, %get3A_692 : vector<16xf32>
        %max3A_694 = arith.constant 0.000000e+00 : f32
        %max3A_695 = vector.broadcast %max3A_694 : f32 to vector<16xf32>
        %max3A_696 = arith.maximumf %sub3A_693, %max3A_695 : vector<16xf32>
        %add3A_697 = arith.constant 3 : i32
        %add3A_698 = arith.addi %add3A_131, %add3A_697 : i32
        %swap3A_699 = arith.index_cast %add3A_698 : i32 to index
        %swap3A_700 = arith.constant 0 : index
        %swap3A_701 = tpu.vector_load %arg11[%swap3A_699, %swap3A_700] {strides = array<i32>} : memref<128x128xf32, #tpu.memory_space<vmem>>, vector<1x16xf32>,
        %swap3A_702 = vector.shape_cast %swap3A_701 : vector<1x16xf32> to vector<16xf32>
        %swap3A_703 = vector.shape_cast %max3A_696 : vector<16xf32> to vector<1x16xf32>
        tpu.vector_store %arg11[%swap3A_699, %swap3A_700], %swap3A_703 {strides = array<i32>} : memref<128x128xf32, #tpu.memory_space<vmem>>, vector<1x16xf32>,
        %add3A_704 = arith.constant 3 : i32
        %add3A_705 = arith.addi %add3A_131, %add3A_704 : i32
        %get3A_706 = arith.index_cast %add3A_705 : i32 to index
        %get3A_707 = arith.constant 16 : index
        %get3A_708 = tpu.vector_load %arg10[%get3A_706, %get3A_707] {strides = array<i32>} : memref<128x128xf32, #tpu.memory_space<vmem>>, vector<1x16xf32>,
        %get3A_709 = vector.shape_cast %get3A_708 : vector<1x16xf32> to vector<16xf32>
        %add3A_710 = arith.constant 3 : i32
        %add3A_711 = arith.addi %add3A_131, %add3A_710 : i32
        %get3A_712 = arith.index_cast %add3A_711 : i32 to index
        %get3A_713 = arith.constant 16 : index
        %get3A_714 = tpu.vector_load %arg9[%get3A_712, %get3A_713] {strides = array<i32>} : memref<128x128xf32, #tpu.memory_space<vmem>>, vector<1x16xf32>,
        %get3A_715 = vector.shape_cast %get3A_714 : vector<1x16xf32> to vector<16xf32>
        %sub3A_716 = arith.subf %get3A_709, %get3A_715 : vector<16xf32>
        %max3A_717 = arith.constant 0.000000e+00 : f32
        %max3A_718 = vector.broadcast %max3A_717 : f32 to vector<16xf32>
        %max3A_719 = arith.maximumf %sub3A_716, %max3A_718 : vector<16xf32>
        %add3A_720 = arith.constant 3 : i32
        %add3A_721 = arith.addi %add3A_131, %add3A_720 : i32
        %swap3A_722 = arith.index_cast %add3A_721 : i32 to index
        %swap3A_723 = arith.constant 16 : index
        %swap3A_724 = tpu.vector_load %arg11[%swap3A_722, %swap3A_723] {strides = array<i32>} : memref<128x128xf32, #tpu.memory_space<vmem>>, vector<1x16xf32>,
        %swap3A_725 = vector.shape_cast %swap3A_724 : vector<1x16xf32> to vector<16xf32>
        %swap3A_726 = vector.shape_cast %max3A_719 : vector<16xf32> to vector<1x16xf32>
        tpu.vector_store %arg11[%swap3A_722, %swap3A_723], %swap3A_726 {strides = array<i32>} : memref<128x128xf32, #tpu.memory_space<vmem>>, vector<1x16xf32>,
        %add3A_727 = arith.constant 3 : i32
        %add3A_728 = arith.addi %add3A_131, %add3A_727 : i32
        %get3A_729 = arith.index_cast %add3A_728 : i32 to index
        %get3A_730 = arith.constant 32 : index
        %get3A_731 = tpu.vector_load %arg10[%get3A_729, %get3A_730] {strides = array<i32>} : memref<128x128xf32, #tpu.memory_space<vmem>>, vector<1x16xf32>,
        %get3A_732 = vector.shape_cast %get3A_731 : vector<1x16xf32> to vector<16xf32>
        %add3A_733 = arith.constant 3 : i32
        %add3A_734 = arith.addi %add3A_131, %add3A_733 : i32
        %get3A_735 = arith.index_cast %add3A_734 : i32 to index
        %get3A_736 = arith.constant 32 : index
        %get3A_737 = tpu.vector_load %arg9[%get3A_735, %get3A_736] {strides = array<i32>} : memref<128x128xf32, #tpu.memory_space<vmem>>, vector<1x16xf32>,
        %get3A_738 = vector.shape_cast %get3A_737 : vector<1x16xf32> to vector<16xf32>
        %sub3A_739 = arith.subf %get3A_732, %get3A_738 : vector<16xf32>
        %max3A_740 = arith.constant 0.000000e+00 : f32
        %max3A_741 = vector.broadcast %max3A_740 : f32 to vector<16xf32>
        %max3A_742 = arith.maximumf %sub3A_739, %max3A_741 : vector<16xf32>
        %add3A_743 = arith.constant 3 : i32
        %add3A_744 = arith.addi %add3A_131, %add3A_743 : i32
        %swap3A_745 = arith.index_cast %add3A_744 : i32 to index
        %swap3A_746 = arith.constant 32 : index
        %swap3A_747 = tpu.vector_load %arg11[%swap3A_745, %swap3A_746] {strides = array<i32>} : memref<128x128xf32, #tpu.memory_space<vmem>>, vector<1x16xf32>,
        %swap3A_748 = vector.shape_cast %swap3A_747 : vector<1x16xf32> to vector<16xf32>
        %swap3A_749 = vector.shape_cast %max3A_742 : vector<16xf32> to vector<1x16xf32>
        tpu.vector_store %arg11[%swap3A_745, %swap3A_746], %swap3A_749 {strides = array<i32>} : memref<128x128xf32, #tpu.memory_space<vmem>>, vector<1x16xf32>,
        %add3A_750 = arith.constant 3 : i32
        %add3A_751 = arith.addi %add3A_131, %add3A_750 : i32
        %get3A_752 = arith.index_cast %add3A_751 : i32 to index
        %get3A_753 = arith.constant 48 : index
        %get3A_754 = tpu.vector_load %arg10[%get3A_752, %get3A_753] {strides = array<i32>} : memref<128x128xf32, #tpu.memory_space<vmem>>, vector<1x16xf32>,
        %get3A_755 = vector.shape_cast %get3A_754 : vector<1x16xf32> to vector<16xf32>
        %add3A_756 = arith.constant 3 : i32
        %add3A_757 = arith.addi %add3A_131, %add3A_756 : i32
        %get3A_758 = arith.index_cast %add3A_757 : i32 to index
        %get3A_759 = arith.constant 48 : index
        %get3A_760 = tpu.vector_load %arg9[%get3A_758, %get3A_759] {strides = array<i32>} : memref<128x128xf32, #tpu.memory_space<vmem>>, vector<1x16xf32>,
        %get3A_761 = vector.shape_cast %get3A_760 : vector<1x16xf32> to vector<16xf32>
        %sub3A_762 = arith.subf %get3A_755, %get3A_761 : vector<16xf32>
        %max3A_763 = arith.constant 0.000000e+00 : f32
        %max3A_764 = vector.broadcast %max3A_763 : f32 to vector<16xf32>
        %max3A_765 = arith.maximumf %sub3A_762, %max3A_764 : vector<16xf32>
        %add3A_766 = arith.constant 3 : i32
        %add3A_767 = arith.addi %add3A_131, %add3A_766 : i32
        %swap3A_768 = arith.index_cast %add3A_767 : i32 to index
        %swap3A_769 = arith.constant 48 : index
        %swap3A_770 = tpu.vector_load %arg11[%swap3A_768, %swap3A_769] {strides = array<i32>} : memref<128x128xf32, #tpu.memory_space<vmem>>, vector<1x16xf32>,
        %swap3A_771 = vector.shape_cast %swap3A_770 : vector<1x16xf32> to vector<16xf32>
        %swap3A_772 = vector.shape_cast %max3A_765 : vector<16xf32> to vector<1x16xf32>
        tpu.vector_store %arg11[%swap3A_768, %swap3A_769], %swap3A_772 {strides = array<i32>} : memref<128x128xf32, #tpu.memory_space<vmem>>, vector<1x16xf32>,
        %add3A_773 = arith.constant 3 : i32
        %add3A_774 = arith.addi %add3A_131, %add3A_773 : i32
        %get3A_775 = arith.index_cast %add3A_774 : i32 to index
        %get3A_776 = arith.constant 64 : index
        %get3A_777 = tpu.vector_load %arg10[%get3A_775, %get3A_776] {strides = array<i32>} : memref<128x128xf32, #tpu.memory_space<vmem>>, vector<1x16xf32>,
        %get3A_778 = vector.shape_cast %get3A_777 : vector<1x16xf32> to vector<16xf32>
        %add3A_779 = arith.constant 3 : i32
        %add3A_780 = arith.addi %add3A_131, %add3A_779 : i32
        %get3A_781 = arith.index_cast %add3A_780 : i32 to index
        %get3A_782 = arith.constant 64 : index
        %get3A_783 = tpu.vector_load %arg9[%get3A_781, %get3A_782] {strides = array<i32>} : memref<128x128xf32, #tpu.memory_space<vmem>>, vector<1x16xf32>,
        %get3A_784 = vector.shape_cast %get3A_783 : vector<1x16xf32> to vector<16xf32>
        %sub3A_785 = arith.subf %get3A_778, %get3A_784 : vector<16xf32>
        %max3A_786 = arith.constant 0.000000e+00 : f32
        %max3A_787 = vector.broadcast %max3A_786 : f32 to vector<16xf32>
        %max3A_788 = arith.maximumf %sub3A_785, %max3A_787 : vector<16xf32>
        %add3A_789 = arith.constant 3 : i32
        %add3A_790 = arith.addi %add3A_131, %add3A_789 : i32
        %swap3A_791 = arith.index_cast %add3A_790 : i32 to index
        %swap3A_792 = arith.constant 64 : index
        %swap3A_793 = tpu.vector_load %arg11[%swap3A_791, %swap3A_792] {strides = array<i32>} : memref<128x128xf32, #tpu.memory_space<vmem>>, vector<1x16xf32>,
        %swap3A_794 = vector.shape_cast %swap3A_793 : vector<1x16xf32> to vector<16xf32>
        %swap3A_795 = vector.shape_cast %max3A_788 : vector<16xf32> to vector<1x16xf32>
        tpu.vector_store %arg11[%swap3A_791, %swap3A_792], %swap3A_795 {strides = array<i32>} : memref<128x128xf32, #tpu.memory_space<vmem>>, vector<1x16xf32>,
        %add3A_796 = arith.constant 3 : i32
        %add3A_797 = arith.addi %add3A_131, %add3A_796 : i32
        %get3A_798 = arith.index_cast %add3A_797 : i32 to index
        %get3A_799 = arith.constant 80 : index
        %get3A_800 = tpu.vector_load %arg10[%get3A_798, %get3A_799] {strides = array<i32>} : memref<128x128xf32, #tpu.memory_space<vmem>>, vector<1x16xf32>,
        %get3A_801 = vector.shape_cast %get3A_800 : vector<1x16xf32> to vector<16xf32>
        %add3A_802 = arith.constant 3 : i32
        %add3A_803 = arith.addi %add3A_131, %add3A_802 : i32
        %get3A_804 = arith.index_cast %add3A_803 : i32 to index
        %get3A_805 = arith.constant 80 : index
        %get3A_806 = tpu.vector_load %arg9[%get3A_804, %get3A_805] {strides = array<i32>} : memref<128x128xf32, #tpu.memory_space<vmem>>, vector<1x16xf32>,
        %get3A_807 = vector.shape_cast %get3A_806 : vector<1x16xf32> to vector<16xf32>
        %sub3A_808 = arith.subf %get3A_801, %get3A_807 : vector<16xf32>
        %max3A_809 = arith.constant 0.000000e+00 : f32
        %max3A_810 = vector.broadcast %max3A_809 : f32 to vector<16xf32>
        %max3A_811 = arith.maximumf %sub3A_808, %max3A_810 : vector<16xf32>
        %add3A_812 = arith.constant 3 : i32
        %add3A_813 = arith.addi %add3A_131, %add3A_812 : i32
        %swap3A_814 = arith.index_cast %add3A_813 : i32 to index
        %swap3A_815 = arith.constant 80 : index
        %swap3A_816 = tpu.vector_load %arg11[%swap3A_814, %swap3A_815] {strides = array<i32>} : memref<128x128xf32, #tpu.memory_space<vmem>>, vector<1x16xf32>,
        %swap3A_817 = vector.shape_cast %swap3A_816 : vector<1x16xf32> to vector<16xf32>
        %swap3A_818 = vector.shape_cast %max3A_811 : vector<16xf32> to vector<1x16xf32>
        tpu.vector_store %arg11[%swap3A_814, %swap3A_815], %swap3A_818 {strides = array<i32>} : memref<128x128xf32, #tpu.memory_space<vmem>>, vector<1x16xf32>,
        %add3A_819 = arith.constant 3 : i32
        %add3A_820 = arith.addi %add3A_131, %add3A_819 : i32
        %get3A_821 = arith.index_cast %add3A_820 : i32 to index
        %get3A_822 = arith.constant 96 : index
        %get3A_823 = tpu.vector_load %arg10[%get3A_821, %get3A_822] {strides = array<i32>} : memref<128x128xf32, #tpu.memory_space<vmem>>, vector<1x16xf32>,
        %get3A_824 = vector.shape_cast %get3A_823 : vector<1x16xf32> to vector<16xf32>
        %add3A_825 = arith.constant 3 : i32
        %add3A_826 = arith.addi %add3A_131, %add3A_825 : i32
        %get3A_827 = arith.index_cast %add3A_826 : i32 to index
        %get3A_828 = arith.constant 96 : index
        %get3A_829 = tpu.vector_load %arg9[%get3A_827, %get3A_828] {strides = array<i32>} : memref<128x128xf32, #tpu.memory_space<vmem>>, vector<1x16xf32>,
        %get3A_830 = vector.shape_cast %get3A_829 : vector<1x16xf32> to vector<16xf32>
        %sub3A_831 = arith.subf %get3A_824, %get3A_830 : vector<16xf32>
        %max3A_832 = arith.constant 0.000000e+00 : f32
        %max3A_833 = vector.broadcast %max3A_832 : f32 to vector<16xf32>
        %max3A_834 = arith.maximumf %sub3A_831, %max3A_833 : vector<16xf32>
        %add3A_835 = arith.constant 3 : i32
        %add3A_836 = arith.addi %add3A_131, %add3A_835 : i32
        %swap3A_837 = arith.index_cast %add3A_836 : i32 to index
        %swap3A_838 = arith.constant 96 : index
        %swap3A_839 = tpu.vector_load %arg11[%swap3A_837, %swap3A_838] {strides = array<i32>} : memref<128x128xf32, #tpu.memory_space<vmem>>, vector<1x16xf32>,
        %swap3A_840 = vector.shape_cast %swap3A_839 : vector<1x16xf32> to vector<16xf32>
        %swap3A_841 = vector.shape_cast %max3A_834 : vector<16xf32> to vector<1x16xf32>
        tpu.vector_store %arg11[%swap3A_837, %swap3A_838], %swap3A_841 {strides = array<i32>} : memref<128x128xf32, #tpu.memory_space<vmem>>, vector<1x16xf32>,
        %add3A_842 = arith.constant 3 : i32
        %add3A_843 = arith.addi %add3A_131, %add3A_842 : i32
        %get3A_844 = arith.index_cast %add3A_843 : i32 to index
        %get3A_845 = arith.constant 112 : index
        %get3A_846 = tpu.vector_load %arg10[%get3A_844, %get3A_845] {strides = array<i32>} : memref<128x128xf32, #tpu.memory_space<vmem>>, vector<1x16xf32>,
        %get3A_847 = vector.shape_cast %get3A_846 : vector<1x16xf32> to vector<16xf32>
        %add3A_848 = arith.constant 3 : i32
        %add3A_849 = arith.addi %add3A_131, %add3A_848 : i32
        %get3A_850 = arith.index_cast %add3A_849 : i32 to index
        %get3A_851 = arith.constant 112 : index
        %get3A_852 = tpu.vector_load %arg9[%get3A_850, %get3A_851] {strides = array<i32>} : memref<128x128xf32, #tpu.memory_space<vmem>>, vector<1x16xf32>,
        %get3A_853 = vector.shape_cast %get3A_852 : vector<1x16xf32> to vector<16xf32>
        %sub3A_854 = arith.subf %get3A_847, %get3A_853 : vector<16xf32>
        %max3A_855 = arith.constant 0.000000e+00 : f32
        %max3A_856 = vector.broadcast %max3A_855 : f32 to vector<16xf32>
        %max3A_857 = arith.maximumf %sub3A_854, %max3A_856 : vector<16xf32>
        %add3A_858 = arith.constant 3 : i32
        %add3A_859 = arith.addi %add3A_131, %add3A_858 : i32
        %swap3A_860 = arith.index_cast %add3A_859 : i32 to index
        %swap3A_861 = arith.constant 112 : index
        %swap3A_862 = tpu.vector_load %arg11[%swap3A_860, %swap3A_861] {strides = array<i32>} : memref<128x128xf32, #tpu.memory_space<vmem>>, vector<1x16xf32>,
        %swap3A_863 = vector.shape_cast %swap3A_862 : vector<1x16xf32> to vector<16xf32>
        %swap3A_864 = vector.shape_cast %max3A_857 : vector<16xf32> to vector<1x16xf32>
        tpu.vector_store %arg11[%swap3A_860, %swap3A_861], %swap3A_864 {strides = array<i32>} : memref<128x128xf32, #tpu.memory_space<vmem>>, vector<1x16xf32>,
      }
      %scan3A_109 = arith.constant 32 : i32
      %add3A_110 = arith.addi %select_n3A, %add3A_85 : i32
      %mul3A_111 = arith.constant 128 : i32
      %mul3A_112 = arith.muli %add3A_110, %mul3A_111 : i32
      %dma_start3A = arith.constant 0 : i32
      %dma_start3A_113 = tpu.memref_slice %arg6[%mul3A_112, %dma_start3A] : memref<320000x128xf32, #tpu.memory_space<hbm>> -> memref<128x128xf32, #tpu.memory_space<hbm>>
      %dma_start3A_114 = arith.constant 0 : i32
      %dma_start3A_115 = tpu.memref_slice %arg6[%mul3A_112, %dma_start3A_114] : memref<320000x128xf32, #tpu.memory_space<hbm>> -> memref<128x128xf32, #tpu.memory_space<hbm>>
      tpu.enqueue_dma source(%arg11 : memref<128x128xf32, #tpu.memory_space<vmem>>) target(%dma_start3A_115 : memref<128x128xf32, #tpu.memory_space<hbm>>) target_semaphore(%arg17 : memref<!tpu.dma_semaphore, #tpu.memory_space<semaphore_mem>>)
      %add3A_116 = arith.constant 2 : i32
      %add3A_117 = arith.addi %add3A_85, %add3A_116 : i32
      %lt3A = arith.cmpi slt, %add3A_117, %sub3A_47 : i32
      %convert_element_type3A_118 = arith.extui %lt3A : i1 to i32
      %cond3A_119 = arith.constant 0 : i32
      %cond3A_120 = arith.cmpi ne, %convert_element_type3A_118, %cond3A_119 : i32
      scf.if %cond3A_120 {
        %add3A_127 = arith.constant 2 : i32
        %add3A_128 = arith.addi %add3A_85, %add3A_127 : i32
        %dma_start3A_129 = arith.constant 0 : i32
        %dma_start3A_130 = arith.constant 0 : i32
        %dma_start3A_131 = tpu.memref_slice %arg7[%add3A_128, %dma_start3A_129, %dma_start3A_130] : memref<79x1x128xi32, #tpu.memory_space<vmem>> -> memref<1x1x128xi32, #tpu.memory_space<vmem>>
        %dma_start3A_132 = tpu.memref_squeeze %dma_start3A_131 : memref<1x1x128xi32, #tpu.memory_space<vmem>> -> memref<128xi32, #tpu.memory_space<vmem>>
        %dma_start3A_133 = arith.constant 0 : i32
        %dma_start3A_134 = arith.constant 0 : i32
        %dma_start3A_135 = tpu.memref_slice %arg2[%dma_start3A_133, %dma_start3A_134] : memref<10000x128xf32, #tpu.memory_space<hbm>> -> memref<10000x128xf32, #tpu.memory_space<hbm>>
        tpu.enqueue_indirect_dma source(%dma_start3A_135 : memref<10000x128xf32, #tpu.memory_space<hbm>>) target(%arg9 : memref<128x128xf32, #tpu.memory_space<vmem>>) offsets(%dma_start3A_132 : memref<128xi32, #tpu.memory_space<vmem>>) semaphore(%arg15 : memref<!tpu.dma_semaphore, #tpu.memory_space<semaphore_mem>>)
        %dma_start3A_136 = arith.constant 0 : i32
        %dma_start3A_137 = arith.constant 0 : i32
        %dma_start3A_138 = tpu.memref_slice %arg8[%add3A_128, %dma_start3A_136, %dma_start3A_137] : memref<79x1x128xi32, #tpu.memory_space<vmem>> -> memref<1x1x128xi32, #tpu.memory_space<vmem>>
        %dma_start3A_139 = tpu.memref_squeeze %dma_start3A_138 : memref<1x1x128xi32, #tpu.memory_space<vmem>> -> memref<128xi32, #tpu.memory_space<vmem>>
        %dma_start3A_140 = arith.constant 0 : i32
        %dma_start3A_141 = arith.constant 0 : i32
        %dma_start3A_142 = tpu.memref_slice %arg3[%dma_start3A_140, %dma_start3A_141] : memref<10000x128xf32, #tpu.memory_space<hbm>> -> memref<10000x128xf32, #tpu.memory_space<hbm>>
        tpu.enqueue_indirect_dma source(%dma_start3A_142 : memref<10000x128xf32, #tpu.memory_space<hbm>>) target(%arg10 : memref<128x128xf32, #tpu.memory_space<vmem>>) offsets(%dma_start3A_139 : memref<128xi32, #tpu.memory_space<vmem>>) semaphore(%arg15 : memref<!tpu.dma_semaphore, #tpu.memory_space<semaphore_mem>>)
      } else {
      }
      %add3A_121 = arith.constant 1 : i32
      %add3A_122 = arith.addi %add3A_85, %add3A_121 : i32
      %lt3A_123 = arith.cmpi slt, %add3A_122, %sub3A_47 : i32
      %convert_element_type3A_124 = arith.extui %lt3A_123 : i1 to i32
      %cond3A_125 = arith.constant 0 : i32
      %cond3A_126 = arith.cmpi ne, %convert_element_type3A_124, %cond3A_125 : i32
      scf.if %cond3A_126 {
        %dma_wait3A_127 = arith.constant 0 : i32
        %dma_wait3A_128 = arith.constant 0 : i32
        %dma_wait3A_129 = arith.constant 0 : i32
        %dma_wait3A_130 = tpu.memref_slice %arg7[%dma_wait3A_127, %dma_wait3A_128, %dma_wait3A_129] : memref<79x1x128xi32, #tpu.memory_space<vmem>> -> memref<1x1x128xi32, #tpu.memory_space<vmem>>
        %dma_wait3A_131 = tpu.memref_squeeze %dma_wait3A_130 : memref<1x1x128xi32, #tpu.memory_space<vmem>> -> memref<128xi32, #tpu.memory_space<vmem>>
        %dma_wait3A_132 = arith.constant 0 : i32
        %dma_wait3A_133 = arith.constant 0 : i32
        %dma_wait3A_134 = tpu.memref_slice %arg2[%dma_wait3A_132, %dma_wait3A_133] : memref<10000x128xf32, #tpu.memory_space<hbm>> -> memref<10000x128xf32, #tpu.memory_space<hbm>>
        tpu.wait_indirect_dma semaphore(%arg16 : memref<!tpu.dma_semaphore, #tpu.memory_space<semaphore_mem>>) src(%dma_wait3A_134 : memref<10000x128xf32, #tpu.memory_space<hbm>>) dst(%arg12 : memref<128x128xf32, #tpu.memory_space<vmem>>)
        %dma_wait3A_135 = arith.constant 0 : i32
        %dma_wait3A_136 = arith.constant 0 : i32
        %dma_wait3A_137 = arith.constant 0 : i32
        %dma_wait3A_138 = tpu.memref_slice %arg7[%dma_wait3A_135, %dma_wait3A_136, %dma_wait3A_137] : memref<79x1x128xi32, #tpu.memory_space<vmem>> -> memref<1x1x128xi32, #tpu.memory_space<vmem>>
        %dma_wait3A_139 = tpu.memref_squeeze %dma_wait3A_138 : memref<1x1x128xi32, #tpu.memory_space<vmem>> -> memref<128xi32, #tpu.memory_space<vmem>>
        %dma_wait3A_140 = arith.constant 0 : i32
        %dma_wait3A_141 = arith.constant 0 : i32
        %dma_wait3A_142 = tpu.memref_slice %arg2[%dma_wait3A_140, %dma_wait3A_141] : memref<10000x128xf32, #tpu.memory_space<hbm>> -> memref<10000x128xf32, #tpu.memory_space<hbm>>
        tpu.wait_indirect_dma semaphore(%arg16 : memref<!tpu.dma_semaphore, #tpu.memory_space<semaphore_mem>>) src(%dma_wait3A_142 : memref<10000x128xf32, #tpu.memory_space<hbm>>) dst(%arg13 : memref<128x128xf32, #tpu.memory_space<vmem>>)
        %ge3A_143 = arith.constant 2 : i32
        %ge3A_144 = arith.cmpi sge, %add3A_85, %ge3A_143 : i32
        %convert_element_type3A_145 = arith.extui %ge3A_144 : i1 to i32
        %cond3A_146 = arith.constant 0 : i32
        %cond3A_147 = arith.cmpi ne, %convert_element_type3A_145, %cond3A_146 : i32
        scf.if %cond3A_147 {
          %dma_wait3A_168 = arith.constant 0 : i32
          %dma_wait3A_169 = arith.constant 0 : i32
          %dma_wait3A_170 = tpu.memref_slice %arg6[%dma_wait3A_168, %dma_wait3A_169] : memref<320000x128xf32, #tpu.memory_space<hbm>> -> memref<128x128xf32, #tpu.memory_space<hbm>>
          %dma_wait3A_171 = arith.constant 0 : i32
          %dma_wait3A_172 = arith.constant 0 : i32
          %dma_wait3A_173 = tpu.memref_slice %arg6[%dma_wait3A_171, %dma_wait3A_172] : memref<320000x128xf32, #tpu.memory_space<hbm>> -> memref<128x128xf32, #tpu.memory_space<hbm>>
          tpu.wait_dma2 semaphore(%arg18 : memref<!tpu.dma_semaphore, #tpu.memory_space<semaphore_mem>>) src(%arg14 : memref<128x128xf32, #tpu.memory_space<vmem>>) dst(%dma_wait3A_173 : memref<128x128xf32, #tpu.memory_space<hbm>>)
        } else {
        }
        %scan3A_148 = arith.constant 0 : i32
        %scan3A_149 = arith.constant 32 : i32
        %scan3A_150 = arith.addi %scan3A_148, %scan3A_149 : i32
        %scan3A_151 = arith.constant 1 : i32
        scf.for %scan3A_168 = %scan3A_148 to %scan3A_150 step %scan3A_151  : i32 {
          %mul3A_169 = arith.constant 4 : i32
          %mul3A_170 = arith.muli %scan3A_168, %mul3A_169 : i32
          %add3A_171 = arith.constant 0 : i32
          %add3A_172 = arith.addi %add3A_171, %mul3A_170 : i32
          %add3A_173 = arith.constant 0 : i32
          %add3A_174 = arith.addi %add3A_172, %add3A_173 : i32
          %get3A = arith.index_cast %add3A_174 : i32 to index
          %get3A_175 = arith.constant 0 : index
          %get3A_176 = tpu.vector_load %arg13[%get3A, %get3A_175] {strides = array<i32>} : memref<128x128xf32, #tpu.memory_space<vmem>>, vector<1x16xf32>,
          %get3A_177 = vector.shape_cast %get3A_176 : vector<1x16xf32> to vector<16xf32>
          %add3A_178 = arith.constant 0 : i32
          %add3A_179 = arith.addi %add3A_172, %add3A_178 : i32
          %get3A_180 = arith.index_cast %add3A_179 : i32 to index
          %get3A_181 = arith.constant 0 : index
          %get3A_182 = tpu.vector_load %arg12[%get3A_180, %get3A_181] {strides = array<i32>} : memref<128x128xf32, #tpu.memory_space<vmem>>, vector<1x16xf32>,
          %get3A_183 = vector.shape_cast %get3A_182 : vector<1x16xf32> to vector<16xf32>
          %sub3A_184 = arith.subf %get3A_177, %get3A_183 : vector<16xf32>
          %max3A = arith.constant 0.000000e+00 : f32
          %max3A_185 = vector.broadcast %max3A : f32 to vector<16xf32>
          %max3A_186 = arith.maximumf %sub3A_184, %max3A_185 : vector<16xf32>
          %add3A_187 = arith.constant 0 : i32
          %add3A_188 = arith.addi %add3A_172, %add3A_187 : i32
          %swap3A = arith.index_cast %add3A_188 : i32 to index
          %swap3A_189 = arith.constant 0 : index
          %swap3A_190 = tpu.vector_load %arg14[%swap3A, %swap3A_189] {strides = array<i32>} : memref<128x128xf32, #tpu.memory_space<vmem>>, vector<1x16xf32>,
          %swap3A_191 = vector.shape_cast %swap3A_190 : vector<1x16xf32> to vector<16xf32>
          %swap3A_192 = vector.shape_cast %max3A_186 : vector<16xf32> to vector<1x16xf32>
          tpu.vector_store %arg14[%swap3A, %swap3A_189], %swap3A_192 {strides = array<i32>} : memref<128x128xf32, #tpu.memory_space<vmem>>, vector<1x16xf32>,
          %add3A_193 = arith.constant 0 : i32
          %add3A_194 = arith.addi %add3A_172, %add3A_193 : i32
          %get3A_195 = arith.index_cast %add3A_194 : i32 to index
          %get3A_196 = arith.constant 16 : index
          %get3A_197 = tpu.vector_load %arg13[%get3A_195, %get3A_196] {strides = array<i32>} : memref<128x128xf32, #tpu.memory_space<vmem>>, vector<1x16xf32>,
          %get3A_198 = vector.shape_cast %get3A_197 : vector<1x16xf32> to vector<16xf32>
          %add3A_199 = arith.constant 0 : i32
          %add3A_200 = arith.addi %add3A_172, %add3A_199 : i32
          %get3A_201 = arith.index_cast %add3A_200 : i32 to index
          %get3A_202 = arith.constant 16 : index
          %get3A_203 = tpu.vector_load %arg12[%get3A_201, %get3A_202] {strides = array<i32>} : memref<128x128xf32, #tpu.memory_space<vmem>>, vector<1x16xf32>,
          %get3A_204 = vector.shape_cast %get3A_203 : vector<1x16xf32> to vector<16xf32>
          %sub3A_205 = arith.subf %get3A_198, %get3A_204 : vector<16xf32>
          %max3A_206 = arith.constant 0.000000e+00 : f32
          %max3A_207 = vector.broadcast %max3A_206 : f32 to vector<16xf32>
          %max3A_208 = arith.maximumf %sub3A_205, %max3A_207 : vector<16xf32>
          %add3A_209 = arith.constant 0 : i32
          %add3A_210 = arith.addi %add3A_172, %add3A_209 : i32
          %swap3A_211 = arith.index_cast %add3A_210 : i32 to index
          %swap3A_212 = arith.constant 16 : index
          %swap3A_213 = tpu.vector_load %arg14[%swap3A_211, %swap3A_212] {strides = array<i32>} : memref<128x128xf32, #tpu.memory_space<vmem>>, vector<1x16xf32>,
          %swap3A_214 = vector.shape_cast %swap3A_213 : vector<1x16xf32> to vector<16xf32>
          %swap3A_215 = vector.shape_cast %max3A_208 : vector<16xf32> to vector<1x16xf32>
          tpu.vector_store %arg14[%swap3A_211, %swap3A_212], %swap3A_215 {strides = array<i32>} : memref<128x128xf32, #tpu.memory_space<vmem>>, vector<1x16xf32>,
          %add3A_216 = arith.constant 0 : i32
          %add3A_217 = arith.addi %add3A_172, %add3A_216 : i32
          %get3A_218 = arith.index_cast %add3A_217 : i32 to index
          %get3A_219 = arith.constant 32 : index
          %get3A_220 = tpu.vector_load %arg13[%get3A_218, %get3A_219] {strides = array<i32>} : memref<128x128xf32, #tpu.memory_space<vmem>>, vector<1x16xf32>,
          %get3A_221 = vector.shape_cast %get3A_220 : vector<1x16xf32> to vector<16xf32>
          %add3A_222 = arith.constant 0 : i32
          %add3A_223 = arith.addi %add3A_172, %add3A_222 : i32
          %get3A_224 = arith.index_cast %add3A_223 : i32 to index
          %get3A_225 = arith.constant 32 : index
          %get3A_226 = tpu.vector_load %arg12[%get3A_224, %get3A_225] {strides = array<i32>} : memref<128x128xf32, #tpu.memory_space<vmem>>, vector<1x16xf32>,
          %get3A_227 = vector.shape_cast %get3A_226 : vector<1x16xf32> to vector<16xf32>
          %sub3A_228 = arith.subf %get3A_221, %get3A_227 : vector<16xf32>
          %max3A_229 = arith.constant 0.000000e+00 : f32
          %max3A_230 = vector.broadcast %max3A_229 : f32 to vector<16xf32>
          %max3A_231 = arith.maximumf %sub3A_228, %max3A_230 : vector<16xf32>
          %add3A_232 = arith.constant 0 : i32
          %add3A_233 = arith.addi %add3A_172, %add3A_232 : i32
          %swap3A_234 = arith.index_cast %add3A_233 : i32 to index
          %swap3A_235 = arith.constant 32 : index
          %swap3A_236 = tpu.vector_load %arg14[%swap3A_234, %swap3A_235] {strides = array<i32>} : memref<128x128xf32, #tpu.memory_space<vmem>>, vector<1x16xf32>,
          %swap3A_237 = vector.shape_cast %swap3A_236 : vector<1x16xf32> to vector<16xf32>
          %swap3A_238 = vector.shape_cast %max3A_231 : vector<16xf32> to vector<1x16xf32>
          tpu.vector_store %arg14[%swap3A_234, %swap3A_235], %swap3A_238 {strides = array<i32>} : memref<128x128xf32, #tpu.memory_space<vmem>>, vector<1x16xf32>,
          %add3A_239 = arith.constant 0 : i32
          %add3A_240 = arith.addi %add3A_172, %add3A_239 : i32
          %get3A_241 = arith.index_cast %add3A_240 : i32 to index
          %get3A_242 = arith.constant 48 : index
          %get3A_243 = tpu.vector_load %arg13[%get3A_241, %get3A_242] {strides = array<i32>} : memref<128x128xf32, #tpu.memory_space<vmem>>, vector<1x16xf32>,
          %get3A_244 = vector.shape_cast %get3A_243 : vector<1x16xf32> to vector<16xf32>
          %add3A_245 = arith.constant 0 : i32
          %add3A_246 = arith.addi %add3A_172, %add3A_245 : i32
          %get3A_247 = arith.index_cast %add3A_246 : i32 to index
          %get3A_248 = arith.constant 48 : index
          %get3A_249 = tpu.vector_load %arg12[%get3A_247, %get3A_248] {strides = array<i32>} : memref<128x128xf32, #tpu.memory_space<vmem>>, vector<1x16xf32>,
          %get3A_250 = vector.shape_cast %get3A_249 : vector<1x16xf32> to vector<16xf32>
          %sub3A_251 = arith.subf %get3A_244, %get3A_250 : vector<16xf32>
          %max3A_252 = arith.constant 0.000000e+00 : f32
          %max3A_253 = vector.broadcast %max3A_252 : f32 to vector<16xf32>
          %max3A_254 = arith.maximumf %sub3A_251, %max3A_253 : vector<16xf32>
          %add3A_255 = arith.constant 0 : i32
          %add3A_256 = arith.addi %add3A_172, %add3A_255 : i32
          %swap3A_257 = arith.index_cast %add3A_256 : i32 to index
          %swap3A_258 = arith.constant 48 : index
          %swap3A_259 = tpu.vector_load %arg14[%swap3A_257, %swap3A_258] {strides = array<i32>} : memref<128x128xf32, #tpu.memory_space<vmem>>, vector<1x16xf32>,
          %swap3A_260 = vector.shape_cast %swap3A_259 : vector<1x16xf32> to vector<16xf32>
          %swap3A_261 = vector.shape_cast %max3A_254 : vector<16xf32> to vector<1x16xf32>
          tpu.vector_store %arg14[%swap3A_257, %swap3A_258], %swap3A_261 {strides = array<i32>} : memref<128x128xf32, #tpu.memory_space<vmem>>, vector<1x16xf32>,
          %add3A_262 = arith.constant 0 : i32
          %add3A_263 = arith.addi %add3A_172, %add3A_262 : i32
          %get3A_264 = arith.index_cast %add3A_263 : i32 to index
          %get3A_265 = arith.constant 64 : index
          %get3A_266 = tpu.vector_load %arg13[%get3A_264, %get3A_265] {strides = array<i32>} : memref<128x128xf32, #tpu.memory_space<vmem>>, vector<1x16xf32>,
          %get3A_267 = vector.shape_cast %get3A_266 : vector<1x16xf32> to vector<16xf32>
          %add3A_268 = arith.constant 0 : i32
          %add3A_269 = arith.addi %add3A_172, %add3A_268 : i32
          %get3A_270 = arith.index_cast %add3A_269 : i32 to index
          %get3A_271 = arith.constant 64 : index
          %get3A_272 = tpu.vector_load %arg12[%get3A_270, %get3A_271] {strides = array<i32>} : memref<128x128xf32, #tpu.memory_space<vmem>>, vector<1x16xf32>,
          %get3A_273 = vector.shape_cast %get3A_272 : vector<1x16xf32> to vector<16xf32>
          %sub3A_274 = arith.subf %get3A_267, %get3A_273 : vector<16xf32>
          %max3A_275 = arith.constant 0.000000e+00 : f32
          %max3A_276 = vector.broadcast %max3A_275 : f32 to vector<16xf32>
          %max3A_277 = arith.maximumf %sub3A_274, %max3A_276 : vector<16xf32>
          %add3A_278 = arith.constant 0 : i32
          %add3A_279 = arith.addi %add3A_172, %add3A_278 : i32
          %swap3A_280 = arith.index_cast %add3A_279 : i32 to index
          %swap3A_281 = arith.constant 64 : index
          %swap3A_282 = tpu.vector_load %arg14[%swap3A_280, %swap3A_281] {strides = array<i32>} : memref<128x128xf32, #tpu.memory_space<vmem>>, vector<1x16xf32>,
          %swap3A_283 = vector.shape_cast %swap3A_282 : vector<1x16xf32> to vector<16xf32>
          %swap3A_284 = vector.shape_cast %max3A_277 : vector<16xf32> to vector<1x16xf32>
          tpu.vector_store %arg14[%swap3A_280, %swap3A_281], %swap3A_284 {strides = array<i32>} : memref<128x128xf32, #tpu.memory_space<vmem>>, vector<1x16xf32>,
          %add3A_285 = arith.constant 0 : i32
          %add3A_286 = arith.addi %add3A_172, %add3A_285 : i32
          %get3A_287 = arith.index_cast %add3A_286 : i32 to index
          %get3A_288 = arith.constant 80 : index
          %get3A_289 = tpu.vector_load %arg13[%get3A_287, %get3A_288] {strides = array<i32>} : memref<128x128xf32, #tpu.memory_space<vmem>>, vector<1x16xf32>,
          %get3A_290 = vector.shape_cast %get3A_289 : vector<1x16xf32> to vector<16xf32>
          %add3A_291 = arith.constant 0 : i32
          %add3A_292 = arith.addi %add3A_172, %add3A_291 : i32
          %get3A_293 = arith.index_cast %add3A_292 : i32 to index
          %get3A_294 = arith.constant 80 : index
          %get3A_295 = tpu.vector_load %arg12[%get3A_293, %get3A_294] {strides = array<i32>} : memref<128x128xf32, #tpu.memory_space<vmem>>, vector<1x16xf32>,
          %get3A_296 = vector.shape_cast %get3A_295 : vector<1x16xf32> to vector<16xf32>
          %sub3A_297 = arith.subf %get3A_290, %get3A_296 : vector<16xf32>
          %max3A_298 = arith.constant 0.000000e+00 : f32
          %max3A_299 = vector.broadcast %max3A_298 : f32 to vector<16xf32>
          %max3A_300 = arith.maximumf %sub3A_297, %max3A_299 : vector<16xf32>
          %add3A_301 = arith.constant 0 : i32
          %add3A_302 = arith.addi %add3A_172, %add3A_301 : i32
          %swap3A_303 = arith.index_cast %add3A_302 : i32 to index
          %swap3A_304 = arith.constant 80 : index
          %swap3A_305 = tpu.vector_load %arg14[%swap3A_303, %swap3A_304] {strides = array<i32>} : memref<128x128xf32, #tpu.memory_space<vmem>>, vector<1x16xf32>,
          %swap3A_306 = vector.shape_cast %swap3A_305 : vector<1x16xf32> to vector<16xf32>
          %swap3A_307 = vector.shape_cast %max3A_300 : vector<16xf32> to vector<1x16xf32>
          tpu.vector_store %arg14[%swap3A_303, %swap3A_304], %swap3A_307 {strides = array<i32>} : memref<128x128xf32, #tpu.memory_space<vmem>>, vector<1x16xf32>,
          %add3A_308 = arith.constant 0 : i32
          %add3A_309 = arith.addi %add3A_172, %add3A_308 : i32
          %get3A_310 = arith.index_cast %add3A_309 : i32 to index
          %get3A_311 = arith.constant 96 : index
          %get3A_312 = tpu.vector_load %arg13[%get3A_310, %get3A_311] {strides = array<i32>} : memref<128x128xf32, #tpu.memory_space<vmem>>, vector<1x16xf32>,
          %get3A_313 = vector.shape_cast %get3A_312 : vector<1x16xf32> to vector<16xf32>
          %add3A_314 = arith.constant 0 : i32
          %add3A_315 = arith.addi %add3A_172, %add3A_314 : i32
          %get3A_316 = arith.index_cast %add3A_315 : i32 to index
          %get3A_317 = arith.constant 96 : index
          %get3A_318 = tpu.vector_load %arg12[%get3A_316, %get3A_317] {strides = array<i32>} : memref<128x128xf32, #tpu.memory_space<vmem>>, vector<1x16xf32>,
          %get3A_319 = vector.shape_cast %get3A_318 : vector<1x16xf32> to vector<16xf32>
          %sub3A_320 = arith.subf %get3A_313, %get3A_319 : vector<16xf32>
          %max3A_321 = arith.constant 0.000000e+00 : f32
          %max3A_322 = vector.broadcast %max3A_321 : f32 to vector<16xf32>
          %max3A_323 = arith.maximumf %sub3A_320, %max3A_322 : vector<16xf32>
          %add3A_324 = arith.constant 0 : i32
          %add3A_325 = arith.addi %add3A_172, %add3A_324 : i32
          %swap3A_326 = arith.index_cast %add3A_325 : i32 to index
          %swap3A_327 = arith.constant 96 : index
          %swap3A_328 = tpu.vector_load %arg14[%swap3A_326, %swap3A_327] {strides = array<i32>} : memref<128x128xf32, #tpu.memory_space<vmem>>, vector<1x16xf32>,
          %swap3A_329 = vector.shape_cast %swap3A_328 : vector<1x16xf32> to vector<16xf32>
          %swap3A_330 = vector.shape_cast %max3A_323 : vector<16xf32> to vector<1x16xf32>
          tpu.vector_store %arg14[%swap3A_326, %swap3A_327], %swap3A_330 {strides = array<i32>} : memref<128x128xf32, #tpu.memory_space<vmem>>, vector<1x16xf32>,
          %add3A_331 = arith.constant 0 : i32
          %add3A_332 = arith.addi %add3A_172, %add3A_331 : i32
          %get3A_333 = arith.index_cast %add3A_332 : i32 to index
          %get3A_334 = arith.constant 112 : index
          %get3A_335 = tpu.vector_load %arg13[%get3A_333, %get3A_334] {strides = array<i32>} : memref<128x128xf32, #tpu.memory_space<vmem>>, vector<1x16xf32>,
          %get3A_336 = vector.shape_cast %get3A_335 : vector<1x16xf32> to vector<16xf32>
          %add3A_337 = arith.constant 0 : i32
          %add3A_338 = arith.addi %add3A_172, %add3A_337 : i32
          %get3A_339 = arith.index_cast %add3A_338 : i32 to index
          %get3A_340 = arith.constant 112 : index
          %get3A_341 = tpu.vector_load %arg12[%get3A_339, %get3A_340] {strides = array<i32>} : memref<128x128xf32, #tpu.memory_space<vmem>>, vector<1x16xf32>,
          %get3A_342 = vector.shape_cast %get3A_341 : vector<1x16xf32> to vector<16xf32>
          %sub3A_343 = arith.subf %get3A_336, %get3A_342 : vector<16xf32>
          %max3A_344 = arith.constant 0.000000e+00 : f32
          %max3A_345 = vector.broadcast %max3A_344 : f32 to vector<16xf32>
          %max3A_346 = arith.maximumf %sub3A_343, %max3A_345 : vector<16xf32>
          %add3A_347 = arith.constant 0 : i32
          %add3A_348 = arith.addi %add3A_172, %add3A_347 : i32
          %swap3A_349 = arith.index_cast %add3A_348 : i32 to index
          %swap3A_350 = arith.constant 112 : index
          %swap3A_351 = tpu.vector_load %arg14[%swap3A_349, %swap3A_350] {strides = array<i32>} : memref<128x128xf32, #tpu.memory_space<vmem>>, vector<1x16xf32>,
          %swap3A_352 = vector.shape_cast %swap3A_351 : vector<1x16xf32> to vector<16xf32>
          %swap3A_353 = vector.shape_cast %max3A_346 : vector<16xf32> to vector<1x16xf32>
          tpu.vector_store %arg14[%swap3A_349, %swap3A_350], %swap3A_353 {strides = array<i32>} : memref<128x128xf32, #tpu.memory_space<vmem>>, vector<1x16xf32>,
          %add3A_354 = arith.constant 1 : i32
          %add3A_355 = arith.addi %add3A_172, %add3A_354 : i32
          %get3A_356 = arith.index_cast %add3A_355 : i32 to index
          %get3A_357 = arith.constant 0 : index
          %get3A_358 = tpu.vector_load %arg13[%get3A_356, %get3A_357] {strides = array<i32>} : memref<128x128xf32, #tpu.memory_space<vmem>>, vector<1x16xf32>,
          %get3A_359 = vector.shape_cast %get3A_358 : vector<1x16xf32> to vector<16xf32>
          %add3A_360 = arith.constant 1 : i32
          %add3A_361 = arith.addi %add3A_172, %add3A_360 : i32
          %get3A_362 = arith.index_cast %add3A_361 : i32 to index
          %get3A_363 = arith.constant 0 : index
          %get3A_364 = tpu.vector_load %arg12[%get3A_362, %get3A_363] {strides = array<i32>} : memref<128x128xf32, #tpu.memory_space<vmem>>, vector<1x16xf32>,
          %get3A_365 = vector.shape_cast %get3A_364 : vector<1x16xf32> to vector<16xf32>
          %sub3A_366 = arith.subf %get3A_359, %get3A_365 : vector<16xf32>
          %max3A_367 = arith.constant 0.000000e+00 : f32
          %max3A_368 = vector.broadcast %max3A_367 : f32 to vector<16xf32>
          %max3A_369 = arith.maximumf %sub3A_366, %max3A_368 : vector<16xf32>
          %add3A_370 = arith.constant 1 : i32
          %add3A_371 = arith.addi %add3A_172, %add3A_370 : i32
          %swap3A_372 = arith.index_cast %add3A_371 : i32 to index
          %swap3A_373 = arith.constant 0 : index
          %swap3A_374 = tpu.vector_load %arg14[%swap3A_372, %swap3A_373] {strides = array<i32>} : memref<128x128xf32, #tpu.memory_space<vmem>>, vector<1x16xf32>,
          %swap3A_375 = vector.shape_cast %swap3A_374 : vector<1x16xf32> to vector<16xf32>
          %swap3A_376 = vector.shape_cast %max3A_369 : vector<16xf32> to vector<1x16xf32>
          tpu.vector_store %arg14[%swap3A_372, %swap3A_373], %swap3A_376 {strides = array<i32>} : memref<128x128xf32, #tpu.memory_space<vmem>>, vector<1x16xf32>,
          %add3A_377 = arith.constant 1 : i32
          %add3A_378 = arith.addi %add3A_172, %add3A_377 : i32
          %get3A_379 = arith.index_cast %add3A_378 : i32 to index
          %get3A_380 = arith.constant 16 : index
          %get3A_381 = tpu.vector_load %arg13[%get3A_379, %get3A_380] {strides = array<i32>} : memref<128x128xf32, #tpu.memory_space<vmem>>, vector<1x16xf32>,
          %get3A_382 = vector.shape_cast %get3A_381 : vector<1x16xf32> to vector<16xf32>
          %add3A_383 = arith.constant 1 : i32
          %add3A_384 = arith.addi %add3A_172, %add3A_383 : i32
          %get3A_385 = arith.index_cast %add3A_384 : i32 to index
          %get3A_386 = arith.constant 16 : index
          %get3A_387 = tpu.vector_load %arg12[%get3A_385, %get3A_386] {strides = array<i32>} : memref<128x128xf32, #tpu.memory_space<vmem>>, vector<1x16xf32>,
          %get3A_388 = vector.shape_cast %get3A_387 : vector<1x16xf32> to vector<16xf32>
          %sub3A_389 = arith.subf %get3A_382, %get3A_388 : vector<16xf32>
          %max3A_390 = arith.constant 0.000000e+00 : f32
          %max3A_391 = vector.broadcast %max3A_390 : f32 to vector<16xf32>
          %max3A_392 = arith.maximumf %sub3A_389, %max3A_391 : vector<16xf32>
          %add3A_393 = arith.constant 1 : i32
          %add3A_394 = arith.addi %add3A_172, %add3A_393 : i32
          %swap3A_395 = arith.index_cast %add3A_394 : i32 to index
          %swap3A_396 = arith.constant 16 : index
          %swap3A_397 = tpu.vector_load %arg14[%swap3A_395, %swap3A_396] {strides = array<i32>} : memref<128x128xf32, #tpu.memory_space<vmem>>, vector<1x16xf32>,
          %swap3A_398 = vector.shape_cast %swap3A_397 : vector<1x16xf32> to vector<16xf32>
          %swap3A_399 = vector.shape_cast %max3A_392 : vector<16xf32> to vector<1x16xf32>
          tpu.vector_store %arg14[%swap3A_395, %swap3A_396], %swap3A_399 {strides = array<i32>} : memref<128x128xf32, #tpu.memory_space<vmem>>, vector<1x16xf32>,
          %add3A_400 = arith.constant 1 : i32
          %add3A_401 = arith.addi %add3A_172, %add3A_400 : i32
          %get3A_402 = arith.index_cast %add3A_401 : i32 to index
          %get3A_403 = arith.constant 32 : index
          %get3A_404 = tpu.vector_load %arg13[%get3A_402, %get3A_403] {strides = array<i32>} : memref<128x128xf32, #tpu.memory_space<vmem>>, vector<1x16xf32>,
          %get3A_405 = vector.shape_cast %get3A_404 : vector<1x16xf32> to vector<16xf32>
          %add3A_406 = arith.constant 1 : i32
          %add3A_407 = arith.addi %add3A_172, %add3A_406 : i32
          %get3A_408 = arith.index_cast %add3A_407 : i32 to index
          %get3A_409 = arith.constant 32 : index
          %get3A_410 = tpu.vector_load %arg12[%get3A_408, %get3A_409] {strides = array<i32>} : memref<128x128xf32, #tpu.memory_space<vmem>>, vector<1x16xf32>,
          %get3A_411 = vector.shape_cast %get3A_410 : vector<1x16xf32> to vector<16xf32>
          %sub3A_412 = arith.subf %get3A_405, %get3A_411 : vector<16xf32>
          %max3A_413 = arith.constant 0.000000e+00 : f32
          %max3A_414 = vector.broadcast %max3A_413 : f32 to vector<16xf32>
          %max3A_415 = arith.maximumf %sub3A_412, %max3A_414 : vector<16xf32>
          %add3A_416 = arith.constant 1 : i32
          %add3A_417 = arith.addi %add3A_172, %add3A_416 : i32
          %swap3A_418 = arith.index_cast %add3A_417 : i32 to index
          %swap3A_419 = arith.constant 32 : index
          %swap3A_420 = tpu.vector_load %arg14[%swap3A_418, %swap3A_419] {strides = array<i32>} : memref<128x128xf32, #tpu.memory_space<vmem>>, vector<1x16xf32>,
          %swap3A_421 = vector.shape_cast %swap3A_420 : vector<1x16xf32> to vector<16xf32>
          %swap3A_422 = vector.shape_cast %max3A_415 : vector<16xf32> to vector<1x16xf32>
          tpu.vector_store %arg14[%swap3A_418, %swap3A_419], %swap3A_422 {strides = array<i32>} : memref<128x128xf32, #tpu.memory_space<vmem>>, vector<1x16xf32>,
          %add3A_423 = arith.constant 1 : i32
          %add3A_424 = arith.addi %add3A_172, %add3A_423 : i32
          %get3A_425 = arith.index_cast %add3A_424 : i32 to index
          %get3A_426 = arith.constant 48 : index
          %get3A_427 = tpu.vector_load %arg13[%get3A_425, %get3A_426] {strides = array<i32>} : memref<128x128xf32, #tpu.memory_space<vmem>>, vector<1x16xf32>,
          %get3A_428 = vector.shape_cast %get3A_427 : vector<1x16xf32> to vector<16xf32>
          %add3A_429 = arith.constant 1 : i32
          %add3A_430 = arith.addi %add3A_172, %add3A_429 : i32
          %get3A_431 = arith.index_cast %add3A_430 : i32 to index
          %get3A_432 = arith.constant 48 : index
          %get3A_433 = tpu.vector_load %arg12[%get3A_431, %get3A_432] {strides = array<i32>} : memref<128x128xf32, #tpu.memory_space<vmem>>, vector<1x16xf32>,
          %get3A_434 = vector.shape_cast %get3A_433 : vector<1x16xf32> to vector<16xf32>
          %sub3A_435 = arith.subf %get3A_428, %get3A_434 : vector<16xf32>
          %max3A_436 = arith.constant 0.000000e+00 : f32
          %max3A_437 = vector.broadcast %max3A_436 : f32 to vector<16xf32>
          %max3A_438 = arith.maximumf %sub3A_435, %max3A_437 : vector<16xf32>
          %add3A_439 = arith.constant 1 : i32
          %add3A_440 = arith.addi %add3A_172, %add3A_439 : i32
          %swap3A_441 = arith.index_cast %add3A_440 : i32 to index
          %swap3A_442 = arith.constant 48 : index
          %swap3A_443 = tpu.vector_load %arg14[%swap3A_441, %swap3A_442] {strides = array<i32>} : memref<128x128xf32, #tpu.memory_space<vmem>>, vector<1x16xf32>,
          %swap3A_444 = vector.shape_cast %swap3A_443 : vector<1x16xf32> to vector<16xf32>
          %swap3A_445 = vector.shape_cast %max3A_438 : vector<16xf32> to vector<1x16xf32>
          tpu.vector_store %arg14[%swap3A_441, %swap3A_442], %swap3A_445 {strides = array<i32>} : memref<128x128xf32, #tpu.memory_space<vmem>>, vector<1x16xf32>,
          %add3A_446 = arith.constant 1 : i32
          %add3A_447 = arith.addi %add3A_172, %add3A_446 : i32
          %get3A_448 = arith.index_cast %add3A_447 : i32 to index
          %get3A_449 = arith.constant 64 : index
          %get3A_450 = tpu.vector_load %arg13[%get3A_448, %get3A_449] {strides = array<i32>} : memref<128x128xf32, #tpu.memory_space<vmem>>, vector<1x16xf32>,
          %get3A_451 = vector.shape_cast %get3A_450 : vector<1x16xf32> to vector<16xf32>
          %add3A_452 = arith.constant 1 : i32
          %add3A_453 = arith.addi %add3A_172, %add3A_452 : i32
          %get3A_454 = arith.index_cast %add3A_453 : i32 to index
          %get3A_455 = arith.constant 64 : index
          %get3A_456 = tpu.vector_load %arg12[%get3A_454, %get3A_455] {strides = array<i32>} : memref<128x128xf32, #tpu.memory_space<vmem>>, vector<1x16xf32>,
          %get3A_457 = vector.shape_cast %get3A_456 : vector<1x16xf32> to vector<16xf32>
          %sub3A_458 = arith.subf %get3A_451, %get3A_457 : vector<16xf32>
          %max3A_459 = arith.constant 0.000000e+00 : f32
          %max3A_460 = vector.broadcast %max3A_459 : f32 to vector<16xf32>
          %max3A_461 = arith.maximumf %sub3A_458, %max3A_460 : vector<16xf32>
          %add3A_462 = arith.constant 1 : i32
          %add3A_463 = arith.addi %add3A_172, %add3A_462 : i32
          %swap3A_464 = arith.index_cast %add3A_463 : i32 to index
          %swap3A_465 = arith.constant 64 : index
          %swap3A_466 = tpu.vector_load %arg14[%swap3A_464, %swap3A_465] {strides = array<i32>} : memref<128x128xf32, #tpu.memory_space<vmem>>, vector<1x16xf32>,
          %swap3A_467 = vector.shape_cast %swap3A_466 : vector<1x16xf32> to vector<16xf32>
          %swap3A_468 = vector.shape_cast %max3A_461 : vector<16xf32> to vector<1x16xf32>
          tpu.vector_store %arg14[%swap3A_464, %swap3A_465], %swap3A_468 {strides = array<i32>} : memref<128x128xf32, #tpu.memory_space<vmem>>, vector<1x16xf32>,
          %add3A_469 = arith.constant 1 : i32
          %add3A_470 = arith.addi %add3A_172, %add3A_469 : i32
          %get3A_471 = arith.index_cast %add3A_470 : i32 to index
          %get3A_472 = arith.constant 80 : index
          %get3A_473 = tpu.vector_load %arg13[%get3A_471, %get3A_472] {strides = array<i32>} : memref<128x128xf32, #tpu.memory_space<vmem>>, vector<1x16xf32>,
          %get3A_474 = vector.shape_cast %get3A_473 : vector<1x16xf32> to vector<16xf32>
          %add3A_475 = arith.constant 1 : i32
          %add3A_476 = arith.addi %add3A_172, %add3A_475 : i32
          %get3A_477 = arith.index_cast %add3A_476 : i32 to index
          %get3A_478 = arith.constant 80 : index
          %get3A_479 = tpu.vector_load %arg12[%get3A_477, %get3A_478] {strides = array<i32>} : memref<128x128xf32, #tpu.memory_space<vmem>>, vector<1x16xf32>,
          %get3A_480 = vector.shape_cast %get3A_479 : vector<1x16xf32> to vector<16xf32>
          %sub3A_481 = arith.subf %get3A_474, %get3A_480 : vector<16xf32>
          %max3A_482 = arith.constant 0.000000e+00 : f32
          %max3A_483 = vector.broadcast %max3A_482 : f32 to vector<16xf32>
          %max3A_484 = arith.maximumf %sub3A_481, %max3A_483 : vector<16xf32>
          %add3A_485 = arith.constant 1 : i32
          %add3A_486 = arith.addi %add3A_172, %add3A_485 : i32
          %swap3A_487 = arith.index_cast %add3A_486 : i32 to index
          %swap3A_488 = arith.constant 80 : index
          %swap3A_489 = tpu.vector_load %arg14[%swap3A_487, %swap3A_488] {strides = array<i32>} : memref<128x128xf32, #tpu.memory_space<vmem>>, vector<1x16xf32>,
          %swap3A_490 = vector.shape_cast %swap3A_489 : vector<1x16xf32> to vector<16xf32>
          %swap3A_491 = vector.shape_cast %max3A_484 : vector<16xf32> to vector<1x16xf32>
          tpu.vector_store %arg14[%swap3A_487, %swap3A_488], %swap3A_491 {strides = array<i32>} : memref<128x128xf32, #tpu.memory_space<vmem>>, vector<1x16xf32>,
          %add3A_492 = arith.constant 1 : i32
          %add3A_493 = arith.addi %add3A_172, %add3A_492 : i32
          %get3A_494 = arith.index_cast %add3A_493 : i32 to index
          %get3A_495 = arith.constant 96 : index
          %get3A_496 = tpu.vector_load %arg13[%get3A_494, %get3A_495] {strides = array<i32>} : memref<128x128xf32, #tpu.memory_space<vmem>>, vector<1x16xf32>,
          %get3A_497 = vector.shape_cast %get3A_496 : vector<1x16xf32> to vector<16xf32>
          %add3A_498 = arith.constant 1 : i32
          %add3A_499 = arith.addi %add3A_172, %add3A_498 : i32
          %get3A_500 = arith.index_cast %add3A_499 : i32 to index
          %get3A_501 = arith.constant 96 : index
          %get3A_502 = tpu.vector_load %arg12[%get3A_500, %get3A_501] {strides = array<i32>} : memref<128x128xf32, #tpu.memory_space<vmem>>, vector<1x16xf32>,
          %get3A_503 = vector.shape_cast %get3A_502 : vector<1x16xf32> to vector<16xf32>
          %sub3A_504 = arith.subf %get3A_497, %get3A_503 : vector<16xf32>
          %max3A_505 = arith.constant 0.000000e+00 : f32
          %max3A_506 = vector.broadcast %max3A_505 : f32 to vector<16xf32>
          %max3A_507 = arith.maximumf %sub3A_504, %max3A_506 : vector<16xf32>
          %add3A_508 = arith.constant 1 : i32
          %add3A_509 = arith.addi %add3A_172, %add3A_508 : i32
          %swap3A_510 = arith.index_cast %add3A_509 : i32 to index
          %swap3A_511 = arith.constant 96 : index
          %swap3A_512 = tpu.vector_load %arg14[%swap3A_510, %swap3A_511] {strides = array<i32>} : memref<128x128xf32, #tpu.memory_space<vmem>>, vector<1x16xf32>,
          %swap3A_513 = vector.shape_cast %swap3A_512 : vector<1x16xf32> to vector<16xf32>
          %swap3A_514 = vector.shape_cast %max3A_507 : vector<16xf32> to vector<1x16xf32>
          tpu.vector_store %arg14[%swap3A_510, %swap3A_511], %swap3A_514 {strides = array<i32>} : memref<128x128xf32, #tpu.memory_space<vmem>>, vector<1x16xf32>,
          %add3A_515 = arith.constant 1 : i32
          %add3A_516 = arith.addi %add3A_172, %add3A_515 : i32
          %get3A_517 = arith.index_cast %add3A_516 : i32 to index
          %get3A_518 = arith.constant 112 : index
          %get3A_519 = tpu.vector_load %arg13[%get3A_517, %get3A_518] {strides = array<i32>} : memref<128x128xf32, #tpu.memory_space<vmem>>, vector<1x16xf32>,
          %get3A_520 = vector.shape_cast %get3A_519 : vector<1x16xf32> to vector<16xf32>
          %add3A_521 = arith.constant 1 : i32
          %add3A_522 = arith.addi %add3A_172, %add3A_521 : i32
          %get3A_523 = arith.index_cast %add3A_522 : i32 to index
          %get3A_524 = arith.constant 112 : index
          %get3A_525 = tpu.vector_load %arg12[%get3A_523, %get3A_524] {strides = array<i32>} : memref<128x128xf32, #tpu.memory_space<vmem>>, vector<1x16xf32>,
          %get3A_526 = vector.shape_cast %get3A_525 : vector<1x16xf32> to vector<16xf32>
          %sub3A_527 = arith.subf %get3A_520, %get3A_526 : vector<16xf32>
          %max3A_528 = arith.constant 0.000000e+00 : f32
          %max3A_529 = vector.broadcast %max3A_528 : f32 to vector<16xf32>
          %max3A_530 = arith.maximumf %sub3A_527, %max3A_529 : vector<16xf32>
          %add3A_531 = arith.constant 1 : i32
          %add3A_532 = arith.addi %add3A_172, %add3A_531 : i32
          %swap3A_533 = arith.index_cast %add3A_532 : i32 to index
          %swap3A_534 = arith.constant 112 : index
          %swap3A_535 = tpu.vector_load %arg14[%swap3A_533, %swap3A_534] {strides = array<i32>} : memref<128x128xf32, #tpu.memory_space<vmem>>, vector<1x16xf32>,
          %swap3A_536 = vector.shape_cast %swap3A_535 : vector<1x16xf32> to vector<16xf32>
          %swap3A_537 = vector.shape_cast %max3A_530 : vector<16xf32> to vector<1x16xf32>
          tpu.vector_store %arg14[%swap3A_533, %swap3A_534], %swap3A_537 {strides = array<i32>} : memref<128x128xf32, #tpu.memory_space<vmem>>, vector<1x16xf32>,
          %add3A_538 = arith.constant 2 : i32
          %add3A_539 = arith.addi %add3A_172, %add3A_538 : i32
          %get3A_540 = arith.index_cast %add3A_539 : i32 to index
          %get3A_541 = arith.constant 0 : index
          %get3A_542 = tpu.vector_load %arg13[%get3A_540, %get3A_541] {strides = array<i32>} : memref<128x128xf32, #tpu.memory_space<vmem>>, vector<1x16xf32>,
          %get3A_543 = vector.shape_cast %get3A_542 : vector<1x16xf32> to vector<16xf32>
          %add3A_544 = arith.constant 2 : i32
          %add3A_545 = arith.addi %add3A_172, %add3A_544 : i32
          %get3A_546 = arith.index_cast %add3A_545 : i32 to index
          %get3A_547 = arith.constant 0 : index
          %get3A_548 = tpu.vector_load %arg12[%get3A_546, %get3A_547] {strides = array<i32>} : memref<128x128xf32, #tpu.memory_space<vmem>>, vector<1x16xf32>,
          %get3A_549 = vector.shape_cast %get3A_548 : vector<1x16xf32> to vector<16xf32>
          %sub3A_550 = arith.subf %get3A_543, %get3A_549 : vector<16xf32>
          %max3A_551 = arith.constant 0.000000e+00 : f32
          %max3A_552 = vector.broadcast %max3A_551 : f32 to vector<16xf32>
          %max3A_553 = arith.maximumf %sub3A_550, %max3A_552 : vector<16xf32>
          %add3A_554 = arith.constant 2 : i32
          %add3A_555 = arith.addi %add3A_172, %add3A_554 : i32
          %swap3A_556 = arith.index_cast %add3A_555 : i32 to index
          %swap3A_557 = arith.constant 0 : index
          %swap3A_558 = tpu.vector_load %arg14[%swap3A_556, %swap3A_557] {strides = array<i32>} : memref<128x128xf32, #tpu.memory_space<vmem>>, vector<1x16xf32>,
          %swap3A_559 = vector.shape_cast %swap3A_558 : vector<1x16xf32> to vector<16xf32>
          %swap3A_560 = vector.shape_cast %max3A_553 : vector<16xf32> to vector<1x16xf32>
          tpu.vector_store %arg14[%swap3A_556, %swap3A_557], %swap3A_560 {strides = array<i32>} : memref<128x128xf32, #tpu.memory_space<vmem>>, vector<1x16xf32>,
          %add3A_561 = arith.constant 2 : i32
          %add3A_562 = arith.addi %add3A_172, %add3A_561 : i32
          %get3A_563 = arith.index_cast %add3A_562 : i32 to index
          %get3A_564 = arith.constant 16 : index
          %get3A_565 = tpu.vector_load %arg13[%get3A_563, %get3A_564] {strides = array<i32>} : memref<128x128xf32, #tpu.memory_space<vmem>>, vector<1x16xf32>,
          %get3A_566 = vector.shape_cast %get3A_565 : vector<1x16xf32> to vector<16xf32>
          %add3A_567 = arith.constant 2 : i32
          %add3A_568 = arith.addi %add3A_172, %add3A_567 : i32
          %get3A_569 = arith.index_cast %add3A_568 : i32 to index
          %get3A_570 = arith.constant 16 : index
          %get3A_571 = tpu.vector_load %arg12[%get3A_569, %get3A_570] {strides = array<i32>} : memref<128x128xf32, #tpu.memory_space<vmem>>, vector<1x16xf32>,
          %get3A_572 = vector.shape_cast %get3A_571 : vector<1x16xf32> to vector<16xf32>
          %sub3A_573 = arith.subf %get3A_566, %get3A_572 : vector<16xf32>
          %max3A_574 = arith.constant 0.000000e+00 : f32
          %max3A_575 = vector.broadcast %max3A_574 : f32 to vector<16xf32>
          %max3A_576 = arith.maximumf %sub3A_573, %max3A_575 : vector<16xf32>
          %add3A_577 = arith.constant 2 : i32
          %add3A_578 = arith.addi %add3A_172, %add3A_577 : i32
          %swap3A_579 = arith.index_cast %add3A_578 : i32 to index
          %swap3A_580 = arith.constant 16 : index
          %swap3A_581 = tpu.vector_load %arg14[%swap3A_579, %swap3A_580] {strides = array<i32>} : memref<128x128xf32, #tpu.memory_space<vmem>>, vector<1x16xf32>,
          %swap3A_582 = vector.shape_cast %swap3A_581 : vector<1x16xf32> to vector<16xf32>
          %swap3A_583 = vector.shape_cast %max3A_576 : vector<16xf32> to vector<1x16xf32>
          tpu.vector_store %arg14[%swap3A_579, %swap3A_580], %swap3A_583 {strides = array<i32>} : memref<128x128xf32, #tpu.memory_space<vmem>>, vector<1x16xf32>,
          %add3A_584 = arith.constant 2 : i32
          %add3A_585 = arith.addi %add3A_172, %add3A_584 : i32
          %get3A_586 = arith.index_cast %add3A_585 : i32 to index
          %get3A_587 = arith.constant 32 : index
          %get3A_588 = tpu.vector_load %arg13[%get3A_586, %get3A_587] {strides = array<i32>} : memref<128x128xf32, #tpu.memory_space<vmem>>, vector<1x16xf32>,
          %get3A_589 = vector.shape_cast %get3A_588 : vector<1x16xf32> to vector<16xf32>
          %add3A_590 = arith.constant 2 : i32
          %add3A_591 = arith.addi %add3A_172, %add3A_590 : i32
          %get3A_592 = arith.index_cast %add3A_591 : i32 to index
          %get3A_593 = arith.constant 32 : index
          %get3A_594 = tpu.vector_load %arg12[%get3A_592, %get3A_593] {strides = array<i32>} : memref<128x128xf32, #tpu.memory_space<vmem>>, vector<1x16xf32>,
          %get3A_595 = vector.shape_cast %get3A_594 : vector<1x16xf32> to vector<16xf32>
          %sub3A_596 = arith.subf %get3A_589, %get3A_595 : vector<16xf32>
          %max3A_597 = arith.constant 0.000000e+00 : f32
          %max3A_598 = vector.broadcast %max3A_597 : f32 to vector<16xf32>
          %max3A_599 = arith.maximumf %sub3A_596, %max3A_598 : vector<16xf32>
          %add3A_600 = arith.constant 2 : i32
          %add3A_601 = arith.addi %add3A_172, %add3A_600 : i32
          %swap3A_602 = arith.index_cast %add3A_601 : i32 to index
          %swap3A_603 = arith.constant 32 : index
          %swap3A_604 = tpu.vector_load %arg14[%swap3A_602, %swap3A_603] {strides = array<i32>} : memref<128x128xf32, #tpu.memory_space<vmem>>, vector<1x16xf32>,
          %swap3A_605 = vector.shape_cast %swap3A_604 : vector<1x16xf32> to vector<16xf32>
          %swap3A_606 = vector.shape_cast %max3A_599 : vector<16xf32> to vector<1x16xf32>
          tpu.vector_store %arg14[%swap3A_602, %swap3A_603], %swap3A_606 {strides = array<i32>} : memref<128x128xf32, #tpu.memory_space<vmem>>, vector<1x16xf32>,
          %add3A_607 = arith.constant 2 : i32
          %add3A_608 = arith.addi %add3A_172, %add3A_607 : i32
          %get3A_609 = arith.index_cast %add3A_608 : i32 to index
          %get3A_610 = arith.constant 48 : index
          %get3A_611 = tpu.vector_load %arg13[%get3A_609, %get3A_610] {strides = array<i32>} : memref<128x128xf32, #tpu.memory_space<vmem>>, vector<1x16xf32>,
          %get3A_612 = vector.shape_cast %get3A_611 : vector<1x16xf32> to vector<16xf32>
          %add3A_613 = arith.constant 2 : i32
          %add3A_614 = arith.addi %add3A_172, %add3A_613 : i32
          %get3A_615 = arith.index_cast %add3A_614 : i32 to index
          %get3A_616 = arith.constant 48 : index
          %get3A_617 = tpu.vector_load %arg12[%get3A_615, %get3A_616] {strides = array<i32>} : memref<128x128xf32, #tpu.memory_space<vmem>>, vector<1x16xf32>,
          %get3A_618 = vector.shape_cast %get3A_617 : vector<1x16xf32> to vector<16xf32>
          %sub3A_619 = arith.subf %get3A_612, %get3A_618 : vector<16xf32>
          %max3A_620 = arith.constant 0.000000e+00 : f32
          %max3A_621 = vector.broadcast %max3A_620 : f32 to vector<16xf32>
          %max3A_622 = arith.maximumf %sub3A_619, %max3A_621 : vector<16xf32>
          %add3A_623 = arith.constant 2 : i32
          %add3A_624 = arith.addi %add3A_172, %add3A_623 : i32
          %swap3A_625 = arith.index_cast %add3A_624 : i32 to index
          %swap3A_626 = arith.constant 48 : index
          %swap3A_627 = tpu.vector_load %arg14[%swap3A_625, %swap3A_626] {strides = array<i32>} : memref<128x128xf32, #tpu.memory_space<vmem>>, vector<1x16xf32>,
          %swap3A_628 = vector.shape_cast %swap3A_627 : vector<1x16xf32> to vector<16xf32>
          %swap3A_629 = vector.shape_cast %max3A_622 : vector<16xf32> to vector<1x16xf32>
          tpu.vector_store %arg14[%swap3A_625, %swap3A_626], %swap3A_629 {strides = array<i32>} : memref<128x128xf32, #tpu.memory_space<vmem>>, vector<1x16xf32>,
          %add3A_630 = arith.constant 2 : i32
          %add3A_631 = arith.addi %add3A_172, %add3A_630 : i32
          %get3A_632 = arith.index_cast %add3A_631 : i32 to index
          %get3A_633 = arith.constant 64 : index
          %get3A_634 = tpu.vector_load %arg13[%get3A_632, %get3A_633] {strides = array<i32>} : memref<128x128xf32, #tpu.memory_space<vmem>>, vector<1x16xf32>,
          %get3A_635 = vector.shape_cast %get3A_634 : vector<1x16xf32> to vector<16xf32>
          %add3A_636 = arith.constant 2 : i32
          %add3A_637 = arith.addi %add3A_172, %add3A_636 : i32
          %get3A_638 = arith.index_cast %add3A_637 : i32 to index
          %get3A_639 = arith.constant 64 : index
          %get3A_640 = tpu.vector_load %arg12[%get3A_638, %get3A_639] {strides = array<i32>} : memref<128x128xf32, #tpu.memory_space<vmem>>, vector<1x16xf32>,
          %get3A_641 = vector.shape_cast %get3A_640 : vector<1x16xf32> to vector<16xf32>
          %sub3A_642 = arith.subf %get3A_635, %get3A_641 : vector<16xf32>
          %max3A_643 = arith.constant 0.000000e+00 : f32
          %max3A_644 = vector.broadcast %max3A_643 : f32 to vector<16xf32>
          %max3A_645 = arith.maximumf %sub3A_642, %max3A_644 : vector<16xf32>
          %add3A_646 = arith.constant 2 : i32
          %add3A_647 = arith.addi %add3A_172, %add3A_646 : i32
          %swap3A_648 = arith.index_cast %add3A_647 : i32 to index
          %swap3A_649 = arith.constant 64 : index
          %swap3A_650 = tpu.vector_load %arg14[%swap3A_648, %swap3A_649] {strides = array<i32>} : memref<128x128xf32, #tpu.memory_space<vmem>>, vector<1x16xf32>,
          %swap3A_651 = vector.shape_cast %swap3A_650 : vector<1x16xf32> to vector<16xf32>
          %swap3A_652 = vector.shape_cast %max3A_645 : vector<16xf32> to vector<1x16xf32>
          tpu.vector_store %arg14[%swap3A_648, %swap3A_649], %swap3A_652 {strides = array<i32>} : memref<128x128xf32, #tpu.memory_space<vmem>>, vector<1x16xf32>,
          %add3A_653 = arith.constant 2 : i32
          %add3A_654 = arith.addi %add3A_172, %add3A_653 : i32
          %get3A_655 = arith.index_cast %add3A_654 : i32 to index
          %get3A_656 = arith.constant 80 : index
          %get3A_657 = tpu.vector_load %arg13[%get3A_655, %get3A_656] {strides = array<i32>} : memref<128x128xf32, #tpu.memory_space<vmem>>, vector<1x16xf32>,
          %get3A_658 = vector.shape_cast %get3A_657 : vector<1x16xf32> to vector<16xf32>
          %add3A_659 = arith.constant 2 : i32
          %add3A_660 = arith.addi %add3A_172, %add3A_659 : i32
          %get3A_661 = arith.index_cast %add3A_660 : i32 to index
          %get3A_662 = arith.constant 80 : index
          %get3A_663 = tpu.vector_load %arg12[%get3A_661, %get3A_662] {strides = array<i32>} : memref<128x128xf32, #tpu.memory_space<vmem>>, vector<1x16xf32>,
          %get3A_664 = vector.shape_cast %get3A_663 : vector<1x16xf32> to vector<16xf32>
          %sub3A_665 = arith.subf %get3A_658, %get3A_664 : vector<16xf32>
          %max3A_666 = arith.constant 0.000000e+00 : f32
          %max3A_667 = vector.broadcast %max3A_666 : f32 to vector<16xf32>
          %max3A_668 = arith.maximumf %sub3A_665, %max3A_667 : vector<16xf32>
          %add3A_669 = arith.constant 2 : i32
          %add3A_670 = arith.addi %add3A_172, %add3A_669 : i32
          %swap3A_671 = arith.index_cast %add3A_670 : i32 to index
          %swap3A_672 = arith.constant 80 : index
          %swap3A_673 = tpu.vector_load %arg14[%swap3A_671, %swap3A_672] {strides = array<i32>} : memref<128x128xf32, #tpu.memory_space<vmem>>, vector<1x16xf32>,
          %swap3A_674 = vector.shape_cast %swap3A_673 : vector<1x16xf32> to vector<16xf32>
          %swap3A_675 = vector.shape_cast %max3A_668 : vector<16xf32> to vector<1x16xf32>
          tpu.vector_store %arg14[%swap3A_671, %swap3A_672], %swap3A_675 {strides = array<i32>} : memref<128x128xf32, #tpu.memory_space<vmem>>, vector<1x16xf32>,
          %add3A_676 = arith.constant 2 : i32
          %add3A_677 = arith.addi %add3A_172, %add3A_676 : i32
          %get3A_678 = arith.index_cast %add3A_677 : i32 to index
          %get3A_679 = arith.constant 96 : index
          %get3A_680 = tpu.vector_load %arg13[%get3A_678, %get3A_679] {strides = array<i32>} : memref<128x128xf32, #tpu.memory_space<vmem>>, vector<1x16xf32>,
          %get3A_681 = vector.shape_cast %get3A_680 : vector<1x16xf32> to vector<16xf32>
          %add3A_682 = arith.constant 2 : i32
          %add3A_683 = arith.addi %add3A_172, %add3A_682 : i32
          %get3A_684 = arith.index_cast %add3A_683 : i32 to index
          %get3A_685 = arith.constant 96 : index
          %get3A_686 = tpu.vector_load %arg12[%get3A_684, %get3A_685] {strides = array<i32>} : memref<128x128xf32, #tpu.memory_space<vmem>>, vector<1x16xf32>,
          %get3A_687 = vector.shape_cast %get3A_686 : vector<1x16xf32> to vector<16xf32>
          %sub3A_688 = arith.subf %get3A_681, %get3A_687 : vector<16xf32>
          %max3A_689 = arith.constant 0.000000e+00 : f32
          %max3A_690 = vector.broadcast %max3A_689 : f32 to vector<16xf32>
          %max3A_691 = arith.maximumf %sub3A_688, %max3A_690 : vector<16xf32>
          %add3A_692 = arith.constant 2 : i32
          %add3A_693 = arith.addi %add3A_172, %add3A_692 : i32
          %swap3A_694 = arith.index_cast %add3A_693 : i32 to index
          %swap3A_695 = arith.constant 96 : index
          %swap3A_696 = tpu.vector_load %arg14[%swap3A_694, %swap3A_695] {strides = array<i32>} : memref<128x128xf32, #tpu.memory_space<vmem>>, vector<1x16xf32>,
          %swap3A_697 = vector.shape_cast %swap3A_696 : vector<1x16xf32> to vector<16xf32>
          %swap3A_698 = vector.shape_cast %max3A_691 : vector<16xf32> to vector<1x16xf32>
          tpu.vector_store %arg14[%swap3A_694, %swap3A_695], %swap3A_698 {strides = array<i32>} : memref<128x128xf32, #tpu.memory_space<vmem>>, vector<1x16xf32>,
          %add3A_699 = arith.constant 2 : i32
          %add3A_700 = arith.addi %add3A_172, %add3A_699 : i32
          %get3A_701 = arith.index_cast %add3A_700 : i32 to index
          %get3A_702 = arith.constant 112 : index
          %get3A_703 = tpu.vector_load %arg13[%get3A_701, %get3A_702] {strides = array<i32>} : memref<128x128xf32, #tpu.memory_space<vmem>>, vector<1x16xf32>,
          %get3A_704 = vector.shape_cast %get3A_703 : vector<1x16xf32> to vector<16xf32>
          %add3A_705 = arith.constant 2 : i32
          %add3A_706 = arith.addi %add3A_172, %add3A_705 : i32
          %get3A_707 = arith.index_cast %add3A_706 : i32 to index
          %get3A_708 = arith.constant 112 : index
          %get3A_709 = tpu.vector_load %arg12[%get3A_707, %get3A_708] {strides = array<i32>} : memref<128x128xf32, #tpu.memory_space<vmem>>, vector<1x16xf32>,
          %get3A_710 = vector.shape_cast %get3A_709 : vector<1x16xf32> to vector<16xf32>
          %sub3A_711 = arith.subf %get3A_704, %get3A_710 : vector<16xf32>
          %max3A_712 = arith.constant 0.000000e+00 : f32
          %max3A_713 = vector.broadcast %max3A_712 : f32 to vector<16xf32>
          %max3A_714 = arith.maximumf %sub3A_711, %max3A_713 : vector<16xf32>
          %add3A_715 = arith.constant 2 : i32
          %add3A_716 = arith.addi %add3A_172, %add3A_715 : i32
          %swap3A_717 = arith.index_cast %add3A_716 : i32 to index
          %swap3A_718 = arith.constant 112 : index
          %swap3A_719 = tpu.vector_load %arg14[%swap3A_717, %swap3A_718] {strides = array<i32>} : memref<128x128xf32, #tpu.memory_space<vmem>>, vector<1x16xf32>,
          %swap3A_720 = vector.shape_cast %swap3A_719 : vector<1x16xf32> to vector<16xf32>
          %swap3A_721 = vector.shape_cast %max3A_714 : vector<16xf32> to vector<1x16xf32>
          tpu.vector_store %arg14[%swap3A_717, %swap3A_718], %swap3A_721 {strides = array<i32>} : memref<128x128xf32, #tpu.memory_space<vmem>>, vector<1x16xf32>,
          %add3A_722 = arith.constant 3 : i32
          %add3A_723 = arith.addi %add3A_172, %add3A_722 : i32
          %get3A_724 = arith.index_cast %add3A_723 : i32 to index
          %get3A_725 = arith.constant 0 : index
          %get3A_726 = tpu.vector_load %arg13[%get3A_724, %get3A_725] {strides = array<i32>} : memref<128x128xf32, #tpu.memory_space<vmem>>, vector<1x16xf32>,
          %get3A_727 = vector.shape_cast %get3A_726 : vector<1x16xf32> to vector<16xf32>
          %add3A_728 = arith.constant 3 : i32
          %add3A_729 = arith.addi %add3A_172, %add3A_728 : i32
          %get3A_730 = arith.index_cast %add3A_729 : i32 to index
          %get3A_731 = arith.constant 0 : index
          %get3A_732 = tpu.vector_load %arg12[%get3A_730, %get3A_731] {strides = array<i32>} : memref<128x128xf32, #tpu.memory_space<vmem>>, vector<1x16xf32>,
          %get3A_733 = vector.shape_cast %get3A_732 : vector<1x16xf32> to vector<16xf32>
          %sub3A_734 = arith.subf %get3A_727, %get3A_733 : vector<16xf32>
          %max3A_735 = arith.constant 0.000000e+00 : f32
          %max3A_736 = vector.broadcast %max3A_735 : f32 to vector<16xf32>
          %max3A_737 = arith.maximumf %sub3A_734, %max3A_736 : vector<16xf32>
          %add3A_738 = arith.constant 3 : i32
          %add3A_739 = arith.addi %add3A_172, %add3A_738 : i32
          %swap3A_740 = arith.index_cast %add3A_739 : i32 to index
          %swap3A_741 = arith.constant 0 : index
          %swap3A_742 = tpu.vector_load %arg14[%swap3A_740, %swap3A_741] {strides = array<i32>} : memref<128x128xf32, #tpu.memory_space<vmem>>, vector<1x16xf32>,
          %swap3A_743 = vector.shape_cast %swap3A_742 : vector<1x16xf32> to vector<16xf32>
          %swap3A_744 = vector.shape_cast %max3A_737 : vector<16xf32> to vector<1x16xf32>
          tpu.vector_store %arg14[%swap3A_740, %swap3A_741], %swap3A_744 {strides = array<i32>} : memref<128x128xf32, #tpu.memory_space<vmem>>, vector<1x16xf32>,
          %add3A_745 = arith.constant 3 : i32
          %add3A_746 = arith.addi %add3A_172, %add3A_745 : i32
          %get3A_747 = arith.index_cast %add3A_746 : i32 to index
          %get3A_748 = arith.constant 16 : index
          %get3A_749 = tpu.vector_load %arg13[%get3A_747, %get3A_748] {strides = array<i32>} : memref<128x128xf32, #tpu.memory_space<vmem>>, vector<1x16xf32>,
          %get3A_750 = vector.shape_cast %get3A_749 : vector<1x16xf32> to vector<16xf32>
          %add3A_751 = arith.constant 3 : i32
          %add3A_752 = arith.addi %add3A_172, %add3A_751 : i32
          %get3A_753 = arith.index_cast %add3A_752 : i32 to index
          %get3A_754 = arith.constant 16 : index
          %get3A_755 = tpu.vector_load %arg12[%get3A_753, %get3A_754] {strides = array<i32>} : memref<128x128xf32, #tpu.memory_space<vmem>>, vector<1x16xf32>,
          %get3A_756 = vector.shape_cast %get3A_755 : vector<1x16xf32> to vector<16xf32>
          %sub3A_757 = arith.subf %get3A_750, %get3A_756 : vector<16xf32>
          %max3A_758 = arith.constant 0.000000e+00 : f32
          %max3A_759 = vector.broadcast %max3A_758 : f32 to vector<16xf32>
          %max3A_760 = arith.maximumf %sub3A_757, %max3A_759 : vector<16xf32>
          %add3A_761 = arith.constant 3 : i32
          %add3A_762 = arith.addi %add3A_172, %add3A_761 : i32
          %swap3A_763 = arith.index_cast %add3A_762 : i32 to index
          %swap3A_764 = arith.constant 16 : index
          %swap3A_765 = tpu.vector_load %arg14[%swap3A_763, %swap3A_764] {strides = array<i32>} : memref<128x128xf32, #tpu.memory_space<vmem>>, vector<1x16xf32>,
          %swap3A_766 = vector.shape_cast %swap3A_765 : vector<1x16xf32> to vector<16xf32>
          %swap3A_767 = vector.shape_cast %max3A_760 : vector<16xf32> to vector<1x16xf32>
          tpu.vector_store %arg14[%swap3A_763, %swap3A_764], %swap3A_767 {strides = array<i32>} : memref<128x128xf32, #tpu.memory_space<vmem>>, vector<1x16xf32>,
          %add3A_768 = arith.constant 3 : i32
          %add3A_769 = arith.addi %add3A_172, %add3A_768 : i32
          %get3A_770 = arith.index_cast %add3A_769 : i32 to index
          %get3A_771 = arith.constant 32 : index
          %get3A_772 = tpu.vector_load %arg13[%get3A_770, %get3A_771] {strides = array<i32>} : memref<128x128xf32, #tpu.memory_space<vmem>>, vector<1x16xf32>,
          %get3A_773 = vector.shape_cast %get3A_772 : vector<1x16xf32> to vector<16xf32>
          %add3A_774 = arith.constant 3 : i32
          %add3A_775 = arith.addi %add3A_172, %add3A_774 : i32
          %get3A_776 = arith.index_cast %add3A_775 : i32 to index
          %get3A_777 = arith.constant 32 : index
          %get3A_778 = tpu.vector_load %arg12[%get3A_776, %get3A_777] {strides = array<i32>} : memref<128x128xf32, #tpu.memory_space<vmem>>, vector<1x16xf32>,
          %get3A_779 = vector.shape_cast %get3A_778 : vector<1x16xf32> to vector<16xf32>
          %sub3A_780 = arith.subf %get3A_773, %get3A_779 : vector<16xf32>
          %max3A_781 = arith.constant 0.000000e+00 : f32
          %max3A_782 = vector.broadcast %max3A_781 : f32 to vector<16xf32>
          %max3A_783 = arith.maximumf %sub3A_780, %max3A_782 : vector<16xf32>
          %add3A_784 = arith.constant 3 : i32
          %add3A_785 = arith.addi %add3A_172, %add3A_784 : i32
          %swap3A_786 = arith.index_cast %add3A_785 : i32 to index
          %swap3A_787 = arith.constant 32 : index
          %swap3A_788 = tpu.vector_load %arg14[%swap3A_786, %swap3A_787] {strides = array<i32>} : memref<128x128xf32, #tpu.memory_space<vmem>>, vector<1x16xf32>,
          %swap3A_789 = vector.shape_cast %swap3A_788 : vector<1x16xf32> to vector<16xf32>
          %swap3A_790 = vector.shape_cast %max3A_783 : vector<16xf32> to vector<1x16xf32>
          tpu.vector_store %arg14[%swap3A_786, %swap3A_787], %swap3A_790 {strides = array<i32>} : memref<128x128xf32, #tpu.memory_space<vmem>>, vector<1x16xf32>,
          %add3A_791 = arith.constant 3 : i32
          %add3A_792 = arith.addi %add3A_172, %add3A_791 : i32
          %get3A_793 = arith.index_cast %add3A_792 : i32 to index
          %get3A_794 = arith.constant 48 : index
          %get3A_795 = tpu.vector_load %arg13[%get3A_793, %get3A_794] {strides = array<i32>} : memref<128x128xf32, #tpu.memory_space<vmem>>, vector<1x16xf32>,
          %get3A_796 = vector.shape_cast %get3A_795 : vector<1x16xf32> to vector<16xf32>
          %add3A_797 = arith.constant 3 : i32
          %add3A_798 = arith.addi %add3A_172, %add3A_797 : i32
          %get3A_799 = arith.index_cast %add3A_798 : i32 to index
          %get3A_800 = arith.constant 48 : index
          %get3A_801 = tpu.vector_load %arg12[%get3A_799, %get3A_800] {strides = array<i32>} : memref<128x128xf32, #tpu.memory_space<vmem>>, vector<1x16xf32>,
          %get3A_802 = vector.shape_cast %get3A_801 : vector<1x16xf32> to vector<16xf32>
          %sub3A_803 = arith.subf %get3A_796, %get3A_802 : vector<16xf32>
          %max3A_804 = arith.constant 0.000000e+00 : f32
          %max3A_805 = vector.broadcast %max3A_804 : f32 to vector<16xf32>
          %max3A_806 = arith.maximumf %sub3A_803, %max3A_805 : vector<16xf32>
          %add3A_807 = arith.constant 3 : i32
          %add3A_808 = arith.addi %add3A_172, %add3A_807 : i32
          %swap3A_809 = arith.index_cast %add3A_808 : i32 to index
          %swap3A_810 = arith.constant 48 : index
          %swap3A_811 = tpu.vector_load %arg14[%swap3A_809, %swap3A_810] {strides = array<i32>} : memref<128x128xf32, #tpu.memory_space<vmem>>, vector<1x16xf32>,
          %swap3A_812 = vector.shape_cast %swap3A_811 : vector<1x16xf32> to vector<16xf32>
          %swap3A_813 = vector.shape_cast %max3A_806 : vector<16xf32> to vector<1x16xf32>
          tpu.vector_store %arg14[%swap3A_809, %swap3A_810], %swap3A_813 {strides = array<i32>} : memref<128x128xf32, #tpu.memory_space<vmem>>, vector<1x16xf32>,
          %add3A_814 = arith.constant 3 : i32
          %add3A_815 = arith.addi %add3A_172, %add3A_814 : i32
          %get3A_816 = arith.index_cast %add3A_815 : i32 to index
          %get3A_817 = arith.constant 64 : index
          %get3A_818 = tpu.vector_load %arg13[%get3A_816, %get3A_817] {strides = array<i32>} : memref<128x128xf32, #tpu.memory_space<vmem>>, vector<1x16xf32>,
          %get3A_819 = vector.shape_cast %get3A_818 : vector<1x16xf32> to vector<16xf32>
          %add3A_820 = arith.constant 3 : i32
          %add3A_821 = arith.addi %add3A_172, %add3A_820 : i32
          %get3A_822 = arith.index_cast %add3A_821 : i32 to index
          %get3A_823 = arith.constant 64 : index
          %get3A_824 = tpu.vector_load %arg12[%get3A_822, %get3A_823] {strides = array<i32>} : memref<128x128xf32, #tpu.memory_space<vmem>>, vector<1x16xf32>,
          %get3A_825 = vector.shape_cast %get3A_824 : vector<1x16xf32> to vector<16xf32>
          %sub3A_826 = arith.subf %get3A_819, %get3A_825 : vector<16xf32>
          %max3A_827 = arith.constant 0.000000e+00 : f32
          %max3A_828 = vector.broadcast %max3A_827 : f32 to vector<16xf32>
          %max3A_829 = arith.maximumf %sub3A_826, %max3A_828 : vector<16xf32>
          %add3A_830 = arith.constant 3 : i32
          %add3A_831 = arith.addi %add3A_172, %add3A_830 : i32
          %swap3A_832 = arith.index_cast %add3A_831 : i32 to index
          %swap3A_833 = arith.constant 64 : index
          %swap3A_834 = tpu.vector_load %arg14[%swap3A_832, %swap3A_833] {strides = array<i32>} : memref<128x128xf32, #tpu.memory_space<vmem>>, vector<1x16xf32>,
          %swap3A_835 = vector.shape_cast %swap3A_834 : vector<1x16xf32> to vector<16xf32>
          %swap3A_836 = vector.shape_cast %max3A_829 : vector<16xf32> to vector<1x16xf32>
          tpu.vector_store %arg14[%swap3A_832, %swap3A_833], %swap3A_836 {strides = array<i32>} : memref<128x128xf32, #tpu.memory_space<vmem>>, vector<1x16xf32>,
          %add3A_837 = arith.constant 3 : i32
          %add3A_838 = arith.addi %add3A_172, %add3A_837 : i32
          %get3A_839 = arith.index_cast %add3A_838 : i32 to index
          %get3A_840 = arith.constant 80 : index
          %get3A_841 = tpu.vector_load %arg13[%get3A_839, %get3A_840] {strides = array<i32>} : memref<128x128xf32, #tpu.memory_space<vmem>>, vector<1x16xf32>,
          %get3A_842 = vector.shape_cast %get3A_841 : vector<1x16xf32> to vector<16xf32>
          %add3A_843 = arith.constant 3 : i32
          %add3A_844 = arith.addi %add3A_172, %add3A_843 : i32
          %get3A_845 = arith.index_cast %add3A_844 : i32 to index
          %get3A_846 = arith.constant 80 : index
          %get3A_847 = tpu.vector_load %arg12[%get3A_845, %get3A_846] {strides = array<i32>} : memref<128x128xf32, #tpu.memory_space<vmem>>, vector<1x16xf32>,
          %get3A_848 = vector.shape_cast %get3A_847 : vector<1x16xf32> to vector<16xf32>
          %sub3A_849 = arith.subf %get3A_842, %get3A_848 : vector<16xf32>
          %max3A_850 = arith.constant 0.000000e+00 : f32
          %max3A_851 = vector.broadcast %max3A_850 : f32 to vector<16xf32>
          %max3A_852 = arith.maximumf %sub3A_849, %max3A_851 : vector<16xf32>
          %add3A_853 = arith.constant 3 : i32
          %add3A_854 = arith.addi %add3A_172, %add3A_853 : i32
          %swap3A_855 = arith.index_cast %add3A_854 : i32 to index
          %swap3A_856 = arith.constant 80 : index
          %swap3A_857 = tpu.vector_load %arg14[%swap3A_855, %swap3A_856] {strides = array<i32>} : memref<128x128xf32, #tpu.memory_space<vmem>>, vector<1x16xf32>,
          %swap3A_858 = vector.shape_cast %swap3A_857 : vector<1x16xf32> to vector<16xf32>
          %swap3A_859 = vector.shape_cast %max3A_852 : vector<16xf32> to vector<1x16xf32>
          tpu.vector_store %arg14[%swap3A_855, %swap3A_856], %swap3A_859 {strides = array<i32>} : memref<128x128xf32, #tpu.memory_space<vmem>>, vector<1x16xf32>,
          %add3A_860 = arith.constant 3 : i32
          %add3A_861 = arith.addi %add3A_172, %add3A_860 : i32
          %get3A_862 = arith.index_cast %add3A_861 : i32 to index
          %get3A_863 = arith.constant 96 : index
          %get3A_864 = tpu.vector_load %arg13[%get3A_862, %get3A_863] {strides = array<i32>} : memref<128x128xf32, #tpu.memory_space<vmem>>, vector<1x16xf32>,
          %get3A_865 = vector.shape_cast %get3A_864 : vector<1x16xf32> to vector<16xf32>
          %add3A_866 = arith.constant 3 : i32
          %add3A_867 = arith.addi %add3A_172, %add3A_866 : i32
          %get3A_868 = arith.index_cast %add3A_867 : i32 to index
          %get3A_869 = arith.constant 96 : index
          %get3A_870 = tpu.vector_load %arg12[%get3A_868, %get3A_869] {strides = array<i32>} : memref<128x128xf32, #tpu.memory_space<vmem>>, vector<1x16xf32>,
          %get3A_871 = vector.shape_cast %get3A_870 : vector<1x16xf32> to vector<16xf32>
          %sub3A_872 = arith.subf %get3A_865, %get3A_871 : vector<16xf32>
          %max3A_873 = arith.constant 0.000000e+00 : f32
          %max3A_874 = vector.broadcast %max3A_873 : f32 to vector<16xf32>
          %max3A_875 = arith.maximumf %sub3A_872, %max3A_874 : vector<16xf32>
          %add3A_876 = arith.constant 3 : i32
          %add3A_877 = arith.addi %add3A_172, %add3A_876 : i32
          %swap3A_878 = arith.index_cast %add3A_877 : i32 to index
          %swap3A_879 = arith.constant 96 : index
          %swap3A_880 = tpu.vector_load %arg14[%swap3A_878, %swap3A_879] {strides = array<i32>} : memref<128x128xf32, #tpu.memory_space<vmem>>, vector<1x16xf32>,
          %swap3A_881 = vector.shape_cast %swap3A_880 : vector<1x16xf32> to vector<16xf32>
          %swap3A_882 = vector.shape_cast %max3A_875 : vector<16xf32> to vector<1x16xf32>
          tpu.vector_store %arg14[%swap3A_878, %swap3A_879], %swap3A_882 {strides = array<i32>} : memref<128x128xf32, #tpu.memory_space<vmem>>, vector<1x16xf32>,
          %add3A_883 = arith.constant 3 : i32
          %add3A_884 = arith.addi %add3A_172, %add3A_883 : i32
          %get3A_885 = arith.index_cast %add3A_884 : i32 to index
          %get3A_886 = arith.constant 112 : index
          %get3A_887 = tpu.vector_load %arg13[%get3A_885, %get3A_886] {strides = array<i32>} : memref<128x128xf32, #tpu.memory_space<vmem>>, vector<1x16xf32>,
          %get3A_888 = vector.shape_cast %get3A_887 : vector<1x16xf32> to vector<16xf32>
          %add3A_889 = arith.constant 3 : i32
          %add3A_890 = arith.addi %add3A_172, %add3A_889 : i32
          %get3A_891 = arith.index_cast %add3A_890 : i32 to index
          %get3A_892 = arith.constant 112 : index
          %get3A_893 = tpu.vector_load %arg12[%get3A_891, %get3A_892] {strides = array<i32>} : memref<128x128xf32, #tpu.memory_space<vmem>>, vector<1x16xf32>,
          %get3A_894 = vector.shape_cast %get3A_893 : vector<1x16xf32> to vector<16xf32>
          %sub3A_895 = arith.subf %get3A_888, %get3A_894 : vector<16xf32>
          %max3A_896 = arith.constant 0.000000e+00 : f32
          %max3A_897 = vector.broadcast %max3A_896 : f32 to vector<16xf32>
          %max3A_898 = arith.maximumf %sub3A_895, %max3A_897 : vector<16xf32>
          %add3A_899 = arith.constant 3 : i32
          %add3A_900 = arith.addi %add3A_172, %add3A_899 : i32
          %swap3A_901 = arith.index_cast %add3A_900 : i32 to index
          %swap3A_902 = arith.constant 112 : index
          %swap3A_903 = tpu.vector_load %arg14[%swap3A_901, %swap3A_902] {strides = array<i32>} : memref<128x128xf32, #tpu.memory_space<vmem>>, vector<1x16xf32>,
          %swap3A_904 = vector.shape_cast %swap3A_903 : vector<1x16xf32> to vector<16xf32>
          %swap3A_905 = vector.shape_cast %max3A_898 : vector<16xf32> to vector<1x16xf32>
          tpu.vector_store %arg14[%swap3A_901, %swap3A_902], %swap3A_905 {strides = array<i32>} : memref<128x128xf32, #tpu.memory_space<vmem>>, vector<1x16xf32>,
        }
        %scan3A_152 = arith.constant 32 : i32
        %add3A_153 = arith.addi %select_n3A, %add3A_85 : i32
        %add3A_154 = arith.constant 1 : i32
        %add3A_155 = arith.addi %add3A_153, %add3A_154 : i32
        %mul3A_156 = arith.constant 128 : i32
        %mul3A_157 = arith.muli %add3A_155, %mul3A_156 : i32
        %dma_start3A_158 = arith.constant 0 : i32
        %dma_start3A_159 = tpu.memref_slice %arg6[%mul3A_157, %dma_start3A_158] : memref<320000x128xf32, #tpu.memory_space<hbm>> -> memref<128x128xf32, #tpu.memory_space<hbm>>
        %dma_start3A_160 = arith.constant 0 : i32
        %dma_start3A_161 = tpu.memref_slice %arg6[%mul3A_157, %dma_start3A_160] : memref<320000x128xf32, #tpu.memory_space<hbm>> -> memref<128x128xf32, #tpu.memory_space<hbm>>
        tpu.enqueue_dma source(%arg14 : memref<128x128xf32, #tpu.memory_space<vmem>>) target(%dma_start3A_161 : memref<128x128xf32, #tpu.memory_space<hbm>>) target_semaphore(%arg18 : memref<!tpu.dma_semaphore, #tpu.memory_space<semaphore_mem>>)
        %add3A_162 = arith.constant 3 : i32
        %add3A_163 = arith.addi %add3A_85, %add3A_162 : i32
        %lt3A_164 = arith.cmpi slt, %add3A_163, %sub3A_47 : i32
        %convert_element_type3A_165 = arith.extui %lt3A_164 : i1 to i32
        %cond3A_166 = arith.constant 0 : i32
        %cond3A_167 = arith.cmpi ne, %convert_element_type3A_165, %cond3A_166 : i32
        scf.if %cond3A_167 {
          %add3A_168 = arith.constant 3 : i32
          %add3A_169 = arith.addi %add3A_85, %add3A_168 : i32
          %dma_start3A_170 = arith.constant 0 : i32
          %dma_start3A_171 = arith.constant 0 : i32
          %dma_start3A_172 = tpu.memref_slice %arg7[%add3A_169, %dma_start3A_170, %dma_start3A_171] : memref<79x1x128xi32, #tpu.memory_space<vmem>> -> memref<1x1x128xi32, #tpu.memory_space<vmem>>
          %dma_start3A_173 = tpu.memref_squeeze %dma_start3A_172 : memref<1x1x128xi32, #tpu.memory_space<vmem>> -> memref<128xi32, #tpu.memory_space<vmem>>
          %dma_start3A_174 = arith.constant 0 : i32
          %dma_start3A_175 = arith.constant 0 : i32
          %dma_start3A_176 = tpu.memref_slice %arg2[%dma_start3A_174, %dma_start3A_175] : memref<10000x128xf32, #tpu.memory_space<hbm>> -> memref<10000x128xf32, #tpu.memory_space<hbm>>
          tpu.enqueue_indirect_dma source(%dma_start3A_176 : memref<10000x128xf32, #tpu.memory_space<hbm>>) target(%arg12 : memref<128x128xf32, #tpu.memory_space<vmem>>) offsets(%dma_start3A_173 : memref<128xi32, #tpu.memory_space<vmem>>) semaphore(%arg16 : memref<!tpu.dma_semaphore, #tpu.memory_space<semaphore_mem>>)
          %dma_start3A_177 = arith.constant 0 : i32
          %dma_start3A_178 = arith.constant 0 : i32
          %dma_start3A_179 = tpu.memref_slice %arg8[%add3A_169, %dma_start3A_177, %dma_start3A_178] : memref<79x1x128xi32, #tpu.memory_space<vmem>> -> memref<1x1x128xi32, #tpu.memory_space<vmem>>
          %dma_start3A_180 = tpu.memref_squeeze %dma_start3A_179 : memref<1x1x128xi32, #tpu.memory_space<vmem>> -> memref<128xi32, #tpu.memory_space<vmem>>
          %dma_start3A_181 = arith.constant 0 : i32
          %dma_start3A_182 = arith.constant 0 : i32
          %dma_start3A_183 = tpu.memref_slice %arg3[%dma_start3A_181, %dma_start3A_182] : memref<10000x128xf32, #tpu.memory_space<hbm>> -> memref<10000x128xf32, #tpu.memory_space<hbm>>
          tpu.enqueue_indirect_dma source(%dma_start3A_183 : memref<10000x128xf32, #tpu.memory_space<hbm>>) target(%arg13 : memref<128x128xf32, #tpu.memory_space<vmem>>) offsets(%dma_start3A_180 : memref<128xi32, #tpu.memory_space<vmem>>) semaphore(%arg16 : memref<!tpu.dma_semaphore, #tpu.memory_space<semaphore_mem>>)
        } else {
        }
      } else {
      }
    }
    %ge3A_73 = arith.constant 1 : i32
    %ge3A_74 = arith.cmpi sge, %sub3A_47, %ge3A_73 : i32
    %convert_element_type3A_75 = arith.extui %ge3A_74 : i1 to i32
    %cond3A_76 = arith.constant 0 : i32
    %cond3A_77 = arith.cmpi ne, %convert_element_type3A_75, %cond3A_76 : i32
    scf.if %cond3A_77 {
      %dma_wait3A = arith.constant 0 : i32
      %dma_wait3A_83 = arith.constant 0 : i32
      %dma_wait3A_84 = tpu.memref_slice %arg6[%dma_wait3A, %dma_wait3A_83] : memref<320000x128xf32, #tpu.memory_space<hbm>> -> memref<128x128xf32, #tpu.memory_space<hbm>>
      %dma_wait3A_85 = arith.constant 0 : i32
      %dma_wait3A_86 = arith.constant 0 : i32
      %dma_wait3A_87 = tpu.memref_slice %arg6[%dma_wait3A_85, %dma_wait3A_86] : memref<320000x128xf32, #tpu.memory_space<hbm>> -> memref<128x128xf32, #tpu.memory_space<hbm>>
      tpu.wait_dma2 semaphore(%arg17 : memref<!tpu.dma_semaphore, #tpu.memory_space<semaphore_mem>>) src(%arg11 : memref<128x128xf32, #tpu.memory_space<vmem>>) dst(%dma_wait3A_87 : memref<128x128xf32, #tpu.memory_space<hbm>>)
    } else {
    }
    %ge3A_78 = arith.constant 2 : i32
    %ge3A_79 = arith.cmpi sge, %sub3A_47, %ge3A_78 : i32
    %convert_element_type3A_80 = arith.extui %ge3A_79 : i1 to i32
    %cond3A_81 = arith.constant 0 : i32
    %cond3A_82 = arith.cmpi ne, %convert_element_type3A_80, %cond3A_81 : i32
    scf.if %cond3A_82 {
      %dma_wait3A = arith.constant 0 : i32
      %dma_wait3A_83 = arith.constant 0 : i32
      %dma_wait3A_84 = tpu.memref_slice %arg6[%dma_wait3A, %dma_wait3A_83] : memref<320000x128xf32, #tpu.memory_space<hbm>> -> memref<128x128xf32, #tpu.memory_space<hbm>>
      %dma_wait3A_85 = arith.constant 0 : i32
      %dma_wait3A_86 = arith.constant 0 : i32
      %dma_wait3A_87 = tpu.memref_slice %arg6[%dma_wait3A_85, %dma_wait3A_86] : memref<320000x128xf32, #tpu.memory_space<hbm>> -> memref<128x128xf32, #tpu.memory_space<hbm>>
      tpu.wait_dma2 semaphore(%arg18 : memref<!tpu.dma_semaphore, #tpu.memory_space<semaphore_mem>>) src(%arg14 : memref<128x128xf32, #tpu.memory_space<vmem>>) dst(%dma_wait3A_87 : memref<128x128xf32, #tpu.memory_space<hbm>>)
    } else {
    }
    return
  }
}

#map = affine_map<(d0, d1) -> (0, 0, 0)>
#map1 = affine_map<(d0, d1) -> (0)>
module attributes {stable_mosaic.version = 14 : i64} {
  func.func @k(%arg0: i32, %arg1: i32, %arg2: memref<2500x1x128xi32, #tpu.memory_space<hbm>>, %arg3: memref<10240xf32, #tpu.memory_space<hbm>>, %arg4: memref<2x1x10240xf32, #tpu.memory_space<hbm>>, %arg5: memref<79x1x128xi32, #tpu.memory_space<vmem>>, %arg6: memref<128xf32, #tpu.memory_space<vmem>>, %arg7: memref<10240xf32, #tpu.memory_space<vmem_shared>>) attributes {dimension_semantics = [#tpu.dimension_semantics<core_parallel>, #tpu.dimension_semantics<subcore_parallel>], iteration_bounds = array<i64: 2, 16>, scalar_prefetch = 0 : i64, scratch_operands = 3 : i64, tpu.core_type = #tpu.core_type<sc_vector_subcore>, window_params = [{transform_indices = #map}, {transform_indices = #map1}, {transform_indices = #map}]} {
    %broadcast_in_dim3A = arith.constant 1.000000e+00 : f32
    %broadcast_in_dim3A_0 = vector.broadcast %broadcast_in_dim3A : f32 to vector<16xf32>
    %swap3A = arith.constant 0 : index
    %swap3A_1 = tpu.vector_load %arg6[%swap3A] {strides = array<i32>} : memref<128xf32, #tpu.memory_space<vmem>>, vector<16xf32>,
    %swap3A_2 = vector.shape_cast %swap3A_1 : vector<16xf32> to vector<16xf32>
    %swap3A_3 = vector.shape_cast %broadcast_in_dim3A_0 : vector<16xf32> to vector<16xf32>
    tpu.vector_store %arg6[%swap3A], %swap3A_3 {strides = array<i32>} : memref<128xf32, #tpu.memory_space<vmem>>, vector<16xf32>,
    %broadcast_in_dim3A_4 = arith.constant 1.000000e+00 : f32
    %broadcast_in_dim3A_5 = vector.broadcast %broadcast_in_dim3A_4 : f32 to vector<16xf32>
    %swap3A_6 = arith.constant 16 : index
    %swap3A_7 = tpu.vector_load %arg6[%swap3A_6] {strides = array<i32>} : memref<128xf32, #tpu.memory_space<vmem>>, vector<16xf32>,
    %swap3A_8 = vector.shape_cast %swap3A_7 : vector<16xf32> to vector<16xf32>
    %swap3A_9 = vector.shape_cast %broadcast_in_dim3A_5 : vector<16xf32> to vector<16xf32>
    tpu.vector_store %arg6[%swap3A_6], %swap3A_9 {strides = array<i32>} : memref<128xf32, #tpu.memory_space<vmem>>, vector<16xf32>,
    %broadcast_in_dim3A_10 = arith.constant 1.000000e+00 : f32
    %broadcast_in_dim3A_11 = vector.broadcast %broadcast_in_dim3A_10 : f32 to vector<16xf32>
    %swap3A_12 = arith.constant 32 : index
    %swap3A_13 = tpu.vector_load %arg6[%swap3A_12] {strides = array<i32>} : memref<128xf32, #tpu.memory_space<vmem>>, vector<16xf32>,
    %swap3A_14 = vector.shape_cast %swap3A_13 : vector<16xf32> to vector<16xf32>
    %swap3A_15 = vector.shape_cast %broadcast_in_dim3A_11 : vector<16xf32> to vector<16xf32>
    tpu.vector_store %arg6[%swap3A_12], %swap3A_15 {strides = array<i32>} : memref<128xf32, #tpu.memory_space<vmem>>, vector<16xf32>,
    %broadcast_in_dim3A_16 = arith.constant 1.000000e+00 : f32
    %broadcast_in_dim3A_17 = vector.broadcast %broadcast_in_dim3A_16 : f32 to vector<16xf32>
    %swap3A_18 = arith.constant 48 : index
    %swap3A_19 = tpu.vector_load %arg6[%swap3A_18] {strides = array<i32>} : memref<128xf32, #tpu.memory_space<vmem>>, vector<16xf32>,
    %swap3A_20 = vector.shape_cast %swap3A_19 : vector<16xf32> to vector<16xf32>
    %swap3A_21 = vector.shape_cast %broadcast_in_dim3A_17 : vector<16xf32> to vector<16xf32>
    tpu.vector_store %arg6[%swap3A_18], %swap3A_21 {strides = array<i32>} : memref<128xf32, #tpu.memory_space<vmem>>, vector<16xf32>,
    %broadcast_in_dim3A_22 = arith.constant 1.000000e+00 : f32
    %broadcast_in_dim3A_23 = vector.broadcast %broadcast_in_dim3A_22 : f32 to vector<16xf32>
    %swap3A_24 = arith.constant 64 : index
    %swap3A_25 = tpu.vector_load %arg6[%swap3A_24] {strides = array<i32>} : memref<128xf32, #tpu.memory_space<vmem>>, vector<16xf32>,
    %swap3A_26 = vector.shape_cast %swap3A_25 : vector<16xf32> to vector<16xf32>
    %swap3A_27 = vector.shape_cast %broadcast_in_dim3A_23 : vector<16xf32> to vector<16xf32>
    tpu.vector_store %arg6[%swap3A_24], %swap3A_27 {strides = array<i32>} : memref<128xf32, #tpu.memory_space<vmem>>, vector<16xf32>,
    %broadcast_in_dim3A_28 = arith.constant 1.000000e+00 : f32
    %broadcast_in_dim3A_29 = vector.broadcast %broadcast_in_dim3A_28 : f32 to vector<16xf32>
    %swap3A_30 = arith.constant 80 : index
    %swap3A_31 = tpu.vector_load %arg6[%swap3A_30] {strides = array<i32>} : memref<128xf32, #tpu.memory_space<vmem>>, vector<16xf32>,
    %swap3A_32 = vector.shape_cast %swap3A_31 : vector<16xf32> to vector<16xf32>
    %swap3A_33 = vector.shape_cast %broadcast_in_dim3A_29 : vector<16xf32> to vector<16xf32>
    tpu.vector_store %arg6[%swap3A_30], %swap3A_33 {strides = array<i32>} : memref<128xf32, #tpu.memory_space<vmem>>, vector<16xf32>,
    %broadcast_in_dim3A_34 = arith.constant 1.000000e+00 : f32
    %broadcast_in_dim3A_35 = vector.broadcast %broadcast_in_dim3A_34 : f32 to vector<16xf32>
    %swap3A_36 = arith.constant 96 : index
    %swap3A_37 = tpu.vector_load %arg6[%swap3A_36] {strides = array<i32>} : memref<128xf32, #tpu.memory_space<vmem>>, vector<16xf32>,
    %swap3A_38 = vector.shape_cast %swap3A_37 : vector<16xf32> to vector<16xf32>
    %swap3A_39 = vector.shape_cast %broadcast_in_dim3A_35 : vector<16xf32> to vector<16xf32>
    tpu.vector_store %arg6[%swap3A_36], %swap3A_39 {strides = array<i32>} : memref<128xf32, #tpu.memory_space<vmem>>, vector<16xf32>,
    %broadcast_in_dim3A_40 = arith.constant 1.000000e+00 : f32
    %broadcast_in_dim3A_41 = vector.broadcast %broadcast_in_dim3A_40 : f32 to vector<16xf32>
    %swap3A_42 = arith.constant 112 : index
    %swap3A_43 = tpu.vector_load %arg6[%swap3A_42] {strides = array<i32>} : memref<128xf32, #tpu.memory_space<vmem>>, vector<16xf32>,
    %swap3A_44 = vector.shape_cast %swap3A_43 : vector<16xf32> to vector<16xf32>
    %swap3A_45 = vector.shape_cast %broadcast_in_dim3A_41 : vector<16xf32> to vector<16xf32>
    tpu.vector_store %arg6[%swap3A_42], %swap3A_45 {strides = array<i32>} : memref<128xf32, #tpu.memory_space<vmem>>, vector<16xf32>,
    %mul3A = arith.constant 640 : i32
    %mul3A_46 = arith.muli %arg1, %mul3A : i32
    %mul3A_47 = arith.constant 640 : i32
    %mul3A_48 = arith.muli %arg1, %mul3A_47 : i32
    "tpu.region"() ({
      %run_scoped3A_124 = tpu.sem_alloc : memref<!tpu.dma_semaphore, #tpu.memory_space<semaphore_mem>>
      %dma_start3A = tpu.memref_slice %arg7[%mul3A_48] : memref<10240xf32, #tpu.memory_space<vmem_shared>> -> memref<640xf32, #tpu.memory_space<vmem_shared>>
      %dma_start3A_125 = tpu.memref_slice %arg3[%mul3A_46] : memref<10240xf32, #tpu.memory_space<hbm>> -> memref<640xf32, #tpu.memory_space<hbm>>
      tpu.enqueue_dma source(%dma_start3A_125 : memref<640xf32, #tpu.memory_space<hbm>>) target(%dma_start3A : memref<640xf32, #tpu.memory_space<vmem_shared>>) target_semaphore(%run_scoped3A_124 : memref<!tpu.dma_semaphore, #tpu.memory_space<semaphore_mem>>)
      %dma_wait3A = tpu.memref_slice %arg7[%mul3A_48] : memref<10240xf32, #tpu.memory_space<vmem_shared>> -> memref<640xf32, #tpu.memory_space<vmem_shared>>
      %dma_wait3A_126 = tpu.memref_slice %arg3[%mul3A_46] : memref<10240xf32, #tpu.memory_space<hbm>> -> memref<640xf32, #tpu.memory_space<hbm>>
      tpu.wait_dma2 semaphore(%run_scoped3A_124 : memref<!tpu.dma_semaphore, #tpu.memory_space<semaphore_mem>>) src(%dma_wait3A_126 : memref<640xf32, #tpu.memory_space<hbm>>) dst(%dma_wait3A : memref<640xf32, #tpu.memory_space<vmem_shared>>)
      tpu.yield
    }) : () -> ()
    %mul3A_49 = arith.constant 1250 : i32
    %mul3A_50 = arith.muli %mul3A_49, %arg0 : i32
    %mul3A_51 = arith.constant 1250 : i32
    %mul3A_52 = arith.muli %mul3A_51, %arg1 : i32
    %jit3A = arith.constant 16 : i32
    %div3A = arith.divsi %mul3A_52, %jit3A : i32
    %sign3A = arith.constant 0 : i32
    %sign3A_53 = arith.cmpi sgt, %mul3A_52, %sign3A : i32
    %sign3A_54 = arith.extui %sign3A_53 : i1 to i32
    %sign3A_55 = arith.constant 0 : i32
    %sign3A_56 = arith.cmpi slt, %mul3A_52, %sign3A_55 : i32
    %sign3A_57 = arith.extui %sign3A_56 : i1 to i32
    %sign3A_58 = arith.subi %sign3A_54, %sign3A_57 : i32
    %sign3A_59 = arith.constant 0 : i32
    %sign3A_60 = arith.cmpi sgt, %jit3A, %sign3A_59 : i32
    %sign3A_61 = arith.extui %sign3A_60 : i1 to i32
    %sign3A_62 = arith.constant 0 : i32
    %sign3A_63 = arith.cmpi slt, %jit3A, %sign3A_62 : i32
    %sign3A_64 = arith.extui %sign3A_63 : i1 to i32
    %sign3A_65 = arith.subi %sign3A_61, %sign3A_64 : i32
    %ne3A = arith.cmpi ne, %sign3A_58, %sign3A_65 : i32
    %rem3A = arith.remsi %mul3A_52, %jit3A : i32
    %ne3A_66 = arith.constant 0 : i32
    %ne3A_67 = arith.cmpi ne, %rem3A, %ne3A_66 : i32
    %and3A = arith.andi %ne3A, %ne3A_67 : i1
    %sub3A = arith.constant 1 : i32
    %sub3A_68 = arith.subi %div3A, %sub3A : i32
    %select_n3A = arith.select %and3A, %sub3A_68, %div3A : i32
    %add3A = arith.addi %mul3A_50, %select_n3A : i32
    %mul3A_69 = arith.constant 1250 : i32
    %mul3A_70 = arith.muli %mul3A_69, %arg0 : i32
    %add3A_71 = arith.constant 1 : i32
    %add3A_72 = arith.addi %arg1, %add3A_71 : i32
    %mul3A_73 = arith.constant 1250 : i32
    %mul3A_74 = arith.muli %mul3A_73, %add3A_72 : i32
    %jit3A_75 = arith.constant 16 : i32
    %div3A_76 = arith.divsi %mul3A_74, %jit3A_75 : i32
    %sign3A_77 = arith.constant 0 : i32
    %sign3A_78 = arith.cmpi sgt, %mul3A_74, %sign3A_77 : i32
    %sign3A_79 = arith.extui %sign3A_78 : i1 to i32
    %sign3A_80 = arith.constant 0 : i32
    %sign3A_81 = arith.cmpi slt, %mul3A_74, %sign3A_80 : i32
    %sign3A_82 = arith.extui %sign3A_81 : i1 to i32
    %sign3A_83 = arith.subi %sign3A_79, %sign3A_82 : i32
    %sign3A_84 = arith.constant 0 : i32
    %sign3A_85 = arith.cmpi sgt, %jit3A_75, %sign3A_84 : i32
    %sign3A_86 = arith.extui %sign3A_85 : i1 to i32
    %sign3A_87 = arith.constant 0 : i32
    %sign3A_88 = arith.cmpi slt, %jit3A_75, %sign3A_87 : i32
    %sign3A_89 = arith.extui %sign3A_88 : i1 to i32
    %sign3A_90 = arith.subi %sign3A_86, %sign3A_89 : i32
    %ne3A_91 = arith.cmpi ne, %sign3A_83, %sign3A_90 : i32
    %rem3A_92 = arith.remsi %mul3A_74, %jit3A_75 : i32
    %ne3A_93 = arith.constant 0 : i32
    %ne3A_94 = arith.cmpi ne, %rem3A_92, %ne3A_93 : i32
    %and3A_95 = arith.andi %ne3A_91, %ne3A_94 : i1
    %sub3A_96 = arith.constant 1 : i32
    %sub3A_97 = arith.subi %div3A_76, %sub3A_96 : i32
    %select_n3A_98 = arith.select %and3A_95, %sub3A_97, %div3A_76 : i32
    %add3A_99 = arith.addi %mul3A_70, %select_n3A_98 : i32
    %sub3A_100 = arith.subi %add3A_99, %add3A : i32
    "tpu.region"() ({
      %run_scoped3A_124 = tpu.sem_alloc : memref<!tpu.dma_semaphore, #tpu.memory_space<semaphore_mem>>
      %dma_start3A = arith.constant 0 : i32
      %dma_start3A_125 = arith.constant 0 : i32
      %dma_start3A_126 = tpu.memref_slice %arg2[%add3A, %dma_start3A, %dma_start3A_125] : memref<2500x1x128xi32, #tpu.memory_space<hbm>> -> memref<79x1x128xi32, #tpu.memory_space<hbm>>
      %dma_start3A_127 = arith.constant 0 : i32
      %dma_start3A_128 = arith.constant 0 : i32
      %dma_start3A_129 = tpu.memref_slice %arg2[%add3A, %dma_start3A_127, %dma_start3A_128] : memref<2500x1x128xi32, #tpu.memory_space<hbm>> -> memref<79x1x128xi32, #tpu.memory_space<hbm>>
      tpu.enqueue_dma source(%dma_start3A_129 : memref<79x1x128xi32, #tpu.memory_space<hbm>>) target(%arg5 : memref<79x1x128xi32, #tpu.memory_space<vmem>>) target_semaphore(%run_scoped3A_124 : memref<!tpu.dma_semaphore, #tpu.memory_space<semaphore_mem>>)
      %dma_wait3A = arith.constant 0 : i32
      %dma_wait3A_130 = arith.constant 0 : i32
      %dma_wait3A_131 = tpu.memref_slice %arg2[%add3A, %dma_wait3A, %dma_wait3A_130] : memref<2500x1x128xi32, #tpu.memory_space<hbm>> -> memref<79x1x128xi32, #tpu.memory_space<hbm>>
      %dma_wait3A_132 = arith.constant 0 : i32
      %dma_wait3A_133 = arith.constant 0 : i32
      %dma_wait3A_134 = tpu.memref_slice %arg2[%add3A, %dma_wait3A_132, %dma_wait3A_133] : memref<2500x1x128xi32, #tpu.memory_space<hbm>> -> memref<79x1x128xi32, #tpu.memory_space<hbm>>
      tpu.wait_dma2 semaphore(%run_scoped3A_124 : memref<!tpu.dma_semaphore, #tpu.memory_space<semaphore_mem>>) src(%dma_wait3A_134 : memref<79x1x128xi32, #tpu.memory_space<hbm>>) dst(%arg5 : memref<79x1x128xi32, #tpu.memory_space<vmem>>)
      tpu.yield
    }) : () -> ()
    %barrier3A = arith.constant 0 : index
    tpu.barrier barrier_id(%barrier3A)
    %sub3A_101 = arith.constant 0 : i32
    %sub3A_102 = arith.subi %sub3A_100, %sub3A_101 : i32
    %sub3A_103 = arith.constant 1 : i32
    %sub3A_104 = arith.constant 1 : i32
    %sub3A_105 = arith.subi %sub3A_103, %sub3A_104 : i32
    %add3A_106 = arith.addi %sub3A_102, %sub3A_105 : i32
    %div3A_107 = arith.constant 1 : i32
    %div3A_108 = arith.divsi %add3A_106, %div3A_107 : i32
    %while3A = arith.constant 1 : i32
    %while3A_109 = arith.constant 0 : i32
    %while3A_110 = arith.constant 0 : i32
    %while3A_111 = arith.subi %div3A_108, %while3A_110 : i32
    %while3A_112 = arith.addi %while3A_110, %while3A_111 : i32
    %while3A_113 = arith.constant 1 : i32
    %while3A_114 = arith.divsi %while3A_111, %while3A_113 : i32
    %while3A_115 = arith.muli %while3A_114, %while3A_113 : i32
    %while3A_116 = arith.addi %while3A_110, %while3A_115 : i32
    %while3A_117 = arith.constant 1 : i32
    scf.for %while3A_124 = %while3A_110 to %while3A_116 step %while3A_117  : i32 {
      %mul3A_125 = arith.muli %while3A_124, %while3A : i32
      %add3A_126 = arith.addi %while3A_109, %mul3A_125 : i32
      %run_scoped3A_127 = arith.constant 0 : i32
      "tpu.region"() ({
        %run_scoped3A_128 = tpu.sem_alloc : memref<!tpu.dma_semaphore, #tpu.memory_space<semaphore_mem>>
        %dma_start3A = arith.constant 0 : i32
        %dma_start3A_129 = tpu.memref_slice %arg5[%add3A_126, %run_scoped3A_127, %dma_start3A] : memref<79x1x128xi32, #tpu.memory_space<vmem>> -> memref<1x1x128xi32, #tpu.memory_space<vmem>>
        %dma_start3A_130 = tpu.memref_squeeze %dma_start3A_129 : memref<1x1x128xi32, #tpu.memory_space<vmem>> -> memref<128xi32, #tpu.memory_space<vmem>>
        %dma_start3A_131 = arith.constant 0 : i32
        %dma_start3A_132 = tpu.memref_slice %arg7[%dma_start3A_131] : memref<10240xf32, #tpu.memory_space<vmem_shared>> -> memref<10240xf32, #tpu.memory_space<vmem_shared>>
        tpu.enqueue_indirect_dma source(%arg6 : memref<128xf32, #tpu.memory_space<vmem>>) target(%dma_start3A_132 : memref<10240xf32, #tpu.memory_space<vmem_shared>>) offsets(%dma_start3A_130 : memref<128xi32, #tpu.memory_space<vmem>>) semaphore(%run_scoped3A_128 : memref<!tpu.dma_semaphore, #tpu.memory_space<semaphore_mem>>) {add = true}
        %dma_wait3A = arith.constant 0 : i32
        %dma_wait3A_133 = tpu.memref_slice %arg5[%add3A_126, %run_scoped3A_127, %dma_wait3A] : memref<79x1x128xi32, #tpu.memory_space<vmem>> -> memref<1x1x128xi32, #tpu.memory_space<vmem>>
        %dma_wait3A_134 = tpu.memref_squeeze %dma_wait3A_133 : memref<1x1x128xi32, #tpu.memory_space<vmem>> -> memref<128xi32, #tpu.memory_space<vmem>>
        %dma_wait3A_135 = arith.constant 0 : i32
        %dma_wait3A_136 = tpu.memref_slice %arg7[%dma_wait3A_135] : memref<10240xf32, #tpu.memory_space<vmem_shared>> -> memref<10240xf32, #tpu.memory_space<vmem_shared>>
        tpu.wait_indirect_dma semaphore(%run_scoped3A_128 : memref<!tpu.dma_semaphore, #tpu.memory_space<semaphore_mem>>) src(%arg6 : memref<128xf32, #tpu.memory_space<vmem>>) dst(%dma_wait3A_136 : memref<10240xf32, #tpu.memory_space<vmem_shared>>)
        tpu.yield
      }) : () -> ()
    }
    %while3A_118 = arith.constant 1 : i32
    scf.for %while3A_124 = %while3A_116 to %while3A_112 step %while3A_118  : i32 {
      %mul3A_125 = arith.muli %while3A_124, %while3A : i32
      %add3A_126 = arith.addi %while3A_109, %mul3A_125 : i32
      %run_scoped3A_127 = arith.constant 0 : i32
      "tpu.region"() ({
        %run_scoped3A_128 = tpu.sem_alloc : memref<!tpu.dma_semaphore, #tpu.memory_space<semaphore_mem>>
        %dma_start3A = arith.constant 0 : i32
        %dma_start3A_129 = tpu.memref_slice %arg5[%add3A_126, %run_scoped3A_127, %dma_start3A] : memref<79x1x128xi32, #tpu.memory_space<vmem>> -> memref<1x1x128xi32, #tpu.memory_space<vmem>>
        %dma_start3A_130 = tpu.memref_squeeze %dma_start3A_129 : memref<1x1x128xi32, #tpu.memory_space<vmem>> -> memref<128xi32, #tpu.memory_space<vmem>>
        %dma_start3A_131 = arith.constant 0 : i32
        %dma_start3A_132 = tpu.memref_slice %arg7[%dma_start3A_131] : memref<10240xf32, #tpu.memory_space<vmem_shared>> -> memref<10240xf32, #tpu.memory_space<vmem_shared>>
        tpu.enqueue_indirect_dma source(%arg6 : memref<128xf32, #tpu.memory_space<vmem>>) target(%dma_start3A_132 : memref<10240xf32, #tpu.memory_space<vmem_shared>>) offsets(%dma_start3A_130 : memref<128xi32, #tpu.memory_space<vmem>>) semaphore(%run_scoped3A_128 : memref<!tpu.dma_semaphore, #tpu.memory_space<semaphore_mem>>) {add = true}
        %dma_wait3A = arith.constant 0 : i32
        %dma_wait3A_133 = tpu.memref_slice %arg5[%add3A_126, %run_scoped3A_127, %dma_wait3A] : memref<79x1x128xi32, #tpu.memory_space<vmem>> -> memref<1x1x128xi32, #tpu.memory_space<vmem>>
        %dma_wait3A_134 = tpu.memref_squeeze %dma_wait3A_133 : memref<1x1x128xi32, #tpu.memory_space<vmem>> -> memref<128xi32, #tpu.memory_space<vmem>>
        %dma_wait3A_135 = arith.constant 0 : i32
        %dma_wait3A_136 = tpu.memref_slice %arg7[%dma_wait3A_135] : memref<10240xf32, #tpu.memory_space<vmem_shared>> -> memref<10240xf32, #tpu.memory_space<vmem_shared>>
        tpu.wait_indirect_dma semaphore(%run_scoped3A_128 : memref<!tpu.dma_semaphore, #tpu.memory_space<semaphore_mem>>) src(%arg6 : memref<128xf32, #tpu.memory_space<vmem>>) dst(%dma_wait3A_136 : memref<10240xf32, #tpu.memory_space<vmem_shared>>)
        tpu.yield
      }) : () -> ()
    }
    %barrier3A_119 = arith.constant 0 : index
    tpu.barrier barrier_id(%barrier3A_119)
    %mul3A_120 = arith.constant 640 : i32
    %mul3A_121 = arith.muli %arg1, %mul3A_120 : i32
    %mul3A_122 = arith.constant 640 : i32
    %mul3A_123 = arith.muli %arg1, %mul3A_122 : i32
    %run_scoped3A = arith.constant 0 : i32
    "tpu.region"() ({
      %run_scoped3A_124 = tpu.sem_alloc : memref<!tpu.dma_semaphore, #tpu.memory_space<semaphore_mem>>
      %dma_start3A = tpu.memref_slice %arg4[%arg0, %run_scoped3A, %mul3A_123] : memref<2x1x10240xf32, #tpu.memory_space<hbm>> -> memref<1x1x640xf32, #tpu.memory_space<hbm>>
      %dma_start3A_125 = tpu.memref_squeeze %dma_start3A : memref<1x1x640xf32, #tpu.memory_space<hbm>> -> memref<640xf32, #tpu.memory_space<hbm>>
      %dma_start3A_126 = tpu.memref_slice %arg7[%mul3A_121] : memref<10240xf32, #tpu.memory_space<vmem_shared>> -> memref<640xf32, #tpu.memory_space<vmem_shared>>
      tpu.enqueue_dma source(%dma_start3A_126 : memref<640xf32, #tpu.memory_space<vmem_shared>>) target(%dma_start3A_125 : memref<640xf32, #tpu.memory_space<hbm>>) target_semaphore(%run_scoped3A_124 : memref<!tpu.dma_semaphore, #tpu.memory_space<semaphore_mem>>)
      %dma_wait3A = tpu.memref_slice %arg4[%arg0, %run_scoped3A, %mul3A_123] : memref<2x1x10240xf32, #tpu.memory_space<hbm>> -> memref<1x1x640xf32, #tpu.memory_space<hbm>>
      %dma_wait3A_127 = tpu.memref_squeeze %dma_wait3A : memref<1x1x640xf32, #tpu.memory_space<hbm>> -> memref<640xf32, #tpu.memory_space<hbm>>
      %dma_wait3A_128 = tpu.memref_slice %arg7[%mul3A_121] : memref<10240xf32, #tpu.memory_space<vmem_shared>> -> memref<640xf32, #tpu.memory_space<vmem_shared>>
      tpu.wait_dma2 semaphore(%run_scoped3A_124 : memref<!tpu.dma_semaphore, #tpu.memory_space<semaphore_mem>>) src(%dma_wait3A_128 : memref<640xf32, #tpu.memory_space<vmem_shared>>) dst(%dma_wait3A_127 : memref<640xf32, #tpu.memory_space<hbm>>)
      tpu.yield
    }) : () -> ()
    return
  }
}

module attributes {stable_mosaic.version = 14 : i64} {
  func.func @body(%arg0: memref<10000x128xf32, #tpu.memory_space<vmem>>, %arg1: memref<128x128xf32, #tpu.memory_space<vmem>>, %arg2: memref<2x10240x1xf32, #tpu.memory_space<vmem>>, %arg3: memref<10000x128xf32, #tpu.memory_space<vmem>>, %arg4: memref<10000x128xf32, #tpu.memory_space<vmem>>, %arg5: memref<10000x1xf32, #tpu.memory_space<vmem>>) attributes {dimension_semantics = [], scalar_prefetch = 0 : i64, scratch_operands = 0 : i64, tpu.core_type = #tpu.core_type<tc>} {
    %get3A = arith.constant 0 : index
    %get3A_0 = arith.constant 0 : index
    %get3A_1 = vector.load %arg0[%get3A, %get3A_0] : memref<10000x128xf32, #tpu.memory_space<vmem>>, vector<10000x128xf32>
    %get3A_2 = arith.constant 0 : index
    %get3A_3 = arith.constant 0 : index
    %get3A_4 = vector.load %arg1[%get3A_2, %get3A_3] : memref<128x128xf32, #tpu.memory_space<vmem>>, vector<128x128xf32>
    %dot_general3A = arith.constant dense<0.000000e+00> : vector<10000x128xf32>
    %dot_general3A_5 = tpu.matmul %get3A_1, %get3A_4, %dot_general3A {dimension_numbers = #tpu.dot_dimension_numbers<[1], [0], [0], [1], [0, 0, 1, 1], [], []>, transpose_lhs_hint = false} : vector<10000x128xf32>, vector<128x128xf32>, vector<10000x128xf32> -> vector<10000x128xf32>
    %get3A_6 = arith.constant 0 : index
    %get3A_7 = arith.constant 0 : index
    %get3A_8 = arith.constant 0 : index
    %get3A_9 = vector.load %arg2[%get3A_6, %get3A_7, %get3A_8] : memref<2x10240x1xf32, #tpu.memory_space<vmem>>, vector<2x10240x1xf32>
    %slice3A = vector.extract_strided_slice %get3A_9 {offsets = [0, 0, 0], sizes = [1, 10240, 1], strides = [1, 1, 1]} : vector<2x10240x1xf32> to vector<1x10240x1xf32>
    %squeeze3A = vector.shape_cast %slice3A : vector<1x10240x1xf32> to vector<10240x1xf32>
    %slice3A_10 = vector.extract_strided_slice %get3A_9 {offsets = [1, 0, 0], sizes = [1, 10240, 1], strides = [1, 1, 1]} : vector<2x10240x1xf32> to vector<1x10240x1xf32>
    %squeeze3A_11 = vector.shape_cast %slice3A_10 : vector<1x10240x1xf32> to vector<10240x1xf32>
    %add3A = arith.addf %squeeze3A, %squeeze3A_11 : vector<10240x1xf32>
    %add3A_12 = arith.constant 1.000000e+00 : f32
    %add3A_13 = vector.broadcast %add3A_12 : f32 to vector<10240x1xf32>
    %add3A_14 = arith.addf %add3A, %add3A_13 : vector<10240x1xf32>
    %rsqrt3A = math.rsqrt %add3A_14 : vector<10240x1xf32>
    %slice3A_15 = vector.extract_strided_slice %rsqrt3A {offsets = [0, 0], sizes = [10000, 1], strides = [1, 1]} : vector<10240x1xf32> to vector<10000x1xf32>
    %div3A = arith.constant 1.000000e+00 : f32
    %div3A_16 = vector.broadcast %div3A : f32 to vector<10240x1xf32>
    %div3A_17 = arith.divf %div3A_16, %add3A_14 : vector<10240x1xf32>
    %slice3A_18 = vector.extract_strided_slice %div3A_17 {offsets = [0, 0], sizes = [10000, 1], strides = [1, 1]} : vector<10240x1xf32> to vector<10000x1xf32>
    %mul3A = vector.broadcast %slice3A_15 : vector<10000x1xf32> to vector<10000x128xf32>
    %mul3A_19 = arith.mulf %dot_general3A_5, %mul3A : vector<10000x128xf32>
    %swap3A = arith.constant 0 : index
    %swap3A_20 = arith.constant 0 : index
    %swap3A_21 = vector.load %arg3[%swap3A, %swap3A_20] : memref<10000x128xf32, #tpu.memory_space<vmem>>, vector<10000x128xf32>
    tpu.vector_store %arg3[%swap3A, %swap3A_20], %mul3A_19 {strides = array<i32>} : memref<10000x128xf32, #tpu.memory_space<vmem>>, vector<10000x128xf32>,
    %mul3A_22 = vector.broadcast %slice3A_18 : vector<10000x1xf32> to vector<10000x128xf32>
    %mul3A_23 = arith.mulf %dot_general3A_5, %mul3A_22 : vector<10000x128xf32>
    %swap3A_24 = arith.constant 0 : index
    %swap3A_25 = arith.constant 0 : index
    %swap3A_26 = vector.load %arg4[%swap3A_24, %swap3A_25] : memref<10000x128xf32, #tpu.memory_space<vmem>>, vector<10000x128xf32>
    tpu.vector_store %arg4[%swap3A_24, %swap3A_25], %mul3A_23 {strides = array<i32>} : memref<10000x128xf32, #tpu.memory_space<vmem>>, vector<10000x128xf32>,
    %swap3A_27 = arith.constant 0 : index
    %swap3A_28 = arith.constant 0 : index
    %swap3A_29 = vector.load %arg5[%swap3A_27, %swap3A_28] : memref<10000x1xf32, #tpu.memory_space<vmem>>, vector<10000x1xf32>
    tpu.vector_store %arg5[%swap3A_27, %swap3A_28], %slice3A_15 {strides = array<i32>} : memref<10000x1xf32, #tpu.memory_space<vmem>>, vector<10000x1xf32>,
    return
  }
}

module attributes {stable_mosaic.version = 14 : i64} {
  func.func @body(%arg0: memref<2x10240x128xf32, #tpu.memory_space<vmem>>, %arg1: memref<10000x128xf32, #tpu.memory_space<vmem>>, %arg2: memref<10000x1xf32, #tpu.memory_space<vmem>>, %arg3: memref<128x128xf32, #tpu.memory_space<vmem>>, %arg4: memref<1x128xf32, #tpu.memory_space<vmem>>, %arg5: memref<1x128xf32, #tpu.memory_space<vmem>>, %arg6: memref<10000x128xf32, #tpu.memory_space<vmem>>, %arg7: memref<10000x128xf32, #tpu.memory_space<vmem>>) attributes {dimension_semantics = [], scalar_prefetch = 0 : i64, scratch_operands = 0 : i64, tpu.core_type = #tpu.core_type<tc>} {
    %get3A = arith.constant 0 : index
    %get3A_0 = arith.constant 0 : index
    %get3A_1 = arith.constant 0 : index
    %get3A_2 = vector.load %arg0[%get3A, %get3A_0, %get3A_1] : memref<2x10240x128xf32, #tpu.memory_space<vmem>>, vector<2x10240x128xf32>
    %slice3A = vector.extract_strided_slice %get3A_2 {offsets = [0, 0, 0], sizes = [1, 10000, 128], strides = [1, 1, 1]} : vector<2x10240x128xf32> to vector<1x10000x128xf32>
    %squeeze3A = vector.shape_cast %slice3A : vector<1x10000x128xf32> to vector<10000x128xf32>
    %slice3A_3 = vector.extract_strided_slice %get3A_2 {offsets = [1, 0, 0], sizes = [1, 10000, 128], strides = [1, 1, 1]} : vector<2x10240x128xf32> to vector<1x10000x128xf32>
    %squeeze3A_4 = vector.shape_cast %slice3A_3 : vector<1x10000x128xf32> to vector<10000x128xf32>
    %add3A = arith.addf %squeeze3A, %squeeze3A_4 : vector<10000x128xf32>
    %get3A_5 = arith.constant 0 : index
    %get3A_6 = arith.constant 0 : index
    %get3A_7 = vector.load %arg2[%get3A_5, %get3A_6] : memref<10000x1xf32, #tpu.memory_space<vmem>>, vector<10000x1xf32>
    %mul3A = vector.broadcast %get3A_7 : vector<10000x1xf32> to vector<10000x128xf32>
    %mul3A_8 = arith.mulf %add3A, %mul3A : vector<10000x128xf32>
    %get3A_9 = arith.constant 0 : index
    %get3A_10 = arith.constant 0 : index
    %get3A_11 = vector.load %arg1[%get3A_9, %get3A_10] : memref<10000x128xf32, #tpu.memory_space<vmem>>, vector<10000x128xf32>
    %add3A_12 = arith.addf %mul3A_8, %get3A_11 : vector<10000x128xf32>
    %get3A_13 = arith.constant 0 : index
    %get3A_14 = arith.constant 0 : index
    %get3A_15 = vector.load %arg4[%get3A_13, %get3A_14] : memref<1x128xf32, #tpu.memory_space<vmem>>, vector<1x128xf32>
    %add3A_16 = vector.broadcast %get3A_15 : vector<1x128xf32> to vector<10000x128xf32>
    %add3A_17 = arith.addf %add3A_12, %add3A_16 : vector<10000x128xf32>
    %get3A_18 = arith.constant 0 : index
    %get3A_19 = arith.constant 0 : index
    %get3A_20 = vector.load %arg3[%get3A_18, %get3A_19] : memref<128x128xf32, #tpu.memory_space<vmem>>, vector<128x128xf32>
    %dot_general3A = arith.constant dense<0.000000e+00> : vector<10000x128xf32>
    %dot_general3A_21 = tpu.matmul %add3A_17, %get3A_20, %dot_general3A {dimension_numbers = #tpu.dot_dimension_numbers<[1], [0], [0], [1], [0, 0, 1, 1], [], []>, transpose_lhs_hint = false} : vector<10000x128xf32>, vector<128x128xf32>, vector<10000x128xf32> -> vector<10000x128xf32>
    %swap3A = arith.constant 0 : index
    %swap3A_22 = arith.constant 0 : index
    %swap3A_23 = vector.load %arg6[%swap3A, %swap3A_22] : memref<10000x128xf32, #tpu.memory_space<vmem>>, vector<10000x128xf32>
    tpu.vector_store %arg6[%swap3A, %swap3A_22], %dot_general3A_21 {strides = array<i32>} : memref<10000x128xf32, #tpu.memory_space<vmem>>, vector<10000x128xf32>,
    %get3A_24 = arith.constant 0 : index
    %get3A_25 = arith.constant 0 : index
    %get3A_26 = vector.load %arg5[%get3A_24, %get3A_25] : memref<1x128xf32, #tpu.memory_space<vmem>>, vector<1x128xf32>
    %add3A_27 = vector.broadcast %get3A_26 : vector<1x128xf32> to vector<10000x128xf32>
    %add3A_28 = arith.addf %dot_general3A_21, %add3A_27 : vector<10000x128xf32>
    %swap3A_29 = arith.constant 0 : index
    %swap3A_30 = arith.constant 0 : index
    %swap3A_31 = vector.load %arg7[%swap3A_29, %swap3A_30] : memref<10000x128xf32, #tpu.memory_space<vmem>>, vector<10000x128xf32>
    tpu.vector_store %arg7[%swap3A_29, %swap3A_30], %add3A_28 {strides = array<i32>} : memref<10000x128xf32, #tpu.memory_space<vmem>>, vector<10000x128xf32>,
    return
  }
}

module attributes {stable_mosaic.version = 14 : i64} {
  func.func @body(%arg0: i32, %arg1: memref<6400x128xf32, #tpu.memory_space<vmem>>, %arg2: memref<128x32xf32, #tpu.memory_space<vmem>>, %arg3: memref<1x32xf32, #tpu.memory_space<vmem>>, %arg4: memref<32x1xf32, #tpu.memory_space<vmem>>, %arg5: memref<1x1xf32, #tpu.memory_space<vmem>>, %arg6: memref<50x1x128xf32, #tpu.memory_space<vmem>>) attributes {dimension_semantics = [#tpu.dimension_semantics<arbitrary>], iteration_bounds = array<i64: 50>, scalar_prefetch = 0 : i64, scratch_operands = 0 : i64, tpu.core_type = #tpu.core_type<tc>, window_params = [{transform_indices = @transform_0, window_bounds = array<i64: 6400, 128>}, {pipeline_mode = #tpu.pipeline_mode<synchronous>, transform_indices = @transform_1, window_bounds = array<i64: 128, 32>}, {pipeline_mode = #tpu.pipeline_mode<synchronous>, transform_indices = @transform_2, window_bounds = array<i64: 1, 32>}, {pipeline_mode = #tpu.pipeline_mode<synchronous>, transform_indices = @transform_3, window_bounds = array<i64: 32, 1>}, {pipeline_mode = #tpu.pipeline_mode<synchronous>, transform_indices = @transform_4, window_bounds = array<i64: 1, 1>}, {transform_indices = @transform_5, window_bounds = array<i64: 50, 1, 128>}]} {
    %get3A = arith.constant 0 : index
    %get3A_0 = arith.constant 0 : index
    %get3A_1 = vector.load %arg1[%get3A, %get3A_0] : memref<6400x128xf32, #tpu.memory_space<vmem>>, vector<6400x128xf32>
    %convert_element_type3A = arith.truncf %get3A_1 : vector<6400x128xf32> to vector<6400x128xbf16>
    %get3A_2 = arith.constant 0 : index
    %get3A_3 = arith.constant 0 : index
    %get3A_4 = vector.load %arg2[%get3A_2, %get3A_3] : memref<128x32xf32, #tpu.memory_space<vmem>>, vector<128x32xf32>
    %convert_element_type3A_5 = arith.truncf %get3A_4 : vector<128x32xf32> to vector<128x32xbf16>
    %dot_general3A = arith.constant dense<0.000000e+00> : vector<6400x32xf32>
    %dot_general3A_6 = tpu.matmul %convert_element_type3A, %convert_element_type3A_5, %dot_general3A {dimension_numbers = #tpu.dot_dimension_numbers<[1], [0], [0], [1], [0, 0, 1, 1], [], []>, transpose_lhs_hint = false} : vector<6400x128xbf16>, vector<128x32xbf16>, vector<6400x32xf32> -> vector<6400x32xf32>
    %get3A_7 = arith.constant 0 : index
    %get3A_8 = arith.constant 0 : index
    %get3A_9 = vector.load %arg3[%get3A_7, %get3A_8] : memref<1x32xf32, #tpu.memory_space<vmem>>, vector<1x32xf32>
    %add3A = vector.broadcast %get3A_9 : vector<1x32xf32> to vector<6400x32xf32>
    %add3A_10 = arith.addf %dot_general3A_6, %add3A : vector<6400x32xf32>
    %max3A = arith.constant 0.000000e+00 : f32
    %max3A_11 = vector.broadcast %max3A : f32 to vector<6400x32xf32>
    %max3A_12 = arith.maximumf %add3A_10, %max3A_11 : vector<6400x32xf32>
    %get3A_13 = arith.constant 0 : index
    %get3A_14 = arith.constant 0 : index
    %get3A_15 = vector.load %arg4[%get3A_13, %get3A_14] : memref<32x1xf32, #tpu.memory_space<vmem>>, vector<32x1xf32>
    %dot_general3A_16 = arith.constant dense<0.000000e+00> : vector<6400x1xf32>
    %dot_general3A_17 = tpu.matmul %max3A_12, %get3A_15, %dot_general3A_16 {dimension_numbers = #tpu.dot_dimension_numbers<[1], [0], [0], [1], [0, 0, 1, 1], [], []>, transpose_lhs_hint = false} : vector<6400x32xf32>, vector<32x1xf32>, vector<6400x1xf32> -> vector<6400x1xf32>
    %get3A_18 = arith.constant 0 : index
    %get3A_19 = arith.constant 0 : index
    %get3A_20 = vector.load %arg5[%get3A_18, %get3A_19] : memref<1x1xf32, #tpu.memory_space<vmem>>, vector<1x1xf32>
    %add3A_21 = vector.broadcast %get3A_20 : vector<1x1xf32> to vector<6400x1xf32>
    %add3A_22 = arith.addf %dot_general3A_17, %add3A_21 : vector<6400x1xf32>
    %reshape3A = vector.shape_cast %add3A_22 : vector<6400x1xf32> to vector<50x1x128xf32>
    %swap3A = arith.constant 0 : index
    %swap3A_23 = arith.constant 0 : index
    %swap3A_24 = arith.constant 0 : index
    %swap3A_25 = vector.load %arg6[%swap3A, %swap3A_23, %swap3A_24] : memref<50x1x128xf32, #tpu.memory_space<vmem>>, vector<50x1x128xf32>
    tpu.vector_store %arg6[%swap3A, %swap3A_23, %swap3A_24], %reshape3A {strides = array<i32>} : memref<50x1x128xf32, #tpu.memory_space<vmem>>, vector<50x1x128xf32>,
    return
  }
  func.func @transform_0(%arg0: i32) -> (i32, i32) {
    %c0_i32 = arith.constant 0 : i32
    %c0_i32_0 = arith.constant 0 : i32
    return %arg0, %c0_i32 : i32, i32
  }
  func.func @transform_1(%arg0: i32) -> (i32, i32) {
    %c0_i32 = arith.constant 0 : i32
    %c0_i32_0 = arith.constant 0 : i32
    %c0_i32_1 = arith.constant 0 : i32
    return %c0_i32, %c0_i32_0 : i32, i32
  }
  func.func @transform_2(%arg0: i32) -> (i32, i32) {
    %c0_i32 = arith.constant 0 : i32
    %c0_i32_0 = arith.constant 0 : i32
    %c0_i32_1 = arith.constant 0 : i32
    return %c0_i32, %c0_i32_0 : i32, i32
  }
  func.func @transform_3(%arg0: i32) -> (i32, i32) {
    %c0_i32 = arith.constant 0 : i32
    %c0_i32_0 = arith.constant 0 : i32
    %c0_i32_1 = arith.constant 0 : i32
    return %c0_i32, %c0_i32_0 : i32, i32
  }
  func.func @transform_4(%arg0: i32) -> (i32, i32) {
    %c0_i32 = arith.constant 0 : i32
    %c0_i32_0 = arith.constant 0 : i32
    %c0_i32_1 = arith.constant 0 : i32
    return %c0_i32, %c0_i32_0 : i32, i32
  }
  func.func @transform_5(%arg0: i32) -> (i32, i32, i32) {
    %c0_i32 = arith.constant 0 : i32
    %c0_i32_0 = arith.constant 0 : i32
    %c0_i32_1 = arith.constant 0 : i32
    return %arg0, %c0_i32, %c0_i32_0 : i32, i32, i32
  }
}

</mosaic_0001>

<sc_bundles>
// kernel: kernel.11.cloned.1.call-start
scs
__scs_entry_jumppad:
0x0: {  	(pc) =	sbr.rel $0x88, $3  }
0x1: {  	(tag) =	ssettag $0x0;
	lr =	simm.s32 $0x1  }
0x2: {  	[smem:$0x3F96] =	sst lr;
	_ =	strace $0xD0000000  }
0x3: {  	_ = 	snop  }
0x4: {  	_ = 	snop  }
0x5: {  	_ = 	snop  }
0x6: {  	_ = 	snop  }
0x7: {  	_ = 	snop  }
__scs_overlays_trampoline_lowered:
0x8: {  	[smem:$0x3FA5] =	sst s0  }
0x9: {  	[smem:$0x3FA6] =	sst s1  }
0xa: {  	[smem:$0x3FA7] =	sst s2  }
0xb: {  	[smem:$0x3FA8] =	sst s3  }
0xc: {  	[smem:$0x3FA9] =	sst s4  }
0xd: {  	[smem:$0x3FAA] =	sst s5  }
0xe: {  	[smem:$0x3FAB] =	sst s6  }
0xf: {  	[smem:$0x3FAC] =	sst s7  }
0x10: {  	[smem:$0x3FAD] =	sst s8  }
0x11: {  	[smem:$0x3FAE] =	sst s9;
	s0 =	simm.s32 @!p0 $0x0  }
0x12: {  	s1 =	sld [smem:$0x3F94];
	s0 =	simm.s32 @p0 $0x1  }
0x13: {  	[smem:$0x3FAF] =	sst s0;
	s0 =	simm.s32 @!p1 $0x0  }
0x14: {  	s2 =	sld [smem:$0x3F93];
	s0 =	simm.s32 @p1 $0x1  }
0x15: {  	[smem:$0x3FB0] =	sst s0;
	s0 =	simm.s32 @!p2 $0x0  }
0x16: {  	s3 =	sld [smem:$0x3FDB];
	s0 =	simm.s32 @p2 $0x1  }
0x17: {  	s4 =	simm.s32 $0x1BF5;
	[smem:$0x3FB2] =	sst s0  }
0x18: {  	s0 =	sld [smem:$0x3F95];
	_ =	swait.ge [sflag:s4], $0x0  }
0x19: {  	s7 =	sld [smem:$0x3F96]  }
0x1a: {  	s8 =	sadd.s32 $0xFFFFE003, lr  }
0x1b: {  	s9 =	sadd.s32 $0xFFFFFEF7, lr;
	s5 =	simm.s32 $0xFFFFFFFF;
	p2 =	slt.u32 s8, $0xFFFFF086  }
0x1c: {  	p1 =	slt.u32 s9, $0xF7A;
	s5 =	simm.s32 @!p2 $0x0  }
0x1d: {  	s5 =	simm.s32 @p1 $0x1;
	p0 =	seq.s32 s7, s2  }
0x1e: {  	s7 =	smul.u32 @!p0 $0xF7A, s2;
	p2 =	seq.s32 @!p0 s5, $0x0  }
0x1f: {  	s9 =	smul.u32 $0xF7A, s1;
	s8 =	simm.s32 @!p0 $0x1BF5;
	p2 =	por !p2, p0  }
0x20: {  	[sflag:s8] =	ssyncset.s32 @!p0 $0xFFFFF086;
	s6 =	sadd.s32 @!p0 s3, s7;
	s7 =	simm.s32 @!p0 $0x108  }
0x21: {  	s3 =	sadd.s32 s3, s9;
	s6 =	sadd.s32 @!p0 $0x88, s6;
	s7 =	simm.s32 @p2 $0x1082  }
0x22: {  	[simem:s7], [sflag:s8] =	dma.local @!p0 [hbm:s6], $0xF7A  }
0x23: {  	s9 =	sor.u32 $0xD0000000, s2;
	s6 =	simm.s32 $0x108;
	_ =	swait.ge @!p0 [sflag:s8], $0x0  }
0x24: {  	s3 =	sadd.s32 $0x88, s3;
	s6 =	simm.s32 @!p1 $0x1082;
	[sflag:s4] =	ssyncset.s32 $0xFFFFF086  }
0x25: {  	[simem:s6], [sflag:s4] =	dma.local [hbm:s3], $0xF7A  }
0x26: {  	[smem:$0x3F96] =	sst s1;
	(tag) =	ssettag s2;
	_ =	strace s9  }
0x27: {  	s1 =	sld [smem:$0x3FA6]  }
0x28: {  	s2 =	sld [smem:$0x3FA7]  }
0x29: {  	s4 =	sld [smem:$0x3FA9]  }
0x2a: {  	p0 =	seq.s32 s5, $0x0;
	s5 =	sld [smem:$0x3FAA]  }
0x2b: {  	s6 =	sld [smem:$0x3FAB]  }
0x2c: {  	s7 =	sld [smem:$0x3FAC]  }
0x2d: {  	s3 =	simm.s32 $0x108;
	s8 =	sld [smem:$0x3FAD]  }
0x2e: {  	s3 =	simm.s32 @!p0 $0x1082;
	s9 =	sld [smem:$0x3FAE]  }
0x2f: {  	lr =	sadd.s32 s0, s3;
	s0 =	sld [smem:$0x3FA5]  }
0x30: {  	s3 =	sld [smem:$0x3FA8]  }
0x31: {  	[smem:$0x3FB1] =	sst s10  }
0x32: {  	s10 =	sld [smem:$0x3FAF];
	_ =	sdelay $0x3  }
0x33: {  	p0 =	seq.s32 s10, $0x1;
	s10 =	sld [smem:$0x3FB1];
	_ =	sdelay $0x3  }
0x34: {  	[smem:$0x3FB1] =	sst s10  }
0x35: {  	s10 =	sld [smem:$0x3FB0];
	_ =	sdelay $0x3  }
0x36: {  	p1 =	seq.s32 s10, $0x1;
	s10 =	sld [smem:$0x3FB1];
	_ =	sdelay $0x3  }
0x37: {  	[smem:$0x3FB1] =	sst s10  }
0x38: {  	s10 =	sld [smem:$0x3FB2]  }
0x39: {  	_ = 	snop;
	(pc) =	sbr.ind lr, $3  }
0x3a: {  	_ = 	snop  }
0x3b: {  	_ = 	snop  }
0x3c: {  	p2 =	seq.s32 s10, $0x1;
	s10 =	sld [smem:$0x3FB1]  }
0x3d: {  	_ =	shalt  }
0x3e: {  	_ =	shalt  }
0x3f: {  	_ =	shalt  }
0x40: {  	_ =	shalt  }
0x41: {  	_ =	shalt  }
0x42: {  	_ =	shalt  }
0x43: {  	_ =	shalt  }
0x44: {  	_ =	shalt  }
0x45: {  	_ =	shalt  }
0x46: {  	_ =	shalt  }
0x47: {  	_ =	shalt  }
0x48: {  	_ =	shalt  }
0x49: {  	_ =	shalt  }
0x4a: {  	_ =	shalt  }
0x4b: {  	_ =	shalt  }
0x4c: {  	_ =	shalt  }
0x4d: {  	_ =	shalt  }
0x4e: {  	_ =	shalt  }
0x4f: {  	_ =	shalt  }
0x50: {  	_ =	shalt  }
0x51: {  	_ =	shalt  }
0x52: {  	_ =	shalt  }
0x53: {  	_ =	shalt  }
0x54: {  	_ =	shalt  }
0x55: {  	_ =	shalt  }
0x56: {  	_ =	shalt  }
0x57: {  	_ =	shalt  }
0x58: {  	_ =	shalt  }
0x59: {  	_ =	shalt  }
0x5a: {  	_ =	shalt  }
0x5b: {  	_ =	shalt  }
0x5c: {  	_ =	shalt  }
0x5d: {  	_ =	shalt  }
0x5e: {  	_ =	shalt  }
0x5f: {  	_ =	shalt  }
0x60: {  	_ =	shalt  }
0x61: {  	_ =	shalt  }
0x62: {  	_ =	shalt  }
0x63: {  	_ =	shalt  }
0x64: {  	_ =	shalt  }
0x65: {  	_ =	shalt  }
0x66: {  	_ =	shalt  }
0x67: {  	_ =	shalt  }
0x68: {  	_ =	shalt  }
0x69: {  	_ =	shalt  }
0x6a: {  	_ =	shalt  }
0x6b: {  	_ =	shalt  }
0x6c: {  	_ =	shalt  }
0x6d: {  	_ =	shalt  }
0x6e: {  	_ =	shalt  }
0x6f: {  	_ =	shalt  }
0x70: {  	_ =	shalt  }
0x71: {  	_ =	shalt  }
0x72: {  	_ =	shalt  }
0x73: {  	_ =	shalt  }
0x74: {  	_ =	shalt  }
0x75: {  	_ =	shalt  }
0x76: {  	_ =	shalt  }
0x77: {  	_ =	shalt  }
0x78: {  	_ =	shalt  }
0x79: {  	_ =	shalt  }
0x7a: {  	_ =	shalt  }
0x7b: {  	_ =	shalt  }
0x7c: {  	_ =	shalt  }
0x7d: {  	_ =	shalt  }
0x7e: {  	_ =	shalt  }
0x7f: {  	_ =	shalt  }
0x80: {  	_ =	shalt  }
0x81: {  	_ =	shalt  }
0x82: {  	_ =	shalt  }
0x83: {  	_ =	shalt  }
0x84: {  	_ =	shalt  }
0x85: {  	_ =	shalt  }
0x86: {  	_ =	shalt  }
0x87: {  	_ =	shalt  }
.Lfunc_end0:
.L_simem_size_0:
called_computation.1_lowered:
.L_overlay_start_0:
0x88: {  	s2 =	sld [smem:$0x3FD9]  }
0x89: {  	s3 =	sld [smem:$0x3FFE];
	_ =	sdelay $0x1  }
0x8a: {  	s1 =	srdreg.scid  }
0x8b: {  	s0 =	sand.u32 $0x1, s1  }
0x8c: {  	s17 =	sshll.u32 s0, $0xA;
	s2 =	sadd.s32 s3, s2  }
0x8d: {  	s2 =	sadd.s32 s2, s17  }
0x8e: {  	[smem:$0x3FBD] =	sst s2  }
0x8f: {  	_ = 	snop  }
0x90: {  	s2 =	sld [smem:$0x3FD0];
	(tm) =	ssettm $0x1  }
0x91: {  	s18 =	sld [smem:$0x3FFB];
	_ =	sdelay $0x3  }
0x92: {  	_ =	strace s18  }
0x93: {  	s3 =	sld [smem:$0x3FFC];
	_ =	sdelay $0x3  }
0x94: {  	_ =	strace s3  }
0x95: {  	s3 =	sld [smem:$0x3FFD];
	_ =	sdelay $0x3  }
0x96: {  	_ =	strace s3  }
0x97: {  	_ =	strace $0x8FFFFFFF  }
0x98: {  	s19 =	sld [smem:$0x3FDB];
	_ =	sdelay $0x1  }
0x99: {  	s4 =	simm.s32 $_scs_section_size  }
0x9a: {  	s5 =	simm.s32 $_size__tile_overlayer_lowered;
	s6 =	simm.s32 $_tile_overlayer_lowered  }
0x9b: {  	s22 =	simm.s32 $0x1BFF;
	s21 =	sshll.u32 s6, $0x1;
	s3 =	sadd.s32 s4, s19  }
0x9c: {  	s7 =	simm.s32 $0x0;
	s20 =	sshll.u32 s5, $0x1;
	s5 =	sadd.s32 s21, s3  }
0x9d: {  	[timem:s7], [sflag:s22] =	dma.local [hbm:s5], s20  }
0x9e: {  	_ =	swait.ge [sflag:s22], s20  }
0x9f: {  	s4 =	ssub.s32 $0x0, s20;
	[sflag:s22] =	ssyncset.done $0x0  }
0xa0: {  	[sflag:s22] =	ssyncadd.s32 s4;
	_ =	sdelay $0x1  }
0xa1: {  	s23 =	simm.s32 $0x1B8B  }
0xa2: {  	_ =	swait.ge [sflag:s23], $0x1  }
0xa3: {  	[sflag:s23] =	ssyncset.done $0x0  }
0xa4: {  	s25 =	simm.s32 $0x1B8E;
	s24 =	sld [smem:$0x3FFE];
	[sflag:s23] =	ssyncadd.s32 $0xFFFFFFFF  }
0xa5: {  	s26 =	simm.s32 $execute0_lowered;
	[smem:$0x3FD2] =	sst s25  }
0xa6: {  	s5 =	sshll.u32 s26, $0x1;
	_ =	strace $0x80000049;
	[dreg:$0x1] =	wrdreg $0xFFFFFFFF  }
0xa7: {  	s28 =	simm.s32 $_size_execute0_lowered;
	s3 =	sadd.s32 s3, s5;
	[dreg:$0x0] =	wrdreg $0x0  }
0xa8: {  	s5 =	sshll.u32 s28, $0x1;
	[dreg:$0x2] =	wrdreg s3  }
0xa9: {  	[dreg:$0x3] =	wrdreg s5  }
0xaa: {  	[dreg:$0x4] =	wrdreg $0xC0  }
0xab: {  	_ =	task [dreg:s7], $0x5FFFF  }
0xac: {  	[dreg:$0x1] =	wrdreg $0xFFFFFFFF  }
0xad: {  	[dreg:$0x0] =	wrdreg $0x60  }
0xae: {  	[dreg:$0x2] =	wrdreg s24  }
0xaf: {  	[dreg:$0x3] =	wrdreg s2  }
0xb0: {  	[dreg:$0x4] =	wrdreg $0xA8800  }
0xb1: {  	[dreg:$0x5] =	wrdreg $0x9  }
0xb2: {  	_ =	task.clear_ibuf [dreg:s7], $0x6FFFF;
	_ =	strace $0x90000049  }
0xb3: {  	s29 =	simm.s32 $0x9;
	_ =	strace $0x8000004B  }
0xb4: {  	_ =	swait.ge [sflag:s29], $0x1  }
0xb5: {  	[sflag:s29] =	ssyncadd.s32 $0xFFFFFFFF  }
0xb6: {  	_ =	strace $0x9000004B  }
0xb7: {  	_ =	sfence  }
0xb8: {  	s30 =	sld [smem:$0x0];
	_ =	sdelay $0x2  }
0xb9: {  	s31 =	sshll.u32 s1, $0xD;
	s1 =	sshrl.u32 s1, $0x2  }
0xba: {  	s3 =	sand.u32 $0x4000, s31;
	s1 =	sadd.s32 s1, s30  }
0xbb: {  	s0 =	sor.u32 s3, s0;
	s1 =	sshll.u32 s1, $0x11  }
0xbc: {  	s0 =	sor.u32 s1, s0  }
0xbd: {  	s0 =	sadd.s32 $0x8F2B, s0  }
0xbe: {  	[sflag:s0] =	ssyncadd.remote.s32 $0x1  }
0xbf: {  	_ =	sfence.sel $0xFFFF  }
0xc0: {  	[dreg:$0x0] =	wrdreg $0xFFFFFFFF;
	(pc) =	sbr.abs _section_cstart, $3  }
0xc1: {  	[dreg:$0x1] =	wrdreg $0xFFFFFFFF  }
0xc2: {  	_ =	task.clear_ibuf [dreg:s7], $0x2FFFF;
	_ =	strace $0x9FFFFFFF  }
0xc3: {  	(tm) =	ssettm $0x7FFFFFFF  }
tec
execute0_lowered:
.L_overlay_start_1:
0x0: {  	(tag) =	ssettag $0x1  }
0x1: {  	s6 =	rddreg [dreg:$0x0]  }
0x2: {  	s8 =	rddreg [dreg:$0x1]  }
0x3: {  	s1 =	srdreg.scid;
	s0 =	stileid.u32  }
0x4: {  	s2 =	rddreg [dreg:$0x2];
	s3 =	simm.s32 $0x0;
	s4 =	smul.u32 $0x4E2, s0  }
0x5: {  	s18 =	simm.s32 $0x2780;
	s19 =	simm.s32 $0x80;
	s22 =	smul.u32 $0x2800, s0  }
0x6: {  	s20 =	simm.s32 $0x2880;
	s7 =	sand.u32 $0x1, s1;
	s13 =	smul.u32 $0x50000, s0  }
0x7: {  	[smem:$0x7FF] =	sst s3;
	s30 =	sshll.u32 s0, $0x6;
	s5 =	smul.u32 $0x4E2, s7  }
0x8: {  	_ =	strace $0x8000004A;
	s11 =	smul.u32 $0x28000, s7;
	s7 =	ssub.s32 $0x2, s7  }
0x9: {  	s9 =	sshrl.u32 s4, $0x4;
	s4 =	sadd.s32 $0x4E2, s4;
	s23 =	sadd.s32 s22, s6  }
0xa: {  	s24 =	sshrl.u32 s7, $0x1;
	s28 =	sshrl.u32 s13, $0x2;
	s5 =	sadd.s32 s5, s9  }
0xb: {  	s21 =	sshrl.u32 s4, $0x4;
	s4 =	sadd.s32 $0xC600, s6;
	s16 =	sadd.s32 s11, s6  }
0xc: {  	s26 =	ssub.s32 s7, s24;
	s17 =	sadd.s32 s28, s2;
	s7 =	sor.u32 $0x1C03, s30  }
0xd: {  	s10 =	sshll.u32 s5, $0x4;
	s5 =	ssub.s32 s21, s9;
	s21 =	simm.s32 $0x1  }
0xe: {  	s15 =	sadd.s32 s10, s6;
	s12 =	sadd.s32 $0x1, s5;
	s6 =	sadd.s32 $0x33800, s23  }
0xf: {  	s8 =	sadd.s32 s8, s10;
	s11 =	sadd.s32 $0xFFFFFFFF, s5;
	s14 =	sand.u32 $0x8000, s12  }
0x10: {  	s23 =	sadd.s32 $0x5B800, s16;
	s16 =	sshrl.u32 s17, $0x3;
	s25 =	sshrl.u32 s14, $0xF  }
0x11: {  	s17 =	simm.s32 $0x3;
	p1 =	seq.s32 s5, $0x1;
	s29 =	sadd.s32 s25, s12  }
.Ltmp0:
0x12: {  	s31 =	sadd.s32 $0x2800, s15;
	s12 =	sshll.u32 s29, $0x10;
	(pc) =	sbr.rel .LBB2_1-.Ltmp0, $4  }
0x13: {  	s10 =	sadd.s32 $0x2810, s15;
	s22 =	sadd.s32 s22, s23;
	s13 =	sshra.s32 s12, $0x11  }
0x14: {  	s23 =	simm.s32 $0x0;
	[dreg:$0x4] =	wrdreg s31;
	p0 =	sgt.s32 s13, $0x1  }
0x15: {  	s14 =	sadd.s32 $0x2830, s15;
	s15 =	sadd.s32 $0x2820, s15;
	s13 =	simm.s32 @!p0 $0x1  }
0x16: {  	s12 =	smax.u32 s26, $0x1;
	p0 =	slt.s32 s5, $0x1;
	s13 =	sshll.u32 s13, $0x1  }
.LBB2_4:
0x17: {  	[tilespmem:s31], [sflag:$0x2] =	stream.indirect.gather @!p4 [hbm4b:s4+s30], $0x80, s24, s30, $0xb8;
	[tilespmem:$0x1E880] =	vst v63  }
.LBB2_5:
0x18: {  	s23 =	sadd.s32 $0x1, s23  }
0x19: {  	p2 =	sne.s32 s23, s12  }
.Ltmp1:
0x1a: {  	[bflag:$0x0] =	sbarrier.arrive $0xFFFF;
	(pc) =	sbr.rel @!p2 .LBB2_6-.Ltmp1, $4  }
0x1b: {  	[hbm:s22], [sflag:s7] =	dma.local [spmem:s16], $0x2800  }
0x1c: {  	_ =	swait.ge [sflag:s17], $0x2800  }
0x1d: {  	[sflag:s17] =	ssyncset.done $0x0  }
0x1e: {  	[sflag:s17] =	ssyncadd.s32 $0xFFFFD800  }
.LBB2_1:
0x1f: {  	[spmem:s16], [sflag:s7] =	dma.local [hbm:s6], $0x2800  }
0x20: {  	_ =	swait.ge [sflag:s17], $0x2800  }
0x21: {  	[sflag:s17] =	ssyncset.done $0x0  }
0x22: {  	[sflag:s17] =	ssyncadd.s32 $0xFFFFD800  }
0x23: {  	[tilespmem:s3], [sflag:$0x3] =	stream.linear.gather [hbm4b:s8+s3], $0x2780, $0x38;
	[tilespmem:$0x1E880] =	vst v63  }
.Ltmp2:
0x24: {  	_ =	swait.ge [sflag:s17], $0x2780;
	(pc) =	sbr.rel @p0 .LBB2_5-.Ltmp2, $3  }
0x25: {  	[sflag:s17] =	ssyncset.done $0x0  }
0x26: {  	[sflag:s17] =	ssyncadd.s32 $0xFFFFD880  }
0x27: {  	[bflag:$0x0] =	sbarrier.arrive $0xFFFF;
	_ =	sdelay $0x1  }
0x28: {  	s0 =	rddreg [dreg:$0x4]  }
0x29: {  	[tilespmem:s18], [sflag:$0x1] =	stream.linear.gather [hbm4b:s0+s3], $0x80, $0x38;
	[tilespmem:$0x1E880] =	vst v63  }
0x2a: {  	_ = 	snop  }
0x2b: {  	[tilespmem:s20], [sflag:$0x1] =	stream.indirect.gather [hbm4b:s4+s19], $0x80, s3, s19, $0xb8;
	[tilespmem:$0x1E880] =	vst v63  }
0x2c: {  	s24 =	simm.s32 @!p1 $0x0;
	s25 =	simm.s32 @!p1 $0x2800  }
0x2d: {  	[tilespmem:s25], [sflag:$0x2] =	stream.linear.gather @!p1 [hbm4b:s10+s24], $0x80, $0x38;
	[tilespmem:$0x1E880] =	vst v63  }
0x2e: {  	s24 =	simm.s32 @!p1 $0x80;
	s25 =	simm.s32 @!p1 $0x6880  }
0x2f: {  	[tilespmem:s25], [sflag:$0x2] =	stream.indirect.gather @!p1 [hbm4b:s4+s24], $0x80, s24, s24, $0xb8;
	[tilespmem:$0x1E880] =	vst v63  }
0x30: {  	_ =	swait.ge [sflag:s21], $0x80  }
0x31: {  	[sflag:s21] =	ssyncset.done $0x0  }
0x32: {  	[sflag:s21] =	ssyncadd.s32 $0xFFFFFF80  }
0x33: {  	_ =	swait.ge [sflag:s21], $0x4000  }
0x34: {  	[sflag:s21] =	ssyncset.done $0x0  }
0x35: {  	[sflag:s21] =	ssyncadd.s32 $0xFFFFC000  }
0x36: {  	[spmem:s2] =	stream.indirect.scatter.add.f32 [tilespmem:s20], [sflag:$0x3], $0x80, s18, s19, $0xb8;
	[tilespmem:$0x1E880] =	vst v63  }
0x37: {  	p3 =	sle.s32 s5, $0x2;
	_ =	swait.ge [sflag:s17], $0x4000  }
0x38: {  	p2 =	sle.s32 s11, $0x0;
	s26 =	simm.s32 @!p3 $0x2780;
	[sflag:s17] =	ssyncset.done $0x0  }
0x39: {  	s28 =	simm.s32 @!p2 $0x2;
	s24 =	simm.s32 @!p3 $0x0;
	[sflag:s17] =	ssyncadd.s32 $0xFFFFC000  }
0x3a: {  	[tilespmem:s26], [sflag:$0x1] =	stream.linear.gather @!p3 [hbm4b:s15+s24], $0x80, $0x38;
	[tilespmem:$0x1E880] =	vst v63  }
0x3b: {  	s25 =	simm.s32 @!p3 $0x2880;
	s24 =	simm.s32 @!p3 $0x100;
	s26 =	simm.s32 @!p3 $0x80  }
0x3c: {  	[tilespmem:s25], [sflag:$0x1] =	stream.indirect.gather @!p3 [hbm4b:s4+s26], $0x80, s24, s26, $0xb8;
	[tilespmem:$0x1E880] =	vst v63  }
0x3d: {  	_ =	swait.ge @!p2 [sflag:s28], $0x80  }
0x3e: {  	[sflag:s28] =	ssyncset.done @!p2 $0x0  }
0x3f: {  	[sflag:s28] =	ssyncadd.s32 @!p2 $0xFFFFFF80  }
0x40: {  	_ =	swait.ge @!p2 [sflag:s28], $0x4000  }
0x41: {  	s24 =	simm.s32 @!p2 $0x6880;
	s25 =	simm.s32 @!p2 $0x80;
	[sflag:s28] =	ssyncset.done @!p2 $0x0  }
0x42: {  	s26 =	simm.s32 @!p2 $0x2800;
	[sflag:s28] =	ssyncadd.s32 @!p2 $0xFFFFC000;
	s28 =	simm.s32 @!p2 $0x3  }
0x43: {  	[spmem:s2] =	stream.indirect.scatter.add.f32 @!p2 [tilespmem:s24], [sflag:$0x3], $0x80, s26, s25, $0xb8;
	[tilespmem:$0x1E880] =	vst v63  }
0x44: {  	_ =	swait.ge @!p2 [sflag:s28], $0x4000  }
0x45: {  	p3 =	sle.s32 @!p2 s5, $0x3;
	[sflag:s28] =	ssyncset.done @!p2 $0x0  }
0x46: {  	p4 =	por p3, p2;
	[sflag:s28] =	ssyncadd.s32 @!p2 $0xFFFFC000;
	p2 =	sne.s32 s13, $0x2  }
.Ltmp3:
0x47: {  	_ = 	snop;
	(pc) =	sbr.rel @!p2 .LBB2_4-.Ltmp3, $4  }
0x48: {  	s29 =	simm.s32 $0x180;
	s30 =	simm.s32 @!p4 $0x80;
	s31 =	simm.s32 @!p4 $0x6880  }
0x49: {  	s24 =	simm.s32 $0x180;
	s25 =	simm.s32 @!p4 $0x0;
	s26 =	simm.s32 @!p4 $0x2800  }
0x4a: {  	[tilespmem:s26], [sflag:$0x2] =	stream.linear.gather @!p4 [hbm4b:s14+s25], $0x80, $0x38;
	[tilespmem:$0x1E880] =	vst v63  }
0x4b: {  	s28 =	smov.u32 s14;
	s25 =	simm.s32 $0x2;
	s26 =	sadd.s32 $0x20, s15  }
.LBB2_3:
0x4c: {  	s28 =	sadd.s32 $0x20, s28  }
0x4d: {  	s29 =	sadd.s32 $0x100, s29;
	s1 =	smov.u32 s25;
	s25 =	sadd.s32 $0x2, s25  }
0x4e: {  	[tilespmem:s31], [sflag:$0x2] =	stream.indirect.gather @!p4 [hbm4b:s4+s30], $0x80, s24, s30, $0xb8;
	[tilespmem:$0x1E880] =	vst v63  }
0x4f: {  	p2 =	sne.s32 s13, s25;
	s24 =	smov.u32 s29;
	_ =	swait.ge [sflag:s21], $0x80  }
0x50: {  	[sflag:s21] =	ssyncset.done $0x0  }
0x51: {  	[sflag:s21] =	ssyncadd.s32 $0xFFFFFF80  }
0x52: {  	_ =	swait.ge [sflag:s21], $0x4000  }
0x53: {  	[sflag:s21] =	ssyncset.done $0x0  }
0x54: {  	[sflag:s21] =	ssyncadd.s32 $0xFFFFC000  }
0x55: {  	[spmem:s2] =	stream.indirect.scatter.add.f32 [tilespmem:s20], [sflag:$0x3], $0x80, s18, s19, $0xb8;
	[tilespmem:$0x1E880] =	vst v63  }
0x56: {  	_ =	swait.ge [sflag:s17], $0x4000  }
0x57: {  	p4 =	sge.s32 s25, s5;
	p3 =	sge.s32 s1, s11;
	[sflag:s17] =	ssyncset.done $0x0  }
0x58: {  	s30 =	simm.s32 @!p4 $0x0;
	s31 =	simm.s32 @!p4 $0x2880;
	[sflag:s17] =	ssyncadd.s32 $0xFFFFC000  }
0x59: {  	s0 =	simm.s32 @!p4 $0x2780;
	s1 =	sadd.s32 @!p3 $0x3, s1  }
0x5a: {  	[tilespmem:s0], [sflag:$0x1] =	stream.linear.gather @!p4 [hbm4b:s26+s30], $0x80, $0x38;
	[tilespmem:$0x1E880] =	vst v63  }
0x5b: {  	s9 =	simm.s32 @!p3 $0x2;
	s0 =	sadd.s32 @!p4 $0xFFFFFF80, s29;
	s30 =	simm.s32 @!p4 $0x80  }
0x5c: {  	[tilespmem:s31], [sflag:$0x1] =	stream.indirect.gather @!p4 [hbm4b:s4+s30], $0x80, s0, s30, $0xb8;
	[tilespmem:$0x1E880] =	vst v63  }
0x5d: {  	p4 =	sge.s32 @!p3 s1, s5;
	_ =	swait.ge @!p3 [sflag:s9], $0x80  }
0x5e: {  	[sflag:s9] =	ssyncset.done @!p3 $0x0  }
0x5f: {  	[sflag:s9] =	ssyncadd.s32 @!p3 $0xFFFFFF80  }
0x60: {  	s0 =	simm.s32 @!p3 $0x6880;
	_ =	swait.ge @!p3 [sflag:s9], $0x4000  }
0x61: {  	s1 =	simm.s32 @!p3 $0x80;
	s30 =	simm.s32 @!p3 $0x2800;
	[sflag:s9] =	ssyncset.done @!p3 $0x0  }
0x62: {  	[sflag:s9] =	ssyncadd.s32 @!p3 $0xFFFFC000;
	s9 =	simm.s32 @!p3 $0x3  }
0x63: {  	[spmem:s2] =	stream.indirect.scatter.add.f32 @!p3 [tilespmem:s0], [sflag:$0x3], $0x80, s30, s1, $0xb8;
	[tilespmem:$0x1E880] =	vst v63  }
.Ltmp4:
0x64: {  	_ = 	snop;
	(pc) =	sbr.rel @p2 .LBB2_3-.Ltmp4, $4  }
0x65: {  	s26 =	sadd.s32 $0x20, s26;
	p4 =	por p4, p3;
	_ =	swait.ge @!p3 [sflag:s9], $0x4000  }
0x66: {  	s0 =	simm.s32 @!p4 $0x0;
	s1 =	simm.s32 @!p4 $0x2800;
	[sflag:s9] =	ssyncset.done @!p3 $0x0  }
0x67: {  	s31 =	simm.s32 @!p4 $0x6880;
	s30 =	simm.s32 @!p4 $0x80;
	[sflag:s9] =	ssyncadd.s32 @!p3 $0xFFFFC000  }
0x68: {  	[tilespmem:s1], [sflag:$0x2] =	stream.linear.gather @!p4 [hbm4b:s28+s0], $0x80, $0x38;
	[tilespmem:$0x1E880] =	vst v63  }
.Ltmp5:
0x69: {  	_ = 	snop;
	(pc) =	sbr.rel .LBB2_4-.Ltmp5, $1  }
0x6a: {  	_ =	sdelay $0x3  }
.LBB2_6:
0x6b: {  	_ =	sfence.sel $0x180000  }
0x6c: {  	[bflag:$0x0] =	sbarrier.arrive $0xFFFF  }
0x6d: {  	_ =	strace $0x9000004A  }
0x6e: {  	s0 =	stileid.u32;
	[bflag:$0x2] =	sbarrier.arrive $0xFFFF  }
0x6f: {  	p0 =	sne.s32 s0, $0x0;
	s0 =	rddreg [dreg:$0x3]  }
0x70: {  	s0 =	sadd.s32 @!p0 $0x100000, s0  }
0x71: {  	[sflag:s0] =	ssyncadd.tile.s32 @!p0 $0x1;
	_ =	shalt  }
.Lfunc_end2:
_tile_overlayer_lowered:
.L_overlay_start_2:
0x72: {  	(tag) =	ssettag $0x2  }
0x73: {  	s0 =	rddreg [dreg:$0x0];
	s2 =	stileid.u32  }
0x74: {  	s1 =	rddreg [dreg:$0x1];
	p0 =	sne.s32 s2, $0x0  }
0x75: {  	s3 =	rddreg [dreg:$0x2];
	[bflag:$0x3] =	sbarrier.arrive $0xFFFF;
	s2 =	simm.s32 @!p0 $0x1C03  }
0x76: {  	[timem:s3], [sflag:s2] =	dma.local @!p0 [hbm:s0], s1  }
0x77: {  	s0 =	simm.s32 @!p0 $0x3  }
0x78: {  	_ =	swait.ge @!p0 [sflag:s0], s1  }
0x79: {  	s1 =	ssub.s32 @!p0 $0x0, s1;
	[sflag:s0] =	ssyncset.done @!p0 $0x0  }
0x7a: {  	[sflag:s0] =	ssyncadd.s32 @!p0 s1  }
0x7b: {  	[bflag:$0x3] =	sbarrier.arrive $0xFFFF  }
0x7c: {  	_ =	shalt  }

// kernel: kernel.14.cloned.1.call-start
scs
__scs_entry_jumppad:
0x0: {  	(pc) =	sbr.rel $0x88, $3  }
0x1: {  	(tag) =	ssettag $0x0;
	lr =	simm.s32 $0x1  }
0x2: {  	[smem:$0x3F96] =	sst lr;
	_ =	strace $0xD0000000  }
0x3: {  	_ = 	snop  }
0x4: {  	_ = 	snop  }
0x5: {  	_ = 	snop  }
0x6: {  	_ = 	snop  }
0x7: {  	_ = 	snop  }
__scs_overlays_trampoline_lowered:
0x8: {  	[smem:$0x3FA5] =	sst s0  }
0x9: {  	[smem:$0x3FA6] =	sst s1  }
0xa: {  	[smem:$0x3FA7] =	sst s2  }
0xb: {  	[smem:$0x3FA8] =	sst s3  }
0xc: {  	[smem:$0x3FA9] =	sst s4  }
0xd: {  	[smem:$0x3FAA] =	sst s5  }
0xe: {  	[smem:$0x3FAB] =	sst s6  }
0xf: {  	[smem:$0x3FAC] =	sst s7  }
0x10: {  	[smem:$0x3FAD] =	sst s8  }
0x11: {  	[smem:$0x3FAE] =	sst s9;
	s0 =	simm.s32 @!p0 $0x0  }
0x12: {  	s1 =	sld [smem:$0x3F94];
	s0 =	simm.s32 @p0 $0x1  }
0x13: {  	[smem:$0x3FAF] =	sst s0;
	s0 =	simm.s32 @!p1 $0x0  }
0x14: {  	s2 =	sld [smem:$0x3F93];
	s0 =	simm.s32 @p1 $0x1  }
0x15: {  	[smem:$0x3FB0] =	sst s0;
	s0 =	simm.s32 @!p2 $0x0  }
0x16: {  	s3 =	sld [smem:$0x3FDB];
	s0 =	simm.s32 @p2 $0x1  }
0x17: {  	s4 =	simm.s32 $0x1BF5;
	[smem:$0x3FB2] =	sst s0  }
0x18: {  	s0 =	sld [smem:$0x3F95];
	_ =	swait.ge [sflag:s4], $0x0  }
0x19: {  	s7 =	sld [smem:$0x3F96]  }
0x1a: {  	s8 =	sadd.s32 $0xFFFFE003, lr  }
0x1b: {  	s9 =	sadd.s32 $0xFFFFFEF7, lr;
	s5 =	simm.s32 $0xFFFFFFFF;
	p2 =	slt.u32 s8, $0xFFFFF086  }
0x1c: {  	p1 =	slt.u32 s9, $0xF7A;
	s5 =	simm.s32 @!p2 $0x0  }
0x1d: {  	s5 =	simm.s32 @p1 $0x1;
	p0 =	seq.s32 s7, s2  }
0x1e: {  	s7 =	smul.u32 @!p0 $0xF7A, s2;
	p2 =	seq.s32 @!p0 s5, $0x0  }
0x1f: {  	s9 =	smul.u32 $0xF7A, s1;
	s8 =	simm.s32 @!p0 $0x1BF5;
	p2 =	por !p2, p0  }
0x20: {  	[sflag:s8] =	ssyncset.s32 @!p0 $0xFFFFF086;
	s6 =	sadd.s32 @!p0 s3, s7;
	s7 =	simm.s32 @!p0 $0x108  }
0x21: {  	s3 =	sadd.s32 s3, s9;
	s6 =	sadd.s32 @!p0 $0x88, s6;
	s7 =	simm.s32 @p2 $0x1082  }
0x22: {  	[simem:s7], [sflag:s8] =	dma.local @!p0 [hbm:s6], $0xF7A  }
0x23: {  	s9 =	sor.u32 $0xD0000000, s2;
	s6 =	simm.s32 $0x108;
	_ =	swait.ge @!p0 [sflag:s8], $0x0  }
0x24: {  	s3 =	sadd.s32 $0x88, s3;
	s6 =	simm.s32 @!p1 $0x1082;
	[sflag:s4] =	ssyncset.s32 $0xFFFFF086  }
0x25: {  	[simem:s6], [sflag:s4] =	dma.local [hbm:s3], $0xF7A  }
0x26: {  	[smem:$0x3F96] =	sst s1;
	(tag) =	ssettag s2;
	_ =	strace s9  }
0x27: {  	s1 =	sld [smem:$0x3FA6]  }
0x28: {  	s2 =	sld [smem:$0x3FA7]  }
0x29: {  	s4 =	sld [smem:$0x3FA9]  }
0x2a: {  	p0 =	seq.s32 s5, $0x0;
	s5 =	sld [smem:$0x3FAA]  }
0x2b: {  	s6 =	sld [smem:$0x3FAB]  }
0x2c: {  	s7 =	sld [smem:$0x3FAC]  }
0x2d: {  	s3 =	simm.s32 $0x108;
	s8 =	sld [smem:$0x3FAD]  }
0x2e: {  	s3 =	simm.s32 @!p0 $0x1082;
	s9 =	sld [smem:$0x3FAE]  }
0x2f: {  	lr =	sadd.s32 s0, s3;
	s0 =	sld [smem:$0x3FA5]  }
0x30: {  	s3 =	sld [smem:$0x3FA8]  }
0x31: {  	[smem:$0x3FB1] =	sst s10  }
0x32: {  	s10 =	sld [smem:$0x3FAF];
	_ =	sdelay $0x3  }
0x33: {  	p0 =	seq.s32 s10, $0x1;
	s10 =	sld [smem:$0x3FB1];
	_ =	sdelay $0x3  }
0x34: {  	[smem:$0x3FB1] =	sst s10  }
0x35: {  	s10 =	sld [smem:$0x3FB0];
	_ =	sdelay $0x3  }
0x36: {  	p1 =	seq.s32 s10, $0x1;
	s10 =	sld [smem:$0x3FB1];
	_ =	sdelay $0x3  }
0x37: {  	[smem:$0x3FB1] =	sst s10  }
0x38: {  	s10 =	sld [smem:$0x3FB2]  }
0x39: {  	_ = 	snop;
	(pc) =	sbr.ind lr, $3  }
0x3a: {  	_ = 	snop  }
0x3b: {  	_ = 	snop  }
0x3c: {  	p2 =	seq.s32 s10, $0x1;
	s10 =	sld [smem:$0x3FB1]  }
0x3d: {  	_ =	shalt  }
0x3e: {  	_ =	shalt  }
0x3f: {  	_ =	shalt  }
0x40: {  	_ =	shalt  }
0x41: {  	_ =	shalt  }
0x42: {  	_ =	shalt  }
0x43: {  	_ =	shalt  }
0x44: {  	_ =	shalt  }
0x45: {  	_ =	shalt  }
0x46: {  	_ =	shalt  }
0x47: {  	_ =	shalt  }
0x48: {  	_ =	shalt  }
0x49: {  	_ =	shalt  }
0x4a: {  	_ =	shalt  }
0x4b: {  	_ =	shalt  }
0x4c: {  	_ =	shalt  }
0x4d: {  	_ =	shalt  }
0x4e: {  	_ =	shalt  }
0x4f: {  	_ =	shalt  }
0x50: {  	_ =	shalt  }
0x51: {  	_ =	shalt  }
0x52: {  	_ =	shalt  }
0x53: {  	_ =	shalt  }
0x54: {  	_ =	shalt  }
0x55: {  	_ =	shalt  }
0x56: {  	_ =	shalt  }
0x57: {  	_ =	shalt  }
0x58: {  	_ =	shalt  }
0x59: {  	_ =	shalt  }
0x5a: {  	_ =	shalt  }
0x5b: {  	_ =	shalt  }
0x5c: {  	_ =	shalt  }
0x5d: {  	_ =	shalt  }
0x5e: {  	_ =	shalt  }
0x5f: {  	_ =	shalt  }
0x60: {  	_ =	shalt  }
0x61: {  	_ =	shalt  }
0x62: {  	_ =	shalt  }
0x63: {  	_ =	shalt  }
0x64: {  	_ =	shalt  }
0x65: {  	_ =	shalt  }
0x66: {  	_ =	shalt  }
0x67: {  	_ =	shalt  }
0x68: {  	_ =	shalt  }
0x69: {  	_ =	shalt  }
0x6a: {  	_ =	shalt  }
0x6b: {  	_ =	shalt  }
0x6c: {  	_ =	shalt  }
0x6d: {  	_ =	shalt  }
0x6e: {  	_ =	shalt  }
0x6f: {  	_ =	shalt  }
0x70: {  	_ =	shalt  }
0x71: {  	_ =	shalt  }
0x72: {  	_ =	shalt  }
0x73: {  	_ =	shalt  }
0x74: {  	_ =	shalt  }
0x75: {  	_ =	shalt  }
0x76: {  	_ =	shalt  }
0x77: {  	_ =	shalt  }
0x78: {  	_ =	shalt  }
0x79: {  	_ =	shalt  }
0x7a: {  	_ =	shalt  }
0x7b: {  	_ =	shalt  }
0x7c: {  	_ =	shalt  }
0x7d: {  	_ =	shalt  }
0x7e: {  	_ =	shalt  }
0x7f: {  	_ =	shalt  }
0x80: {  	_ =	shalt  }
0x81: {  	_ =	shalt  }
0x82: {  	_ =	shalt  }
0x83: {  	_ =	shalt  }
0x84: {  	_ =	shalt  }
0x85: {  	_ =	shalt  }
0x86: {  	_ =	shalt  }
0x87: {  	_ =	shalt  }
.Lfunc_end0:
.L_simem_size_0:
called_computation.2_lowered:
.L_overlay_start_0:
0x88: {  	s2 =	sld [smem:$0x3FD9]  }
0x89: {  	s3 =	sld [smem:$0x3FFE];
	_ =	sdelay $0x1  }
0x8a: {  	s1 =	srdreg.scid  }
0x8b: {  	s0 =	sand.u32 $0x1, s1  }
0x8c: {  	s16 =	sshll.u32 s0, $0xA;
	s2 =	sadd.s32 s3, s2  }
0x8d: {  	s2 =	sadd.s32 s2, s16  }
0x8e: {  	[smem:$0x3FBD] =	sst s2  }
0x8f: {  	_ = 	snop  }
0x90: {  	(tm) =	ssettm $0x1  }
0x91: {  	s17 =	sld [smem:$0x3FFB];
	_ =	sdelay $0x3  }
0x92: {  	_ =	strace s17  }
0x93: {  	s2 =	sld [smem:$0x3FFC];
	_ =	sdelay $0x3  }
0x94: {  	_ =	strace s2  }
0x95: {  	s2 =	sld [smem:$0x3FFD];
	_ =	sdelay $0x3  }
0x96: {  	_ =	strace s2  }
0x97: {  	_ =	strace $0x8FFFFFFF  }
0x98: {  	s18 =	sld [smem:$0x3FDB];
	_ =	sdelay $0x1  }
0x99: {  	s19 =	simm.s32 $_scs_section_size  }
0x9a: {  	s4 =	simm.s32 $_size__tile_overlayer_lowered;
	s5 =	simm.s32 $_tile_overlayer_lowered  }
0x9b: {  	s22 =	simm.s32 $0x1BFF;
	s21 =	sshll.u32 s5, $0x1;
	s2 =	sadd.s32 s19, s18  }
0x9c: {  	s6 =	simm.s32 $0x0;
	s20 =	sshll.u32 s4, $0x1;
	s4 =	sadd.s32 s21, s2  }
0x9d: {  	[timem:s6], [sflag:s22] =	dma.local [hbm:s4], s20  }
0x9e: {  	_ =	swait.ge [sflag:s22], s20  }
0x9f: {  	s3 =	ssub.s32 $0x0, s20;
	[sflag:s22] =	ssyncset.done $0x0  }
0xa0: {  	[sflag:s22] =	ssyncadd.s32 s3;
	_ =	sdelay $0x1  }
0xa1: {  	s23 =	simm.s32 $0x1B8B  }
0xa2: {  	_ =	swait.ge [sflag:s23], $0x1  }
0xa3: {  	[sflag:s23] =	ssyncset.done $0x0  }
0xa4: {  	s25 =	simm.s32 $0x1B8E;
	s24 =	sld [smem:$0x3FFE];
	[sflag:s23] =	ssyncadd.s32 $0xFFFFFFFF  }
0xa5: {  	s26 =	simm.s32 $execute0_lowered;
	[smem:$0x3FD2] =	sst s25  }
0xa6: {  	s4 =	sshll.u32 s26, $0x1;
	_ =	strace $0x8000004C;
	[dreg:$0x1] =	wrdreg $0xFFFFFFFF  }
0xa7: {  	s28 =	simm.s32 $_size_execute0_lowered;
	s2 =	sadd.s32 s2, s4;
	[dreg:$0x0] =	wrdreg $0x0  }
0xa8: {  	s4 =	sshll.u32 s28, $0x1;
	[dreg:$0x2] =	wrdreg s2  }
0xa9: {  	[dreg:$0x3] =	wrdreg s4  }
0xaa: {  	[dreg:$0x4] =	wrdreg $0xC0  }
0xab: {  	_ =	task [dreg:s6], $0x5FFFF  }
0xac: {  	[dreg:$0x1] =	wrdreg $0xFFFFFFFF  }
0xad: {  	[dreg:$0x0] =	wrdreg $0x60  }
0xae: {  	[dreg:$0x2] =	wrdreg s24  }
0xaf: {  	[dreg:$0x3] =	wrdreg $0x9  }
0xb0: {  	_ =	task.clear_ibuf [dreg:s6], $0x4FFFF;
	_ =	strace $0x9000004C  }
0xb1: {  	s29 =	simm.s32 $0x9;
	_ =	strace $0x8000004E  }
0xb2: {  	_ =	swait.ge [sflag:s29], $0x1  }
0xb3: {  	[sflag:s29] =	ssyncadd.s32 $0xFFFFFFFF  }
0xb4: {  	_ =	strace $0x9000004E  }
0xb5: {  	_ =	sfence  }
0xb6: {  	s30 =	sld [smem:$0x0];
	_ =	sdelay $0x2  }
0xb7: {  	s31 =	sshll.u32 s1, $0xD;
	s1 =	sshrl.u32 s1, $0x2  }
0xb8: {  	s3 =	sand.u32 $0x4000, s31;
	s1 =	sadd.s32 s1, s30  }
0xb9: {  	s0 =	sor.u32 s3, s0;
	s1 =	sshll.u32 s1, $0x11  }
0xba: {  	s0 =	sor.u32 s1, s0  }
0xbb: {  	s0 =	sadd.s32 $0x8F2B, s0  }
0xbc: {  	[sflag:s0] =	ssyncadd.remote.s32 $0x1  }
0xbd: {  	_ =	sfence.sel $0xFFFF  }
0xbe: {  	[dreg:$0x0] =	wrdreg $0xFFFFFFFF;
	(pc) =	sbr.abs _section_cstart, $3  }
0xbf: {  	[dreg:$0x1] =	wrdreg $0xFFFFFFFF  }
0xc0: {  	_ =	task.clear_ibuf [dreg:s6], $0x2FFFF;
	_ =	strace $0x9FFFFFFF  }
0xc1: {  	(tm) =	ssettm $0x7FFFFFFF  }
tec
execute0_lowered:
.L_overlay_start_1:
0x0: {  	(tag) =	ssettag $0x1  }
0x1: {  	s1 =	srdreg.scid;
	s0 =	stileid.u32  }
0x2: {  	s8 =	rddreg [dreg:$0x0];
	s2 =	simm.s32 $0x0;
	s13 =	simm.s32 $0x5  }
0x3: {  	s14 =	simm.s32 $0x2780;
	s7 =	sand.u32 $0x1, s1;
	s30 =	sshll.u32 s0, $0x1  }
0x4: {  	s15 =	simm.s32 $0x80;
	s16 =	simm.s32 $0x4F00;
	s1 =	sor.u32 s7, s30  }
0x5: {  	s17 =	simm.s32 $0x8F00;
	s18 =	simm.s32 $0x1;
	s6 =	smul.u32 $0x9C4, s1  }
0x6: {  	s19 =	simm.s32 $0xCF00;
	s20 =	simm.s32 $0x2;
	s21 =	simm.s32 $0x18F00  }
0x7: {  	s22 =	simm.s32 $0x3;
	s23 =	simm.s32 $0x0;
	s4 =	sadd.s32 $0x9C4, s6  }
0x8: {  	[smem:$0x7FF] =	sst s2;
	s3 =	sshrl.u32 s6, $0x5;
	s4 =	sshrl.u32 s4, $0x5  }
0x9: {  	s5 =	sadd.s32 $0x2800, s8;
	s12 =	ssub.s32 $0x2, s7;
	s4 =	ssub.s32 s4, s3  }
0xa: {  	s7 =	sadd.s32 $0xBF400, s8;
	s1 =	rddreg [dreg:$0x1];
	s9 =	sadd.s32 $0x1, s4  }
0xb: {  	_ =	strace $0x8000004D;
	s31 =	sshrl.u32 s12, $0x1;
	s11 =	sand.u32 $0x8000, s9  }
0xc: {  	s12 =	ssub.s32 s12, s31;
	s10 =	sshrl.u32 s6, $0x1;
	s11 =	sshrl.u32 s11, $0xF  }
.Ltmp0:
0xd: {  	s10 =	sand.u32 $0xFFF0, s10;
	s9 =	sadd.s32 s11, s9;
	(pc) =	sbr.rel .LBB2_1-.Ltmp0, $4  }
0xe: {  	s6 =	sadd.s32 $0x29A00, s8;
	s10 =	sadd.s32 s10, s8;
	s9 =	sshll.u32 s9, $0x10  }
0xf: {  	s12 =	smax.u32 s12, $0x1;
	s8 =	sadd.s32 $0xB5600, s10;
	s9 =	sshra.s32 s9, $0x11  }
0x10: {  	s10 =	sadd.s32 $0xAB800, s10;
	p1 =	seq.s32 s4, $0x1;
	p0 =	sgt.s32 s9, $0x1  }
0x11: {  	s11 =	sadd.s32 $0xFFFFFFFF, s4;
	s9 =	simm.s32 @!p0 $0x1;
	p0 =	slt.s32 s4, $0x1  }
.LBB2_10:
0x12: {  	_ =	swait.ge [sflag:s22], $0x4000  }
0x13: {  	[sflag:s22] =	ssyncset.done $0x0  }
0x14: {  	s24 =	simm.s32 @!p1 $0x4;
	[sflag:s22] =	ssyncadd.s32 $0xFFFFC000  }
0x15: {  	_ =	swait.ge @!p1 [sflag:s24], $0x4000  }
0x16: {  	[sflag:s24] =	ssyncset.done @!p1 $0x0  }
0x17: {  	[sflag:s24] =	ssyncadd.s32 @!p1 $0xFFFFC000  }
.LBB2_11:
0x18: {  	s23 =	sadd.s32 $0x1, s23  }
0x19: {  	p2 =	sne.s32 s23, s12  }
.Ltmp1:
0x1a: {  	_ = 	snop;
	(pc) =	sbr.rel @!p2 .LBB2_12-.Ltmp1, $1  }
0x1b: {  	_ =	sdelay $0x3  }
.LBB2_1:
0x1c: {  	[tilespmem:s2], [sflag:$0x5] =	stream.linear.gather [hbm4b:s8+s2], $0x2780, $0x38;
	[tilespmem:$0x1CF00] =	vst v63  }
0x1d: {  	_ =	swait.ge [sflag:s13], $0x2780  }
0x1e: {  	[sflag:s13] =	ssyncset.done $0x0  }
.Ltmp2:
0x1f: {  	[sflag:s13] =	ssyncadd.s32 $0xFFFFD880;
	(pc) =	sbr.rel @p0 .LBB2_11-.Ltmp2, $4  }
0x20: {  	[tilespmem:s14], [sflag:$0x5] =	stream.linear.gather [hbm4b:s10+s2], $0x2780, $0x38;
	[tilespmem:$0x1CF00] =	vst v63  }
0x21: {  	_ =	swait.ge [sflag:s13], $0x2780  }
0x22: {  	[sflag:s13] =	ssyncset.done $0x0  }
0x23: {  	[sflag:s13] =	ssyncadd.s32 $0xFFFFD880  }
0x24: {  	[tilespmem:s16], [sflag:$0x1] =	stream.indirect.gather [hbm4b:s5+s15], $0x80, s2, s15, $0xb8;
	[tilespmem:$0x1CF00] =	vst v63  }
0x25: {  	_ = 	snop  }
0x26: {  	[tilespmem:s17], [sflag:$0x1] =	stream.indirect.gather [hbm4b:s6+s15], $0x80, s14, s15, $0xb8;
	[tilespmem:$0x1CF00] =	vst v63  }
.Ltmp3:
0x27: {  	s24 =	simm.s32 @!p1 $0x80;
	s25 =	simm.s32 @!p1 $0x10F00;
	(pc) =	sbr.rel .LBB2_3-.Ltmp3, $4  }
0x28: {  	[tilespmem:s25], [sflag:$0x2] =	stream.indirect.gather @!p1 [hbm4b:s5+s24], $0x80, s24, s24, $0xb8;
	[tilespmem:$0x1CF00] =	vst v63  }
0x29: {  	s26 =	simm.s32 @!p1 $0x14F00;
	s25 =	simm.s32 @!p1 $0x2800  }
0x2a: {  	[tilespmem:s26], [sflag:$0x2] =	stream.indirect.gather @!p1 [hbm4b:s6+s24], $0x80, s25, s24, $0xb8;
	[tilespmem:$0x1CF00] =	vst v63  }
0x2b: {  	s24 =	simm.s32 $0x0  }
.LBB2_9:
0x2c: {  	s24 =	sadd.s32 $0x1, s24  }
0x2d: {  	p2 =	sne.s32 s24, s9  }
.Ltmp4:
0x2e: {  	_ = 	snop;
	(pc) =	sbr.rel @!p2 .LBB2_10-.Ltmp4, $1  }
0x2f: {  	_ =	sdelay $0x3  }
.LBB2_3:
0x30: {  	_ =	swait.ge [sflag:s18], $0x4000  }
0x31: {  	[sflag:s18] =	ssyncset.done $0x0  }
0x32: {  	[sflag:s18] =	ssyncadd.s32 $0xFFFFC000  }
0x33: {  	_ =	swait.ge [sflag:s18], $0x4000  }
0x34: {  	p2 =	seq.s32 s24, $0x0;
	[sflag:s18] =	ssyncset.done $0x0  }
0x35: {  	s25 =	simm.s32 @!p2 $0x3;
	[sflag:s18] =	ssyncadd.s32 $0xFFFFC000  }
0x36: {  	_ =	swait.ge @!p2 [sflag:s25], $0x4000  }
0x37: {  	[sflag:s25] =	ssyncset.done @!p2 $0x0  }
0x38: {  	s26 =	simm.s32 $0x0;
	[sflag:s25] =	ssyncadd.s32 @!p2 $0xFFFFC000  }
0x39: {  	v0 =	vld [tilespmem:s26+$0x90F0]  }
0x3a: {  	v1 =	vld [tilespmem:s26+$0x50F0]  }
0x3b: {  	v2 =	vld [tilespmem:s26+$0x8F00]  }
0x3c: {  	v3 =	vld [tilespmem:s26+$0x4F00]  }
0x3d: {  	v4 =	vld [tilespmem:s26+$0x8F10]  }
0x3e: {  	v5 =	vld [tilespmem:s26+$0x4F10]  }
0x3f: {  	v6 =	vld [tilespmem:s26+$0x8F20]  }
0x40: {  	v0 =	vsub.f32 v0, v1;
	v1 =	vld [tilespmem:s26+$0x4F20]  }
0x41: {  	v7 =	vld [tilespmem:s26+$0x8F30]  }
0x42: {  	v2 =	vsub.f32 v2, v3;
	v3 =	vld [tilespmem:s26+$0x4F30]  }
0x43: {  	v4 =	vsub.f32 v4, v5;
	v5 =	vld [tilespmem:s26+$0x8F50];
	v0 =	vmax.f32 v0, $0.0e+00  }
0x44: {  	[tilespmem:s26+$0xD0F0] =	vst v0;
	v0 =	vmax.f32 v2, $0.0e+00;
	v2 =	vld [tilespmem:s26+$0x8F40]  }
0x45: {  	v4 =	vmax.f32 v4, $0.0e+00;
	[tilespmem:s26+$0xCF00] =	vst v0;
	v0 =	vld [tilespmem:s26+$0x4F40];
	v1 =	vsub.f32 v6, v1  }
0x46: {  	[tilespmem:s26+$0xCF10] =	vst v4;
	v4 =	vld [tilespmem:s26+$0x4F50]  }
0x47: {  	v6 =	vld [tilespmem:s26+$0x8F60];
	v1 =	vmax.f32 v1, $0.0e+00  }
0x48: {  	v3 =	vsub.f32 v7, v3;
	[tilespmem:s26+$0xCF20] =	vst v1;
	v1 =	vld [tilespmem:s26+$0x4F60]  }
0x49: {  	v7 =	vld [tilespmem:s26+$0x8F70]  }
0x4a: {  	v3 =	vmax.f32 v3, $0.0e+00;
	v0 =	vsub.f32 v2, v0;
	v2 =	vld [tilespmem:s26+$0x4F70]  }
0x4b: {  	[tilespmem:s26+$0xCF30] =	vst v3;
	v3 =	vld [tilespmem:s26+$0x8F80];
	v4 =	vsub.f32 v5, v4  }
0x4c: {  	v5 =	vld [tilespmem:s26+$0x8F90];
	v0 =	vmax.f32 v0, $0.0e+00  }
0x4d: {  	v4 =	vmax.f32 v4, $0.0e+00;
	[tilespmem:s26+$0xCF40] =	vst v0;
	v0 =	vld [tilespmem:s26+$0x4F80];
	v1 =	vsub.f32 v6, v1  }
0x4e: {  	[tilespmem:s26+$0xCF50] =	vst v4;
	v4 =	vld [tilespmem:s26+$0x4F90]  }
0x4f: {  	v6 =	vld [tilespmem:s26+$0x8FA0];
	v2 =	vsub.f32 v7, v2;
	v1 =	vmax.f32 v1, $0.0e+00  }
0x50: {  	[tilespmem:s26+$0xCF60] =	vst v1;
	v1 =	vld [tilespmem:s26+$0x4FA0]  }
0x51: {  	v7 =	vld [tilespmem:s26+$0x8FB0];
	v2 =	vmax.f32 v2, $0.0e+00  }
0x52: {  	v0 =	vsub.f32 v3, v0;
	[tilespmem:s26+$0xCF70] =	vst v2;
	v2 =	vld [tilespmem:s26+$0x4FB0]  }
0x53: {  	v4 =	vsub.f32 v5, v4;
	v5 =	vld [tilespmem:s26+$0x8FD0]  }
0x54: {  	v3 =	vld [tilespmem:s26+$0x8FC0];
	v0 =	vmax.f32 v0, $0.0e+00  }
0x55: {  	v4 =	vmax.f32 v4, $0.0e+00;
	[tilespmem:s26+$0xCF80] =	vst v0;
	v0 =	vld [tilespmem:s26+$0x4FC0];
	v1 =	vsub.f32 v6, v1  }
0x56: {  	[tilespmem:s26+$0xCF90] =	vst v4;
	v4 =	vld [tilespmem:s26+$0x4FD0]  }
0x57: {  	v6 =	vld [tilespmem:s26+$0x8FE0];
	v2 =	vsub.f32 v7, v2;
	v1 =	vmax.f32 v1, $0.0e+00  }
0x58: {  	[tilespmem:s26+$0xCFA0] =	vst v1;
	v1 =	vld [tilespmem:s26+$0x4FE0]  }
0x59: {  	v7 =	vld [tilespmem:s26+$0x8FF0];
	v2 =	vmax.f32 v2, $0.0e+00  }
0x5a: {  	v0 =	vsub.f32 v3, v0;
	[tilespmem:s26+$0xCFB0] =	vst v2;
	v2 =	vld [tilespmem:s26+$0x4FF0]  }
0x5b: {  	v4 =	vsub.f32 v5, v4;
	v5 =	vld [tilespmem:s26+$0x9010]  }
0x5c: {  	v3 =	vld [tilespmem:s26+$0x9000];
	v0 =	vmax.f32 v0, $0.0e+00  }
0x5d: {  	v4 =	vmax.f32 v4, $0.0e+00;
	[tilespmem:s26+$0xCFC0] =	vst v0;
	v0 =	vld [tilespmem:s26+$0x5000];
	v1 =	vsub.f32 v6, v1  }
0x5e: {  	[tilespmem:s26+$0xCFD0] =	vst v4;
	v4 =	vld [tilespmem:s26+$0x5010]  }
0x5f: {  	v6 =	vld [tilespmem:s26+$0x9020];
	v2 =	vsub.f32 v7, v2;
	v1 =	vmax.f32 v1, $0.0e+00  }
0x60: {  	[tilespmem:s26+$0xCFE0] =	vst v1;
	v1 =	vld [tilespmem:s26+$0x5020]  }
0x61: {  	v7 =	vld [tilespmem:s26+$0x9030];
	v2 =	vmax.f32 v2, $0.0e+00  }
0x62: {  	v0 =	vsub.f32 v3, v0;
	[tilespmem:s26+$0xCFF0] =	vst v2;
	v2 =	vld [tilespmem:s26+$0x5030]  }
0x63: {  	v4 =	vsub.f32 v5, v4;
	v5 =	vld [tilespmem:s26+$0x9050]  }
0x64: {  	v3 =	vld [tilespmem:s26+$0x9040];
	v0 =	vmax.f32 v0, $0.0e+00  }
0x65: {  	v4 =	vmax.f32 v4, $0.0e+00;
	[tilespmem:s26+$0xD000] =	vst v0;
	v0 =	vld [tilespmem:s26+$0x5040];
	v1 =	vsub.f32 v6, v1  }
0x66: {  	[tilespmem:s26+$0xD010] =	vst v4;
	v4 =	vld [tilespmem:s26+$0x5050]  }
0x67: {  	v6 =	vld [tilespmem:s26+$0x9060];
	v2 =	vsub.f32 v7, v2;
	v1 =	vmax.f32 v1, $0.0e+00  }
0x68: {  	[tilespmem:s26+$0xD020] =	vst v1;
	v1 =	vld [tilespmem:s26+$0x5060]  }
0x69: {  	v7 =	vld [tilespmem:s26+$0x9070];
	v2 =	vmax.f32 v2, $0.0e+00  }
0x6a: {  	v0 =	vsub.f32 v3, v0;
	[tilespmem:s26+$0xD030] =	vst v2;
	v2 =	vld [tilespmem:s26+$0x5070]  }
0x6b: {  	v4 =	vsub.f32 v5, v4;
	v5 =	vld [tilespmem:s26+$0x9090]  }
0x6c: {  	v3 =	vld [tilespmem:s26+$0x9080];
	v0 =	vmax.f32 v0, $0.0e+00  }
0x6d: {  	v4 =	vmax.f32 v4, $0.0e+00;
	[tilespmem:s26+$0xD040] =	vst v0;
	v0 =	vld [tilespmem:s26+$0x5080];
	v1 =	vsub.f32 v6, v1  }
0x6e: {  	[tilespmem:s26+$0xD050] =	vst v4;
	v4 =	vld [tilespmem:s26+$0x5090]  }
0x6f: {  	v6 =	vld [tilespmem:s26+$0x90A0];
	v2 =	vsub.f32 v7, v2;
	v1 =	vmax.f32 v1, $0.0e+00  }
0x70: {  	[tilespmem:s26+$0xD060] =	vst v1;
	v1 =	vld [tilespmem:s26+$0x50A0]  }
0x71: {  	v7 =	vld [tilespmem:s26+$0x90B0];
	v2 =	vmax.f32 v2, $0.0e+00  }
0x72: {  	v0 =	vsub.f32 v3, v0;
	[tilespmem:s26+$0xD070] =	vst v2;
	v2 =	vld [tilespmem:s26+$0x50B0]  }
0x73: {  	v8 =	vld [tilespmem:s26+$0x90C0];
	v3 =	vsub.f32 v5, v4  }
0x74: {  	v5 =	vld [tilespmem:s26+$0x50C0];
	v0 =	vmax.f32 v0, $0.0e+00  }
0x75: {  	v3 =	vmax.f32 v3, $0.0e+00;
	[tilespmem:s26+$0xD080] =	vst v0;
	v0 =	vld [tilespmem:s26+$0x90D0];
	v1 =	vsub.f32 v6, v1  }
0x76: {  	[tilespmem:s26+$0xD090] =	vst v3;
	v3 =	vld [tilespmem:s26+$0x50D0]  }
0x77: {  	v6 =	vsub.f32 v7, v2;
	v4 =	vmax.f32 v1, $0.0e+00;
	v1 =	vld [tilespmem:s26+$0x90E0]  }
0x78: {  	s29 =	simm.s32 $0x200;
	[tilespmem:s26+$0xD0A0] =	vst v4;
	v4 =	vld [tilespmem:s26+$0x50E0]  }
0x79: {  	s28 =	simm.s32 $0x1000;
	s25 =	sshll.u32 s24, $0x1;
	v5 =	vsub.f32 v8, v5;
	v6 =	vmax.f32 v6, $0.0e+00;
	v2 =	vld [tilespmem:s29+$0x90F0]  }
.LBB2_4:
0x7a: {  	p3 =	sne.s32 s28, $0xF800;
	v7 =	vld [tilespmem:s29+$0x50F0];
	[tilespmem:s26+$0xD0B0] =	vst v6  }
0x7b: {  	v6 =	vld [tilespmem:s29+$0x8F00];
	v5 =	vmax.f32 v5, $0.0e+00;
	v0 =	vsub.f32 v0, v3  }
0x7c: {  	v3 =	vld [tilespmem:s29+$0x4F00];
	[tilespmem:s26+$0xD0C0] =	vst v5  }
0x7d: {  	v5 =	vld [tilespmem:s29+$0x8F10];
	v0 =	vmax.f32 v0, $0.0e+00;
	v1 =	vsub.f32 v1, v4  }
0x7e: {  	v4 =	vld [tilespmem:s29+$0x4F10];
	[tilespmem:s26+$0xD0D0] =	vst v0  }
0x7f: {  	v0 =	vld [tilespmem:s29+$0x8F20];
	v2 =	vsub.f32 v2, v7;
	v1 =	vmax.f32 v1, $0.0e+00  }
0x80: {  	v7 =	vld [tilespmem:s29+$0x4F20];
	[tilespmem:s26+$0xD0E0] =	vst v1;
	s26 =	smov.u32 s29  }
0x81: {  	v1 =	vsub.f32 v6, v3;
	v3 =	vld [tilespmem:s26+$0x8F30];
	v2 =	vmax.f32 v2, $0.0e+00  }
0x82: {  	v6 =	vld [tilespmem:s26+$0x4F30];
	[tilespmem:s26+$0xD0F0] =	vst v2  }
0x83: {  	v1 =	vmax.f32 v1, $0.0e+00;
	v2 =	vsub.f32 v5, v4;
	v4 =	vld [tilespmem:s26+$0x8F40]  }
0x84: {  	[tilespmem:s26+$0xCF00] =	vst v1;
	v1 =	vld [tilespmem:s26+$0x4F40]  }
0x85: {  	v2 =	vmax.f32 v2, $0.0e+00;
	v0 =	vsub.f32 v0, v7;
	v5 =	vld [tilespmem:s26+$0x8F50]  }
0x86: {  	[tilespmem:s26+$0xCF10] =	vst v2;
	v2 =	vld [tilespmem:s26+$0x4F50]  }
0x87: {  	v0 =	vmax.f32 v0, $0.0e+00;
	v3 =	vsub.f32 v3, v6;
	v6 =	vld [tilespmem:s26+$0x8F60]  }
0x88: {  	[tilespmem:s26+$0xCF20] =	vst v0;
	v0 =	vld [tilespmem:s26+$0x4F60]  }
0x89: {  	v3 =	vmax.f32 v3, $0.0e+00;
	v1 =	vsub.f32 v4, v1;
	v4 =	vld [tilespmem:s26+$0x8F70]  }
0x8a: {  	[tilespmem:s26+$0xCF30] =	vst v3;
	v3 =	vld [tilespmem:s26+$0x4F70]  }
0x8b: {  	v1 =	vmax.f32 v1, $0.0e+00;
	v2 =	vsub.f32 v5, v2;
	v5 =	vld [tilespmem:s26+$0x8F80]  }
0x8c: {  	[tilespmem:s26+$0xCF40] =	vst v1;
	v1 =	vld [tilespmem:s26+$0x4F80]  }
0x8d: {  	v2 =	vmax.f32 v2, $0.0e+00;
	v0 =	vsub.f32 v6, v0;
	v6 =	vld [tilespmem:s26+$0x8F90]  }
0x8e: {  	[tilespmem:s26+$0xCF50] =	vst v2;
	v2 =	vld [tilespmem:s26+$0x4F90]  }
0x8f: {  	v0 =	vmax.f32 v0, $0.0e+00;
	v3 =	vsub.f32 v4, v3;
	v4 =	vld [tilespmem:s26+$0x8FA0]  }
0x90: {  	[tilespmem:s26+$0xCF60] =	vst v0;
	v0 =	vld [tilespmem:s26+$0x4FA0]  }
0x91: {  	v3 =	vmax.f32 v3, $0.0e+00;
	v1 =	vsub.f32 v5, v1;
	v5 =	vld [tilespmem:s26+$0x8FB0]  }
0x92: {  	[tilespmem:s26+$0xCF70] =	vst v3;
	v3 =	vld [tilespmem:s26+$0x4FB0]  }
0x93: {  	v1 =	vmax.f32 v1, $0.0e+00;
	v2 =	vsub.f32 v6, v2;
	v6 =	vld [tilespmem:s26+$0x8FC0]  }
0x94: {  	[tilespmem:s26+$0xCF80] =	vst v1;
	v1 =	vld [tilespmem:s26+$0x4FC0]  }
0x95: {  	v2 =	vmax.f32 v2, $0.0e+00;
	v0 =	vsub.f32 v4, v0;
	v4 =	vld [tilespmem:s26+$0x8FD0]  }
0x96: {  	[tilespmem:s26+$0xCF90] =	vst v2;
	v2 =	vld [tilespmem:s26+$0x4FD0]  }
0x97: {  	v0 =	vmax.f32 v0, $0.0e+00;
	v3 =	vsub.f32 v5, v3;
	v5 =	vld [tilespmem:s26+$0x8FE0]  }
0x98: {  	[tilespmem:s26+$0xCFA0] =	vst v0;
	v0 =	vld [tilespmem:s26+$0x4FE0]  }
0x99: {  	v3 =	vmax.f32 v3, $0.0e+00;
	v1 =	vsub.f32 v6, v1;
	v6 =	vld [tilespmem:s26+$0x8FF0]  }
0x9a: {  	[tilespmem:s26+$0xCFB0] =	vst v3;
	v3 =	vld [tilespmem:s26+$0x4FF0]  }
0x9b: {  	v1 =	vmax.f32 v1, $0.0e+00;
	v2 =	vsub.f32 v4, v2;
	v4 =	vld [tilespmem:s26+$0x9000]  }
0x9c: {  	[tilespmem:s26+$0xCFC0] =	vst v1;
	v1 =	vld [tilespmem:s26+$0x5000]  }
0x9d: {  	v2 =	vmax.f32 v2, $0.0e+00;
	v0 =	vsub.f32 v5, v0;
	v5 =	vld [tilespmem:s26+$0x9010]  }
0x9e: {  	[tilespmem:s26+$0xCFD0] =	vst v2;
	v2 =	vld [tilespmem:s26+$0x5010]  }
0x9f: {  	v0 =	vmax.f32 v0, $0.0e+00;
	v3 =	vsub.f32 v6, v3;
	v6 =	vld [tilespmem:s26+$0x9020]  }
0xa0: {  	[tilespmem:s26+$0xCFE0] =	vst v0;
	v0 =	vld [tilespmem:s26+$0x5020]  }
0xa1: {  	v3 =	vmax.f32 v3, $0.0e+00;
	v1 =	vsub.f32 v4, v1;
	v4 =	vld [tilespmem:s26+$0x9030]  }
0xa2: {  	[tilespmem:s26+$0xCFF0] =	vst v3;
	v3 =	vld [tilespmem:s26+$0x5030]  }
0xa3: {  	v1 =	vmax.f32 v1, $0.0e+00;
	v2 =	vsub.f32 v5, v2;
	v5 =	vld [tilespmem:s26+$0x9040]  }
0xa4: {  	[tilespmem:s26+$0xD000] =	vst v1;
	v1 =	vld [tilespmem:s26+$0x5040]  }
0xa5: {  	v2 =	vmax.f32 v2, $0.0e+00;
	v0 =	vsub.f32 v6, v0;
	v6 =	vld [tilespmem:s26+$0x9050]  }
0xa6: {  	[tilespmem:s26+$0xD010] =	vst v2;
	v2 =	vld [tilespmem:s26+$0x5050]  }
0xa7: {  	v0 =	vmax.f32 v0, $0.0e+00;
	v3 =	vsub.f32 v4, v3;
	v4 =	vld [tilespmem:s26+$0x9060]  }
0xa8: {  	[tilespmem:s26+$0xD020] =	vst v0;
	v0 =	vld [tilespmem:s26+$0x5060]  }
0xa9: {  	v3 =	vmax.f32 v3, $0.0e+00;
	v1 =	vsub.f32 v5, v1;
	v5 =	vld [tilespmem:s26+$0x9070]  }
0xaa: {  	[tilespmem:s26+$0xD030] =	vst v3;
	v3 =	vld [tilespmem:s26+$0x5070]  }
0xab: {  	v1 =	vmax.f32 v1, $0.0e+00;
	v2 =	vsub.f32 v6, v2;
	v6 =	vld [tilespmem:s26+$0x9080]  }
0xac: {  	[tilespmem:s26+$0xD040] =	vst v1;
	v1 =	vld [tilespmem:s26+$0x5080]  }
0xad: {  	v2 =	vmax.f32 v2, $0.0e+00;
	v0 =	vsub.f32 v4, v0;
	v4 =	vld [tilespmem:s26+$0x9090]  }
0xae: {  	[tilespmem:s26+$0xD050] =	vst v2;
	v2 =	vld [tilespmem:s26+$0x5090]  }
0xaf: {  	v0 =	vmax.f32 v0, $0.0e+00;
	v3 =	vsub.f32 v5, v3;
	v5 =	vld [tilespmem:s26+$0x90A0]  }
0xb0: {  	[tilespmem:s26+$0xD060] =	vst v0;
	v0 =	vld [tilespmem:s26+$0x50A0]  }
0xb1: {  	v3 =	vmax.f32 v3, $0.0e+00;
	v1 =	vsub.f32 v6, v1;
	v6 =	vld [tilespmem:s26+$0x90B0]  }
0xb2: {  	[tilespmem:s26+$0xD070] =	vst v3;
	v7 =	vld [tilespmem:s26+$0x50B0]  }
0xb3: {  	v1 =	vmax.f32 v1, $0.0e+00;
	v2 =	vsub.f32 v4, v2;
	v8 =	vld [tilespmem:s26+$0x90C0]  }
0xb4: {  	[tilespmem:s26+$0xD080] =	vst v1;
	v9 =	vld [tilespmem:s26+$0x50C0]  }
.Ltmp5:
0xb5: {  	v1 =	vmax.f32 v2, $0.0e+00;
	v2 =	vsub.f32 v5, v0;
	v0 =	vld [tilespmem:s26+$0x90D0];
	(pc) =	sbr.rel @p3 .LBB2_4-.Ltmp5, $4  }
0xb6: {  	[tilespmem:s26+$0xD090] =	vst v1;
	v3 =	vld [tilespmem:s26+$0x50D0]  }
0xb7: {  	v2 =	vmax.f32 v2, $0.0e+00;
	v5 =	vsub.f32 v6, v7;
	v1 =	vld [tilespmem:s26+$0x90E0]  }
0xb8: {  	s29 =	sshra.s32 s28, $0x2;
	[tilespmem:s26+$0xD0A0] =	vst v2;
	v4 =	vld [tilespmem:s26+$0x50E0]  }
0xb9: {  	s28 =	sadd.s32 $0x800, s28;
	v2 =	vld [tilespmem:s29+$0x90F0];
	v6 =	vmax.f32 v5, $0.0e+00;
	v5 =	vsub.f32 v8, v9  }
0xba: {  	v7 =	vld [tilespmem:s29+$0x50F0];
	[tilespmem:s26+$0xD0B0] =	vst v6  }
0xbb: {  	v6 =	vld [tilespmem:s29+$0x8F00];
	v5 =	vmax.f32 v5, $0.0e+00;
	v0 =	vsub.f32 v0, v3  }
0xbc: {  	v8 =	vld [tilespmem:s29+$0x4F00];
	[tilespmem:s26+$0xD0C0] =	vst v5  }
0xbd: {  	v59 =	vld [tilespmem:s29+$0x8F10];
	v0 =	vmax.f32 v0, $0.0e+00;
	v1 =	vsub.f32 v1, v4  }
0xbe: {  	v5 =	vld [tilespmem:s29+$0x4F10];
	[tilespmem:s26+$0xD0D0] =	vst v0  }
0xbf: {  	v0 =	vld [tilespmem:s29+$0x8F20];
	v1 =	vmax.f32 v1, $0.0e+00  }
0xc0: {  	v60 =	vld [tilespmem:s29+$0x4F20];
	[tilespmem:s26+$0xD0E0] =	vst v1  }
0xc1: {  	v1 =	vld [tilespmem:s29+$0x8F30]  }
0xc2: {  	v61 =	vld [tilespmem:s29+$0x4F30]  }
0xc3: {  	v63 =	vld [tilespmem:s29+$0x8F40]  }
0xc4: {  	v9 =	vld [tilespmem:s29+$0x4F40]  }
0xc5: {  	v10 =	vld [tilespmem:s29+$0x8F50]  }
0xc6: {  	v11 =	vld [tilespmem:s29+$0x4F50]  }
0xc7: {  	v12 =	vld [tilespmem:s29+$0x8F60]  }
0xc8: {  	v13 =	vld [tilespmem:s29+$0x4F60]  }
0xc9: {  	v14 =	vld [tilespmem:s29+$0x8F70]  }
0xca: {  	v15 =	vld [tilespmem:s29+$0x4F70]  }
0xcb: {  	v16 =	vld [tilespmem:s29+$0x8F80]  }
0xcc: {  	v17 =	vld [tilespmem:s29+$0x4F80]  }
0xcd: {  	v18 =	vld [tilespmem:s29+$0x8F90]  }
0xce: {  	v19 =	vld [tilespmem:s29+$0x4F90]  }
0xcf: {  	v20 =	vld [tilespmem:s29+$0x8FA0]  }
0xd0: {  	v21 =	vld [tilespmem:s29+$0x4FA0]  }
0xd1: {  	v22 =	vld [tilespmem:s29+$0x8FB0]  }
0xd2: {  	v23 =	vld [tilespmem:s29+$0x4FB0]  }
0xd3: {  	v24 =	vld [tilespmem:s29+$0x8FC0]  }
0xd4: {  	v25 =	vld [tilespmem:s29+$0x4FC0]  }
0xd5: {  	v26 =	vld [tilespmem:s29+$0x8FD0]  }
0xd6: {  	v27 =	vld [tilespmem:s29+$0x4FD0]  }
0xd7: {  	v28 =	vld [tilespmem:s29+$0x8FE0]  }
0xd8: {  	v29 =	vld [tilespmem:s29+$0x4FE0]  }
0xd9: {  	v30 =	vld [tilespmem:s29+$0x8FF0]  }
0xda: {  	v31 =	vld [tilespmem:s29+$0x4FF0]  }
0xdb: {  	v32 =	vld [tilespmem:s29+$0x9000]  }
0xdc: {  	v33 =	vld [tilespmem:s29+$0x5000]  }
0xdd: {  	v34 =	vld [tilespmem:s29+$0x9010]  }
0xde: {  	v2 =	vsub.f32 v2, v7;
	v35 =	vld [tilespmem:s29+$0x5010]  }
0xdf: {  	v6 =	vsub.f32 v6, v8;
	v36 =	vld [tilespmem:s29+$0x9020]  }
0xe0: {  	v2 =	vmax.f32 v2, $0.0e+00;
	v37 =	vld [tilespmem:s29+$0x5020];
	v3 =	vsub.f32 v59, v5  }
0xe1: {  	v38 =	vld [tilespmem:s29+$0x9030];
	[tilespmem:s29+$0xD0F0] =	vst v2;
	v62 =	vmax.f32 v6, $0.0e+00;
	v0 =	vsub.f32 v0, v60  }
0xe2: {  	v39 =	vld [tilespmem:s29+$0x5030];
	[tilespmem:s29+$0xCF00] =	vst v62;
	v3 =	vmax.f32 v3, $0.0e+00;
	v1 =	vsub.f32 v1, v61  }
0xe3: {  	v40 =	vld [tilespmem:s29+$0x9040];
	[tilespmem:s29+$0xCF10] =	vst v3;
	v0 =	vmax.f32 v0, $0.0e+00;
	v2 =	vsub.f32 v63, v9  }
0xe4: {  	v41 =	vld [tilespmem:s29+$0x5040];
	v3 =	vsub.f32 v10, v11;
	[tilespmem:s29+$0xCF20] =	vst v0;
	v1 =	vmax.f32 v1, $0.0e+00  }
0xe5: {  	v42 =	vld [tilespmem:s29+$0x9050];
	v0 =	vsub.f32 v12, v13;
	v2 =	vmax.f32 v2, $0.0e+00;
	[tilespmem:s29+$0xCF30] =	vst v1  }
0xe6: {  	v43 =	vld [tilespmem:s29+$0x5050];
	v3 =	vmax.f32 v3, $0.0e+00;
	[tilespmem:s29+$0xCF40] =	vst v2;
	v1 =	vsub.f32 v14, v15  }
0xe7: {  	v44 =	vld [tilespmem:s29+$0x9060];
	[tilespmem:s29+$0xCF50] =	vst v3;
	v0 =	vmax.f32 v0, $0.0e+00;
	v2 =	vsub.f32 v16, v17  }
0xe8: {  	v45 =	vld [tilespmem:s29+$0x5060];
	v3 =	vsub.f32 v18, v19;
	[tilespmem:s29+$0xCF60] =	vst v0;
	v1 =	vmax.f32 v1, $0.0e+00  }
0xe9: {  	v46 =	vld [tilespmem:s29+$0x9070];
	v0 =	vsub.f32 v20, v21;
	v2 =	vmax.f32 v2, $0.0e+00;
	[tilespmem:s29+$0xCF70] =	vst v1  }
0xea: {  	v47 =	vld [tilespmem:s29+$0x5070];
	v3 =	vmax.f32 v3, $0.0e+00;
	[tilespmem:s29+$0xCF80] =	vst v2;
	v1 =	vsub.f32 v22, v23  }
0xeb: {  	v48 =	vld [tilespmem:s29+$0x9080];
	[tilespmem:s29+$0xCF90] =	vst v3;
	v0 =	vmax.f32 v0, $0.0e+00;
	v2 =	vsub.f32 v24, v25  }
0xec: {  	v49 =	vld [tilespmem:s29+$0x5080];
	v3 =	vsub.f32 v26, v27;
	[tilespmem:s29+$0xCFA0] =	vst v0;
	v1 =	vmax.f32 v1, $0.0e+00  }
0xed: {  	v50 =	vld [tilespmem:s29+$0x9090];
	v0 =	vsub.f32 v28, v29;
	v2 =	vmax.f32 v2, $0.0e+00;
	[tilespmem:s29+$0xCFB0] =	vst v1  }
0xee: {  	v51 =	vld [tilespmem:s29+$0x5090];
	v3 =	vmax.f32 v3, $0.0e+00;
	[tilespmem:s29+$0xCFC0] =	vst v2;
	v1 =	vsub.f32 v30, v31  }
0xef: {  	v52 =	vld [tilespmem:s29+$0x90A0];
	[tilespmem:s29+$0xCFD0] =	vst v3;
	v0 =	vmax.f32 v0, $0.0e+00;
	v2 =	vsub.f32 v32, v33  }
0xf0: {  	v53 =	vld [tilespmem:s29+$0x50A0];
	v3 =	vsub.f32 v34, v35;
	[tilespmem:s29+$0xCFE0] =	vst v0;
	v1 =	vmax.f32 v1, $0.0e+00  }
0xf1: {  	v54 =	vld [tilespmem:s29+$0x90B0];
	v0 =	vsub.f32 v36, v37;
	v2 =	vmax.f32 v2, $0.0e+00;
	[tilespmem:s29+$0xCFF0] =	vst v1  }
0xf2: {  	v55 =	vld [tilespmem:s29+$0x50B0];
	v3 =	vmax.f32 v3, $0.0e+00;
	[tilespmem:s29+$0xD000] =	vst v2;
	v1 =	vsub.f32 v38, v39  }
0xf3: {  	v56 =	vld [tilespmem:s29+$0x90C0];
	[tilespmem:s29+$0xD010] =	vst v3;
	v0 =	vmax.f32 v0, $0.0e+00;
	v2 =	vsub.f32 v40, v41  }
0xf4: {  	v57 =	vld [tilespmem:s29+$0x50C0];
	v3 =	vsub.f32 v42, v43;
	[tilespmem:s29+$0xD020] =	vst v0;
	v1 =	vmax.f32 v1, $0.0e+00  }
0xf5: {  	v58 =	vld [tilespmem:s29+$0x90D0];
	v0 =	vsub.f32 v44, v45;
	v2 =	vmax.f32 v2, $0.0e+00;
	[tilespmem:s29+$0xD030] =	vst v1  }
0xf6: {  	v59 =	vld [tilespmem:s29+$0x50D0];
	v3 =	vmax.f32 v3, $0.0e+00;
	[tilespmem:s29+$0xD040] =	vst v2;
	v1 =	vsub.f32 v46, v47  }
0xf7: {  	v60 =	vld [tilespmem:s29+$0x90E0];
	[tilespmem:s29+$0xD050] =	vst v3;
	v0 =	vmax.f32 v0, $0.0e+00;
	v2 =	vsub.f32 v48, v49  }
0xf8: {  	v61 =	vld [tilespmem:s29+$0x50E0];
	v3 =	vsub.f32 v50, v51;
	[tilespmem:s29+$0xD060] =	vst v0;
	v1 =	vmax.f32 v1, $0.0e+00  }
0xf9: {  	v0 =	vsub.f32 v52, v53;
	v2 =	vmax.f32 v2, $0.0e+00;
	[tilespmem:s29+$0xD070] =	vst v1  }
0xfa: {  	v3 =	vmax.f32 v3, $0.0e+00;
	[tilespmem:s29+$0xD080] =	vst v2;
	v1 =	vsub.f32 v54, v55  }
0xfb: {  	[tilespmem:s29+$0xD090] =	vst v3;
	v0 =	vmax.f32 v0, $0.0e+00;
	v2 =	vsub.f32 v56, v57  }
0xfc: {  	v3 =	vsub.f32 v58, v59;
	[tilespmem:s29+$0xD0A0] =	vst v0;
	v1 =	vmax.f32 v1, $0.0e+00  }
0xfd: {  	s26 =	sadd.s32 s3, s25;
	v0 =	vsub.f32 v60, v61;
	v62 =	vmax.f32 v2, $0.0e+00;
	[tilespmem:s29+$0xD0B0] =	vst v1  }
0xfe: {  	s28 =	sshll.u32 s26, $0xB;
	v63 =	vmax.f32 v3, $0.0e+00;
	[tilespmem:s29+$0xD0C0] =	vst v62  }
0xff: {  	s28 =	sand.u32 $0x1FFFF800, s28;
	[tilespmem:s29+$0xD0D0] =	vst v63;
	v0 =	vmax.f32 v0, $0.0e+00  }
0x100: {  	s28 =	sadd.s32 s7, s28;
	[tilespmem:s29+$0xD0E0] =	vst v0  }
0x101: {  	[hbm4b:s28+s2] =	stream.linear.scatter [tilespmem:s19], [sflag:$0x3], $0x4000, $0x38;
	[tilespmem:$0x1CF00] =	vst v63  }
0x102: {  	s28 =	sadd.s32 $0x2, s25  }
0x103: {  	p3 =	sge.s32 s28, s4  }
0x104: {  	s28 =	sshll.u32 @!p3 s28, $0x7;
	s29 =	simm.s32 @!p3 $0x80;
	s30 =	simm.s32 @!p3 $0x4F00  }
0x105: {  	[tilespmem:s30], [sflag:$0x1] =	stream.indirect.gather @!p3 [hbm4b:s5+s29], $0x80, s28, s29, $0xb8;
	[tilespmem:$0x1CF00] =	vst v63  }
0x106: {  	s28 =	sadd.s32 @!p3 $0x2780, s28;
	s30 =	simm.s32 @!p3 $0x8F00  }
0x107: {  	[tilespmem:s30], [sflag:$0x1] =	stream.indirect.gather @!p3 [hbm4b:s6+s29], $0x80, s28, s29, $0xb8;
	[tilespmem:$0x1CF00] =	vst v63  }
0x108: {  	p3 =	sge.s32 s25, s11  }
.Ltmp6:
0x109: {  	_ = 	snop;
	(pc) =	sbr.rel @p3 .LBB2_9-.Ltmp6, $1  }
0x10a: {  	_ =	sdelay $0x3  }
0x10b: {  	_ =	swait.ge [sflag:s20], $0x4000  }
0x10c: {  	[sflag:s20] =	ssyncset.done $0x0  }
0x10d: {  	[sflag:s20] =	ssyncadd.s32 $0xFFFFC000  }
0x10e: {  	_ =	swait.ge [sflag:s20], $0x4000  }
0x10f: {  	[sflag:s20] =	ssyncset.done $0x0  }
0x110: {  	s28 =	simm.s32 @!p2 $0x4;
	[sflag:s20] =	ssyncadd.s32 $0xFFFFC000  }
0x111: {  	_ =	swait.ge @!p2 [sflag:s28], $0x4000  }
0x112: {  	[sflag:s28] =	ssyncset.done @!p2 $0x0  }
0x113: {  	[sflag:s28] =	ssyncadd.s32 @!p2 $0xFFFFC000;
	s28 =	simm.s32 $0x0  }
0x114: {  	v0 =	vld [tilespmem:s28+$0x150F0]  }
0x115: {  	v1 =	vld [tilespmem:s28+$0x110F0]  }
0x116: {  	v2 =	vld [tilespmem:s28+$0x14F00]  }
0x117: {  	v3 =	vld [tilespmem:s28+$0x10F00]  }
0x118: {  	v4 =	vld [tilespmem:s28+$0x14F10]  }
0x119: {  	v5 =	vld [tilespmem:s28+$0x10F10]  }
0x11a: {  	v6 =	vld [tilespmem:s28+$0x14F20]  }
0x11b: {  	v0 =	vsub.f32 v0, v1;
	v1 =	vld [tilespmem:s28+$0x10F20]  }
0x11c: {  	v7 =	vld [tilespmem:s28+$0x14F30]  }
0x11d: {  	v2 =	vsub.f32 v2, v3;
	v3 =	vld [tilespmem:s28+$0x10F30]  }
0x11e: {  	v4 =	vsub.f32 v4, v5;
	v5 =	vld [tilespmem:s28+$0x14F50];
	v0 =	vmax.f32 v0, $0.0e+00  }
0x11f: {  	[tilespmem:s28+$0x190F0] =	vst v0;
	v0 =	vmax.f32 v2, $0.0e+00;
	v2 =	vld [tilespmem:s28+$0x14F40]  }
0x120: {  	v4 =	vmax.f32 v4, $0.0e+00;
	[tilespmem:s28+$0x18F00] =	vst v0;
	v0 =	vld [tilespmem:s28+$0x10F40];
	v1 =	vsub.f32 v6, v1  }
0x121: {  	[tilespmem:s28+$0x18F10] =	vst v4;
	v4 =	vld [tilespmem:s28+$0x10F50]  }
0x122: {  	v6 =	vld [tilespmem:s28+$0x14F60];
	v1 =	vmax.f32 v1, $0.0e+00  }
0x123: {  	v3 =	vsub.f32 v7, v3;
	[tilespmem:s28+$0x18F20] =	vst v1;
	v1 =	vld [tilespmem:s28+$0x10F60]  }
0x124: {  	v7 =	vld [tilespmem:s28+$0x14F70]  }
0x125: {  	v3 =	vmax.f32 v3, $0.0e+00;
	v0 =	vsub.f32 v2, v0;
	v2 =	vld [tilespmem:s28+$0x10F70]  }
0x126: {  	[tilespmem:s28+$0x18F30] =	vst v3;
	v3 =	vld [tilespmem:s28+$0x14F80];
	v4 =	vsub.f32 v5, v4  }
0x127: {  	v5 =	vld [tilespmem:s28+$0x14F90];
	v0 =	vmax.f32 v0, $0.0e+00  }
0x128: {  	v4 =	vmax.f32 v4, $0.0e+00;
	[tilespmem:s28+$0x18F40] =	vst v0;
	v0 =	vld [tilespmem:s28+$0x10F80];
	v1 =	vsub.f32 v6, v1  }
0x129: {  	[tilespmem:s28+$0x18F50] =	vst v4;
	v4 =	vld [tilespmem:s28+$0x10F90]  }
0x12a: {  	v6 =	vld [tilespmem:s28+$0x14FA0];
	v2 =	vsub.f32 v7, v2;
	v1 =	vmax.f32 v1, $0.0e+00  }
0x12b: {  	[tilespmem:s28+$0x18F60] =	vst v1;
	v1 =	vld [tilespmem:s28+$0x10FA0]  }
0x12c: {  	v7 =	vld [tilespmem:s28+$0x14FB0];
	v2 =	vmax.f32 v2, $0.0e+00  }
0x12d: {  	v0 =	vsub.f32 v3, v0;
	[tilespmem:s28+$0x18F70] =	vst v2;
	v2 =	vld [tilespmem:s28+$0x10FB0]  }
0x12e: {  	v4 =	vsub.f32 v5, v4;
	v5 =	vld [tilespmem:s28+$0x14FD0]  }
0x12f: {  	v3 =	vld [tilespmem:s28+$0x14FC0];
	v0 =	vmax.f32 v0, $0.0e+00  }
0x130: {  	v4 =	vmax.f32 v4, $0.0e+00;
	[tilespmem:s28+$0x18F80] =	vst v0;
	v0 =	vld [tilespmem:s28+$0x10FC0];
	v1 =	vsub.f32 v6, v1  }
0x131: {  	[tilespmem:s28+$0x18F90] =	vst v4;
	v4 =	vld [tilespmem:s28+$0x10FD0]  }
0x132: {  	v6 =	vld [tilespmem:s28+$0x14FE0];
	v2 =	vsub.f32 v7, v2;
	v1 =	vmax.f32 v1, $0.0e+00  }
0x133: {  	[tilespmem:s28+$0x18FA0] =	vst v1;
	v1 =	vld [tilespmem:s28+$0x10FE0]  }
0x134: {  	v7 =	vld [tilespmem:s28+$0x14FF0];
	v2 =	vmax.f32 v2, $0.0e+00  }
0x135: {  	v0 =	vsub.f32 v3, v0;
	[tilespmem:s28+$0x18FB0] =	vst v2;
	v2 =	vld [tilespmem:s28+$0x10FF0]  }
0x136: {  	v4 =	vsub.f32 v5, v4;
	v5 =	vld [tilespmem:s28+$0x15010]  }
0x137: {  	v3 =	vld [tilespmem:s28+$0x15000];
	v0 =	vmax.f32 v0, $0.0e+00  }
0x138: {  	v4 =	vmax.f32 v4, $0.0e+00;
	[tilespmem:s28+$0x18FC0] =	vst v0;
	v0 =	vld [tilespmem:s28+$0x11000];
	v1 =	vsub.f32 v6, v1  }
0x139: {  	[tilespmem:s28+$0x18FD0] =	vst v4;
	v4 =	vld [tilespmem:s28+$0x11010]  }
0x13a: {  	v6 =	vld [tilespmem:s28+$0x15020];
	v2 =	vsub.f32 v7, v2;
	v1 =	vmax.f32 v1, $0.0e+00  }
0x13b: {  	[tilespmem:s28+$0x18FE0] =	vst v1;
	v1 =	vld [tilespmem:s28+$0x11020]  }
0x13c: {  	v7 =	vld [tilespmem:s28+$0x15030];
	v2 =	vmax.f32 v2, $0.0e+00  }
0x13d: {  	v0 =	vsub.f32 v3, v0;
	[tilespmem:s28+$0x18FF0] =	vst v2;
	v2 =	vld [tilespmem:s28+$0x11030]  }
0x13e: {  	v4 =	vsub.f32 v5, v4;
	v5 =	vld [tilespmem:s28+$0x15050]  }
0x13f: {  	v3 =	vld [tilespmem:s28+$0x15040];
	v0 =	vmax.f32 v0, $0.0e+00  }
0x140: {  	v4 =	vmax.f32 v4, $0.0e+00;
	[tilespmem:s28+$0x19000] =	vst v0;
	v0 =	vld [tilespmem:s28+$0x11040];
	v1 =	vsub.f32 v6, v1  }
0x141: {  	[tilespmem:s28+$0x19010] =	vst v4;
	v4 =	vld [tilespmem:s28+$0x11050]  }
0x142: {  	v6 =	vld [tilespmem:s28+$0x15060];
	v2 =	vsub.f32 v7, v2;
	v1 =	vmax.f32 v1, $0.0e+00  }
0x143: {  	[tilespmem:s28+$0x19020] =	vst v1;
	v1 =	vld [tilespmem:s28+$0x11060]  }
0x144: {  	v7 =	vld [tilespmem:s28+$0x15070];
	v2 =	vmax.f32 v2, $0.0e+00  }
0x145: {  	v0 =	vsub.f32 v3, v0;
	[tilespmem:s28+$0x19030] =	vst v2;
	v2 =	vld [tilespmem:s28+$0x11070]  }
0x146: {  	v4 =	vsub.f32 v5, v4;
	v5 =	vld [tilespmem:s28+$0x15090]  }
0x147: {  	v3 =	vld [tilespmem:s28+$0x15080];
	v0 =	vmax.f32 v0, $0.0e+00  }
0x148: {  	v4 =	vmax.f32 v4, $0.0e+00;
	[tilespmem:s28+$0x19040] =	vst v0;
	v0 =	vld [tilespmem:s28+$0x11080];
	v1 =	vsub.f32 v6, v1  }
0x149: {  	[tilespmem:s28+$0x19050] =	vst v4;
	v4 =	vld [tilespmem:s28+$0x11090]  }
0x14a: {  	v6 =	vld [tilespmem:s28+$0x150A0];
	v2 =	vsub.f32 v7, v2;
	v1 =	vmax.f32 v1, $0.0e+00  }
0x14b: {  	[tilespmem:s28+$0x19060] =	vst v1;
	v1 =	vld [tilespmem:s28+$0x110A0]  }
0x14c: {  	v7 =	vld [tilespmem:s28+$0x150B0];
	v2 =	vmax.f32 v2, $0.0e+00  }
0x14d: {  	v0 =	vsub.f32 v3, v0;
	[tilespmem:s28+$0x19070] =	vst v2;
	v2 =	vld [tilespmem:s28+$0x110B0]  }
0x14e: {  	v8 =	vld [tilespmem:s28+$0x150C0];
	v3 =	vsub.f32 v5, v4  }
0x14f: {  	v5 =	vld [tilespmem:s28+$0x110C0];
	v0 =	vmax.f32 v0, $0.0e+00  }
0x150: {  	v3 =	vmax.f32 v3, $0.0e+00;
	[tilespmem:s28+$0x19080] =	vst v0;
	v0 =	vld [tilespmem:s28+$0x150D0];
	v1 =	vsub.f32 v6, v1  }
0x151: {  	[tilespmem:s28+$0x19090] =	vst v3;
	v3 =	vld [tilespmem:s28+$0x110D0]  }
0x152: {  	v6 =	vsub.f32 v7, v2;
	v4 =	vmax.f32 v1, $0.0e+00;
	v1 =	vld [tilespmem:s28+$0x150E0]  }
0x153: {  	s30 =	simm.s32 $0x200;
	[tilespmem:s28+$0x190A0] =	vst v4;
	v4 =	vld [tilespmem:s28+$0x110E0]  }
0x154: {  	s29 =	simm.s32 $0x1000;
	v5 =	vsub.f32 v8, v5;
	v6 =	vmax.f32 v6, $0.0e+00;
	v2 =	vld [tilespmem:s30+$0x150F0]  }
.LBB2_7:
0x155: {  	p2 =	sne.s32 s29, $0xF800;
	v7 =	vld [tilespmem:s30+$0x110F0];
	[tilespmem:s28+$0x190B0] =	vst v6  }
0x156: {  	v6 =	vld [tilespmem:s30+$0x14F00];
	v5 =	vmax.f32 v5, $0.0e+00;
	v0 =	vsub.f32 v0, v3  }
0x157: {  	v3 =	vld [tilespmem:s30+$0x10F00];
	[tilespmem:s28+$0x190C0] =	vst v5  }
0x158: {  	v5 =	vld [tilespmem:s30+$0x14F10];
	v0 =	vmax.f32 v0, $0.0e+00;
	v1 =	vsub.f32 v1, v4  }
0x159: {  	v4 =	vld [tilespmem:s30+$0x10F10];
	[tilespmem:s28+$0x190D0] =	vst v0  }
0x15a: {  	v0 =	vld [tilespmem:s30+$0x14F20];
	v2 =	vsub.f32 v2, v7;
	v1 =	vmax.f32 v1, $0.0e+00  }
0x15b: {  	v7 =	vld [tilespmem:s30+$0x10F20];
	[tilespmem:s28+$0x190E0] =	vst v1;
	s28 =	smov.u32 s30  }
0x15c: {  	v1 =	vsub.f32 v6, v3;
	v3 =	vld [tilespmem:s28+$0x14F30];
	v2 =	vmax.f32 v2, $0.0e+00  }
0x15d: {  	v6 =	vld [tilespmem:s28+$0x10F30];
	[tilespmem:s28+$0x190F0] =	vst v2  }
0x15e: {  	v1 =	vmax.f32 v1, $0.0e+00;
	v2 =	vsub.f32 v5, v4;
	v4 =	vld [tilespmem:s28+$0x14F40]  }
0x15f: {  	[tilespmem:s28+$0x18F00] =	vst v1;
	v1 =	vld [tilespmem:s28+$0x10F40]  }
0x160: {  	v2 =	vmax.f32 v2, $0.0e+00;
	v0 =	vsub.f32 v0, v7;
	v5 =	vld [tilespmem:s28+$0x14F50]  }
0x161: {  	[tilespmem:s28+$0x18F10] =	vst v2;
	v2 =	vld [tilespmem:s28+$0x10F50]  }
0x162: {  	v0 =	vmax.f32 v0, $0.0e+00;
	v3 =	vsub.f32 v3, v6;
	v6 =	vld [tilespmem:s28+$0x14F60]  }
0x163: {  	[tilespmem:s28+$0x18F20] =	vst v0;
	v0 =	vld [tilespmem:s28+$0x10F60]  }
0x164: {  	v3 =	vmax.f32 v3, $0.0e+00;
	v1 =	vsub.f32 v4, v1;
	v4 =	vld [tilespmem:s28+$0x14F70]  }
0x165: {  	[tilespmem:s28+$0x18F30] =	vst v3;
	v3 =	vld [tilespmem:s28+$0x10F70]  }
0x166: {  	v1 =	vmax.f32 v1, $0.0e+00;
	v2 =	vsub.f32 v5, v2;
	v5 =	vld [tilespmem:s28+$0x14F80]  }
0x167: {  	[tilespmem:s28+$0x18F40] =	vst v1;
	v1 =	vld [tilespmem:s28+$0x10F80]  }
0x168: {  	v2 =	vmax.f32 v2, $0.0e+00;
	v0 =	vsub.f32 v6, v0;
	v6 =	vld [tilespmem:s28+$0x14F90]  }
0x169: {  	[tilespmem:s28+$0x18F50] =	vst v2;
	v2 =	vld [tilespmem:s28+$0x10F90]  }
0x16a: {  	v0 =	vmax.f32 v0, $0.0e+00;
	v3 =	vsub.f32 v4, v3;
	v4 =	vld [tilespmem:s28+$0x14FA0]  }
0x16b: {  	[tilespmem:s28+$0x18F60] =	vst v0;
	v0 =	vld [tilespmem:s28+$0x10FA0]  }
0x16c: {  	v3 =	vmax.f32 v3, $0.0e+00;
	v1 =	vsub.f32 v5, v1;
	v5 =	vld [tilespmem:s28+$0x14FB0]  }
0x16d: {  	[tilespmem:s28+$0x18F70] =	vst v3;
	v3 =	vld [tilespmem:s28+$0x10FB0]  }
0x16e: {  	v1 =	vmax.f32 v1, $0.0e+00;
	v2 =	vsub.f32 v6, v2;
	v6 =	vld [tilespmem:s28+$0x14FC0]  }
0x16f: {  	[tilespmem:s28+$0x18F80] =	vst v1;
	v1 =	vld [tilespmem:s28+$0x10FC0]  }
0x170: {  	v2 =	vmax.f32 v2, $0.0e+00;
	v0 =	vsub.f32 v4, v0;
	v4 =	vld [tilespmem:s28+$0x14FD0]  }
0x171: {  	[tilespmem:s28+$0x18F90] =	vst v2;
	v2 =	vld [tilespmem:s28+$0x10FD0]  }
0x172: {  	v0 =	vmax.f32 v0, $0.0e+00;
	v3 =	vsub.f32 v5, v3;
	v5 =	vld [tilespmem:s28+$0x14FE0]  }
0x173: {  	[tilespmem:s28+$0x18FA0] =	vst v0;
	v0 =	vld [tilespmem:s28+$0x10FE0]  }
0x174: {  	v3 =	vmax.f32 v3, $0.0e+00;
	v1 =	vsub.f32 v6, v1;
	v6 =	vld [tilespmem:s28+$0x14FF0]  }
0x175: {  	[tilespmem:s28+$0x18FB0] =	vst v3;
	v3 =	vld [tilespmem:s28+$0x10FF0]  }
0x176: {  	v1 =	vmax.f32 v1, $0.0e+00;
	v2 =	vsub.f32 v4, v2;
	v4 =	vld [tilespmem:s28+$0x15000]  }
0x177: {  	[tilespmem:s28+$0x18FC0] =	vst v1;
	v1 =	vld [tilespmem:s28+$0x11000]  }
0x178: {  	v2 =	vmax.f32 v2, $0.0e+00;
	v0 =	vsub.f32 v5, v0;
	v5 =	vld [tilespmem:s28+$0x15010]  }
0x179: {  	[tilespmem:s28+$0x18FD0] =	vst v2;
	v2 =	vld [tilespmem:s28+$0x11010]  }
0x17a: {  	v0 =	vmax.f32 v0, $0.0e+00;
	v3 =	vsub.f32 v6, v3;
	v6 =	vld [tilespmem:s28+$0x15020]  }
0x17b: {  	[tilespmem:s28+$0x18FE0] =	vst v0;
	v0 =	vld [tilespmem:s28+$0x11020]  }
0x17c: {  	v3 =	vmax.f32 v3, $0.0e+00;
	v1 =	vsub.f32 v4, v1;
	v4 =	vld [tilespmem:s28+$0x15030]  }
0x17d: {  	[tilespmem:s28+$0x18FF0] =	vst v3;
	v3 =	vld [tilespmem:s28+$0x11030]  }
0x17e: {  	v1 =	vmax.f32 v1, $0.0e+00;
	v2 =	vsub.f32 v5, v2;
	v5 =	vld [tilespmem:s28+$0x15040]  }
0x17f: {  	[tilespmem:s28+$0x19000] =	vst v1;
	v1 =	vld [tilespmem:s28+$0x11040]  }
0x180: {  	v2 =	vmax.f32 v2, $0.0e+00;
	v0 =	vsub.f32 v6, v0;
	v6 =	vld [tilespmem:s28+$0x15050]  }
0x181: {  	[tilespmem:s28+$0x19010] =	vst v2;
	v2 =	vld [tilespmem:s28+$0x11050]  }
0x182: {  	v0 =	vmax.f32 v0, $0.0e+00;
	v3 =	vsub.f32 v4, v3;
	v4 =	vld [tilespmem:s28+$0x15060]  }
0x183: {  	[tilespmem:s28+$0x19020] =	vst v0;
	v0 =	vld [tilespmem:s28+$0x11060]  }
0x184: {  	v3 =	vmax.f32 v3, $0.0e+00;
	v1 =	vsub.f32 v5, v1;
	v5 =	vld [tilespmem:s28+$0x15070]  }
0x185: {  	[tilespmem:s28+$0x19030] =	vst v3;
	v3 =	vld [tilespmem:s28+$0x11070]  }
0x186: {  	v1 =	vmax.f32 v1, $0.0e+00;
	v2 =	vsub.f32 v6, v2;
	v6 =	vld [tilespmem:s28+$0x15080]  }
0x187: {  	[tilespmem:s28+$0x19040] =	vst v1;
	v1 =	vld [tilespmem:s28+$0x11080]  }
0x188: {  	v2 =	vmax.f32 v2, $0.0e+00;
	v0 =	vsub.f32 v4, v0;
	v4 =	vld [tilespmem:s28+$0x15090]  }
0x189: {  	[tilespmem:s28+$0x19050] =	vst v2;
	v2 =	vld [tilespmem:s28+$0x11090]  }
0x18a: {  	v0 =	vmax.f32 v0, $0.0e+00;
	v3 =	vsub.f32 v5, v3;
	v5 =	vld [tilespmem:s28+$0x150A0]  }
0x18b: {  	[tilespmem:s28+$0x19060] =	vst v0;
	v0 =	vld [tilespmem:s28+$0x110A0]  }
0x18c: {  	v3 =	vmax.f32 v3, $0.0e+00;
	v1 =	vsub.f32 v6, v1;
	v6 =	vld [tilespmem:s28+$0x150B0]  }
0x18d: {  	[tilespmem:s28+$0x19070] =	vst v3;
	v7 =	vld [tilespmem:s28+$0x110B0]  }
0x18e: {  	v1 =	vmax.f32 v1, $0.0e+00;
	v2 =	vsub.f32 v4, v2;
	v8 =	vld [tilespmem:s28+$0x150C0]  }
0x18f: {  	[tilespmem:s28+$0x19080] =	vst v1;
	v9 =	vld [tilespmem:s28+$0x110C0]  }
.Ltmp7:
0x190: {  	v1 =	vmax.f32 v2, $0.0e+00;
	v2 =	vsub.f32 v5, v0;
	v0 =	vld [tilespmem:s28+$0x150D0];
	(pc) =	sbr.rel @p2 .LBB2_7-.Ltmp7, $4  }
0x191: {  	[tilespmem:s28+$0x19090] =	vst v1;
	v3 =	vld [tilespmem:s28+$0x110D0]  }
0x192: {  	v2 =	vmax.f32 v2, $0.0e+00;
	v5 =	vsub.f32 v6, v7;
	v1 =	vld [tilespmem:s28+$0x150E0]  }
0x193: {  	s30 =	sshra.s32 s29, $0x2;
	[tilespmem:s28+$0x190A0] =	vst v2;
	v4 =	vld [tilespmem:s28+$0x110E0]  }
0x194: {  	s29 =	sadd.s32 $0x800, s29;
	v2 =	vld [tilespmem:s30+$0x150F0];
	v6 =	vmax.f32 v5, $0.0e+00;
	v5 =	vsub.f32 v8, v9  }
0x195: {  	v7 =	vld [tilespmem:s30+$0x110F0];
	[tilespmem:s28+$0x190B0] =	vst v6  }
0x196: {  	v6 =	vld [tilespmem:s30+$0x14F00];
	v5 =	vmax.f32 v5, $0.0e+00;
	v0 =	vsub.f32 v0, v3  }
0x197: {  	v8 =	vld [tilespmem:s30+$0x10F00];
	[tilespmem:s28+$0x190C0] =	vst v5  }
0x198: {  	v59 =	vld [tilespmem:s30+$0x14F10];
	v0 =	vmax.f32 v0, $0.0e+00;
	v1 =	vsub.f32 v1, v4  }
0x199: {  	v5 =	vld [tilespmem:s30+$0x10F10];
	[tilespmem:s28+$0x190D0] =	vst v0  }
0x19a: {  	v0 =	vld [tilespmem:s30+$0x14F20];
	v1 =	vmax.f32 v1, $0.0e+00  }
0x19b: {  	v60 =	vld [tilespmem:s30+$0x10F20];
	[tilespmem:s28+$0x190E0] =	vst v1  }
0x19c: {  	v1 =	vld [tilespmem:s30+$0x14F30]  }
0x19d: {  	v61 =	vld [tilespmem:s30+$0x10F30]  }
0x19e: {  	v63 =	vld [tilespmem:s30+$0x14F40]  }
0x19f: {  	v9 =	vld [tilespmem:s30+$0x10F40]  }
0x1a0: {  	v10 =	vld [tilespmem:s30+$0x14F50]  }
0x1a1: {  	v11 =	vld [tilespmem:s30+$0x10F50]  }
0x1a2: {  	v12 =	vld [tilespmem:s30+$0x14F60]  }
0x1a3: {  	v13 =	vld [tilespmem:s30+$0x10F60]  }
0x1a4: {  	v14 =	vld [tilespmem:s30+$0x14F70]  }
0x1a5: {  	v15 =	vld [tilespmem:s30+$0x10F70]  }
0x1a6: {  	v16 =	vld [tilespmem:s30+$0x14F80]  }
0x1a7: {  	v17 =	vld [tilespmem:s30+$0x10F80]  }
0x1a8: {  	v18 =	vld [tilespmem:s30+$0x14F90]  }
0x1a9: {  	v19 =	vld [tilespmem:s30+$0x10F90]  }
0x1aa: {  	v20 =	vld [tilespmem:s30+$0x14FA0]  }
0x1ab: {  	v21 =	vld [tilespmem:s30+$0x10FA0]  }
0x1ac: {  	v22 =	vld [tilespmem:s30+$0x14FB0]  }
0x1ad: {  	v23 =	vld [tilespmem:s30+$0x10FB0]  }
0x1ae: {  	v24 =	vld [tilespmem:s30+$0x14FC0]  }
0x1af: {  	v25 =	vld [tilespmem:s30+$0x10FC0]  }
0x1b0: {  	v26 =	vld [tilespmem:s30+$0x14FD0]  }
0x1b1: {  	v27 =	vld [tilespmem:s30+$0x10FD0]  }
0x1b2: {  	v28 =	vld [tilespmem:s30+$0x14FE0]  }
0x1b3: {  	v29 =	vld [tilespmem:s30+$0x10FE0]  }
0x1b4: {  	v30 =	vld [tilespmem:s30+$0x14FF0]  }
0x1b5: {  	v31 =	vld [tilespmem:s30+$0x10FF0]  }
0x1b6: {  	v32 =	vld [tilespmem:s30+$0x15000]  }
0x1b7: {  	v33 =	vld [tilespmem:s30+$0x11000]  }
0x1b8: {  	v34 =	vld [tilespmem:s30+$0x15010]  }
0x1b9: {  	v2 =	vsub.f32 v2, v7;
	v35 =	vld [tilespmem:s30+$0x11010]  }
0x1ba: {  	v6 =	vsub.f32 v6, v8;
	v36 =	vld [tilespmem:s30+$0x15020]  }
0x1bb: {  	v2 =	vmax.f32 v2, $0.0e+00;
	v37 =	vld [tilespmem:s30+$0x11020];
	v3 =	vsub.f32 v59, v5  }
0x1bc: {  	v38 =	vld [tilespmem:s30+$0x15030];
	[tilespmem:s30+$0x190F0] =	vst v2;
	v62 =	vmax.f32 v6, $0.0e+00;
	v0 =	vsub.f32 v0, v60  }
0x1bd: {  	v39 =	vld [tilespmem:s30+$0x11030];
	[tilespmem:s30+$0x18F00] =	vst v62;
	v3 =	vmax.f32 v3, $0.0e+00;
	v1 =	vsub.f32 v1, v61  }
0x1be: {  	v40 =	vld [tilespmem:s30+$0x15040];
	[tilespmem:s30+$0x18F10] =	vst v3;
	v0 =	vmax.f32 v0, $0.0e+00;
	v2 =	vsub.f32 v63, v9  }
0x1bf: {  	v41 =	vld [tilespmem:s30+$0x11040];
	v3 =	vsub.f32 v10, v11;
	[tilespmem:s30+$0x18F20] =	vst v0;
	v1 =	vmax.f32 v1, $0.0e+00  }
0x1c0: {  	v42 =	vld [tilespmem:s30+$0x15050];
	v0 =	vsub.f32 v12, v13;
	v2 =	vmax.f32 v2, $0.0e+00;
	[tilespmem:s30+$0x18F30] =	vst v1  }
0x1c1: {  	v43 =	vld [tilespmem:s30+$0x11050];
	v3 =	vmax.f32 v3, $0.0e+00;
	[tilespmem:s30+$0x18F40] =	vst v2;
	v1 =	vsub.f32 v14, v15  }
0x1c2: {  	v44 =	vld [tilespmem:s30+$0x15060];
	[tilespmem:s30+$0x18F50] =	vst v3;
	v0 =	vmax.f32 v0, $0.0e+00;
	v2 =	vsub.f32 v16, v17  }
0x1c3: {  	v45 =	vld [tilespmem:s30+$0x11060];
	v3 =	vsub.f32 v18, v19;
	[tilespmem:s30+$0x18F60] =	vst v0;
	v1 =	vmax.f32 v1, $0.0e+00  }
0x1c4: {  	v46 =	vld [tilespmem:s30+$0x15070];
	v0 =	vsub.f32 v20, v21;
	v2 =	vmax.f32 v2, $0.0e+00;
	[tilespmem:s30+$0x18F70] =	vst v1  }
0x1c5: {  	v47 =	vld [tilespmem:s30+$0x11070];
	v3 =	vmax.f32 v3, $0.0e+00;
	[tilespmem:s30+$0x18F80] =	vst v2;
	v1 =	vsub.f32 v22, v23  }
0x1c6: {  	v48 =	vld [tilespmem:s30+$0x15080];
	[tilespmem:s30+$0x18F90] =	vst v3;
	v0 =	vmax.f32 v0, $0.0e+00;
	v2 =	vsub.f32 v24, v25  }
0x1c7: {  	v49 =	vld [tilespmem:s30+$0x11080];
	v3 =	vsub.f32 v26, v27;
	[tilespmem:s30+$0x18FA0] =	vst v0;
	v1 =	vmax.f32 v1, $0.0e+00  }
0x1c8: {  	v50 =	vld [tilespmem:s30+$0x15090];
	v0 =	vsub.f32 v28, v29;
	v2 =	vmax.f32 v2, $0.0e+00;
	[tilespmem:s30+$0x18FB0] =	vst v1  }
0x1c9: {  	v51 =	vld [tilespmem:s30+$0x11090];
	v3 =	vmax.f32 v3, $0.0e+00;
	[tilespmem:s30+$0x18FC0] =	vst v2;
	v1 =	vsub.f32 v30, v31  }
0x1ca: {  	v52 =	vld [tilespmem:s30+$0x150A0];
	[tilespmem:s30+$0x18FD0] =	vst v3;
	v0 =	vmax.f32 v0, $0.0e+00;
	v2 =	vsub.f32 v32, v33  }
0x1cb: {  	v53 =	vld [tilespmem:s30+$0x110A0];
	v3 =	vsub.f32 v34, v35;
	[tilespmem:s30+$0x18FE0] =	vst v0;
	v1 =	vmax.f32 v1, $0.0e+00  }
0x1cc: {  	v54 =	vld [tilespmem:s30+$0x150B0];
	v0 =	vsub.f32 v36, v37;
	v2 =	vmax.f32 v2, $0.0e+00;
	[tilespmem:s30+$0x18FF0] =	vst v1  }
0x1cd: {  	v55 =	vld [tilespmem:s30+$0x110B0];
	v3 =	vmax.f32 v3, $0.0e+00;
	[tilespmem:s30+$0x19000] =	vst v2;
	v1 =	vsub.f32 v38, v39  }
0x1ce: {  	v56 =	vld [tilespmem:s30+$0x150C0];
	[tilespmem:s30+$0x19010] =	vst v3;
	v0 =	vmax.f32 v0, $0.0e+00;
	v2 =	vsub.f32 v40, v41  }
0x1cf: {  	v57 =	vld [tilespmem:s30+$0x110C0];
	v3 =	vsub.f32 v42, v43;
	[tilespmem:s30+$0x19020] =	vst v0;
	v1 =	vmax.f32 v1, $0.0e+00  }
0x1d0: {  	v58 =	vld [tilespmem:s30+$0x150D0];
	v0 =	vsub.f32 v44, v45;
	v2 =	vmax.f32 v2, $0.0e+00;
	[tilespmem:s30+$0x19030] =	vst v1  }
0x1d1: {  	v59 =	vld [tilespmem:s30+$0x110D0];
	v3 =	vmax.f32 v3, $0.0e+00;
	[tilespmem:s30+$0x19040] =	vst v2;
	v1 =	vsub.f32 v46, v47  }
0x1d2: {  	v60 =	vld [tilespmem:s30+$0x150E0];
	[tilespmem:s30+$0x19050] =	vst v3;
	v0 =	vmax.f32 v0, $0.0e+00;
	v2 =	vsub.f32 v48, v49  }
0x1d3: {  	v61 =	vld [tilespmem:s30+$0x110E0];
	v3 =	vsub.f32 v50, v51;
	[tilespmem:s30+$0x19060] =	vst v0;
	v1 =	vmax.f32 v1, $0.0e+00  }
0x1d4: {  	v0 =	vsub.f32 v52, v53;
	v2 =	vmax.f32 v2, $0.0e+00;
	[tilespmem:s30+$0x19070] =	vst v1  }
0x1d5: {  	v3 =	vmax.f32 v3, $0.0e+00;
	[tilespmem:s30+$0x19080] =	vst v2;
	v1 =	vsub.f32 v54, v55  }
0x1d6: {  	[tilespmem:s30+$0x19090] =	vst v3;
	v0 =	vmax.f32 v0, $0.0e+00;
	v2 =	vsub.f32 v56, v57  }
0x1d7: {  	v3 =	vsub.f32 v58, v59;
	[tilespmem:s30+$0x190A0] =	vst v0;
	v1 =	vmax.f32 v1, $0.0e+00  }
0x1d8: {  	s26 =	sshll.u32 s26, $0xE;
	v0 =	vsub.f32 v60, v61;
	v62 =	vmax.f32 v2, $0.0e+00;
	[tilespmem:s30+$0x190B0] =	vst v1  }
0x1d9: {  	s26 =	sadd.s32 $0x4000, s26;
	v63 =	vmax.f32 v3, $0.0e+00;
	[tilespmem:s30+$0x190C0] =	vst v62  }
0x1da: {  	s26 =	sshrl.u32 s26, $0x3;
	[tilespmem:s30+$0x190D0] =	vst v63;
	v0 =	vmax.f32 v0, $0.0e+00  }
0x1db: {  	s25 =	sadd.s32 $0x3, s25;
	s26 =	sadd.s32 s7, s26;
	[tilespmem:s30+$0x190E0] =	vst v0  }
0x1dc: {  	[hbm4b:s26+s2] =	stream.linear.scatter [tilespmem:s21], [sflag:$0x4], $0x4000, $0x38;
	[tilespmem:$0x1CF00] =	vst v63  }
.Ltmp8:
0x1dd: {  	p2 =	sge.s32 s25, s4;
	(pc) =	sbr.rel .LBB2_9-.Ltmp8, $4  }
0x1de: {  	s25 =	sshll.u32 @!p2 s25, $0x7;
	s28 =	simm.s32 @!p2 $0x10F00;
	s26 =	simm.s32 @!p2 $0x80  }
0x1df: {  	[tilespmem:s28], [sflag:$0x2] =	stream.indirect.gather @!p2 [hbm4b:s5+s26], $0x80, s25, s26, $0xb8;
	[tilespmem:$0x1CF00] =	vst v63  }
0x1e0: {  	s25 =	sadd.s32 @!p2 $0x2780, s25;
	s28 =	simm.s32 @!p2 $0x14F00  }
0x1e1: {  	[tilespmem:s28], [sflag:$0x2] =	stream.indirect.gather @!p2 [hbm4b:s6+s26], $0x80, s25, s26, $0xb8;
	[tilespmem:$0x1CF00] =	vst v63  }
.LBB2_12:
0x1e2: {  	_ =	sfence.sel $0x180000  }
0x1e3: {  	[bflag:$0x0] =	sbarrier.arrive $0xFFFF  }
0x1e4: {  	p0 =	sne.s32 s0, $0x0;
	_ =	strace $0x9000004D  }
0x1e5: {  	s0 =	sadd.s32 @!p0 $0x100000, s1;
	[bflag:$0x2] =	sbarrier.arrive $0xFFFF  }
0x1e6: {  	[sflag:s0] =	ssyncadd.tile.s32 @!p0 $0x1;
	_ =	shalt  }
.Lfunc_end2:
_tile_overlayer_lowered:
.L_overlay_start_2:
0x1e7: {  	(tag) =	ssettag $0x2  }
0x1e8: {  	s0 =	rddreg [dreg:$0x0];
	s2 =	stileid.u32  }
0x1e9: {  	s1 =	rddreg [dreg:$0x1];
	p0 =	sne.s32 s2, $0x0  }
0x1ea: {  	s3 =	rddreg [dreg:$0x2];
	[bflag:$0x3] =	sbarrier.arrive $0xFFFF;
	s2 =	simm.s32 @!p0 $0x1C05  }
0x1eb: {  	[timem:s3], [sflag:s2] =	dma.local @!p0 [hbm:s0], s1  }
0x1ec: {  	s0 =	simm.s32 @!p0 $0x5  }
0x1ed: {  	_ =	swait.ge @!p0 [sflag:s0], s1  }
0x1ee: {  	s1 =	ssub.s32 @!p0 $0x0, s1;
	[sflag:s0] =	ssyncset.done @!p0 $0x0  }
0x1ef: {  	[sflag:s0] =	ssyncadd.s32 @!p0 s1  }
0x1f0: {  	[bflag:$0x3] =	sbarrier.arrive $0xFFFF  }
0x1f1: {  	_ =	shalt  }

// kernel: kernel.8.cloned.1.call-start
scs
__scs_entry_jumppad:
0x0: {  	(pc) =	sbr.rel $0x88, $3  }
0x1: {  	(tag) =	ssettag $0x0;
	lr =	simm.s32 $0x1  }
0x2: {  	[smem:$0x3F96] =	sst lr;
	_ =	strace $0xD0000000  }
0x3: {  	_ = 	snop  }
0x4: {  	_ = 	snop  }
0x5: {  	_ = 	snop  }
0x6: {  	_ = 	snop  }
0x7: {  	_ = 	snop  }
__scs_overlays_trampoline_lowered:
0x8: {  	[smem:$0x3FA5] =	sst s0  }
0x9: {  	[smem:$0x3FA6] =	sst s1  }
0xa: {  	[smem:$0x3FA7] =	sst s2  }
0xb: {  	[smem:$0x3FA8] =	sst s3  }
0xc: {  	[smem:$0x3FA9] =	sst s4  }
0xd: {  	[smem:$0x3FAA] =	sst s5  }
0xe: {  	[smem:$0x3FAB] =	sst s6  }
0xf: {  	[smem:$0x3FAC] =	sst s7  }
0x10: {  	[smem:$0x3FAD] =	sst s8  }
0x11: {  	[smem:$0x3FAE] =	sst s9;
	s0 =	simm.s32 @!p0 $0x0  }
0x12: {  	s1 =	sld [smem:$0x3F94];
	s0 =	simm.s32 @p0 $0x1  }
0x13: {  	[smem:$0x3FAF] =	sst s0;
	s0 =	simm.s32 @!p1 $0x0  }
0x14: {  	s2 =	sld [smem:$0x3F93];
	s0 =	simm.s32 @p1 $0x1  }
0x15: {  	[smem:$0x3FB0] =	sst s0;
	s0 =	simm.s32 @!p2 $0x0  }
0x16: {  	s3 =	sld [smem:$0x3FDB];
	s0 =	simm.s32 @p2 $0x1  }
0x17: {  	s4 =	simm.s32 $0x1BF5;
	[smem:$0x3FB2] =	sst s0  }
0x18: {  	s0 =	sld [smem:$0x3F95];
	_ =	swait.ge [sflag:s4], $0x0  }
0x19: {  	s7 =	sld [smem:$0x3F96]  }
0x1a: {  	s8 =	sadd.s32 $0xFFFFE003, lr  }
0x1b: {  	s9 =	sadd.s32 $0xFFFFFEF7, lr;
	s5 =	simm.s32 $0xFFFFFFFF;
	p2 =	slt.u32 s8, $0xFFFFF086  }
0x1c: {  	p1 =	slt.u32 s9, $0xF7A;
	s5 =	simm.s32 @!p2 $0x0  }
0x1d: {  	s5 =	simm.s32 @p1 $0x1;
	p0 =	seq.s32 s7, s2  }
0x1e: {  	s7 =	smul.u32 @!p0 $0xF7A, s2;
	p2 =	seq.s32 @!p0 s5, $0x0  }
0x1f: {  	s9 =	smul.u32 $0xF7A, s1;
	s8 =	simm.s32 @!p0 $0x1BF5;
	p2 =	por !p2, p0  }
0x20: {  	[sflag:s8] =	ssyncset.s32 @!p0 $0xFFFFF086;
	s6 =	sadd.s32 @!p0 s3, s7;
	s7 =	simm.s32 @!p0 $0x108  }
0x21: {  	s3 =	sadd.s32 s3, s9;
	s6 =	sadd.s32 @!p0 $0x88, s6;
	s7 =	simm.s32 @p2 $0x1082  }
0x22: {  	[simem:s7], [sflag:s8] =	dma.local @!p0 [hbm:s6], $0xF7A  }
0x23: {  	s9 =	sor.u32 $0xD0000000, s2;
	s6 =	simm.s32 $0x108;
	_ =	swait.ge @!p0 [sflag:s8], $0x0  }
0x24: {  	s3 =	sadd.s32 $0x88, s3;
	s6 =	simm.s32 @!p1 $0x1082;
	[sflag:s4] =	ssyncset.s32 $0xFFFFF086  }
0x25: {  	[simem:s6], [sflag:s4] =	dma.local [hbm:s3], $0xF7A  }
0x26: {  	[smem:$0x3F96] =	sst s1;
	(tag) =	ssettag s2;
	_ =	strace s9  }
0x27: {  	s1 =	sld [smem:$0x3FA6]  }
0x28: {  	s2 =	sld [smem:$0x3FA7]  }
0x29: {  	s4 =	sld [smem:$0x3FA9]  }
0x2a: {  	p0 =	seq.s32 s5, $0x0;
	s5 =	sld [smem:$0x3FAA]  }
0x2b: {  	s6 =	sld [smem:$0x3FAB]  }
0x2c: {  	s7 =	sld [smem:$0x3FAC]  }
0x2d: {  	s3 =	simm.s32 $0x108;
	s8 =	sld [smem:$0x3FAD]  }
0x2e: {  	s3 =	simm.s32 @!p0 $0x1082;
	s9 =	sld [smem:$0x3FAE]  }
0x2f: {  	lr =	sadd.s32 s0, s3;
	s0 =	sld [smem:$0x3FA5]  }
0x30: {  	s3 =	sld [smem:$0x3FA8]  }
0x31: {  	[smem:$0x3FB1] =	sst s10  }
0x32: {  	s10 =	sld [smem:$0x3FAF];
	_ =	sdelay $0x3  }
0x33: {  	p0 =	seq.s32 s10, $0x1;
	s10 =	sld [smem:$0x3FB1];
	_ =	sdelay $0x3  }
0x34: {  	[smem:$0x3FB1] =	sst s10  }
0x35: {  	s10 =	sld [smem:$0x3FB0];
	_ =	sdelay $0x3  }
0x36: {  	p1 =	seq.s32 s10, $0x1;
	s10 =	sld [smem:$0x3FB1];
	_ =	sdelay $0x3  }
0x37: {  	[smem:$0x3FB1] =	sst s10  }
0x38: {  	s10 =	sld [smem:$0x3FB2]  }
0x39: {  	_ = 	snop;
	(pc) =	sbr.ind lr, $3  }
0x3a: {  	_ = 	snop  }
0x3b: {  	_ = 	snop  }
0x3c: {  	p2 =	seq.s32 s10, $0x1;
	s10 =	sld [smem:$0x3FB1]  }
0x3d: {  	_ =	shalt  }
0x3e: {  	_ =	shalt  }
0x3f: {  	_ =	shalt  }
0x40: {  	_ =	shalt  }
0x41: {  	_ =	shalt  }
0x42: {  	_ =	shalt  }
0x43: {  	_ =	shalt  }
0x44: {  	_ =	shalt  }
0x45: {  	_ =	shalt  }
0x46: {  	_ =	shalt  }
0x47: {  	_ =	shalt  }
0x48: {  	_ =	shalt  }
0x49: {  	_ =	shalt  }
0x4a: {  	_ =	shalt  }
0x4b: {  	_ =	shalt  }
0x4c: {  	_ =	shalt  }
0x4d: {  	_ =	shalt  }
0x4e: {  	_ =	shalt  }
0x4f: {  	_ =	shalt  }
0x50: {  	_ =	shalt  }
0x51: {  	_ =	shalt  }
0x52: {  	_ =	shalt  }
0x53: {  	_ =	shalt  }
0x54: {  	_ =	shalt  }
0x55: {  	_ =	shalt  }
0x56: {  	_ =	shalt  }
0x57: {  	_ =	shalt  }
0x58: {  	_ =	shalt  }
0x59: {  	_ =	shalt  }
0x5a: {  	_ =	shalt  }
0x5b: {  	_ =	shalt  }
0x5c: {  	_ =	shalt  }
0x5d: {  	_ =	shalt  }
0x5e: {  	_ =	shalt  }
0x5f: {  	_ =	shalt  }
0x60: {  	_ =	shalt  }
0x61: {  	_ =	shalt  }
0x62: {  	_ =	shalt  }
0x63: {  	_ =	shalt  }
0x64: {  	_ =	shalt  }
0x65: {  	_ =	shalt  }
0x66: {  	_ =	shalt  }
0x67: {  	_ =	shalt  }
0x68: {  	_ =	shalt  }
0x69: {  	_ =	shalt  }
0x6a: {  	_ =	shalt  }
0x6b: {  	_ =	shalt  }
0x6c: {  	_ =	shalt  }
0x6d: {  	_ =	shalt  }
0x6e: {  	_ =	shalt  }
0x6f: {  	_ =	shalt  }
0x70: {  	_ =	shalt  }
0x71: {  	_ =	shalt  }
0x72: {  	_ =	shalt  }
0x73: {  	_ =	shalt  }
0x74: {  	_ =	shalt  }
0x75: {  	_ =	shalt  }
0x76: {  	_ =	shalt  }
0x77: {  	_ =	shalt  }
0x78: {  	_ =	shalt  }
0x79: {  	_ =	shalt  }
0x7a: {  	_ =	shalt  }
0x7b: {  	_ =	shalt  }
0x7c: {  	_ =	shalt  }
0x7d: {  	_ =	shalt  }
0x7e: {  	_ =	shalt  }
0x7f: {  	_ =	shalt  }
0x80: {  	_ =	shalt  }
0x81: {  	_ =	shalt  }
0x82: {  	_ =	shalt  }
0x83: {  	_ =	shalt  }
0x84: {  	_ =	shalt  }
0x85: {  	_ =	shalt  }
0x86: {  	_ =	shalt  }
0x87: {  	_ =	shalt  }
.Lfunc_end0:
.L_simem_size_0:
called_computation_lowered:
.L_overlay_start_0:
0x88: {  	s2 =	sld [smem:$0x3FD9]  }
0x89: {  	s3 =	sld [smem:$0x3FFE];
	_ =	sdelay $0x1  }
0x8a: {  	s1 =	srdreg.scid  }
0x8b: {  	s0 =	sand.u32 $0x1, s1  }
0x8c: {  	s16 =	sshll.u32 s0, $0xA;
	s2 =	sadd.s32 s3, s2  }
0x8d: {  	s2 =	sadd.s32 s2, s16  }
0x8e: {  	[smem:$0x3FBD] =	sst s2  }
0x8f: {  	_ = 	snop  }
0x90: {  	(tm) =	ssettm $0x1  }
0x91: {  	s17 =	sld [smem:$0x3FFB];
	_ =	sdelay $0x3  }
0x92: {  	_ =	strace s17  }
0x93: {  	s2 =	sld [smem:$0x3FFC];
	_ =	sdelay $0x3  }
0x94: {  	_ =	strace s2  }
0x95: {  	s2 =	sld [smem:$0x3FFD];
	_ =	sdelay $0x3  }
0x96: {  	_ =	strace s2  }
0x97: {  	_ =	strace $0x8FFFFFFF  }
0x98: {  	s18 =	sld [smem:$0x3FDB];
	_ =	sdelay $0x1  }
0x99: {  	s19 =	simm.s32 $_scs_section_size  }
0x9a: {  	s4 =	simm.s32 $_size__tile_overlayer_lowered;
	s5 =	simm.s32 $_tile_overlayer_lowered  }
0x9b: {  	s22 =	simm.s32 $0x1BFF;
	s21 =	sshll.u32 s5, $0x1;
	s2 =	sadd.s32 s19, s18  }
0x9c: {  	s6 =	simm.s32 $0x0;
	s20 =	sshll.u32 s4, $0x1;
	s4 =	sadd.s32 s21, s2  }
0x9d: {  	[timem:s6], [sflag:s22] =	dma.local [hbm:s4], s20  }
0x9e: {  	_ =	swait.ge [sflag:s22], s20  }
0x9f: {  	s3 =	ssub.s32 $0x0, s20;
	[sflag:s22] =	ssyncset.done $0x0  }
0xa0: {  	[sflag:s22] =	ssyncadd.s32 s3;
	_ =	sdelay $0x1  }
0xa1: {  	s23 =	simm.s32 $0x1B8B  }
0xa2: {  	_ =	swait.ge [sflag:s23], $0x1  }
0xa3: {  	[sflag:s23] =	ssyncset.done $0x0  }
0xa4: {  	s25 =	simm.s32 $0x1B8E;
	s24 =	sld [smem:$0x3FFE];
	[sflag:s23] =	ssyncadd.s32 $0xFFFFFFFF  }
0xa5: {  	s26 =	simm.s32 $execute0_lowered;
	[smem:$0x3FD2] =	sst s25  }
0xa6: {  	s4 =	sshll.u32 s26, $0x1;
	_ =	strace $0x80000046;
	[dreg:$0x1] =	wrdreg $0xFFFFFFFF  }
0xa7: {  	s28 =	simm.s32 $_size_execute0_lowered;
	s2 =	sadd.s32 s2, s4;
	[dreg:$0x0] =	wrdreg $0x0  }
0xa8: {  	s4 =	sshll.u32 s28, $0x1;
	[dreg:$0x2] =	wrdreg s2  }
0xa9: {  	[dreg:$0x3] =	wrdreg s4  }
0xaa: {  	[dreg:$0x4] =	wrdreg $0xC0  }
0xab: {  	_ =	task [dreg:s6], $0x5FFFF  }
0xac: {  	[dreg:$0x1] =	wrdreg $0xFFFFFFFF  }
0xad: {  	[dreg:$0x0] =	wrdreg $0x60  }
0xae: {  	[dreg:$0x2] =	wrdreg s24  }
0xaf: {  	[dreg:$0x3] =	wrdreg $0x28000  }
0xb0: {  	[dreg:$0x4] =	wrdreg $0x9  }
0xb1: {  	_ =	task.clear_ibuf [dreg:s6], $0x5FFFF;
	_ =	strace $0x90000046  }
0xb2: {  	s29 =	simm.s32 $0x9;
	_ =	strace $0x80000048  }
0xb3: {  	_ =	swait.ge [sflag:s29], $0x1  }
0xb4: {  	[sflag:s29] =	ssyncadd.s32 $0xFFFFFFFF  }
0xb5: {  	_ =	strace $0x90000048  }
0xb6: {  	_ =	sfence  }
0xb7: {  	s30 =	sld [smem:$0x0];
	_ =	sdelay $0x2  }
0xb8: {  	s31 =	sshll.u32 s1, $0xD;
	s1 =	sshrl.u32 s1, $0x2  }
0xb9: {  	s3 =	sand.u32 $0x4000, s31;
	s1 =	sadd.s32 s1, s30  }
0xba: {  	s0 =	sor.u32 s3, s0;
	s1 =	sshll.u32 s1, $0x11  }
0xbb: {  	s0 =	sor.u32 s1, s0  }
0xbc: {  	s0 =	sadd.s32 $0x8F2B, s0  }
0xbd: {  	[sflag:s0] =	ssyncadd.remote.s32 $0x1  }
0xbe: {  	_ =	sfence.sel $0xFFFF  }
0xbf: {  	[dreg:$0x0] =	wrdreg $0xFFFFFFFF;
	(pc) =	sbr.abs _section_cstart, $3  }
0xc0: {  	[dreg:$0x1] =	wrdreg $0xFFFFFFFF  }
0xc1: {  	_ =	task.clear_ibuf [dreg:s6], $0x2FFFF;
	_ =	strace $0x9FFFFFFF  }
0xc2: {  	(tm) =	ssettm $0x7FFFFFFF  }
0xc3: {  	_ =	shalt  }
tec
execute0_lowered:
.L_overlay_start_1:
0x0: {  	(tag) =	ssettag $0x1  }
0x1: {  	s1 =	srdreg.scid  }
0x2: {  	s0 =	stileid.u32;
	s4 =	rddreg [dreg:$0x0]  }
0x3: {  	s2 =	rddreg [dreg:$0x1];
	s3 =	simm.s32 $0x0;
	s6 =	smul.u32 $0x4E2, s0  }
0x4: {  	s5 =	sand.u32 $0x1, s1;
	s1 =	rddreg [dreg:$0x2];
	s9 =	smul.u32 $0x280, s0  }
0x5: {  	s14 =	simm.s32 $0x0;
	[smem:$0x7FF] =	sst s3;
	s7 =	smul.u32 $0x4E2, s5  }
0x6: {  	s31 =	sshll.u32 s0, $0x6;
	s10 =	smul.u32 $0x2800, s5;
	_ =	strace $0x80000047  }
0x7: {  	s5 =	ssub.s32 $0x2, s5;
	s8 =	sshrl.u32 s6, $0x4;
	s11 =	sshrl.u32 s9, $0x3  }
0x8: {  	s12 =	sshrl.u32 s5, $0x1;
	s30 =	sadd.s32 $0x4E2, s6;
	s13 =	sadd.s32 s9, s2  }
0x9: {  	s7 =	sadd.s32 s7, s8;
	s10 =	sadd.s32 s9, s10;
	s11 =	sadd.s32 s11, s4  }
0xa: {  	s12 =	ssub.s32 s5, s12;
	s6 =	sshrl.u32 s30, $0x4;
	s5 =	sor.u32 $0x1C01, s31  }
.Ltmp0:
0xb: {  	s7 =	sshll.u32 s7, $0x4;
	s10 =	sshrl.u32 s10, $0x3;
	(pc) =	sbr.rel .LBB2_1-.Ltmp0, $4  }
0xc: {  	s6 =	ssub.s32 s6, s8;
	s9 =	smax.u32 s12, $0x1;
	s12 =	simm.s32 $0x80  }
0xd: {  	s7 =	sadd.s32 s7, s4;
	s10 =	sadd.s32 s10, s4;
	s4 =	sadd.s32 $0xC600, s11  }
0xe: {  	p0 =	slt.s32 s6, $0x1;
	s11 =	simm.s32 $0x1;
	s7 =	sadd.s32 $0x2800, s7  }
0xf: {  	v0 =	vimm.f32 $1.000000000e+00;
	s8 =	sadd.s32 $0xCC00, s10;
	s10 =	sshrl.u32 s13, $0x3;
	s13 =	simm.s32 $0x2780  }
.LBB2_4:
0x10: {  	[sflag:s11] =	ssyncadd.s32 $0xFFFFFF80  }
.LBB2_5:
0x11: {  	s14 =	sadd.s32 $0x1, s14  }
0x12: {  	p1 =	sne.s32 s14, s9  }
.Ltmp1:
0x13: {  	[bflag:$0x0] =	sbarrier.arrive $0xFFFF;
	(pc) =	sbr.rel @!p1 .LBB2_6-.Ltmp1, $4  }
0x14: {  	[hbm:s8], [sflag:s5] =	dma.local [spmem:s10], $0x50  }
0x15: {  	_ =	swait.ge [sflag:s11], $0x50  }
0x16: {  	[sflag:s11] =	ssyncset.done $0x0  }
0x17: {  	[sflag:s11] =	ssyncadd.s32 $0xFFFFFFB0  }
.LBB2_1:
0x18: {  	[tilespmem:$0x2780] =	vst v0  }
0x19: {  	[tilespmem:$0x2790] =	vst v0  }
0x1a: {  	[tilespmem:$0x27A0] =	vst v0  }
0x1b: {  	[tilespmem:$0x27B0] =	vst v0  }
0x1c: {  	[tilespmem:$0x27C0] =	vst v0  }
0x1d: {  	[tilespmem:$0x27D0] =	vst v0  }
0x1e: {  	[tilespmem:$0x27E0] =	vst v0  }
0x1f: {  	[tilespmem:$0x27F0] =	vst v0  }
0x20: {  	[spmem:s10], [sflag:s5] =	dma.local [hbm:s4], $0x50  }
0x21: {  	_ =	swait.ge [sflag:s11], $0x50  }
0x22: {  	[sflag:s11] =	ssyncset.done $0x0  }
0x23: {  	[sflag:s11] =	ssyncadd.s32 $0xFFFFFFB0  }
0x24: {  	[tilespmem:s3], [sflag:$0x1] =	stream.linear.gather [hbm4b:s7+s3], $0x2780, $0x38;
	[tilespmem:$0x2A80] =	vst v63  }
.Ltmp2:
0x25: {  	_ =	swait.ge [sflag:s11], $0x2780;
	(pc) =	sbr.rel @p0 .LBB2_5-.Ltmp2, $3  }
0x26: {  	[sflag:s11] =	ssyncset.done $0x0  }
0x27: {  	[sflag:s11] =	ssyncadd.s32 $0xFFFFD880  }
0x28: {  	[bflag:$0x0] =	sbarrier.arrive $0xFFFF;
	_ =	sdelay $0x1  }
0x29: {  	p1 =	sne.s32 s6, $0x1  }
.Ltmp3:
0x2a: {  	_ = 	snop;
	(pc) =	sbr.rel @!p1 .LBB2_4-.Ltmp3, $4  }
0x2b: {  	_ = 	snop  }
0x2c: {  	[spmem:s2] =	stream.indirect.scatter.add.f32 [tilespmem:s13], [sflag:$0x1], $0x1, s3, s12, $0xb8;
	[tilespmem:$0x2A80] =	vst v63  }
0x2d: {  	_ =	swait.ge [sflag:s11], $0x80  }
0x2e: {  	s15 =	sadd.s32 $0xFFFFFFFF, s6;
	s16 =	simm.s32 $0x0;
	[sflag:s11] =	ssyncset.done $0x0  }
.LBB2_3:
0x2f: {  	p1 =	sne.s32 s15, $0x1;
	[sflag:s11] =	ssyncadd.s32 $0xFFFFFF80;
	s16 =	sadd.s32 $0x80, s16  }
.Ltmp4:
0x30: {  	s15 =	sadd.s32 $0xFFFFFFFF, s15;
	(pc) =	sbr.rel @p1 .LBB2_3-.Ltmp4, $4  }
0x31: {  	_ = 	snop  }
0x32: {  	[spmem:s2] =	stream.indirect.scatter.add.f32 [tilespmem:s13], [sflag:$0x1], $0x1, s16, s12, $0xb8;
	[tilespmem:$0x2A80] =	vst v63  }
0x33: {  	_ =	swait.ge [sflag:s11], $0x80  }
0x34: {  	[sflag:s11] =	ssyncset.done $0x0  }
.Ltmp5:
0x35: {  	_ = 	snop;
	(pc) =	sbr.rel .LBB2_4-.Ltmp5, $1  }
0x36: {  	_ =	sdelay $0x3  }
.LBB2_6:
0x37: {  	_ =	sfence.sel $0x180000  }
0x38: {  	[bflag:$0x0] =	sbarrier.arrive $0xFFFF  }
0x39: {  	p0 =	sne.s32 s0, $0x0;
	_ =	strace $0x90000047  }
0x3a: {  	s0 =	sadd.s32 @!p0 $0x100000, s1;
	[bflag:$0x2] =	sbarrier.arrive $0xFFFF  }
0x3b: {  	[sflag:s0] =	ssyncadd.tile.s32 @!p0 $0x1;
	_ =	shalt  }
.Lfunc_end2:
_tile_overlayer_lowered:
.L_overlay_start_2:
0x3c: {  	(tag) =	ssettag $0x2  }
0x3d: {  	s0 =	rddreg [dreg:$0x0];
	s2 =	stileid.u32  }
0x3e: {  	s1 =	rddreg [dreg:$0x1];
	p0 =	sne.s32 s2, $0x0  }
0x3f: {  	s3 =	rddreg [dreg:$0x2];
	[bflag:$0x3] =	sbarrier.arrive $0xFFFF;
	s2 =	simm.s32 @!p0 $0x1C01  }
0x40: {  	[timem:s3], [sflag:s2] =	dma.local @!p0 [hbm:s0], s1  }
0x41: {  	s0 =	simm.s32 @!p0 $0x1  }
0x42: {  	_ =	swait.ge @!p0 [sflag:s0], s1  }
0x43: {  	s1 =	ssub.s32 @!p0 $0x0, s1;
	[sflag:s0] =	ssyncset.done @!p0 $0x0  }
0x44: {  	[sflag:s0] =	ssyncadd.s32 @!p0 s1  }
0x45: {  	[bflag:$0x3] =	sbarrier.arrive $0xFFFF  }
0x46: {  	_ =	shalt  }

</sc_bundles>
